<compile_context>
chip_gen: v7x
topology: tpu7x:2x2x1
jax: 0.10.2.dev20260603
libtpu: 0.0.44.dev20260713+nightly
codegen_flags: <defaults>
</compile_context>

<pallas_src>
import functools

import jax
import jax.numpy as jnp
from jax import lax
from jax.experimental import pallas as pl
from jax.experimental.pallas import tpu as pltpu
from jax.experimental.pallas import tpu_sc as plsc

D = 64
L = 50
B = 16384
R = 100001
RP = 100352
BLK = 8192
NW = 32
BPW = B // NW
IPW = BPW * L
GROUPS = BPW // 16


def _score_body(wt_ref, b_ref, tab_ref, s1_ref, s2_ref):
    x = tab_ref[...]
    w = wt_ref[...]
    st = lax.dot_general(w, x, (((1,), (1,)), ((), ())),
                        preferred_element_type=jnp.float32)
    s1_ref[...] = st[0:1, :] * (1.0 / L)
    s2_ref[...] = st[1:2, :] + b_ref[0]


def _scores(table, wt, b):
    grid = pl.cdiv(RP, BLK)
    return pl.pallas_call(
        _score_body,
        grid=(grid,),
        in_specs=[
            pl.BlockSpec((2, D), lambda i: (0, 0)),
            pl.BlockSpec(memory_space=pltpu.SMEM),
            pl.BlockSpec((BLK, D), lambda i: (i, 0)),
        ],
        out_specs=[
            pl.BlockSpec((1, BLK), lambda i: (0, i)),
            pl.BlockSpec((1, BLK), lambda i: (0, i)),
        ],
        out_shape=[
            jax.ShapeDtypeStruct((1, RP), jnp.float32),
            jax.ShapeDtypeStruct((1, RP), jnp.float32),
        ],
    )(wt, b, table)


def _pool_body(seq_hbm, tgt_hbm, s1_hbm, s2_hbm, out_hbm,
               idx_v, s1_v, tidx_v, tval_v, acc_v, sem1, sem2, sem3):
    nc = 2
    wid = lax.axis_index("s") * nc + lax.axis_index("c")
    base = wid * BPW

    c1 = pltpu.async_copy(seq_hbm.at[pl.ds(base * L, IPW)], idx_v, sem1)
    c2 = pltpu.async_copy(s1_hbm, s1_v, sem2)
    pltpu.sync_copy(tgt_hbm.at[pl.ds(base, BPW)], tidx_v)
    c3 = pltpu.async_copy(s2_hbm.at[tidx_v], tval_v, sem3)
    c1.wait()
    c2.wait()
    c3.wait()

    lane = lax.iota(jnp.int32, 16) * L

    for g in range(GROUPS):
        acc0 = tval_v[pl.ds(g * 16, 16)]

        def l_body(l, acc, g=g):
            pos = lane + (g * 16 * L + l)
            s = plsc.load_gather(idx_v, [pos])
            return acc + plsc.load_gather(s1_v, [s])

        acc_v[pl.ds(g * 16, 16)] = lax.fori_loop(0, L, l_body, acc0,
                                                 unroll=10)

    pltpu.sync_copy(acc_v, out_hbm.at[pl.ds(base, BPW)])


@functools.partial(
    pl.kernel,
    out_type=jax.ShapeDtypeStruct((B,), jnp.float32),
    mesh=plsc.VectorSubcoreMesh(
        core_axis_name="c", subcore_axis_name="s", num_cores=2, num_subcores=16),
    scratch_types=[
        pltpu.VMEM((IPW,), jnp.int32),
        pltpu.VMEM((RP,), jnp.float32),
        pltpu.VMEM((BPW,), jnp.int32),
        pltpu.VMEM((BPW,), jnp.float32),
        pltpu.VMEM((BPW,), jnp.float32),
        pltpu.SemaphoreType.DMA,
        pltpu.SemaphoreType.DMA,
        pltpu.SemaphoreType.DMA,
    ],
    compiler_params=pltpu.CompilerParams(needs_layout_passes=False),
)
def _pool(seq_hbm, tgt_hbm, s1_hbm, s2_hbm, out_hbm,
          idx_v, s1_v, tidx_v, tval_v, acc_v, sem1, sem2, sem3):
    _pool_body(seq_hbm, tgt_hbm, s1_hbm, s2_hbm, out_hbm,
               idx_v, s1_v, tidx_v, tval_v, acc_v, sem1, sem2, sem3)


def kernel(input_seq, target_item, embedding_table, fc_W, fc_b):
    seq = input_seq.reshape(-1).astype(jnp.int32)
    tgt = target_item.astype(jnp.int32)
    wt = fc_W.reshape(2, D)
    b = fc_b.reshape(1)
    s1, s2 = _scores(embedding_table, wt, b)
    out = _pool(seq, tgt, s1.reshape(RP), s2.reshape(RP))
    return out.reshape(B, 1)

# --- scband reference (transcript-rebuilt; emitter-appended) ---
"""Pipeline reference for scband-sequence-pairwise-ranking-70136815943699 (READ-ONLY COPY).

The authoritative reference and input builder live on the scoring server;
editing this copy changes nothing except your own understanding.
"""

import jax, jax.numpy as jnp
import numpy as np

NUM_ITEMS = 100000
EMBED_DIM = 64
BATCH = 16384
SEQ_LEN = 50
PADDING_IDX = NUM_ITEMS


def setup_inputs(seed: int = 0) -> dict:
    key = jax.random.key(seed)
    k1, k2, k3, k4, k5 = jax.random.split(key, 5)
    input_seq = jax.random.randint(k1, (BATCH, SEQ_LEN), 0, NUM_ITEMS, dtype=jnp.int64 if jax.config.jax_enable_x64 else jnp.int32)
    target_item = jax.random.randint(k2, (BATCH,), 0, NUM_ITEMS, dtype=jnp.int64 if jax.config.jax_enable_x64 else jnp.int32)
    embedding_table = jax.random.normal(k3, (NUM_ITEMS + 1, EMBED_DIM), dtype=jnp.float32)
    # padding_idx row is zero-initialized in torch nn.Embedding
    embedding_table = embedding_table.at[PADDING_IDX].set(0.0)
    fc_W = jax.random.normal(k4, (1, EMBED_DIM * 2), dtype=jnp.float32) * (1.0 / np.sqrt(EMBED_DIM * 2))
    fc_b = jax.random.normal(k5, (1,), dtype=jnp.float32) * 0.01
    return {"input_seq": input_seq, "target_item": target_item,
            "embedding_table": embedding_table, "fc_W": fc_W, "fc_b": fc_b}


def reference(input_seq, target_item, embedding_table, fc_W, fc_b):
    input_seq = jnp.where(input_seq == -1, PADDING_IDX, input_seq)
    target_item = jnp.where(target_item == -1, PADDING_IDX, target_item)
    embedded_seq = jnp.take(embedding_table, input_seq, axis=0)  # [B, L, D]
    pooled_output = embedded_seq.mean(axis=1)  # [B, D]
    embedded_target = jnp.take(embedding_table, target_item, axis=0)  # [B, D]
    combined_embedding = jnp.concatenate((pooled_output, embedded_target), axis=1)  # [B, 2D]
    output_ratings = combined_embedding @ fc_W.T + fc_b  # [B, 1]
    return output_ratings

if __name__ == "__main__":
    import jax
    _d = setup_inputs()
    print(jax.jit(kernel)(*tuple(_d.values())))

</pallas_src>

<mosaic_0001>
#map = affine_map<(d0, d1) -> (0)>
module attributes {stable_mosaic.version = 14 : i64} {
  func.func @_pool(%arg0: i32, %arg1: i32, %arg2: memref<819200xi32, #tpu.memory_space<hbm>>, %arg3: memref<16384xi32, #tpu.memory_space<hbm>>, %arg4: memref<100352xf32, #tpu.memory_space<hbm>>, %arg5: memref<100352xf32, #tpu.memory_space<hbm>>, %arg6: memref<16384xf32, #tpu.memory_space<hbm>>, %arg7: memref<25600xi32, #tpu.memory_space<vmem>>, %arg8: memref<100352xf32, #tpu.memory_space<vmem>>, %arg9: memref<512xi32, #tpu.memory_space<vmem>>, %arg10: memref<512xf32, #tpu.memory_space<vmem>>, %arg11: memref<512xf32, #tpu.memory_space<vmem>>, %arg12: memref<!tpu.dma_semaphore, #tpu.memory_space<semaphore_mem>>, %arg13: memref<!tpu.dma_semaphore, #tpu.memory_space<semaphore_mem>>, %arg14: memref<!tpu.dma_semaphore, #tpu.memory_space<semaphore_mem>>) attributes {dimension_semantics = [#tpu.dimension_semantics<core_parallel>, #tpu.dimension_semantics<subcore_parallel>], iteration_bounds = array<i64: 2, 16>, scalar_prefetch = 0 : i64, scratch_operands = 8 : i64, tpu.core_type = #tpu.core_type<sc_vector_subcore>, window_params = [{transform_indices = #map}, {transform_indices = #map}, {transform_indices = #map}, {transform_indices = #map}, {transform_indices = #map}]} {
    %mul3A = arith.constant 2 : i32
    %mul3A_0 = arith.muli %arg1, %mul3A : i32
    %add3A = arith.addi %mul3A_0, %arg0 : i32
    %mul3A_1 = arith.constant 512 : i32
    %mul3A_2 = arith.muli %add3A, %mul3A_1 : i32
    %mul3A_3 = arith.constant 50 : i32
    %mul3A_4 = arith.muli %mul3A_2, %mul3A_3 : i32
    %dma_start3A = tpu.memref_slice %arg2[%mul3A_4] : memref<819200xi32, #tpu.memory_space<hbm>> -> memref<25600xi32, #tpu.memory_space<hbm>>
    %dma_start3A_5 = tpu.memref_slice %arg2[%mul3A_4] : memref<819200xi32, #tpu.memory_space<hbm>> -> memref<25600xi32, #tpu.memory_space<hbm>>
    tpu.enqueue_dma source(%dma_start3A_5 : memref<25600xi32, #tpu.memory_space<hbm>>) target(%arg7 : memref<25600xi32, #tpu.memory_space<vmem>>) target_semaphore(%arg12 : memref<!tpu.dma_semaphore, #tpu.memory_space<semaphore_mem>>)
    tpu.enqueue_dma source(%arg4 : memref<100352xf32, #tpu.memory_space<hbm>>) target(%arg8 : memref<100352xf32, #tpu.memory_space<vmem>>) target_semaphore(%arg13 : memref<!tpu.dma_semaphore, #tpu.memory_space<semaphore_mem>>)
    "tpu.region"() ({
      %run_scoped3A = tpu.sem_alloc : memref<!tpu.dma_semaphore, #tpu.memory_space<semaphore_mem>>
      %dma_start3A_331 = tpu.memref_slice %arg3[%mul3A_2] : memref<16384xi32, #tpu.memory_space<hbm>> -> memref<512xi32, #tpu.memory_space<hbm>>
      %dma_start3A_332 = tpu.memref_slice %arg3[%mul3A_2] : memref<16384xi32, #tpu.memory_space<hbm>> -> memref<512xi32, #tpu.memory_space<hbm>>
      tpu.enqueue_dma source(%dma_start3A_332 : memref<512xi32, #tpu.memory_space<hbm>>) target(%arg9 : memref<512xi32, #tpu.memory_space<vmem>>) target_semaphore(%run_scoped3A : memref<!tpu.dma_semaphore, #tpu.memory_space<semaphore_mem>>)
      %dma_wait3A_333 = tpu.memref_slice %arg3[%mul3A_2] : memref<16384xi32, #tpu.memory_space<hbm>> -> memref<512xi32, #tpu.memory_space<hbm>>
      %dma_wait3A_334 = tpu.memref_slice %arg3[%mul3A_2] : memref<16384xi32, #tpu.memory_space<hbm>> -> memref<512xi32, #tpu.memory_space<hbm>>
      tpu.wait_dma2 semaphore(%run_scoped3A : memref<!tpu.dma_semaphore, #tpu.memory_space<semaphore_mem>>) src(%dma_wait3A_334 : memref<512xi32, #tpu.memory_space<hbm>>) dst(%arg9 : memref<512xi32, #tpu.memory_space<vmem>>)
      tpu.yield
    }) : () -> ()
    %dma_start3A_6 = arith.constant 0 : i32
    %dma_start3A_7 = tpu.memref_slice %arg5[%dma_start3A_6] : memref<100352xf32, #tpu.memory_space<hbm>> -> memref<100352xf32, #tpu.memory_space<hbm>>
    tpu.enqueue_indirect_dma source(%dma_start3A_7 : memref<100352xf32, #tpu.memory_space<hbm>>) target(%arg10 : memref<512xf32, #tpu.memory_space<vmem>>) offsets(%arg9 : memref<512xi32, #tpu.memory_space<vmem>>) semaphore(%arg14 : memref<!tpu.dma_semaphore, #tpu.memory_space<semaphore_mem>>)
    %dma_wait3A = tpu.memref_slice %arg2[%mul3A_4] : memref<819200xi32, #tpu.memory_space<hbm>> -> memref<25600xi32, #tpu.memory_space<hbm>>
    %dma_wait3A_8 = tpu.memref_slice %arg2[%mul3A_4] : memref<819200xi32, #tpu.memory_space<hbm>> -> memref<25600xi32, #tpu.memory_space<hbm>>
    tpu.wait_dma2 semaphore(%arg12 : memref<!tpu.dma_semaphore, #tpu.memory_space<semaphore_mem>>) src(%dma_wait3A_8 : memref<25600xi32, #tpu.memory_space<hbm>>) dst(%arg7 : memref<25600xi32, #tpu.memory_space<vmem>>)
    tpu.wait_dma2 semaphore(%arg13 : memref<!tpu.dma_semaphore, #tpu.memory_space<semaphore_mem>>) src(%arg4 : memref<100352xf32, #tpu.memory_space<hbm>>) dst(%arg8 : memref<100352xf32, #tpu.memory_space<vmem>>)
    %dma_wait3A_9 = arith.constant 0 : i32
    %dma_wait3A_10 = tpu.memref_slice %arg5[%dma_wait3A_9] : memref<100352xf32, #tpu.memory_space<hbm>> -> memref<100352xf32, #tpu.memory_space<hbm>>
    tpu.wait_indirect_dma semaphore(%arg14 : memref<!tpu.dma_semaphore, #tpu.memory_space<semaphore_mem>>) src(%dma_wait3A_10 : memref<100352xf32, #tpu.memory_space<hbm>>) dst(%arg10 : memref<512xf32, #tpu.memory_space<vmem>>)
    %iota3A = tpu.iota {dimensions = array<i32: 0>} : vector<16xi32>
    %mul3A_11 = arith.constant 50 : i32
    %mul3A_12 = vector.broadcast %mul3A_11 : i32 to vector<16xi32>
    %mul3A_13 = arith.muli %iota3A, %mul3A_12 : vector<16xi32>
    %get3A = arith.constant 0 : index
    %get3A_14 = tpu.vector_load %arg10[%get3A] {strides = array<i32>} : memref<512xf32, #tpu.memory_space<vmem>>, vector<16xf32>,
    %scan3A = arith.constant 0 : i32
    %scan3A_15 = arith.constant 50 : i32
    %scan3A_16 = arith.addi %scan3A, %scan3A_15 : i32
    %scan3A_17 = arith.constant 10 : i32
    %scan3A_18 = scf.for %scan3A_331 = %scan3A to %scan3A_16 step %scan3A_17 iter_args(%scan3A_332 = %get3A_14) -> (vector<16xf32>)  : i32 {
      %add3A_333 = arith.constant 0 : i32
      %add3A_334 = arith.addi %add3A_333, %scan3A_331 : i32
      %add3A_335 = vector.broadcast %add3A_334 : i32 to vector<16xi32>
      %add3A_336 = arith.addi %mul3A_13, %add3A_335 : vector<16xi32>
      %gather3A = tpu.vector_load_idx %arg7[%add3A_336] : memref<25600xi32, #tpu.memory_space<vmem>>[vector<16xi32>], vector<16xi32>,
      %gather3A_337 = tpu.vector_load_idx %arg8[%gather3A] : memref<100352xf32, #tpu.memory_space<vmem>>[vector<16xi32>], vector<16xf32>,
      %add3A_338 = arith.addf %scan3A_332, %gather3A_337 : vector<16xf32>
      %scan3A_339 = arith.constant 1 : i32
      %scan3A_340 = arith.addi %scan3A_331, %scan3A_339 : i32
      %add3A_341 = arith.constant 0 : i32
      %add3A_342 = arith.addi %add3A_341, %scan3A_340 : i32
      %add3A_343 = vector.broadcast %add3A_342 : i32 to vector<16xi32>
      %add3A_344 = arith.addi %mul3A_13, %add3A_343 : vector<16xi32>
      %gather3A_345 = tpu.vector_load_idx %arg7[%add3A_344] : memref<25600xi32, #tpu.memory_space<vmem>>[vector<16xi32>], vector<16xi32>,
      %gather3A_346 = tpu.vector_load_idx %arg8[%gather3A_345] : memref<100352xf32, #tpu.memory_space<vmem>>[vector<16xi32>], vector<16xf32>,
      %add3A_347 = arith.addf %add3A_338, %gather3A_346 : vector<16xf32>
      %scan3A_348 = arith.constant 2 : i32
      %scan3A_349 = arith.addi %scan3A_331, %scan3A_348 : i32
      %add3A_350 = arith.constant 0 : i32
      %add3A_351 = arith.addi %add3A_350, %scan3A_349 : i32
      %add3A_352 = vector.broadcast %add3A_351 : i32 to vector<16xi32>
      %add3A_353 = arith.addi %mul3A_13, %add3A_352 : vector<16xi32>
      %gather3A_354 = tpu.vector_load_idx %arg7[%add3A_353] : memref<25600xi32, #tpu.memory_space<vmem>>[vector<16xi32>], vector<16xi32>,
      %gather3A_355 = tpu.vector_load_idx %arg8[%gather3A_354] : memref<100352xf32, #tpu.memory_space<vmem>>[vector<16xi32>], vector<16xf32>,
      %add3A_356 = arith.addf %add3A_347, %gather3A_355 : vector<16xf32>
      %scan3A_357 = arith.constant 3 : i32
      %scan3A_358 = arith.addi %scan3A_331, %scan3A_357 : i32
      %add3A_359 = arith.constant 0 : i32
      %add3A_360 = arith.addi %add3A_359, %scan3A_358 : i32
      %add3A_361 = vector.broadcast %add3A_360 : i32 to vector<16xi32>
      %add3A_362 = arith.addi %mul3A_13, %add3A_361 : vector<16xi32>
      %gather3A_363 = tpu.vector_load_idx %arg7[%add3A_362] : memref<25600xi32, #tpu.memory_space<vmem>>[vector<16xi32>], vector<16xi32>,
      %gather3A_364 = tpu.vector_load_idx %arg8[%gather3A_363] : memref<100352xf32, #tpu.memory_space<vmem>>[vector<16xi32>], vector<16xf32>,
      %add3A_365 = arith.addf %add3A_356, %gather3A_364 : vector<16xf32>
      %scan3A_366 = arith.constant 4 : i32
      %scan3A_367 = arith.addi %scan3A_331, %scan3A_366 : i32
      %add3A_368 = arith.constant 0 : i32
      %add3A_369 = arith.addi %add3A_368, %scan3A_367 : i32
      %add3A_370 = vector.broadcast %add3A_369 : i32 to vector<16xi32>
      %add3A_371 = arith.addi %mul3A_13, %add3A_370 : vector<16xi32>
      %gather3A_372 = tpu.vector_load_idx %arg7[%add3A_371] : memref<25600xi32, #tpu.memory_space<vmem>>[vector<16xi32>], vector<16xi32>,
      %gather3A_373 = tpu.vector_load_idx %arg8[%gather3A_372] : memref<100352xf32, #tpu.memory_space<vmem>>[vector<16xi32>], vector<16xf32>,
      %add3A_374 = arith.addf %add3A_365, %gather3A_373 : vector<16xf32>
      %scan3A_375 = arith.constant 5 : i32
      %scan3A_376 = arith.addi %scan3A_331, %scan3A_375 : i32
      %add3A_377 = arith.constant 0 : i32
      %add3A_378 = arith.addi %add3A_377, %scan3A_376 : i32
      %add3A_379 = vector.broadcast %add3A_378 : i32 to vector<16xi32>
      %add3A_380 = arith.addi %mul3A_13, %add3A_379 : vector<16xi32>
      %gather3A_381 = tpu.vector_load_idx %arg7[%add3A_380] : memref<25600xi32, #tpu.memory_space<vmem>>[vector<16xi32>], vector<16xi32>,
      %gather3A_382 = tpu.vector_load_idx %arg8[%gather3A_381] : memref<100352xf32, #tpu.memory_space<vmem>>[vector<16xi32>], vector<16xf32>,
      %add3A_383 = arith.addf %add3A_374, %gather3A_382 : vector<16xf32>
      %scan3A_384 = arith.constant 6 : i32
      %scan3A_385 = arith.addi %scan3A_331, %scan3A_384 : i32
      %add3A_386 = arith.constant 0 : i32
      %add3A_387 = arith.addi %add3A_386, %scan3A_385 : i32
      %add3A_388 = vector.broadcast %add3A_387 : i32 to vector<16xi32>
      %add3A_389 = arith.addi %mul3A_13, %add3A_388 : vector<16xi32>
      %gather3A_390 = tpu.vector_load_idx %arg7[%add3A_389] : memref<25600xi32, #tpu.memory_space<vmem>>[vector<16xi32>], vector<16xi32>,
      %gather3A_391 = tpu.vector_load_idx %arg8[%gather3A_390] : memref<100352xf32, #tpu.memory_space<vmem>>[vector<16xi32>], vector<16xf32>,
      %add3A_392 = arith.addf %add3A_383, %gather3A_391 : vector<16xf32>
      %scan3A_393 = arith.constant 7 : i32
      %scan3A_394 = arith.addi %scan3A_331, %scan3A_393 : i32
      %add3A_395 = arith.constant 0 : i32
      %add3A_396 = arith.addi %add3A_395, %scan3A_394 : i32
      %add3A_397 = vector.broadcast %add3A_396 : i32 to vector<16xi32>
      %add3A_398 = arith.addi %mul3A_13, %add3A_397 : vector<16xi32>
      %gather3A_399 = tpu.vector_load_idx %arg7[%add3A_398] : memref<25600xi32, #tpu.memory_space<vmem>>[vector<16xi32>], vector<16xi32>,
      %gather3A_400 = tpu.vector_load_idx %arg8[%gather3A_399] : memref<100352xf32, #tpu.memory_space<vmem>>[vector<16xi32>], vector<16xf32>,
      %add3A_401 = arith.addf %add3A_392, %gather3A_400 : vector<16xf32>
      %scan3A_402 = arith.constant 8 : i32
      %scan3A_403 = arith.addi %scan3A_331, %scan3A_402 : i32
      %add3A_404 = arith.constant 0 : i32
      %add3A_405 = arith.addi %add3A_404, %scan3A_403 : i32
      %add3A_406 = vector.broadcast %add3A_405 : i32 to vector<16xi32>
      %add3A_407 = arith.addi %mul3A_13, %add3A_406 : vector<16xi32>
      %gather3A_408 = tpu.vector_load_idx %arg7[%add3A_407] : memref<25600xi32, #tpu.memory_space<vmem>>[vector<16xi32>], vector<16xi32>,
      %gather3A_409 = tpu.vector_load_idx %arg8[%gather3A_408] : memref<100352xf32, #tpu.memory_space<vmem>>[vector<16xi32>], vector<16xf32>,
      %add3A_410 = arith.addf %add3A_401, %gather3A_409 : vector<16xf32>
      %scan3A_411 = arith.constant 9 : i32
      %scan3A_412 = arith.addi %scan3A_331, %scan3A_411 : i32
      %add3A_413 = arith.constant 0 : i32
      %add3A_414 = arith.addi %add3A_413, %scan3A_412 : i32
      %add3A_415 = vector.broadcast %add3A_414 : i32 to vector<16xi32>
      %add3A_416 = arith.addi %mul3A_13, %add3A_415 : vector<16xi32>
      %gather3A_417 = tpu.vector_load_idx %arg7[%add3A_416] : memref<25600xi32, #tpu.memory_space<vmem>>[vector<16xi32>], vector<16xi32>,
      %gather3A_418 = tpu.vector_load_idx %arg8[%gather3A_417] : memref<100352xf32, #tpu.memory_space<vmem>>[vector<16xi32>], vector<16xf32>,
      %add3A_419 = arith.addf %add3A_410, %gather3A_418 : vector<16xf32>
      scf.yield %add3A_419 : vector<16xf32>
    }
    %scan3A_19 = arith.constant 50 : i32
    %swap3A = arith.constant 0 : index
    %swap3A_20 = tpu.vector_load %arg11[%swap3A] {strides = array<i32>} : memref<512xf32, #tpu.memory_space<vmem>>, vector<16xf32>,
    tpu.vector_store %arg11[%swap3A], %scan3A_18 {strides = array<i32>} : memref<512xf32, #tpu.memory_space<vmem>>, vector<16xf32>,
    %get3A_21 = arith.constant 16 : index
    %get3A_22 = tpu.vector_load %arg10[%get3A_21] {strides = array<i32>} : memref<512xf32, #tpu.memory_space<vmem>>, vector<16xf32>,
    %scan3A_23 = arith.constant 0 : i32
    %scan3A_24 = arith.constant 50 : i32
    %scan3A_25 = arith.addi %scan3A_23, %scan3A_24 : i32
    %scan3A_26 = arith.constant 10 : i32
    %scan3A_27 = scf.for %scan3A_331 = %scan3A_23 to %scan3A_25 step %scan3A_26 iter_args(%scan3A_332 = %get3A_22) -> (vector<16xf32>)  : i32 {
      %add3A_333 = arith.constant 800 : i32
      %add3A_334 = arith.addi %add3A_333, %scan3A_331 : i32
      %add3A_335 = vector.broadcast %add3A_334 : i32 to vector<16xi32>
      %add3A_336 = arith.addi %mul3A_13, %add3A_335 : vector<16xi32>
      %gather3A = tpu.vector_load_idx %arg7[%add3A_336] : memref<25600xi32, #tpu.memory_space<vmem>>[vector<16xi32>], vector<16xi32>,
      %gather3A_337 = tpu.vector_load_idx %arg8[%gather3A] : memref<100352xf32, #tpu.memory_space<vmem>>[vector<16xi32>], vector<16xf32>,
      %add3A_338 = arith.addf %scan3A_332, %gather3A_337 : vector<16xf32>
      %scan3A_339 = arith.constant 1 : i32
      %scan3A_340 = arith.addi %scan3A_331, %scan3A_339 : i32
      %add3A_341 = arith.constant 800 : i32
      %add3A_342 = arith.addi %add3A_341, %scan3A_340 : i32
      %add3A_343 = vector.broadcast %add3A_342 : i32 to vector<16xi32>
      %add3A_344 = arith.addi %mul3A_13, %add3A_343 : vector<16xi32>
      %gather3A_345 = tpu.vector_load_idx %arg7[%add3A_344] : memref<25600xi32, #tpu.memory_space<vmem>>[vector<16xi32>], vector<16xi32>,
      %gather3A_346 = tpu.vector_load_idx %arg8[%gather3A_345] : memref<100352xf32, #tpu.memory_space<vmem>>[vector<16xi32>], vector<16xf32>,
      %add3A_347 = arith.addf %add3A_338, %gather3A_346 : vector<16xf32>
      %scan3A_348 = arith.constant 2 : i32
      %scan3A_349 = arith.addi %scan3A_331, %scan3A_348 : i32
      %add3A_350 = arith.constant 800 : i32
      %add3A_351 = arith.addi %add3A_350, %scan3A_349 : i32
      %add3A_352 = vector.broadcast %add3A_351 : i32 to vector<16xi32>
      %add3A_353 = arith.addi %mul3A_13, %add3A_352 : vector<16xi32>
      %gather3A_354 = tpu.vector_load_idx %arg7[%add3A_353] : memref<25600xi32, #tpu.memory_space<vmem>>[vector<16xi32>], vector<16xi32>,
      %gather3A_355 = tpu.vector_load_idx %arg8[%gather3A_354] : memref<100352xf32, #tpu.memory_space<vmem>>[vector<16xi32>], vector<16xf32>,
      %add3A_356 = arith.addf %add3A_347, %gather3A_355 : vector<16xf32>
      %scan3A_357 = arith.constant 3 : i32
      %scan3A_358 = arith.addi %scan3A_331, %scan3A_357 : i32
      %add3A_359 = arith.constant 800 : i32
      %add3A_360 = arith.addi %add3A_359, %scan3A_358 : i32
      %add3A_361 = vector.broadcast %add3A_360 : i32 to vector<16xi32>
      %add3A_362 = arith.addi %mul3A_13, %add3A_361 : vector<16xi32>
      %gather3A_363 = tpu.vector_load_idx %arg7[%add3A_362] : memref<25600xi32, #tpu.memory_space<vmem>>[vector<16xi32>], vector<16xi32>,
      %gather3A_364 = tpu.vector_load_idx %arg8[%gather3A_363] : memref<100352xf32, #tpu.memory_space<vmem>>[vector<16xi32>], vector<16xf32>,
      %add3A_365 = arith.addf %add3A_356, %gather3A_364 : vector<16xf32>
      %scan3A_366 = arith.constant 4 : i32
      %scan3A_367 = arith.addi %scan3A_331, %scan3A_366 : i32
      %add3A_368 = arith.constant 800 : i32
      %add3A_369 = arith.addi %add3A_368, %scan3A_367 : i32
      %add3A_370 = vector.broadcast %add3A_369 : i32 to vector<16xi32>
      %add3A_371 = arith.addi %mul3A_13, %add3A_370 : vector<16xi32>
      %gather3A_372 = tpu.vector_load_idx %arg7[%add3A_371] : memref<25600xi32, #tpu.memory_space<vmem>>[vector<16xi32>], vector<16xi32>,
      %gather3A_373 = tpu.vector_load_idx %arg8[%gather3A_372] : memref<100352xf32, #tpu.memory_space<vmem>>[vector<16xi32>], vector<16xf32>,
      %add3A_374 = arith.addf %add3A_365, %gather3A_373 : vector<16xf32>
      %scan3A_375 = arith.constant 5 : i32
      %scan3A_376 = arith.addi %scan3A_331, %scan3A_375 : i32
      %add3A_377 = arith.constant 800 : i32
      %add3A_378 = arith.addi %add3A_377, %scan3A_376 : i32
      %add3A_379 = vector.broadcast %add3A_378 : i32 to vector<16xi32>
      %add3A_380 = arith.addi %mul3A_13, %add3A_379 : vector<16xi32>
      %gather3A_381 = tpu.vector_load_idx %arg7[%add3A_380] : memref<25600xi32, #tpu.memory_space<vmem>>[vector<16xi32>], vector<16xi32>,
      %gather3A_382 = tpu.vector_load_idx %arg8[%gather3A_381] : memref<100352xf32, #tpu.memory_space<vmem>>[vector<16xi32>], vector<16xf32>,
      %add3A_383 = arith.addf %add3A_374, %gather3A_382 : vector<16xf32>
      %scan3A_384 = arith.constant 6 : i32
      %scan3A_385 = arith.addi %scan3A_331, %scan3A_384 : i32
      %add3A_386 = arith.constant 800 : i32
      %add3A_387 = arith.addi %add3A_386, %scan3A_385 : i32
      %add3A_388 = vector.broadcast %add3A_387 : i32 to vector<16xi32>
      %add3A_389 = arith.addi %mul3A_13, %add3A_388 : vector<16xi32>
      %gather3A_390 = tpu.vector_load_idx %arg7[%add3A_389] : memref<25600xi32, #tpu.memory_space<vmem>>[vector<16xi32>], vector<16xi32>,
      %gather3A_391 = tpu.vector_load_idx %arg8[%gather3A_390] : memref<100352xf32, #tpu.memory_space<vmem>>[vector<16xi32>], vector<16xf32>,
      %add3A_392 = arith.addf %add3A_383, %gather3A_391 : vector<16xf32>
      %scan3A_393 = arith.constant 7 : i32
      %scan3A_394 = arith.addi %scan3A_331, %scan3A_393 : i32
      %add3A_395 = arith.constant 800 : i32
      %add3A_396 = arith.addi %add3A_395, %scan3A_394 : i32
      %add3A_397 = vector.broadcast %add3A_396 : i32 to vector<16xi32>
      %add3A_398 = arith.addi %mul3A_13, %add3A_397 : vector<16xi32>
      %gather3A_399 = tpu.vector_load_idx %arg7[%add3A_398] : memref<25600xi32, #tpu.memory_space<vmem>>[vector<16xi32>], vector<16xi32>,
      %gather3A_400 = tpu.vector_load_idx %arg8[%gather3A_399] : memref<100352xf32, #tpu.memory_space<vmem>>[vector<16xi32>], vector<16xf32>,
      %add3A_401 = arith.addf %add3A_392, %gather3A_400 : vector<16xf32>
      %scan3A_402 = arith.constant 8 : i32
      %scan3A_403 = arith.addi %scan3A_331, %scan3A_402 : i32
      %add3A_404 = arith.constant 800 : i32
      %add3A_405 = arith.addi %add3A_404, %scan3A_403 : i32
      %add3A_406 = vector.broadcast %add3A_405 : i32 to vector<16xi32>
      %add3A_407 = arith.addi %mul3A_13, %add3A_406 : vector<16xi32>
      %gather3A_408 = tpu.vector_load_idx %arg7[%add3A_407] : memref<25600xi32, #tpu.memory_space<vmem>>[vector<16xi32>], vector<16xi32>,
      %gather3A_409 = tpu.vector_load_idx %arg8[%gather3A_408] : memref<100352xf32, #tpu.memory_space<vmem>>[vector<16xi32>], vector<16xf32>,
      %add3A_410 = arith.addf %add3A_401, %gather3A_409 : vector<16xf32>
      %scan3A_411 = arith.constant 9 : i32
      %scan3A_412 = arith.addi %scan3A_331, %scan3A_411 : i32
      %add3A_413 = arith.constant 800 : i32
      %add3A_414 = arith.addi %add3A_413, %scan3A_412 : i32
      %add3A_415 = vector.broadcast %add3A_414 : i32 to vector<16xi32>
      %add3A_416 = arith.addi %mul3A_13, %add3A_415 : vector<16xi32>
      %gather3A_417 = tpu.vector_load_idx %arg7[%add3A_416] : memref<25600xi32, #tpu.memory_space<vmem>>[vector<16xi32>], vector<16xi32>,
      %gather3A_418 = tpu.vector_load_idx %arg8[%gather3A_417] : memref<100352xf32, #tpu.memory_space<vmem>>[vector<16xi32>], vector<16xf32>,
      %add3A_419 = arith.addf %add3A_410, %gather3A_418 : vector<16xf32>
      scf.yield %add3A_419 : vector<16xf32>
    }
    %scan3A_28 = arith.constant 50 : i32
    %swap3A_29 = arith.constant 16 : index
    %swap3A_30 = tpu.vector_load %arg11[%swap3A_29] {strides = array<i32>} : memref<512xf32, #tpu.memory_space<vmem>>, vector<16xf32>,
    tpu.vector_store %arg11[%swap3A_29], %scan3A_27 {strides = array<i32>} : memref<512xf32, #tpu.memory_space<vmem>>, vector<16xf32>,
    %get3A_31 = arith.constant 32 : index
    %get3A_32 = tpu.vector_load %arg10[%get3A_31] {strides = array<i32>} : memref<512xf32, #tpu.memory_space<vmem>>, vector<16xf32>,
    %scan3A_33 = arith.constant 0 : i32
    %scan3A_34 = arith.constant 50 : i32
    %scan3A_35 = arith.addi %scan3A_33, %scan3A_34 : i32
    %scan3A_36 = arith.constant 10 : i32
    %scan3A_37 = scf.for %scan3A_331 = %scan3A_33 to %scan3A_35 step %scan3A_36 iter_args(%scan3A_332 = %get3A_32) -> (vector<16xf32>)  : i32 {
      %add3A_333 = arith.constant 1600 : i32
      %add3A_334 = arith.addi %add3A_333, %scan3A_331 : i32
      %add3A_335 = vector.broadcast %add3A_334 : i32 to vector<16xi32>
      %add3A_336 = arith.addi %mul3A_13, %add3A_335 : vector<16xi32>
      %gather3A = tpu.vector_load_idx %arg7[%add3A_336] : memref<25600xi32, #tpu.memory_space<vmem>>[vector<16xi32>], vector<16xi32>,
      %gather3A_337 = tpu.vector_load_idx %arg8[%gather3A] : memref<100352xf32, #tpu.memory_space<vmem>>[vector<16xi32>], vector<16xf32>,
      %add3A_338 = arith.addf %scan3A_332, %gather3A_337 : vector<16xf32>
      %scan3A_339 = arith.constant 1 : i32
      %scan3A_340 = arith.addi %scan3A_331, %scan3A_339 : i32
      %add3A_341 = arith.constant 1600 : i32
      %add3A_342 = arith.addi %add3A_341, %scan3A_340 : i32
      %add3A_343 = vector.broadcast %add3A_342 : i32 to vector<16xi32>
      %add3A_344 = arith.addi %mul3A_13, %add3A_343 : vector<16xi32>
      %gather3A_345 = tpu.vector_load_idx %arg7[%add3A_344] : memref<25600xi32, #tpu.memory_space<vmem>>[vector<16xi32>], vector<16xi32>,
      %gather3A_346 = tpu.vector_load_idx %arg8[%gather3A_345] : memref<100352xf32, #tpu.memory_space<vmem>>[vector<16xi32>], vector<16xf32>,
      %add3A_347 = arith.addf %add3A_338, %gather3A_346 : vector<16xf32>
      %scan3A_348 = arith.constant 2 : i32
      %scan3A_349 = arith.addi %scan3A_331, %scan3A_348 : i32
      %add3A_350 = arith.constant 1600 : i32
      %add3A_351 = arith.addi %add3A_350, %scan3A_349 : i32
      %add3A_352 = vector.broadcast %add3A_351 : i32 to vector<16xi32>
      %add3A_353 = arith.addi %mul3A_13, %add3A_352 : vector<16xi32>
      %gather3A_354 = tpu.vector_load_idx %arg7[%add3A_353] : memref<25600xi32, #tpu.memory_space<vmem>>[vector<16xi32>], vector<16xi32>,
      %gather3A_355 = tpu.vector_load_idx %arg8[%gather3A_354] : memref<100352xf32, #tpu.memory_space<vmem>>[vector<16xi32>], vector<16xf32>,
      %add3A_356 = arith.addf %add3A_347, %gather3A_355 : vector<16xf32>
      %scan3A_357 = arith.constant 3 : i32
      %scan3A_358 = arith.addi %scan3A_331, %scan3A_357 : i32
      %add3A_359 = arith.constant 1600 : i32
      %add3A_360 = arith.addi %add3A_359, %scan3A_358 : i32
      %add3A_361 = vector.broadcast %add3A_360 : i32 to vector<16xi32>
      %add3A_362 = arith.addi %mul3A_13, %add3A_361 : vector<16xi32>
      %gather3A_363 = tpu.vector_load_idx %arg7[%add3A_362] : memref<25600xi32, #tpu.memory_space<vmem>>[vector<16xi32>], vector<16xi32>,
      %gather3A_364 = tpu.vector_load_idx %arg8[%gather3A_363] : memref<100352xf32, #tpu.memory_space<vmem>>[vector<16xi32>], vector<16xf32>,
      %add3A_365 = arith.addf %add3A_356, %gather3A_364 : vector<16xf32>
      %scan3A_366 = arith.constant 4 : i32
      %scan3A_367 = arith.addi %scan3A_331, %scan3A_366 : i32
      %add3A_368 = arith.constant 1600 : i32
      %add3A_369 = arith.addi %add3A_368, %scan3A_367 : i32
      %add3A_370 = vector.broadcast %add3A_369 : i32 to vector<16xi32>
      %add3A_371 = arith.addi %mul3A_13, %add3A_370 : vector<16xi32>
      %gather3A_372 = tpu.vector_load_idx %arg7[%add3A_371] : memref<25600xi32, #tpu.memory_space<vmem>>[vector<16xi32>], vector<16xi32>,
      %gather3A_373 = tpu.vector_load_idx %arg8[%gather3A_372] : memref<100352xf32, #tpu.memory_space<vmem>>[vector<16xi32>], vector<16xf32>,
      %add3A_374 = arith.addf %add3A_365, %gather3A_373 : vector<16xf32>
      %scan3A_375 = arith.constant 5 : i32
      %scan3A_376 = arith.addi %scan3A_331, %scan3A_375 : i32
      %add3A_377 = arith.constant 1600 : i32
      %add3A_378 = arith.addi %add3A_377, %scan3A_376 : i32
      %add3A_379 = vector.broadcast %add3A_378 : i32 to vector<16xi32>
      %add3A_380 = arith.addi %mul3A_13, %add3A_379 : vector<16xi32>
      %gather3A_381 = tpu.vector_load_idx %arg7[%add3A_380] : memref<25600xi32, #tpu.memory_space<vmem>>[vector<16xi32>], vector<16xi32>,
      %gather3A_382 = tpu.vector_load_idx %arg8[%gather3A_381] : memref<100352xf32, #tpu.memory_space<vmem>>[vector<16xi32>], vector<16xf32>,
      %add3A_383 = arith.addf %add3A_374, %gather3A_382 : vector<16xf32>
      %scan3A_384 = arith.constant 6 : i32
      %scan3A_385 = arith.addi %scan3A_331, %scan3A_384 : i32
      %add3A_386 = arith.constant 1600 : i32
      %add3A_387 = arith.addi %add3A_386, %scan3A_385 : i32
      %add3A_388 = vector.broadcast %add3A_387 : i32 to vector<16xi32>
      %add3A_389 = arith.addi %mul3A_13, %add3A_388 : vector<16xi32>
      %gather3A_390 = tpu.vector_load_idx %arg7[%add3A_389] : memref<25600xi32, #tpu.memory_space<vmem>>[vector<16xi32>], vector<16xi32>,
      %gather3A_391 = tpu.vector_load_idx %arg8[%gather3A_390] : memref<100352xf32, #tpu.memory_space<vmem>>[vector<16xi32>], vector<16xf32>,
      %add3A_392 = arith.addf %add3A_383, %gather3A_391 : vector<16xf32>
      %scan3A_393 = arith.constant 7 : i32
      %scan3A_394 = arith.addi %scan3A_331, %scan3A_393 : i32
      %add3A_395 = arith.constant 1600 : i32
      %add3A_396 = arith.addi %add3A_395, %scan3A_394 : i32
      %add3A_397 = vector.broadcast %add3A_396 : i32 to vector<16xi32>
      %add3A_398 = arith.addi %mul3A_13, %add3A_397 : vector<16xi32>
      %gather3A_399 = tpu.vector_load_idx %arg7[%add3A_398] : memref<25600xi32, #tpu.memory_space<vmem>>[vector<16xi32>], vector<16xi32>,
      %gather3A_400 = tpu.vector_load_idx %arg8[%gather3A_399] : memref<100352xf32, #tpu.memory_space<vmem>>[vector<16xi32>], vector<16xf32>,
      %add3A_401 = arith.addf %add3A_392, %gather3A_400 : vector<16xf32>
      %scan3A_402 = arith.constant 8 : i32
      %scan3A_403 = arith.addi %scan3A_331, %scan3A_402 : i32
      %add3A_404 = arith.constant 1600 : i32
      %add3A_405 = arith.addi %add3A_404, %scan3A_403 : i32
      %add3A_406 = vector.broadcast %add3A_405 : i32 to vector<16xi32>
      %add3A_407 = arith.addi %mul3A_13, %add3A_406 : vector<16xi32>
      %gather3A_408 = tpu.vector_load_idx %arg7[%add3A_407] : memref<25600xi32, #tpu.memory_space<vmem>>[vector<16xi32>], vector<16xi32>,
      %gather3A_409 = tpu.vector_load_idx %arg8[%gather3A_408] : memref<100352xf32, #tpu.memory_space<vmem>>[vector<16xi32>], vector<16xf32>,
      %add3A_410 = arith.addf %add3A_401, %gather3A_409 : vector<16xf32>
      %scan3A_411 = arith.constant 9 : i32
      %scan3A_412 = arith.addi %scan3A_331, %scan3A_411 : i32
      %add3A_413 = arith.constant 1600 : i32
      %add3A_414 = arith.addi %add3A_413, %scan3A_412 : i32
      %add3A_415 = vector.broadcast %add3A_414 : i32 to vector<16xi32>
      %add3A_416 = arith.addi %mul3A_13, %add3A_415 : vector<16xi32>
      %gather3A_417 = tpu.vector_load_idx %arg7[%add3A_416] : memref<25600xi32, #tpu.memory_space<vmem>>[vector<16xi32>], vector<16xi32>,
      %gather3A_418 = tpu.vector_load_idx %arg8[%gather3A_417] : memref<100352xf32, #tpu.memory_space<vmem>>[vector<16xi32>], vector<16xf32>,
      %add3A_419 = arith.addf %add3A_410, %gather3A_418 : vector<16xf32>
      scf.yield %add3A_419 : vector<16xf32>
    }
    %scan3A_38 = arith.constant 50 : i32
    %swap3A_39 = arith.constant 32 : index
    %swap3A_40 = tpu.vector_load %arg11[%swap3A_39] {strides = array<i32>} : memref<512xf32, #tpu.memory_space<vmem>>, vector<16xf32>,
    tpu.vector_store %arg11[%swap3A_39], %scan3A_37 {strides = array<i32>} : memref<512xf32, #tpu.memory_space<vmem>>, vector<16xf32>,
    %get3A_41 = arith.constant 48 : index
    %get3A_42 = tpu.vector_load %arg10[%get3A_41] {strides = array<i32>} : memref<512xf32, #tpu.memory_space<vmem>>, vector<16xf32>,
    %scan3A_43 = arith.constant 0 : i32
    %scan3A_44 = arith.constant 50 : i32
    %scan3A_45 = arith.addi %scan3A_43, %scan3A_44 : i32
    %scan3A_46 = arith.constant 10 : i32
    %scan3A_47 = scf.for %scan3A_331 = %scan3A_43 to %scan3A_45 step %scan3A_46 iter_args(%scan3A_332 = %get3A_42) -> (vector<16xf32>)  : i32 {
      %add3A_333 = arith.constant 2400 : i32
      %add3A_334 = arith.addi %add3A_333, %scan3A_331 : i32
      %add3A_335 = vector.broadcast %add3A_334 : i32 to vector<16xi32>
      %add3A_336 = arith.addi %mul3A_13, %add3A_335 : vector<16xi32>
      %gather3A = tpu.vector_load_idx %arg7[%add3A_336] : memref<25600xi32, #tpu.memory_space<vmem>>[vector<16xi32>], vector<16xi32>,
      %gather3A_337 = tpu.vector_load_idx %arg8[%gather3A] : memref<100352xf32, #tpu.memory_space<vmem>>[vector<16xi32>], vector<16xf32>,
      %add3A_338 = arith.addf %scan3A_332, %gather3A_337 : vector<16xf32>
      %scan3A_339 = arith.constant 1 : i32
      %scan3A_340 = arith.addi %scan3A_331, %scan3A_339 : i32
      %add3A_341 = arith.constant 2400 : i32
      %add3A_342 = arith.addi %add3A_341, %scan3A_340 : i32
      %add3A_343 = vector.broadcast %add3A_342 : i32 to vector<16xi32>
      %add3A_344 = arith.addi %mul3A_13, %add3A_343 : vector<16xi32>
      %gather3A_345 = tpu.vector_load_idx %arg7[%add3A_344] : memref<25600xi32, #tpu.memory_space<vmem>>[vector<16xi32>], vector<16xi32>,
      %gather3A_346 = tpu.vector_load_idx %arg8[%gather3A_345] : memref<100352xf32, #tpu.memory_space<vmem>>[vector<16xi32>], vector<16xf32>,
      %add3A_347 = arith.addf %add3A_338, %gather3A_346 : vector<16xf32>
      %scan3A_348 = arith.constant 2 : i32
      %scan3A_349 = arith.addi %scan3A_331, %scan3A_348 : i32
      %add3A_350 = arith.constant 2400 : i32
      %add3A_351 = arith.addi %add3A_350, %scan3A_349 : i32
      %add3A_352 = vector.broadcast %add3A_351 : i32 to vector<16xi32>
      %add3A_353 = arith.addi %mul3A_13, %add3A_352 : vector<16xi32>
      %gather3A_354 = tpu.vector_load_idx %arg7[%add3A_353] : memref<25600xi32, #tpu.memory_space<vmem>>[vector<16xi32>], vector<16xi32>,
      %gather3A_355 = tpu.vector_load_idx %arg8[%gather3A_354] : memref<100352xf32, #tpu.memory_space<vmem>>[vector<16xi32>], vector<16xf32>,
      %add3A_356 = arith.addf %add3A_347, %gather3A_355 : vector<16xf32>
      %scan3A_357 = arith.constant 3 : i32
      %scan3A_358 = arith.addi %scan3A_331, %scan3A_357 : i32
      %add3A_359 = arith.constant 2400 : i32
      %add3A_360 = arith.addi %add3A_359, %scan3A_358 : i32
      %add3A_361 = vector.broadcast %add3A_360 : i32 to vector<16xi32>
      %add3A_362 = arith.addi %mul3A_13, %add3A_361 : vector<16xi32>
      %gather3A_363 = tpu.vector_load_idx %arg7[%add3A_362] : memref<25600xi32, #tpu.memory_space<vmem>>[vector<16xi32>], vector<16xi32>,
      %gather3A_364 = tpu.vector_load_idx %arg8[%gather3A_363] : memref<100352xf32, #tpu.memory_space<vmem>>[vector<16xi32>], vector<16xf32>,
      %add3A_365 = arith.addf %add3A_356, %gather3A_364 : vector<16xf32>
      %scan3A_366 = arith.constant 4 : i32
      %scan3A_367 = arith.addi %scan3A_331, %scan3A_366 : i32
      %add3A_368 = arith.constant 2400 : i32
      %add3A_369 = arith.addi %add3A_368, %scan3A_367 : i32
      %add3A_370 = vector.broadcast %add3A_369 : i32 to vector<16xi32>
      %add3A_371 = arith.addi %mul3A_13, %add3A_370 : vector<16xi32>
      %gather3A_372 = tpu.vector_load_idx %arg7[%add3A_371] : memref<25600xi32, #tpu.memory_space<vmem>>[vector<16xi32>], vector<16xi32>,
      %gather3A_373 = tpu.vector_load_idx %arg8[%gather3A_372] : memref<100352xf32, #tpu.memory_space<vmem>>[vector<16xi32>], vector<16xf32>,
      %add3A_374 = arith.addf %add3A_365, %gather3A_373 : vector<16xf32>
      %scan3A_375 = arith.constant 5 : i32
      %scan3A_376 = arith.addi %scan3A_331, %scan3A_375 : i32
      %add3A_377 = arith.constant 2400 : i32
      %add3A_378 = arith.addi %add3A_377, %scan3A_376 : i32
      %add3A_379 = vector.broadcast %add3A_378 : i32 to vector<16xi32>
      %add3A_380 = arith.addi %mul3A_13, %add3A_379 : vector<16xi32>
      %gather3A_381 = tpu.vector_load_idx %arg7[%add3A_380] : memref<25600xi32, #tpu.memory_space<vmem>>[vector<16xi32>], vector<16xi32>,
      %gather3A_382 = tpu.vector_load_idx %arg8[%gather3A_381] : memref<100352xf32, #tpu.memory_space<vmem>>[vector<16xi32>], vector<16xf32>,
      %add3A_383 = arith.addf %add3A_374, %gather3A_382 : vector<16xf32>
      %scan3A_384 = arith.constant 6 : i32
      %scan3A_385 = arith.addi %scan3A_331, %scan3A_384 : i32
      %add3A_386 = arith.constant 2400 : i32
      %add3A_387 = arith.addi %add3A_386, %scan3A_385 : i32
      %add3A_388 = vector.broadcast %add3A_387 : i32 to vector<16xi32>
      %add3A_389 = arith.addi %mul3A_13, %add3A_388 : vector<16xi32>
      %gather3A_390 = tpu.vector_load_idx %arg7[%add3A_389] : memref<25600xi32, #tpu.memory_space<vmem>>[vector<16xi32>], vector<16xi32>,
      %gather3A_391 = tpu.vector_load_idx %arg8[%gather3A_390] : memref<100352xf32, #tpu.memory_space<vmem>>[vector<16xi32>], vector<16xf32>,
      %add3A_392 = arith.addf %add3A_383, %gather3A_391 : vector<16xf32>
      %scan3A_393 = arith.constant 7 : i32
      %scan3A_394 = arith.addi %scan3A_331, %scan3A_393 : i32
      %add3A_395 = arith.constant 2400 : i32
      %add3A_396 = arith.addi %add3A_395, %scan3A_394 : i32
      %add3A_397 = vector.broadcast %add3A_396 : i32 to vector<16xi32>
      %add3A_398 = arith.addi %mul3A_13, %add3A_397 : vector<16xi32>
      %gather3A_399 = tpu.vector_load_idx %arg7[%add3A_398] : memref<25600xi32, #tpu.memory_space<vmem>>[vector<16xi32>], vector<16xi32>,
      %gather3A_400 = tpu.vector_load_idx %arg8[%gather3A_399] : memref<100352xf32, #tpu.memory_space<vmem>>[vector<16xi32>], vector<16xf32>,
      %add3A_401 = arith.addf %add3A_392, %gather3A_400 : vector<16xf32>
      %scan3A_402 = arith.constant 8 : i32
      %scan3A_403 = arith.addi %scan3A_331, %scan3A_402 : i32
      %add3A_404 = arith.constant 2400 : i32
      %add3A_405 = arith.addi %add3A_404, %scan3A_403 : i32
      %add3A_406 = vector.broadcast %add3A_405 : i32 to vector<16xi32>
      %add3A_407 = arith.addi %mul3A_13, %add3A_406 : vector<16xi32>
      %gather3A_408 = tpu.vector_load_idx %arg7[%add3A_407] : memref<25600xi32, #tpu.memory_space<vmem>>[vector<16xi32>], vector<16xi32>,
      %gather3A_409 = tpu.vector_load_idx %arg8[%gather3A_408] : memref<100352xf32, #tpu.memory_space<vmem>>[vector<16xi32>], vector<16xf32>,
      %add3A_410 = arith.addf %add3A_401, %gather3A_409 : vector<16xf32>
      %scan3A_411 = arith.constant 9 : i32
      %scan3A_412 = arith.addi %scan3A_331, %scan3A_411 : i32
      %add3A_413 = arith.constant 2400 : i32
      %add3A_414 = arith.addi %add3A_413, %scan3A_412 : i32
      %add3A_415 = vector.broadcast %add3A_414 : i32 to vector<16xi32>
      %add3A_416 = arith.addi %mul3A_13, %add3A_415 : vector<16xi32>
      %gather3A_417 = tpu.vector_load_idx %arg7[%add3A_416] : memref<25600xi32, #tpu.memory_space<vmem>>[vector<16xi32>], vector<16xi32>,
      %gather3A_418 = tpu.vector_load_idx %arg8[%gather3A_417] : memref<100352xf32, #tpu.memory_space<vmem>>[vector<16xi32>], vector<16xf32>,
      %add3A_419 = arith.addf %add3A_410, %gather3A_418 : vector<16xf32>
      scf.yield %add3A_419 : vector<16xf32>
    }
    %scan3A_48 = arith.constant 50 : i32
    %swap3A_49 = arith.constant 48 : index
    %swap3A_50 = tpu.vector_load %arg11[%swap3A_49] {strides = array<i32>} : memref<512xf32, #tpu.memory_space<vmem>>, vector<16xf32>,
    tpu.vector_store %arg11[%swap3A_49], %scan3A_47 {strides = array<i32>} : memref<512xf32, #tpu.memory_space<vmem>>, vector<16xf32>,
    %get3A_51 = arith.constant 64 : index
    %get3A_52 = tpu.vector_load %arg10[%get3A_51] {strides = array<i32>} : memref<512xf32, #tpu.memory_space<vmem>>, vector<16xf32>,
    %scan3A_53 = arith.constant 0 : i32
    %scan3A_54 = arith.constant 50 : i32
    %scan3A_55 = arith.addi %scan3A_53, %scan3A_54 : i32
    %scan3A_56 = arith.constant 10 : i32
    %scan3A_57 = scf.for %scan3A_331 = %scan3A_53 to %scan3A_55 step %scan3A_56 iter_args(%scan3A_332 = %get3A_52) -> (vector<16xf32>)  : i32 {
      %add3A_333 = arith.constant 3200 : i32
      %add3A_334 = arith.addi %add3A_333, %scan3A_331 : i32
      %add3A_335 = vector.broadcast %add3A_334 : i32 to vector<16xi32>
      %add3A_336 = arith.addi %mul3A_13, %add3A_335 : vector<16xi32>
      %gather3A = tpu.vector_load_idx %arg7[%add3A_336] : memref<25600xi32, #tpu.memory_space<vmem>>[vector<16xi32>], vector<16xi32>,
      %gather3A_337 = tpu.vector_load_idx %arg8[%gather3A] : memref<100352xf32, #tpu.memory_space<vmem>>[vector<16xi32>], vector<16xf32>,
      %add3A_338 = arith.addf %scan3A_332, %gather3A_337 : vector<16xf32>
      %scan3A_339 = arith.constant 1 : i32
      %scan3A_340 = arith.addi %scan3A_331, %scan3A_339 : i32
      %add3A_341 = arith.constant 3200 : i32
      %add3A_342 = arith.addi %add3A_341, %scan3A_340 : i32
      %add3A_343 = vector.broadcast %add3A_342 : i32 to vector<16xi32>
      %add3A_344 = arith.addi %mul3A_13, %add3A_343 : vector<16xi32>
      %gather3A_345 = tpu.vector_load_idx %arg7[%add3A_344] : memref<25600xi32, #tpu.memory_space<vmem>>[vector<16xi32>], vector<16xi32>,
      %gather3A_346 = tpu.vector_load_idx %arg8[%gather3A_345] : memref<100352xf32, #tpu.memory_space<vmem>>[vector<16xi32>], vector<16xf32>,
      %add3A_347 = arith.addf %add3A_338, %gather3A_346 : vector<16xf32>
      %scan3A_348 = arith.constant 2 : i32
      %scan3A_349 = arith.addi %scan3A_331, %scan3A_348 : i32
      %add3A_350 = arith.constant 3200 : i32
      %add3A_351 = arith.addi %add3A_350, %scan3A_349 : i32
      %add3A_352 = vector.broadcast %add3A_351 : i32 to vector<16xi32>
      %add3A_353 = arith.addi %mul3A_13, %add3A_352 : vector<16xi32>
      %gather3A_354 = tpu.vector_load_idx %arg7[%add3A_353] : memref<25600xi32, #tpu.memory_space<vmem>>[vector<16xi32>], vector<16xi32>,
      %gather3A_355 = tpu.vector_load_idx %arg8[%gather3A_354] : memref<100352xf32, #tpu.memory_space<vmem>>[vector<16xi32>], vector<16xf32>,
      %add3A_356 = arith.addf %add3A_347, %gather3A_355 : vector<16xf32>
      %scan3A_357 = arith.constant 3 : i32
      %scan3A_358 = arith.addi %scan3A_331, %scan3A_357 : i32
      %add3A_359 = arith.constant 3200 : i32
      %add3A_360 = arith.addi %add3A_359, %scan3A_358 : i32
      %add3A_361 = vector.broadcast %add3A_360 : i32 to vector<16xi32>
      %add3A_362 = arith.addi %mul3A_13, %add3A_361 : vector<16xi32>
      %gather3A_363 = tpu.vector_load_idx %arg7[%add3A_362] : memref<25600xi32, #tpu.memory_space<vmem>>[vector<16xi32>], vector<16xi32>,
      %gather3A_364 = tpu.vector_load_idx %arg8[%gather3A_363] : memref<100352xf32, #tpu.memory_space<vmem>>[vector<16xi32>], vector<16xf32>,
      %add3A_365 = arith.addf %add3A_356, %gather3A_364 : vector<16xf32>
      %scan3A_366 = arith.constant 4 : i32
      %scan3A_367 = arith.addi %scan3A_331, %scan3A_366 : i32
      %add3A_368 = arith.constant 3200 : i32
      %add3A_369 = arith.addi %add3A_368, %scan3A_367 : i32
      %add3A_370 = vector.broadcast %add3A_369 : i32 to vector<16xi32>
      %add3A_371 = arith.addi %mul3A_13, %add3A_370 : vector<16xi32>
      %gather3A_372 = tpu.vector_load_idx %arg7[%add3A_371] : memref<25600xi32, #tpu.memory_space<vmem>>[vector<16xi32>], vector<16xi32>,
      %gather3A_373 = tpu.vector_load_idx %arg8[%gather3A_372] : memref<100352xf32, #tpu.memory_space<vmem>>[vector<16xi32>], vector<16xf32>,
      %add3A_374 = arith.addf %add3A_365, %gather3A_373 : vector<16xf32>
      %scan3A_375 = arith.constant 5 : i32
      %scan3A_376 = arith.addi %scan3A_331, %scan3A_375 : i32
      %add3A_377 = arith.constant 3200 : i32
      %add3A_378 = arith.addi %add3A_377, %scan3A_376 : i32
      %add3A_379 = vector.broadcast %add3A_378 : i32 to vector<16xi32>
      %add3A_380 = arith.addi %mul3A_13, %add3A_379 : vector<16xi32>
      %gather3A_381 = tpu.vector_load_idx %arg7[%add3A_380] : memref<25600xi32, #tpu.memory_space<vmem>>[vector<16xi32>], vector<16xi32>,
      %gather3A_382 = tpu.vector_load_idx %arg8[%gather3A_381] : memref<100352xf32, #tpu.memory_space<vmem>>[vector<16xi32>], vector<16xf32>,
      %add3A_383 = arith.addf %add3A_374, %gather3A_382 : vector<16xf32>
      %scan3A_384 = arith.constant 6 : i32
      %scan3A_385 = arith.addi %scan3A_331, %scan3A_384 : i32
      %add3A_386 = arith.constant 3200 : i32
      %add3A_387 = arith.addi %add3A_386, %scan3A_385 : i32
      %add3A_388 = vector.broadcast %add3A_387 : i32 to vector<16xi32>
      %add3A_389 = arith.addi %mul3A_13, %add3A_388 : vector<16xi32>
      %gather3A_390 = tpu.vector_load_idx %arg7[%add3A_389] : memref<25600xi32, #tpu.memory_space<vmem>>[vector<16xi32>], vector<16xi32>,
      %gather3A_391 = tpu.vector_load_idx %arg8[%gather3A_390] : memref<100352xf32, #tpu.memory_space<vmem>>[vector<16xi32>], vector<16xf32>,
      %add3A_392 = arith.addf %add3A_383, %gather3A_391 : vector<16xf32>
      %scan3A_393 = arith.constant 7 : i32
      %scan3A_394 = arith.addi %scan3A_331, %scan3A_393 : i32
      %add3A_395 = arith.constant 3200 : i32
      %add3A_396 = arith.addi %add3A_395, %scan3A_394 : i32
      %add3A_397 = vector.broadcast %add3A_396 : i32 to vector<16xi32>
      %add3A_398 = arith.addi %mul3A_13, %add3A_397 : vector<16xi32>
      %gather3A_399 = tpu.vector_load_idx %arg7[%add3A_398] : memref<25600xi32, #tpu.memory_space<vmem>>[vector<16xi32>], vector<16xi32>,
      %gather3A_400 = tpu.vector_load_idx %arg8[%gather3A_399] : memref<100352xf32, #tpu.memory_space<vmem>>[vector<16xi32>], vector<16xf32>,
      %add3A_401 = arith.addf %add3A_392, %gather3A_400 : vector<16xf32>
      %scan3A_402 = arith.constant 8 : i32
      %scan3A_403 = arith.addi %scan3A_331, %scan3A_402 : i32
      %add3A_404 = arith.constant 3200 : i32
      %add3A_405 = arith.addi %add3A_404, %scan3A_403 : i32
      %add3A_406 = vector.broadcast %add3A_405 : i32 to vector<16xi32>
      %add3A_407 = arith.addi %mul3A_13, %add3A_406 : vector<16xi32>
      %gather3A_408 = tpu.vector_load_idx %arg7[%add3A_407] : memref<25600xi32, #tpu.memory_space<vmem>>[vector<16xi32>], vector<16xi32>,
      %gather3A_409 = tpu.vector_load_idx %arg8[%gather3A_408] : memref<100352xf32, #tpu.memory_space<vmem>>[vector<16xi32>], vector<16xf32>,
      %add3A_410 = arith.addf %add3A_401, %gather3A_409 : vector<16xf32>
      %scan3A_411 = arith.constant 9 : i32
      %scan3A_412 = arith.addi %scan3A_331, %scan3A_411 : i32
      %add3A_413 = arith.constant 3200 : i32
      %add3A_414 = arith.addi %add3A_413, %scan3A_412 : i32
      %add3A_415 = vector.broadcast %add3A_414 : i32 to vector<16xi32>
      %add3A_416 = arith.addi %mul3A_13, %add3A_415 : vector<16xi32>
      %gather3A_417 = tpu.vector_load_idx %arg7[%add3A_416] : memref<25600xi32, #tpu.memory_space<vmem>>[vector<16xi32>], vector<16xi32>,
      %gather3A_418 = tpu.vector_load_idx %arg8[%gather3A_417] : memref<100352xf32, #tpu.memory_space<vmem>>[vector<16xi32>], vector<16xf32>,
      %add3A_419 = arith.addf %add3A_410, %gather3A_418 : vector<16xf32>
      scf.yield %add3A_419 : vector<16xf32>
    }
    %scan3A_58 = arith.constant 50 : i32
    %swap3A_59 = arith.constant 64 : index
    %swap3A_60 = tpu.vector_load %arg11[%swap3A_59] {strides = array<i32>} : memref<512xf32, #tpu.memory_space<vmem>>, vector<16xf32>,
    tpu.vector_store %arg11[%swap3A_59], %scan3A_57 {strides = array<i32>} : memref<512xf32, #tpu.memory_space<vmem>>, vector<16xf32>,
    %get3A_61 = arith.constant 80 : index
    %get3A_62 = tpu.vector_load %arg10[%get3A_61] {strides = array<i32>} : memref<512xf32, #tpu.memory_space<vmem>>, vector<16xf32>,
    %scan3A_63 = arith.constant 0 : i32
    %scan3A_64 = arith.constant 50 : i32
    %scan3A_65 = arith.addi %scan3A_63, %scan3A_64 : i32
    %scan3A_66 = arith.constant 10 : i32
    %scan3A_67 = scf.for %scan3A_331 = %scan3A_63 to %scan3A_65 step %scan3A_66 iter_args(%scan3A_332 = %get3A_62) -> (vector<16xf32>)  : i32 {
      %add3A_333 = arith.constant 4000 : i32
      %add3A_334 = arith.addi %add3A_333, %scan3A_331 : i32
      %add3A_335 = vector.broadcast %add3A_334 : i32 to vector<16xi32>
      %add3A_336 = arith.addi %mul3A_13, %add3A_335 : vector<16xi32>
      %gather3A = tpu.vector_load_idx %arg7[%add3A_336] : memref<25600xi32, #tpu.memory_space<vmem>>[vector<16xi32>], vector<16xi32>,
      %gather3A_337 = tpu.vector_load_idx %arg8[%gather3A] : memref<100352xf32, #tpu.memory_space<vmem>>[vector<16xi32>], vector<16xf32>,
      %add3A_338 = arith.addf %scan3A_332, %gather3A_337 : vector<16xf32>
      %scan3A_339 = arith.constant 1 : i32
      %scan3A_340 = arith.addi %scan3A_331, %scan3A_339 : i32
      %add3A_341 = arith.constant 4000 : i32
      %add3A_342 = arith.addi %add3A_341, %scan3A_340 : i32
      %add3A_343 = vector.broadcast %add3A_342 : i32 to vector<16xi32>
      %add3A_344 = arith.addi %mul3A_13, %add3A_343 : vector<16xi32>
      %gather3A_345 = tpu.vector_load_idx %arg7[%add3A_344] : memref<25600xi32, #tpu.memory_space<vmem>>[vector<16xi32>], vector<16xi32>,
      %gather3A_346 = tpu.vector_load_idx %arg8[%gather3A_345] : memref<100352xf32, #tpu.memory_space<vmem>>[vector<16xi32>], vector<16xf32>,
      %add3A_347 = arith.addf %add3A_338, %gather3A_346 : vector<16xf32>
      %scan3A_348 = arith.constant 2 : i32
      %scan3A_349 = arith.addi %scan3A_331, %scan3A_348 : i32
      %add3A_350 = arith.constant 4000 : i32
      %add3A_351 = arith.addi %add3A_350, %scan3A_349 : i32
      %add3A_352 = vector.broadcast %add3A_351 : i32 to vector<16xi32>
      %add3A_353 = arith.addi %mul3A_13, %add3A_352 : vector<16xi32>
      %gather3A_354 = tpu.vector_load_idx %arg7[%add3A_353] : memref<25600xi32, #tpu.memory_space<vmem>>[vector<16xi32>], vector<16xi32>,
      %gather3A_355 = tpu.vector_load_idx %arg8[%gather3A_354] : memref<100352xf32, #tpu.memory_space<vmem>>[vector<16xi32>], vector<16xf32>,
      %add3A_356 = arith.addf %add3A_347, %gather3A_355 : vector<16xf32>
      %scan3A_357 = arith.constant 3 : i32
      %scan3A_358 = arith.addi %scan3A_331, %scan3A_357 : i32
      %add3A_359 = arith.constant 4000 : i32
      %add3A_360 = arith.addi %add3A_359, %scan3A_358 : i32
      %add3A_361 = vector.broadcast %add3A_360 : i32 to vector<16xi32>
      %add3A_362 = arith.addi %mul3A_13, %add3A_361 : vector<16xi32>
      %gather3A_363 = tpu.vector_load_idx %arg7[%add3A_362] : memref<25600xi32, #tpu.memory_space<vmem>>[vector<16xi32>], vector<16xi32>,
      %gather3A_364 = tpu.vector_load_idx %arg8[%gather3A_363] : memref<100352xf32, #tpu.memory_space<vmem>>[vector<16xi32>], vector<16xf32>,
      %add3A_365 = arith.addf %add3A_356, %gather3A_364 : vector<16xf32>
      %scan3A_366 = arith.constant 4 : i32
      %scan3A_367 = arith.addi %scan3A_331, %scan3A_366 : i32
      %add3A_368 = arith.constant 4000 : i32
      %add3A_369 = arith.addi %add3A_368, %scan3A_367 : i32
      %add3A_370 = vector.broadcast %add3A_369 : i32 to vector<16xi32>
      %add3A_371 = arith.addi %mul3A_13, %add3A_370 : vector<16xi32>
      %gather3A_372 = tpu.vector_load_idx %arg7[%add3A_371] : memref<25600xi32, #tpu.memory_space<vmem>>[vector<16xi32>], vector<16xi32>,
      %gather3A_373 = tpu.vector_load_idx %arg8[%gather3A_372] : memref<100352xf32, #tpu.memory_space<vmem>>[vector<16xi32>], vector<16xf32>,
      %add3A_374 = arith.addf %add3A_365, %gather3A_373 : vector<16xf32>
      %scan3A_375 = arith.constant 5 : i32
      %scan3A_376 = arith.addi %scan3A_331, %scan3A_375 : i32
      %add3A_377 = arith.constant 4000 : i32
      %add3A_378 = arith.addi %add3A_377, %scan3A_376 : i32
      %add3A_379 = vector.broadcast %add3A_378 : i32 to vector<16xi32>
      %add3A_380 = arith.addi %mul3A_13, %add3A_379 : vector<16xi32>
      %gather3A_381 = tpu.vector_load_idx %arg7[%add3A_380] : memref<25600xi32, #tpu.memory_space<vmem>>[vector<16xi32>], vector<16xi32>,
      %gather3A_382 = tpu.vector_load_idx %arg8[%gather3A_381] : memref<100352xf32, #tpu.memory_space<vmem>>[vector<16xi32>], vector<16xf32>,
      %add3A_383 = arith.addf %add3A_374, %gather3A_382 : vector<16xf32>
      %scan3A_384 = arith.constant 6 : i32
      %scan3A_385 = arith.addi %scan3A_331, %scan3A_384 : i32
      %add3A_386 = arith.constant 4000 : i32
      %add3A_387 = arith.addi %add3A_386, %scan3A_385 : i32
      %add3A_388 = vector.broadcast %add3A_387 : i32 to vector<16xi32>
      %add3A_389 = arith.addi %mul3A_13, %add3A_388 : vector<16xi32>
      %gather3A_390 = tpu.vector_load_idx %arg7[%add3A_389] : memref<25600xi32, #tpu.memory_space<vmem>>[vector<16xi32>], vector<16xi32>,
      %gather3A_391 = tpu.vector_load_idx %arg8[%gather3A_390] : memref<100352xf32, #tpu.memory_space<vmem>>[vector<16xi32>], vector<16xf32>,
      %add3A_392 = arith.addf %add3A_383, %gather3A_391 : vector<16xf32>
      %scan3A_393 = arith.constant 7 : i32
      %scan3A_394 = arith.addi %scan3A_331, %scan3A_393 : i32
      %add3A_395 = arith.constant 4000 : i32
      %add3A_396 = arith.addi %add3A_395, %scan3A_394 : i32
      %add3A_397 = vector.broadcast %add3A_396 : i32 to vector<16xi32>
      %add3A_398 = arith.addi %mul3A_13, %add3A_397 : vector<16xi32>
      %gather3A_399 = tpu.vector_load_idx %arg7[%add3A_398] : memref<25600xi32, #tpu.memory_space<vmem>>[vector<16xi32>], vector<16xi32>,
      %gather3A_400 = tpu.vector_load_idx %arg8[%gather3A_399] : memref<100352xf32, #tpu.memory_space<vmem>>[vector<16xi32>], vector<16xf32>,
      %add3A_401 = arith.addf %add3A_392, %gather3A_400 : vector<16xf32>
      %scan3A_402 = arith.constant 8 : i32
      %scan3A_403 = arith.addi %scan3A_331, %scan3A_402 : i32
      %add3A_404 = arith.constant 4000 : i32
      %add3A_405 = arith.addi %add3A_404, %scan3A_403 : i32
      %add3A_406 = vector.broadcast %add3A_405 : i32 to vector<16xi32>
      %add3A_407 = arith.addi %mul3A_13, %add3A_406 : vector<16xi32>
      %gather3A_408 = tpu.vector_load_idx %arg7[%add3A_407] : memref<25600xi32, #tpu.memory_space<vmem>>[vector<16xi32>], vector<16xi32>,
      %gather3A_409 = tpu.vector_load_idx %arg8[%gather3A_408] : memref<100352xf32, #tpu.memory_space<vmem>>[vector<16xi32>], vector<16xf32>,
      %add3A_410 = arith.addf %add3A_401, %gather3A_409 : vector<16xf32>
      %scan3A_411 = arith.constant 9 : i32
      %scan3A_412 = arith.addi %scan3A_331, %scan3A_411 : i32
      %add3A_413 = arith.constant 4000 : i32
      %add3A_414 = arith.addi %add3A_413, %scan3A_412 : i32
      %add3A_415 = vector.broadcast %add3A_414 : i32 to vector<16xi32>
      %add3A_416 = arith.addi %mul3A_13, %add3A_415 : vector<16xi32>
      %gather3A_417 = tpu.vector_load_idx %arg7[%add3A_416] : memref<25600xi32, #tpu.memory_space<vmem>>[vector<16xi32>], vector<16xi32>,
      %gather3A_418 = tpu.vector_load_idx %arg8[%gather3A_417] : memref<100352xf32, #tpu.memory_space<vmem>>[vector<16xi32>], vector<16xf32>,
      %add3A_419 = arith.addf %add3A_410, %gather3A_418 : vector<16xf32>
      scf.yield %add3A_419 : vector<16xf32>
    }
    %scan3A_68 = arith.constant 50 : i32
    %swap3A_69 = arith.constant 80 : index
    %swap3A_70 = tpu.vector_load %arg11[%swap3A_69] {strides = array<i32>} : memref<512xf32, #tpu.memory_space<vmem>>, vector<16xf32>,
    tpu.vector_store %arg11[%swap3A_69], %scan3A_67 {strides = array<i32>} : memref<512xf32, #tpu.memory_space<vmem>>, vector<16xf32>,
    %get3A_71 = arith.constant 96 : index
    %get3A_72 = tpu.vector_load %arg10[%get3A_71] {strides = array<i32>} : memref<512xf32, #tpu.memory_space<vmem>>, vector<16xf32>,
    %scan3A_73 = arith.constant 0 : i32
    %scan3A_74 = arith.constant 50 : i32
    %scan3A_75 = arith.addi %scan3A_73, %scan3A_74 : i32
    %scan3A_76 = arith.constant 10 : i32
    %scan3A_77 = scf.for %scan3A_331 = %scan3A_73 to %scan3A_75 step %scan3A_76 iter_args(%scan3A_332 = %get3A_72) -> (vector<16xf32>)  : i32 {
      %add3A_333 = arith.constant 4800 : i32
      %add3A_334 = arith.addi %add3A_333, %scan3A_331 : i32
      %add3A_335 = vector.broadcast %add3A_334 : i32 to vector<16xi32>
      %add3A_336 = arith.addi %mul3A_13, %add3A_335 : vector<16xi32>
      %gather3A = tpu.vector_load_idx %arg7[%add3A_336] : memref<25600xi32, #tpu.memory_space<vmem>>[vector<16xi32>], vector<16xi32>,
      %gather3A_337 = tpu.vector_load_idx %arg8[%gather3A] : memref<100352xf32, #tpu.memory_space<vmem>>[vector<16xi32>], vector<16xf32>,
      %add3A_338 = arith.addf %scan3A_332, %gather3A_337 : vector<16xf32>
      %scan3A_339 = arith.constant 1 : i32
      %scan3A_340 = arith.addi %scan3A_331, %scan3A_339 : i32
      %add3A_341 = arith.constant 4800 : i32
      %add3A_342 = arith.addi %add3A_341, %scan3A_340 : i32
      %add3A_343 = vector.broadcast %add3A_342 : i32 to vector<16xi32>
      %add3A_344 = arith.addi %mul3A_13, %add3A_343 : vector<16xi32>
      %gather3A_345 = tpu.vector_load_idx %arg7[%add3A_344] : memref<25600xi32, #tpu.memory_space<vmem>>[vector<16xi32>], vector<16xi32>,
      %gather3A_346 = tpu.vector_load_idx %arg8[%gather3A_345] : memref<100352xf32, #tpu.memory_space<vmem>>[vector<16xi32>], vector<16xf32>,
      %add3A_347 = arith.addf %add3A_338, %gather3A_346 : vector<16xf32>
      %scan3A_348 = arith.constant 2 : i32
      %scan3A_349 = arith.addi %scan3A_331, %scan3A_348 : i32
      %add3A_350 = arith.constant 4800 : i32
      %add3A_351 = arith.addi %add3A_350, %scan3A_349 : i32
      %add3A_352 = vector.broadcast %add3A_351 : i32 to vector<16xi32>
      %add3A_353 = arith.addi %mul3A_13, %add3A_352 : vector<16xi32>
      %gather3A_354 = tpu.vector_load_idx %arg7[%add3A_353] : memref<25600xi32, #tpu.memory_space<vmem>>[vector<16xi32>], vector<16xi32>,
      %gather3A_355 = tpu.vector_load_idx %arg8[%gather3A_354] : memref<100352xf32, #tpu.memory_space<vmem>>[vector<16xi32>], vector<16xf32>,
      %add3A_356 = arith.addf %add3A_347, %gather3A_355 : vector<16xf32>
      %scan3A_357 = arith.constant 3 : i32
      %scan3A_358 = arith.addi %scan3A_331, %scan3A_357 : i32
      %add3A_359 = arith.constant 4800 : i32
      %add3A_360 = arith.addi %add3A_359, %scan3A_358 : i32
      %add3A_361 = vector.broadcast %add3A_360 : i32 to vector<16xi32>
      %add3A_362 = arith.addi %mul3A_13, %add3A_361 : vector<16xi32>
      %gather3A_363 = tpu.vector_load_idx %arg7[%add3A_362] : memref<25600xi32, #tpu.memory_space<vmem>>[vector<16xi32>], vector<16xi32>,
      %gather3A_364 = tpu.vector_load_idx %arg8[%gather3A_363] : memref<100352xf32, #tpu.memory_space<vmem>>[vector<16xi32>], vector<16xf32>,
      %add3A_365 = arith.addf %add3A_356, %gather3A_364 : vector<16xf32>
      %scan3A_366 = arith.constant 4 : i32
      %scan3A_367 = arith.addi %scan3A_331, %scan3A_366 : i32
      %add3A_368 = arith.constant 4800 : i32
      %add3A_369 = arith.addi %add3A_368, %scan3A_367 : i32
      %add3A_370 = vector.broadcast %add3A_369 : i32 to vector<16xi32>
      %add3A_371 = arith.addi %mul3A_13, %add3A_370 : vector<16xi32>
      %gather3A_372 = tpu.vector_load_idx %arg7[%add3A_371] : memref<25600xi32, #tpu.memory_space<vmem>>[vector<16xi32>], vector<16xi32>,
      %gather3A_373 = tpu.vector_load_idx %arg8[%gather3A_372] : memref<100352xf32, #tpu.memory_space<vmem>>[vector<16xi32>], vector<16xf32>,
      %add3A_374 = arith.addf %add3A_365, %gather3A_373 : vector<16xf32>
      %scan3A_375 = arith.constant 5 : i32
      %scan3A_376 = arith.addi %scan3A_331, %scan3A_375 : i32
      %add3A_377 = arith.constant 4800 : i32
      %add3A_378 = arith.addi %add3A_377, %scan3A_376 : i32
      %add3A_379 = vector.broadcast %add3A_378 : i32 to vector<16xi32>
      %add3A_380 = arith.addi %mul3A_13, %add3A_379 : vector<16xi32>
      %gather3A_381 = tpu.vector_load_idx %arg7[%add3A_380] : memref<25600xi32, #tpu.memory_space<vmem>>[vector<16xi32>], vector<16xi32>,
      %gather3A_382 = tpu.vector_load_idx %arg8[%gather3A_381] : memref<100352xf32, #tpu.memory_space<vmem>>[vector<16xi32>], vector<16xf32>,
      %add3A_383 = arith.addf %add3A_374, %gather3A_382 : vector<16xf32>
      %scan3A_384 = arith.constant 6 : i32
      %scan3A_385 = arith.addi %scan3A_331, %scan3A_384 : i32
      %add3A_386 = arith.constant 4800 : i32
      %add3A_387 = arith.addi %add3A_386, %scan3A_385 : i32
      %add3A_388 = vector.broadcast %add3A_387 : i32 to vector<16xi32>
      %add3A_389 = arith.addi %mul3A_13, %add3A_388 : vector<16xi32>
      %gather3A_390 = tpu.vector_load_idx %arg7[%add3A_389] : memref<25600xi32, #tpu.memory_space<vmem>>[vector<16xi32>], vector<16xi32>,
      %gather3A_391 = tpu.vector_load_idx %arg8[%gather3A_390] : memref<100352xf32, #tpu.memory_space<vmem>>[vector<16xi32>], vector<16xf32>,
      %add3A_392 = arith.addf %add3A_383, %gather3A_391 : vector<16xf32>
      %scan3A_393 = arith.constant 7 : i32
      %scan3A_394 = arith.addi %scan3A_331, %scan3A_393 : i32
      %add3A_395 = arith.constant 4800 : i32
      %add3A_396 = arith.addi %add3A_395, %scan3A_394 : i32
      %add3A_397 = vector.broadcast %add3A_396 : i32 to vector<16xi32>
      %add3A_398 = arith.addi %mul3A_13, %add3A_397 : vector<16xi32>
      %gather3A_399 = tpu.vector_load_idx %arg7[%add3A_398] : memref<25600xi32, #tpu.memory_space<vmem>>[vector<16xi32>], vector<16xi32>,
      %gather3A_400 = tpu.vector_load_idx %arg8[%gather3A_399] : memref<100352xf32, #tpu.memory_space<vmem>>[vector<16xi32>], vector<16xf32>,
      %add3A_401 = arith.addf %add3A_392, %gather3A_400 : vector<16xf32>
      %scan3A_402 = arith.constant 8 : i32
      %scan3A_403 = arith.addi %scan3A_331, %scan3A_402 : i32
      %add3A_404 = arith.constant 4800 : i32
      %add3A_405 = arith.addi %add3A_404, %scan3A_403 : i32
      %add3A_406 = vector.broadcast %add3A_405 : i32 to vector<16xi32>
      %add3A_407 = arith.addi %mul3A_13, %add3A_406 : vector<16xi32>
      %gather3A_408 = tpu.vector_load_idx %arg7[%add3A_407] : memref<25600xi32, #tpu.memory_space<vmem>>[vector<16xi32>], vector<16xi32>,
      %gather3A_409 = tpu.vector_load_idx %arg8[%gather3A_408] : memref<100352xf32, #tpu.memory_space<vmem>>[vector<16xi32>], vector<16xf32>,
      %add3A_410 = arith.addf %add3A_401, %gather3A_409 : vector<16xf32>
      %scan3A_411 = arith.constant 9 : i32
      %scan3A_412 = arith.addi %scan3A_331, %scan3A_411 : i32
      %add3A_413 = arith.constant 4800 : i32
      %add3A_414 = arith.addi %add3A_413, %scan3A_412 : i32
      %add3A_415 = vector.broadcast %add3A_414 : i32 to vector<16xi32>
      %add3A_416 = arith.addi %mul3A_13, %add3A_415 : vector<16xi32>
      %gather3A_417 = tpu.vector_load_idx %arg7[%add3A_416] : memref<25600xi32, #tpu.memory_space<vmem>>[vector<16xi32>], vector<16xi32>,
      %gather3A_418 = tpu.vector_load_idx %arg8[%gather3A_417] : memref<100352xf32, #tpu.memory_space<vmem>>[vector<16xi32>], vector<16xf32>,
      %add3A_419 = arith.addf %add3A_410, %gather3A_418 : vector<16xf32>
      scf.yield %add3A_419 : vector<16xf32>
    }
    %scan3A_78 = arith.constant 50 : i32
    %swap3A_79 = arith.constant 96 : index
    %swap3A_80 = tpu.vector_load %arg11[%swap3A_79] {strides = array<i32>} : memref<512xf32, #tpu.memory_space<vmem>>, vector<16xf32>,
    tpu.vector_store %arg11[%swap3A_79], %scan3A_77 {strides = array<i32>} : memref<512xf32, #tpu.memory_space<vmem>>, vector<16xf32>,
    %get3A_81 = arith.constant 112 : index
    %get3A_82 = tpu.vector_load %arg10[%get3A_81] {strides = array<i32>} : memref<512xf32, #tpu.memory_space<vmem>>, vector<16xf32>,
    %scan3A_83 = arith.constant 0 : i32
    %scan3A_84 = arith.constant 50 : i32
    %scan3A_85 = arith.addi %scan3A_83, %scan3A_84 : i32
    %scan3A_86 = arith.constant 10 : i32
    %scan3A_87 = scf.for %scan3A_331 = %scan3A_83 to %scan3A_85 step %scan3A_86 iter_args(%scan3A_332 = %get3A_82) -> (vector<16xf32>)  : i32 {
      %add3A_333 = arith.constant 5600 : i32
      %add3A_334 = arith.addi %add3A_333, %scan3A_331 : i32
      %add3A_335 = vector.broadcast %add3A_334 : i32 to vector<16xi32>
      %add3A_336 = arith.addi %mul3A_13, %add3A_335 : vector<16xi32>
      %gather3A = tpu.vector_load_idx %arg7[%add3A_336] : memref<25600xi32, #tpu.memory_space<vmem>>[vector<16xi32>], vector<16xi32>,
      %gather3A_337 = tpu.vector_load_idx %arg8[%gather3A] : memref<100352xf32, #tpu.memory_space<vmem>>[vector<16xi32>], vector<16xf32>,
      %add3A_338 = arith.addf %scan3A_332, %gather3A_337 : vector<16xf32>
      %scan3A_339 = arith.constant 1 : i32
      %scan3A_340 = arith.addi %scan3A_331, %scan3A_339 : i32
      %add3A_341 = arith.constant 5600 : i32
      %add3A_342 = arith.addi %add3A_341, %scan3A_340 : i32
      %add3A_343 = vector.broadcast %add3A_342 : i32 to vector<16xi32>
      %add3A_344 = arith.addi %mul3A_13, %add3A_343 : vector<16xi32>
      %gather3A_345 = tpu.vector_load_idx %arg7[%add3A_344] : memref<25600xi32, #tpu.memory_space<vmem>>[vector<16xi32>], vector<16xi32>,
      %gather3A_346 = tpu.vector_load_idx %arg8[%gather3A_345] : memref<100352xf32, #tpu.memory_space<vmem>>[vector<16xi32>], vector<16xf32>,
      %add3A_347 = arith.addf %add3A_338, %gather3A_346 : vector<16xf32>
      %scan3A_348 = arith.constant 2 : i32
      %scan3A_349 = arith.addi %scan3A_331, %scan3A_348 : i32
      %add3A_350 = arith.constant 5600 : i32
      %add3A_351 = arith.addi %add3A_350, %scan3A_349 : i32
      %add3A_352 = vector.broadcast %add3A_351 : i32 to vector<16xi32>
      %add3A_353 = arith.addi %mul3A_13, %add3A_352 : vector<16xi32>
      %gather3A_354 = tpu.vector_load_idx %arg7[%add3A_353] : memref<25600xi32, #tpu.memory_space<vmem>>[vector<16xi32>], vector<16xi32>,
      %gather3A_355 = tpu.vector_load_idx %arg8[%gather3A_354] : memref<100352xf32, #tpu.memory_space<vmem>>[vector<16xi32>], vector<16xf32>,
      %add3A_356 = arith.addf %add3A_347, %gather3A_355 : vector<16xf32>
      %scan3A_357 = arith.constant 3 : i32
      %scan3A_358 = arith.addi %scan3A_331, %scan3A_357 : i32
      %add3A_359 = arith.constant 5600 : i32
      %add3A_360 = arith.addi %add3A_359, %scan3A_358 : i32
      %add3A_361 = vector.broadcast %add3A_360 : i32 to vector<16xi32>
      %add3A_362 = arith.addi %mul3A_13, %add3A_361 : vector<16xi32>
      %gather3A_363 = tpu.vector_load_idx %arg7[%add3A_362] : memref<25600xi32, #tpu.memory_space<vmem>>[vector<16xi32>], vector<16xi32>,
      %gather3A_364 = tpu.vector_load_idx %arg8[%gather3A_363] : memref<100352xf32, #tpu.memory_space<vmem>>[vector<16xi32>], vector<16xf32>,
      %add3A_365 = arith.addf %add3A_356, %gather3A_364 : vector<16xf32>
      %scan3A_366 = arith.constant 4 : i32
      %scan3A_367 = arith.addi %scan3A_331, %scan3A_366 : i32
      %add3A_368 = arith.constant 5600 : i32
      %add3A_369 = arith.addi %add3A_368, %scan3A_367 : i32
      %add3A_370 = vector.broadcast %add3A_369 : i32 to vector<16xi32>
      %add3A_371 = arith.addi %mul3A_13, %add3A_370 : vector<16xi32>
      %gather3A_372 = tpu.vector_load_idx %arg7[%add3A_371] : memref<25600xi32, #tpu.memory_space<vmem>>[vector<16xi32>], vector<16xi32>,
      %gather3A_373 = tpu.vector_load_idx %arg8[%gather3A_372] : memref<100352xf32, #tpu.memory_space<vmem>>[vector<16xi32>], vector<16xf32>,
      %add3A_374 = arith.addf %add3A_365, %gather3A_373 : vector<16xf32>
      %scan3A_375 = arith.constant 5 : i32
      %scan3A_376 = arith.addi %scan3A_331, %scan3A_375 : i32
      %add3A_377 = arith.constant 5600 : i32
      %add3A_378 = arith.addi %add3A_377, %scan3A_376 : i32
      %add3A_379 = vector.broadcast %add3A_378 : i32 to vector<16xi32>
      %add3A_380 = arith.addi %mul3A_13, %add3A_379 : vector<16xi32>
      %gather3A_381 = tpu.vector_load_idx %arg7[%add3A_380] : memref<25600xi32, #tpu.memory_space<vmem>>[vector<16xi32>], vector<16xi32>,
      %gather3A_382 = tpu.vector_load_idx %arg8[%gather3A_381] : memref<100352xf32, #tpu.memory_space<vmem>>[vector<16xi32>], vector<16xf32>,
      %add3A_383 = arith.addf %add3A_374, %gather3A_382 : vector<16xf32>
      %scan3A_384 = arith.constant 6 : i32
      %scan3A_385 = arith.addi %scan3A_331, %scan3A_384 : i32
      %add3A_386 = arith.constant 5600 : i32
      %add3A_387 = arith.addi %add3A_386, %scan3A_385 : i32
      %add3A_388 = vector.broadcast %add3A_387 : i32 to vector<16xi32>
      %add3A_389 = arith.addi %mul3A_13, %add3A_388 : vector<16xi32>
      %gather3A_390 = tpu.vector_load_idx %arg7[%add3A_389] : memref<25600xi32, #tpu.memory_space<vmem>>[vector<16xi32>], vector<16xi32>,
      %gather3A_391 = tpu.vector_load_idx %arg8[%gather3A_390] : memref<100352xf32, #tpu.memory_space<vmem>>[vector<16xi32>], vector<16xf32>,
      %add3A_392 = arith.addf %add3A_383, %gather3A_391 : vector<16xf32>
      %scan3A_393 = arith.constant 7 : i32
      %scan3A_394 = arith.addi %scan3A_331, %scan3A_393 : i32
      %add3A_395 = arith.constant 5600 : i32
      %add3A_396 = arith.addi %add3A_395, %scan3A_394 : i32
      %add3A_397 = vector.broadcast %add3A_396 : i32 to vector<16xi32>
      %add3A_398 = arith.addi %mul3A_13, %add3A_397 : vector<16xi32>
      %gather3A_399 = tpu.vector_load_idx %arg7[%add3A_398] : memref<25600xi32, #tpu.memory_space<vmem>>[vector<16xi32>], vector<16xi32>,
      %gather3A_400 = tpu.vector_load_idx %arg8[%gather3A_399] : memref<100352xf32, #tpu.memory_space<vmem>>[vector<16xi32>], vector<16xf32>,
      %add3A_401 = arith.addf %add3A_392, %gather3A_400 : vector<16xf32>
      %scan3A_402 = arith.constant 8 : i32
      %scan3A_403 = arith.addi %scan3A_331, %scan3A_402 : i32
      %add3A_404 = arith.constant 5600 : i32
      %add3A_405 = arith.addi %add3A_404, %scan3A_403 : i32
      %add3A_406 = vector.broadcast %add3A_405 : i32 to vector<16xi32>
      %add3A_407 = arith.addi %mul3A_13, %add3A_406 : vector<16xi32>
      %gather3A_408 = tpu.vector_load_idx %arg7[%add3A_407] : memref<25600xi32, #tpu.memory_space<vmem>>[vector<16xi32>], vector<16xi32>,
      %gather3A_409 = tpu.vector_load_idx %arg8[%gather3A_408] : memref<100352xf32, #tpu.memory_space<vmem>>[vector<16xi32>], vector<16xf32>,
      %add3A_410 = arith.addf %add3A_401, %gather3A_409 : vector<16xf32>
      %scan3A_411 = arith.constant 9 : i32
      %scan3A_412 = arith.addi %scan3A_331, %scan3A_411 : i32
      %add3A_413 = arith.constant 5600 : i32
      %add3A_414 = arith.addi %add3A_413, %scan3A_412 : i32
      %add3A_415 = vector.broadcast %add3A_414 : i32 to vector<16xi32>
      %add3A_416 = arith.addi %mul3A_13, %add3A_415 : vector<16xi32>
      %gather3A_417 = tpu.vector_load_idx %arg7[%add3A_416] : memref<25600xi32, #tpu.memory_space<vmem>>[vector<16xi32>], vector<16xi32>,
      %gather3A_418 = tpu.vector_load_idx %arg8[%gather3A_417] : memref<100352xf32, #tpu.memory_space<vmem>>[vector<16xi32>], vector<16xf32>,
      %add3A_419 = arith.addf %add3A_410, %gather3A_418 : vector<16xf32>
      scf.yield %add3A_419 : vector<16xf32>
    }
    %scan3A_88 = arith.constant 50 : i32
    %swap3A_89 = arith.constant 112 : index
    %swap3A_90 = tpu.vector_load %arg11[%swap3A_89] {strides = array<i32>} : memref<512xf32, #tpu.memory_space<vmem>>, vector<16xf32>,
    tpu.vector_store %arg11[%swap3A_89], %scan3A_87 {strides = array<i32>} : memref<512xf32, #tpu.memory_space<vmem>>, vector<16xf32>,
    %get3A_91 = arith.constant 128 : index
    %get3A_92 = tpu.vector_load %arg10[%get3A_91] {strides = array<i32>} : memref<512xf32, #tpu.memory_space<vmem>>, vector<16xf32>,
    %scan3A_93 = arith.constant 0 : i32
    %scan3A_94 = arith.constant 50 : i32
    %scan3A_95 = arith.addi %scan3A_93, %scan3A_94 : i32
    %scan3A_96 = arith.constant 10 : i32
    %scan3A_97 = scf.for %scan3A_331 = %scan3A_93 to %scan3A_95 step %scan3A_96 iter_args(%scan3A_332 = %get3A_92) -> (vector<16xf32>)  : i32 {
      %add3A_333 = arith.constant 6400 : i32
      %add3A_334 = arith.addi %add3A_333, %scan3A_331 : i32
      %add3A_335 = vector.broadcast %add3A_334 : i32 to vector<16xi32>
      %add3A_336 = arith.addi %mul3A_13, %add3A_335 : vector<16xi32>
      %gather3A = tpu.vector_load_idx %arg7[%add3A_336] : memref<25600xi32, #tpu.memory_space<vmem>>[vector<16xi32>], vector<16xi32>,
      %gather3A_337 = tpu.vector_load_idx %arg8[%gather3A] : memref<100352xf32, #tpu.memory_space<vmem>>[vector<16xi32>], vector<16xf32>,
      %add3A_338 = arith.addf %scan3A_332, %gather3A_337 : vector<16xf32>
      %scan3A_339 = arith.constant 1 : i32
      %scan3A_340 = arith.addi %scan3A_331, %scan3A_339 : i32
      %add3A_341 = arith.constant 6400 : i32
      %add3A_342 = arith.addi %add3A_341, %scan3A_340 : i32
      %add3A_343 = vector.broadcast %add3A_342 : i32 to vector<16xi32>
      %add3A_344 = arith.addi %mul3A_13, %add3A_343 : vector<16xi32>
      %gather3A_345 = tpu.vector_load_idx %arg7[%add3A_344] : memref<25600xi32, #tpu.memory_space<vmem>>[vector<16xi32>], vector<16xi32>,
      %gather3A_346 = tpu.vector_load_idx %arg8[%gather3A_345] : memref<100352xf32, #tpu.memory_space<vmem>>[vector<16xi32>], vector<16xf32>,
      %add3A_347 = arith.addf %add3A_338, %gather3A_346 : vector<16xf32>
      %scan3A_348 = arith.constant 2 : i32
      %scan3A_349 = arith.addi %scan3A_331, %scan3A_348 : i32
      %add3A_350 = arith.constant 6400 : i32
      %add3A_351 = arith.addi %add3A_350, %scan3A_349 : i32
      %add3A_352 = vector.broadcast %add3A_351 : i32 to vector<16xi32>
      %add3A_353 = arith.addi %mul3A_13, %add3A_352 : vector<16xi32>
      %gather3A_354 = tpu.vector_load_idx %arg7[%add3A_353] : memref<25600xi32, #tpu.memory_space<vmem>>[vector<16xi32>], vector<16xi32>,
      %gather3A_355 = tpu.vector_load_idx %arg8[%gather3A_354] : memref<100352xf32, #tpu.memory_space<vmem>>[vector<16xi32>], vector<16xf32>,
      %add3A_356 = arith.addf %add3A_347, %gather3A_355 : vector<16xf32>
      %scan3A_357 = arith.constant 3 : i32
      %scan3A_358 = arith.addi %scan3A_331, %scan3A_357 : i32
      %add3A_359 = arith.constant 6400 : i32
      %add3A_360 = arith.addi %add3A_359, %scan3A_358 : i32
      %add3A_361 = vector.broadcast %add3A_360 : i32 to vector<16xi32>
      %add3A_362 = arith.addi %mul3A_13, %add3A_361 : vector<16xi32>
      %gather3A_363 = tpu.vector_load_idx %arg7[%add3A_362] : memref<25600xi32, #tpu.memory_space<vmem>>[vector<16xi32>], vector<16xi32>,
      %gather3A_364 = tpu.vector_load_idx %arg8[%gather3A_363] : memref<100352xf32, #tpu.memory_space<vmem>>[vector<16xi32>], vector<16xf32>,
      %add3A_365 = arith.addf %add3A_356, %gather3A_364 : vector<16xf32>
      %scan3A_366 = arith.constant 4 : i32
      %scan3A_367 = arith.addi %scan3A_331, %scan3A_366 : i32
      %add3A_368 = arith.constant 6400 : i32
      %add3A_369 = arith.addi %add3A_368, %scan3A_367 : i32
      %add3A_370 = vector.broadcast %add3A_369 : i32 to vector<16xi32>
      %add3A_371 = arith.addi %mul3A_13, %add3A_370 : vector<16xi32>
      %gather3A_372 = tpu.vector_load_idx %arg7[%add3A_371] : memref<25600xi32, #tpu.memory_space<vmem>>[vector<16xi32>], vector<16xi32>,
      %gather3A_373 = tpu.vector_load_idx %arg8[%gather3A_372] : memref<100352xf32, #tpu.memory_space<vmem>>[vector<16xi32>], vector<16xf32>,
      %add3A_374 = arith.addf %add3A_365, %gather3A_373 : vector<16xf32>
      %scan3A_375 = arith.constant 5 : i32
      %scan3A_376 = arith.addi %scan3A_331, %scan3A_375 : i32
      %add3A_377 = arith.constant 6400 : i32
      %add3A_378 = arith.addi %add3A_377, %scan3A_376 : i32
      %add3A_379 = vector.broadcast %add3A_378 : i32 to vector<16xi32>
      %add3A_380 = arith.addi %mul3A_13, %add3A_379 : vector<16xi32>
      %gather3A_381 = tpu.vector_load_idx %arg7[%add3A_380] : memref<25600xi32, #tpu.memory_space<vmem>>[vector<16xi32>], vector<16xi32>,
      %gather3A_382 = tpu.vector_load_idx %arg8[%gather3A_381] : memref<100352xf32, #tpu.memory_space<vmem>>[vector<16xi32>], vector<16xf32>,
      %add3A_383 = arith.addf %add3A_374, %gather3A_382 : vector<16xf32>
      %scan3A_384 = arith.constant 6 : i32
      %scan3A_385 = arith.addi %scan3A_331, %scan3A_384 : i32
      %add3A_386 = arith.constant 6400 : i32
      %add3A_387 = arith.addi %add3A_386, %scan3A_385 : i32
      %add3A_388 = vector.broadcast %add3A_387 : i32 to vector<16xi32>
      %add3A_389 = arith.addi %mul3A_13, %add3A_388 : vector<16xi32>
      %gather3A_390 = tpu.vector_load_idx %arg7[%add3A_389] : memref<25600xi32, #tpu.memory_space<vmem>>[vector<16xi32>], vector<16xi32>,
      %gather3A_391 = tpu.vector_load_idx %arg8[%gather3A_390] : memref<100352xf32, #tpu.memory_space<vmem>>[vector<16xi32>], vector<16xf32>,
      %add3A_392 = arith.addf %add3A_383, %gather3A_391 : vector<16xf32>
      %scan3A_393 = arith.constant 7 : i32
      %scan3A_394 = arith.addi %scan3A_331, %scan3A_393 : i32
      %add3A_395 = arith.constant 6400 : i32
      %add3A_396 = arith.addi %add3A_395, %scan3A_394 : i32
      %add3A_397 = vector.broadcast %add3A_396 : i32 to vector<16xi32>
      %add3A_398 = arith.addi %mul3A_13, %add3A_397 : vector<16xi32>
      %gather3A_399 = tpu.vector_load_idx %arg7[%add3A_398] : memref<25600xi32, #tpu.memory_space<vmem>>[vector<16xi32>], vector<16xi32>,
      %gather3A_400 = tpu.vector_load_idx %arg8[%gather3A_399] : memref<100352xf32, #tpu.memory_space<vmem>>[vector<16xi32>], vector<16xf32>,
      %add3A_401 = arith.addf %add3A_392, %gather3A_400 : vector<16xf32>
      %scan3A_402 = arith.constant 8 : i32
      %scan3A_403 = arith.addi %scan3A_331, %scan3A_402 : i32
      %add3A_404 = arith.constant 6400 : i32
      %add3A_405 = arith.addi %add3A_404, %scan3A_403 : i32
      %add3A_406 = vector.broadcast %add3A_405 : i32 to vector<16xi32>
      %add3A_407 = arith.addi %mul3A_13, %add3A_406 : vector<16xi32>
      %gather3A_408 = tpu.vector_load_idx %arg7[%add3A_407] : memref<25600xi32, #tpu.memory_space<vmem>>[vector<16xi32>], vector<16xi32>,
      %gather3A_409 = tpu.vector_load_idx %arg8[%gather3A_408] : memref<100352xf32, #tpu.memory_space<vmem>>[vector<16xi32>], vector<16xf32>,
      %add3A_410 = arith.addf %add3A_401, %gather3A_409 : vector<16xf32>
      %scan3A_411 = arith.constant 9 : i32
      %scan3A_412 = arith.addi %scan3A_331, %scan3A_411 : i32
      %add3A_413 = arith.constant 6400 : i32
      %add3A_414 = arith.addi %add3A_413, %scan3A_412 : i32
      %add3A_415 = vector.broadcast %add3A_414 : i32 to vector<16xi32>
      %add3A_416 = arith.addi %mul3A_13, %add3A_415 : vector<16xi32>
      %gather3A_417 = tpu.vector_load_idx %arg7[%add3A_416] : memref<25600xi32, #tpu.memory_space<vmem>>[vector<16xi32>], vector<16xi32>,
      %gather3A_418 = tpu.vector_load_idx %arg8[%gather3A_417] : memref<100352xf32, #tpu.memory_space<vmem>>[vector<16xi32>], vector<16xf32>,
      %add3A_419 = arith.addf %add3A_410, %gather3A_418 : vector<16xf32>
      scf.yield %add3A_419 : vector<16xf32>
    }
    %scan3A_98 = arith.constant 50 : i32
    %swap3A_99 = arith.constant 128 : index
    %swap3A_100 = tpu.vector_load %arg11[%swap3A_99] {strides = array<i32>} : memref<512xf32, #tpu.memory_space<vmem>>, vector<16xf32>,
    tpu.vector_store %arg11[%swap3A_99], %scan3A_97 {strides = array<i32>} : memref<512xf32, #tpu.memory_space<vmem>>, vector<16xf32>,
    %get3A_101 = arith.constant 144 : index
    %get3A_102 = tpu.vector_load %arg10[%get3A_101] {strides = array<i32>} : memref<512xf32, #tpu.memory_space<vmem>>, vector<16xf32>,
    %scan3A_103 = arith.constant 0 : i32
    %scan3A_104 = arith.constant 50 : i32
    %scan3A_105 = arith.addi %scan3A_103, %scan3A_104 : i32
    %scan3A_106 = arith.constant 10 : i32
    %scan3A_107 = scf.for %scan3A_331 = %scan3A_103 to %scan3A_105 step %scan3A_106 iter_args(%scan3A_332 = %get3A_102) -> (vector<16xf32>)  : i32 {
      %add3A_333 = arith.constant 7200 : i32
      %add3A_334 = arith.addi %add3A_333, %scan3A_331 : i32
      %add3A_335 = vector.broadcast %add3A_334 : i32 to vector<16xi32>
      %add3A_336 = arith.addi %mul3A_13, %add3A_335 : vector<16xi32>
      %gather3A = tpu.vector_load_idx %arg7[%add3A_336] : memref<25600xi32, #tpu.memory_space<vmem>>[vector<16xi32>], vector<16xi32>,
      %gather3A_337 = tpu.vector_load_idx %arg8[%gather3A] : memref<100352xf32, #tpu.memory_space<vmem>>[vector<16xi32>], vector<16xf32>,
      %add3A_338 = arith.addf %scan3A_332, %gather3A_337 : vector<16xf32>
      %scan3A_339 = arith.constant 1 : i32
      %scan3A_340 = arith.addi %scan3A_331, %scan3A_339 : i32
      %add3A_341 = arith.constant 7200 : i32
      %add3A_342 = arith.addi %add3A_341, %scan3A_340 : i32
      %add3A_343 = vector.broadcast %add3A_342 : i32 to vector<16xi32>
      %add3A_344 = arith.addi %mul3A_13, %add3A_343 : vector<16xi32>
      %gather3A_345 = tpu.vector_load_idx %arg7[%add3A_344] : memref<25600xi32, #tpu.memory_space<vmem>>[vector<16xi32>], vector<16xi32>,
      %gather3A_346 = tpu.vector_load_idx %arg8[%gather3A_345] : memref<100352xf32, #tpu.memory_space<vmem>>[vector<16xi32>], vector<16xf32>,
      %add3A_347 = arith.addf %add3A_338, %gather3A_346 : vector<16xf32>
      %scan3A_348 = arith.constant 2 : i32
      %scan3A_349 = arith.addi %scan3A_331, %scan3A_348 : i32
      %add3A_350 = arith.constant 7200 : i32
      %add3A_351 = arith.addi %add3A_350, %scan3A_349 : i32
      %add3A_352 = vector.broadcast %add3A_351 : i32 to vector<16xi32>
      %add3A_353 = arith.addi %mul3A_13, %add3A_352 : vector<16xi32>
      %gather3A_354 = tpu.vector_load_idx %arg7[%add3A_353] : memref<25600xi32, #tpu.memory_space<vmem>>[vector<16xi32>], vector<16xi32>,
      %gather3A_355 = tpu.vector_load_idx %arg8[%gather3A_354] : memref<100352xf32, #tpu.memory_space<vmem>>[vector<16xi32>], vector<16xf32>,
      %add3A_356 = arith.addf %add3A_347, %gather3A_355 : vector<16xf32>
      %scan3A_357 = arith.constant 3 : i32
      %scan3A_358 = arith.addi %scan3A_331, %scan3A_357 : i32
      %add3A_359 = arith.constant 7200 : i32
      %add3A_360 = arith.addi %add3A_359, %scan3A_358 : i32
      %add3A_361 = vector.broadcast %add3A_360 : i32 to vector<16xi32>
      %add3A_362 = arith.addi %mul3A_13, %add3A_361 : vector<16xi32>
      %gather3A_363 = tpu.vector_load_idx %arg7[%add3A_362] : memref<25600xi32, #tpu.memory_space<vmem>>[vector<16xi32>], vector<16xi32>,
      %gather3A_364 = tpu.vector_load_idx %arg8[%gather3A_363] : memref<100352xf32, #tpu.memory_space<vmem>>[vector<16xi32>], vector<16xf32>,
      %add3A_365 = arith.addf %add3A_356, %gather3A_364 : vector<16xf32>
      %scan3A_366 = arith.constant 4 : i32
      %scan3A_367 = arith.addi %scan3A_331, %scan3A_366 : i32
      %add3A_368 = arith.constant 7200 : i32
      %add3A_369 = arith.addi %add3A_368, %scan3A_367 : i32
      %add3A_370 = vector.broadcast %add3A_369 : i32 to vector<16xi32>
      %add3A_371 = arith.addi %mul3A_13, %add3A_370 : vector<16xi32>
      %gather3A_372 = tpu.vector_load_idx %arg7[%add3A_371] : memref<25600xi32, #tpu.memory_space<vmem>>[vector<16xi32>], vector<16xi32>,
      %gather3A_373 = tpu.vector_load_idx %arg8[%gather3A_372] : memref<100352xf32, #tpu.memory_space<vmem>>[vector<16xi32>], vector<16xf32>,
      %add3A_374 = arith.addf %add3A_365, %gather3A_373 : vector<16xf32>
      %scan3A_375 = arith.constant 5 : i32
      %scan3A_376 = arith.addi %scan3A_331, %scan3A_375 : i32
      %add3A_377 = arith.constant 7200 : i32
      %add3A_378 = arith.addi %add3A_377, %scan3A_376 : i32
      %add3A_379 = vector.broadcast %add3A_378 : i32 to vector<16xi32>
      %add3A_380 = arith.addi %mul3A_13, %add3A_379 : vector<16xi32>
      %gather3A_381 = tpu.vector_load_idx %arg7[%add3A_380] : memref<25600xi32, #tpu.memory_space<vmem>>[vector<16xi32>], vector<16xi32>,
      %gather3A_382 = tpu.vector_load_idx %arg8[%gather3A_381] : memref<100352xf32, #tpu.memory_space<vmem>>[vector<16xi32>], vector<16xf32>,
      %add3A_383 = arith.addf %add3A_374, %gather3A_382 : vector<16xf32>
      %scan3A_384 = arith.constant 6 : i32
      %scan3A_385 = arith.addi %scan3A_331, %scan3A_384 : i32
      %add3A_386 = arith.constant 7200 : i32
      %add3A_387 = arith.addi %add3A_386, %scan3A_385 : i32
      %add3A_388 = vector.broadcast %add3A_387 : i32 to vector<16xi32>
      %add3A_389 = arith.addi %mul3A_13, %add3A_388 : vector<16xi32>
      %gather3A_390 = tpu.vector_load_idx %arg7[%add3A_389] : memref<25600xi32, #tpu.memory_space<vmem>>[vector<16xi32>], vector<16xi32>,
      %gather3A_391 = tpu.vector_load_idx %arg8[%gather3A_390] : memref<100352xf32, #tpu.memory_space<vmem>>[vector<16xi32>], vector<16xf32>,
      %add3A_392 = arith.addf %add3A_383, %gather3A_391 : vector<16xf32>
      %scan3A_393 = arith.constant 7 : i32
      %scan3A_394 = arith.addi %scan3A_331, %scan3A_393 : i32
      %add3A_395 = arith.constant 7200 : i32
      %add3A_396 = arith.addi %add3A_395, %scan3A_394 : i32
      %add3A_397 = vector.broadcast %add3A_396 : i32 to vector<16xi32>
      %add3A_398 = arith.addi %mul3A_13, %add3A_397 : vector<16xi32>
      %gather3A_399 = tpu.vector_load_idx %arg7[%add3A_398] : memref<25600xi32, #tpu.memory_space<vmem>>[vector<16xi32>], vector<16xi32>,
      %gather3A_400 = tpu.vector_load_idx %arg8[%gather3A_399] : memref<100352xf32, #tpu.memory_space<vmem>>[vector<16xi32>], vector<16xf32>,
      %add3A_401 = arith.addf %add3A_392, %gather3A_400 : vector<16xf32>
      %scan3A_402 = arith.constant 8 : i32
      %scan3A_403 = arith.addi %scan3A_331, %scan3A_402 : i32
      %add3A_404 = arith.constant 7200 : i32
      %add3A_405 = arith.addi %add3A_404, %scan3A_403 : i32
      %add3A_406 = vector.broadcast %add3A_405 : i32 to vector<16xi32>
      %add3A_407 = arith.addi %mul3A_13, %add3A_406 : vector<16xi32>
      %gather3A_408 = tpu.vector_load_idx %arg7[%add3A_407] : memref<25600xi32, #tpu.memory_space<vmem>>[vector<16xi32>], vector<16xi32>,
      %gather3A_409 = tpu.vector_load_idx %arg8[%gather3A_408] : memref<100352xf32, #tpu.memory_space<vmem>>[vector<16xi32>], vector<16xf32>,
      %add3A_410 = arith.addf %add3A_401, %gather3A_409 : vector<16xf32>
      %scan3A_411 = arith.constant 9 : i32
      %scan3A_412 = arith.addi %scan3A_331, %scan3A_411 : i32
      %add3A_413 = arith.constant 7200 : i32
      %add3A_414 = arith.addi %add3A_413, %scan3A_412 : i32
      %add3A_415 = vector.broadcast %add3A_414 : i32 to vector<16xi32>
      %add3A_416 = arith.addi %mul3A_13, %add3A_415 : vector<16xi32>
      %gather3A_417 = tpu.vector_load_idx %arg7[%add3A_416] : memref<25600xi32, #tpu.memory_space<vmem>>[vector<16xi32>], vector<16xi32>,
      %gather3A_418 = tpu.vector_load_idx %arg8[%gather3A_417] : memref<100352xf32, #tpu.memory_space<vmem>>[vector<16xi32>], vector<16xf32>,
      %add3A_419 = arith.addf %add3A_410, %gather3A_418 : vector<16xf32>
      scf.yield %add3A_419 : vector<16xf32>
    }
    %scan3A_108 = arith.constant 50 : i32
    %swap3A_109 = arith.constant 144 : index
    %swap3A_110 = tpu.vector_load %arg11[%swap3A_109] {strides = array<i32>} : memref<512xf32, #tpu.memory_space<vmem>>, vector<16xf32>,
    tpu.vector_store %arg11[%swap3A_109], %scan3A_107 {strides = array<i32>} : memref<512xf32, #tpu.memory_space<vmem>>, vector<16xf32>,
    %get3A_111 = arith.constant 160 : index
    %get3A_112 = tpu.vector_load %arg10[%get3A_111] {strides = array<i32>} : memref<512xf32, #tpu.memory_space<vmem>>, vector<16xf32>,
    %scan3A_113 = arith.constant 0 : i32
    %scan3A_114 = arith.constant 50 : i32
    %scan3A_115 = arith.addi %scan3A_113, %scan3A_114 : i32
    %scan3A_116 = arith.constant 10 : i32
    %scan3A_117 = scf.for %scan3A_331 = %scan3A_113 to %scan3A_115 step %scan3A_116 iter_args(%scan3A_332 = %get3A_112) -> (vector<16xf32>)  : i32 {
      %add3A_333 = arith.constant 8000 : i32
      %add3A_334 = arith.addi %add3A_333, %scan3A_331 : i32
      %add3A_335 = vector.broadcast %add3A_334 : i32 to vector<16xi32>
      %add3A_336 = arith.addi %mul3A_13, %add3A_335 : vector<16xi32>
      %gather3A = tpu.vector_load_idx %arg7[%add3A_336] : memref<25600xi32, #tpu.memory_space<vmem>>[vector<16xi32>], vector<16xi32>,
      %gather3A_337 = tpu.vector_load_idx %arg8[%gather3A] : memref<100352xf32, #tpu.memory_space<vmem>>[vector<16xi32>], vector<16xf32>,
      %add3A_338 = arith.addf %scan3A_332, %gather3A_337 : vector<16xf32>
      %scan3A_339 = arith.constant 1 : i32
      %scan3A_340 = arith.addi %scan3A_331, %scan3A_339 : i32
      %add3A_341 = arith.constant 8000 : i32
      %add3A_342 = arith.addi %add3A_341, %scan3A_340 : i32
      %add3A_343 = vector.broadcast %add3A_342 : i32 to vector<16xi32>
      %add3A_344 = arith.addi %mul3A_13, %add3A_343 : vector<16xi32>
      %gather3A_345 = tpu.vector_load_idx %arg7[%add3A_344] : memref<25600xi32, #tpu.memory_space<vmem>>[vector<16xi32>], vector<16xi32>,
      %gather3A_346 = tpu.vector_load_idx %arg8[%gather3A_345] : memref<100352xf32, #tpu.memory_space<vmem>>[vector<16xi32>], vector<16xf32>,
      %add3A_347 = arith.addf %add3A_338, %gather3A_346 : vector<16xf32>
      %scan3A_348 = arith.constant 2 : i32
      %scan3A_349 = arith.addi %scan3A_331, %scan3A_348 : i32
      %add3A_350 = arith.constant 8000 : i32
      %add3A_351 = arith.addi %add3A_350, %scan3A_349 : i32
      %add3A_352 = vector.broadcast %add3A_351 : i32 to vector<16xi32>
      %add3A_353 = arith.addi %mul3A_13, %add3A_352 : vector<16xi32>
      %gather3A_354 = tpu.vector_load_idx %arg7[%add3A_353] : memref<25600xi32, #tpu.memory_space<vmem>>[vector<16xi32>], vector<16xi32>,
      %gather3A_355 = tpu.vector_load_idx %arg8[%gather3A_354] : memref<100352xf32, #tpu.memory_space<vmem>>[vector<16xi32>], vector<16xf32>,
      %add3A_356 = arith.addf %add3A_347, %gather3A_355 : vector<16xf32>
      %scan3A_357 = arith.constant 3 : i32
      %scan3A_358 = arith.addi %scan3A_331, %scan3A_357 : i32
      %add3A_359 = arith.constant 8000 : i32
      %add3A_360 = arith.addi %add3A_359, %scan3A_358 : i32
      %add3A_361 = vector.broadcast %add3A_360 : i32 to vector<16xi32>
      %add3A_362 = arith.addi %mul3A_13, %add3A_361 : vector<16xi32>
      %gather3A_363 = tpu.vector_load_idx %arg7[%add3A_362] : memref<25600xi32, #tpu.memory_space<vmem>>[vector<16xi32>], vector<16xi32>,
      %gather3A_364 = tpu.vector_load_idx %arg8[%gather3A_363] : memref<100352xf32, #tpu.memory_space<vmem>>[vector<16xi32>], vector<16xf32>,
      %add3A_365 = arith.addf %add3A_356, %gather3A_364 : vector<16xf32>
      %scan3A_366 = arith.constant 4 : i32
      %scan3A_367 = arith.addi %scan3A_331, %scan3A_366 : i32
      %add3A_368 = arith.constant 8000 : i32
      %add3A_369 = arith.addi %add3A_368, %scan3A_367 : i32
      %add3A_370 = vector.broadcast %add3A_369 : i32 to vector<16xi32>
      %add3A_371 = arith.addi %mul3A_13, %add3A_370 : vector<16xi32>
      %gather3A_372 = tpu.vector_load_idx %arg7[%add3A_371] : memref<25600xi32, #tpu.memory_space<vmem>>[vector<16xi32>], vector<16xi32>,
      %gather3A_373 = tpu.vector_load_idx %arg8[%gather3A_372] : memref<100352xf32, #tpu.memory_space<vmem>>[vector<16xi32>], vector<16xf32>,
      %add3A_374 = arith.addf %add3A_365, %gather3A_373 : vector<16xf32>
      %scan3A_375 = arith.constant 5 : i32
      %scan3A_376 = arith.addi %scan3A_331, %scan3A_375 : i32
      %add3A_377 = arith.constant 8000 : i32
      %add3A_378 = arith.addi %add3A_377, %scan3A_376 : i32
      %add3A_379 = vector.broadcast %add3A_378 : i32 to vector<16xi32>
      %add3A_380 = arith.addi %mul3A_13, %add3A_379 : vector<16xi32>
      %gather3A_381 = tpu.vector_load_idx %arg7[%add3A_380] : memref<25600xi32, #tpu.memory_space<vmem>>[vector<16xi32>], vector<16xi32>,
      %gather3A_382 = tpu.vector_load_idx %arg8[%gather3A_381] : memref<100352xf32, #tpu.memory_space<vmem>>[vector<16xi32>], vector<16xf32>,
      %add3A_383 = arith.addf %add3A_374, %gather3A_382 : vector<16xf32>
      %scan3A_384 = arith.constant 6 : i32
      %scan3A_385 = arith.addi %scan3A_331, %scan3A_384 : i32
      %add3A_386 = arith.constant 8000 : i32
      %add3A_387 = arith.addi %add3A_386, %scan3A_385 : i32
      %add3A_388 = vector.broadcast %add3A_387 : i32 to vector<16xi32>
      %add3A_389 = arith.addi %mul3A_13, %add3A_388 : vector<16xi32>
      %gather3A_390 = tpu.vector_load_idx %arg7[%add3A_389] : memref<25600xi32, #tpu.memory_space<vmem>>[vector<16xi32>], vector<16xi32>,
      %gather3A_391 = tpu.vector_load_idx %arg8[%gather3A_390] : memref<100352xf32, #tpu.memory_space<vmem>>[vector<16xi32>], vector<16xf32>,
      %add3A_392 = arith.addf %add3A_383, %gather3A_391 : vector<16xf32>
      %scan3A_393 = arith.constant 7 : i32
      %scan3A_394 = arith.addi %scan3A_331, %scan3A_393 : i32
      %add3A_395 = arith.constant 8000 : i32
      %add3A_396 = arith.addi %add3A_395, %scan3A_394 : i32
      %add3A_397 = vector.broadcast %add3A_396 : i32 to vector<16xi32>
      %add3A_398 = arith.addi %mul3A_13, %add3A_397 : vector<16xi32>
      %gather3A_399 = tpu.vector_load_idx %arg7[%add3A_398] : memref<25600xi32, #tpu.memory_space<vmem>>[vector<16xi32>], vector<16xi32>,
      %gather3A_400 = tpu.vector_load_idx %arg8[%gather3A_399] : memref<100352xf32, #tpu.memory_space<vmem>>[vector<16xi32>], vector<16xf32>,
      %add3A_401 = arith.addf %add3A_392, %gather3A_400 : vector<16xf32>
      %scan3A_402 = arith.constant 8 : i32
      %scan3A_403 = arith.addi %scan3A_331, %scan3A_402 : i32
      %add3A_404 = arith.constant 8000 : i32
      %add3A_405 = arith.addi %add3A_404, %scan3A_403 : i32
      %add3A_406 = vector.broadcast %add3A_405 : i32 to vector<16xi32>
      %add3A_407 = arith.addi %mul3A_13, %add3A_406 : vector<16xi32>
      %gather3A_408 = tpu.vector_load_idx %arg7[%add3A_407] : memref<25600xi32, #tpu.memory_space<vmem>>[vector<16xi32>], vector<16xi32>,
      %gather3A_409 = tpu.vector_load_idx %arg8[%gather3A_408] : memref<100352xf32, #tpu.memory_space<vmem>>[vector<16xi32>], vector<16xf32>,
      %add3A_410 = arith.addf %add3A_401, %gather3A_409 : vector<16xf32>
      %scan3A_411 = arith.constant 9 : i32
      %scan3A_412 = arith.addi %scan3A_331, %scan3A_411 : i32
      %add3A_413 = arith.constant 8000 : i32
      %add3A_414 = arith.addi %add3A_413, %scan3A_412 : i32
      %add3A_415 = vector.broadcast %add3A_414 : i32 to vector<16xi32>
      %add3A_416 = arith.addi %mul3A_13, %add3A_415 : vector<16xi32>
      %gather3A_417 = tpu.vector_load_idx %arg7[%add3A_416] : memref<25600xi32, #tpu.memory_space<vmem>>[vector<16xi32>], vector<16xi32>,
      %gather3A_418 = tpu.vector_load_idx %arg8[%gather3A_417] : memref<100352xf32, #tpu.memory_space<vmem>>[vector<16xi32>], vector<16xf32>,
      %add3A_419 = arith.addf %add3A_410, %gather3A_418 : vector<16xf32>
      scf.yield %add3A_419 : vector<16xf32>
    }
    %scan3A_118 = arith.constant 50 : i32
    %swap3A_119 = arith.constant 160 : index
    %swap3A_120 = tpu.vector_load %arg11[%swap3A_119] {strides = array<i32>} : memref<512xf32, #tpu.memory_space<vmem>>, vector<16xf32>,
    tpu.vector_store %arg11[%swap3A_119], %scan3A_117 {strides = array<i32>} : memref<512xf32, #tpu.memory_space<vmem>>, vector<16xf32>,
    %get3A_121 = arith.constant 176 : index
    %get3A_122 = tpu.vector_load %arg10[%get3A_121] {strides = array<i32>} : memref<512xf32, #tpu.memory_space<vmem>>, vector<16xf32>,
    %scan3A_123 = arith.constant 0 : i32
    %scan3A_124 = arith.constant 50 : i32
    %scan3A_125 = arith.addi %scan3A_123, %scan3A_124 : i32
    %scan3A_126 = arith.constant 10 : i32
    %scan3A_127 = scf.for %scan3A_331 = %scan3A_123 to %scan3A_125 step %scan3A_126 iter_args(%scan3A_332 = %get3A_122) -> (vector<16xf32>)  : i32 {
      %add3A_333 = arith.constant 8800 : i32
      %add3A_334 = arith.addi %add3A_333, %scan3A_331 : i32
      %add3A_335 = vector.broadcast %add3A_334 : i32 to vector<16xi32>
      %add3A_336 = arith.addi %mul3A_13, %add3A_335 : vector<16xi32>
      %gather3A = tpu.vector_load_idx %arg7[%add3A_336] : memref<25600xi32, #tpu.memory_space<vmem>>[vector<16xi32>], vector<16xi32>,
      %gather3A_337 = tpu.vector_load_idx %arg8[%gather3A] : memref<100352xf32, #tpu.memory_space<vmem>>[vector<16xi32>], vector<16xf32>,
      %add3A_338 = arith.addf %scan3A_332, %gather3A_337 : vector<16xf32>
      %scan3A_339 = arith.constant 1 : i32
      %scan3A_340 = arith.addi %scan3A_331, %scan3A_339 : i32
      %add3A_341 = arith.constant 8800 : i32
      %add3A_342 = arith.addi %add3A_341, %scan3A_340 : i32
      %add3A_343 = vector.broadcast %add3A_342 : i32 to vector<16xi32>
      %add3A_344 = arith.addi %mul3A_13, %add3A_343 : vector<16xi32>
      %gather3A_345 = tpu.vector_load_idx %arg7[%add3A_344] : memref<25600xi32, #tpu.memory_space<vmem>>[vector<16xi32>], vector<16xi32>,
      %gather3A_346 = tpu.vector_load_idx %arg8[%gather3A_345] : memref<100352xf32, #tpu.memory_space<vmem>>[vector<16xi32>], vector<16xf32>,
      %add3A_347 = arith.addf %add3A_338, %gather3A_346 : vector<16xf32>
      %scan3A_348 = arith.constant 2 : i32
      %scan3A_349 = arith.addi %scan3A_331, %scan3A_348 : i32
      %add3A_350 = arith.constant 8800 : i32
      %add3A_351 = arith.addi %add3A_350, %scan3A_349 : i32
      %add3A_352 = vector.broadcast %add3A_351 : i32 to vector<16xi32>
      %add3A_353 = arith.addi %mul3A_13, %add3A_352 : vector<16xi32>
      %gather3A_354 = tpu.vector_load_idx %arg7[%add3A_353] : memref<25600xi32, #tpu.memory_space<vmem>>[vector<16xi32>], vector<16xi32>,
      %gather3A_355 = tpu.vector_load_idx %arg8[%gather3A_354] : memref<100352xf32, #tpu.memory_space<vmem>>[vector<16xi32>], vector<16xf32>,
      %add3A_356 = arith.addf %add3A_347, %gather3A_355 : vector<16xf32>
      %scan3A_357 = arith.constant 3 : i32
      %scan3A_358 = arith.addi %scan3A_331, %scan3A_357 : i32
      %add3A_359 = arith.constant 8800 : i32
      %add3A_360 = arith.addi %add3A_359, %scan3A_358 : i32
      %add3A_361 = vector.broadcast %add3A_360 : i32 to vector<16xi32>
      %add3A_362 = arith.addi %mul3A_13, %add3A_361 : vector<16xi32>
      %gather3A_363 = tpu.vector_load_idx %arg7[%add3A_362] : memref<25600xi32, #tpu.memory_space<vmem>>[vector<16xi32>], vector<16xi32>,
      %gather3A_364 = tpu.vector_load_idx %arg8[%gather3A_363] : memref<100352xf32, #tpu.memory_space<vmem>>[vector<16xi32>], vector<16xf32>,
      %add3A_365 = arith.addf %add3A_356, %gather3A_364 : vector<16xf32>
      %scan3A_366 = arith.constant 4 : i32
      %scan3A_367 = arith.addi %scan3A_331, %scan3A_366 : i32
      %add3A_368 = arith.constant 8800 : i32
      %add3A_369 = arith.addi %add3A_368, %scan3A_367 : i32
      %add3A_370 = vector.broadcast %add3A_369 : i32 to vector<16xi32>
      %add3A_371 = arith.addi %mul3A_13, %add3A_370 : vector<16xi32>
      %gather3A_372 = tpu.vector_load_idx %arg7[%add3A_371] : memref<25600xi32, #tpu.memory_space<vmem>>[vector<16xi32>], vector<16xi32>,
      %gather3A_373 = tpu.vector_load_idx %arg8[%gather3A_372] : memref<100352xf32, #tpu.memory_space<vmem>>[vector<16xi32>], vector<16xf32>,
      %add3A_374 = arith.addf %add3A_365, %gather3A_373 : vector<16xf32>
      %scan3A_375 = arith.constant 5 : i32
      %scan3A_376 = arith.addi %scan3A_331, %scan3A_375 : i32
      %add3A_377 = arith.constant 8800 : i32
      %add3A_378 = arith.addi %add3A_377, %scan3A_376 : i32
      %add3A_379 = vector.broadcast %add3A_378 : i32 to vector<16xi32>
      %add3A_380 = arith.addi %mul3A_13, %add3A_379 : vector<16xi32>
      %gather3A_381 = tpu.vector_load_idx %arg7[%add3A_380] : memref<25600xi32, #tpu.memory_space<vmem>>[vector<16xi32>], vector<16xi32>,
      %gather3A_382 = tpu.vector_load_idx %arg8[%gather3A_381] : memref<100352xf32, #tpu.memory_space<vmem>>[vector<16xi32>], vector<16xf32>,
      %add3A_383 = arith.addf %add3A_374, %gather3A_382 : vector<16xf32>
      %scan3A_384 = arith.constant 6 : i32
      %scan3A_385 = arith.addi %scan3A_331, %scan3A_384 : i32
      %add3A_386 = arith.constant 8800 : i32
      %add3A_387 = arith.addi %add3A_386, %scan3A_385 : i32
      %add3A_388 = vector.broadcast %add3A_387 : i32 to vector<16xi32>
      %add3A_389 = arith.addi %mul3A_13, %add3A_388 : vector<16xi32>
      %gather3A_390 = tpu.vector_load_idx %arg7[%add3A_389] : memref<25600xi32, #tpu.memory_space<vmem>>[vector<16xi32>], vector<16xi32>,
      %gather3A_391 = tpu.vector_load_idx %arg8[%gather3A_390] : memref<100352xf32, #tpu.memory_space<vmem>>[vector<16xi32>], vector<16xf32>,
      %add3A_392 = arith.addf %add3A_383, %gather3A_391 : vector<16xf32>
      %scan3A_393 = arith.constant 7 : i32
      %scan3A_394 = arith.addi %scan3A_331, %scan3A_393 : i32
      %add3A_395 = arith.constant 8800 : i32
      %add3A_396 = arith.addi %add3A_395, %scan3A_394 : i32
      %add3A_397 = vector.broadcast %add3A_396 : i32 to vector<16xi32>
      %add3A_398 = arith.addi %mul3A_13, %add3A_397 : vector<16xi32>
      %gather3A_399 = tpu.vector_load_idx %arg7[%add3A_398] : memref<25600xi32, #tpu.memory_space<vmem>>[vector<16xi32>], vector<16xi32>,
      %gather3A_400 = tpu.vector_load_idx %arg8[%gather3A_399] : memref<100352xf32, #tpu.memory_space<vmem>>[vector<16xi32>], vector<16xf32>,
      %add3A_401 = arith.addf %add3A_392, %gather3A_400 : vector<16xf32>
      %scan3A_402 = arith.constant 8 : i32
      %scan3A_403 = arith.addi %scan3A_331, %scan3A_402 : i32
      %add3A_404 = arith.constant 8800 : i32
      %add3A_405 = arith.addi %add3A_404, %scan3A_403 : i32
      %add3A_406 = vector.broadcast %add3A_405 : i32 to vector<16xi32>
      %add3A_407 = arith.addi %mul3A_13, %add3A_406 : vector<16xi32>
      %gather3A_408 = tpu.vector_load_idx %arg7[%add3A_407] : memref<25600xi32, #tpu.memory_space<vmem>>[vector<16xi32>], vector<16xi32>,
      %gather3A_409 = tpu.vector_load_idx %arg8[%gather3A_408] : memref<100352xf32, #tpu.memory_space<vmem>>[vector<16xi32>], vector<16xf32>,
      %add3A_410 = arith.addf %add3A_401, %gather3A_409 : vector<16xf32>
      %scan3A_411 = arith.constant 9 : i32
      %scan3A_412 = arith.addi %scan3A_331, %scan3A_411 : i32
      %add3A_413 = arith.constant 8800 : i32
      %add3A_414 = arith.addi %add3A_413, %scan3A_412 : i32
      %add3A_415 = vector.broadcast %add3A_414 : i32 to vector<16xi32>
      %add3A_416 = arith.addi %mul3A_13, %add3A_415 : vector<16xi32>
      %gather3A_417 = tpu.vector_load_idx %arg7[%add3A_416] : memref<25600xi32, #tpu.memory_space<vmem>>[vector<16xi32>], vector<16xi32>,
      %gather3A_418 = tpu.vector_load_idx %arg8[%gather3A_417] : memref<100352xf32, #tpu.memory_space<vmem>>[vector<16xi32>], vector<16xf32>,
      %add3A_419 = arith.addf %add3A_410, %gather3A_418 : vector<16xf32>
      scf.yield %add3A_419 : vector<16xf32>
    }
    %scan3A_128 = arith.constant 50 : i32
    %swap3A_129 = arith.constant 176 : index
    %swap3A_130 = tpu.vector_load %arg11[%swap3A_129] {strides = array<i32>} : memref<512xf32, #tpu.memory_space<vmem>>, vector<16xf32>,
    tpu.vector_store %arg11[%swap3A_129], %scan3A_127 {strides = array<i32>} : memref<512xf32, #tpu.memory_space<vmem>>, vector<16xf32>,
    %get3A_131 = arith.constant 192 : index
    %get3A_132 = tpu.vector_load %arg10[%get3A_131] {strides = array<i32>} : memref<512xf32, #tpu.memory_space<vmem>>, vector<16xf32>,
    %scan3A_133 = arith.constant 0 : i32
    %scan3A_134 = arith.constant 50 : i32
    %scan3A_135 = arith.addi %scan3A_133, %scan3A_134 : i32
    %scan3A_136 = arith.constant 10 : i32
    %scan3A_137 = scf.for %scan3A_331 = %scan3A_133 to %scan3A_135 step %scan3A_136 iter_args(%scan3A_332 = %get3A_132) -> (vector<16xf32>)  : i32 {
      %add3A_333 = arith.constant 9600 : i32
      %add3A_334 = arith.addi %add3A_333, %scan3A_331 : i32
      %add3A_335 = vector.broadcast %add3A_334 : i32 to vector<16xi32>
      %add3A_336 = arith.addi %mul3A_13, %add3A_335 : vector<16xi32>
      %gather3A = tpu.vector_load_idx %arg7[%add3A_336] : memref<25600xi32, #tpu.memory_space<vmem>>[vector<16xi32>], vector<16xi32>,
      %gather3A_337 = tpu.vector_load_idx %arg8[%gather3A] : memref<100352xf32, #tpu.memory_space<vmem>>[vector<16xi32>], vector<16xf32>,
      %add3A_338 = arith.addf %scan3A_332, %gather3A_337 : vector<16xf32>
      %scan3A_339 = arith.constant 1 : i32
      %scan3A_340 = arith.addi %scan3A_331, %scan3A_339 : i32
      %add3A_341 = arith.constant 9600 : i32
      %add3A_342 = arith.addi %add3A_341, %scan3A_340 : i32
      %add3A_343 = vector.broadcast %add3A_342 : i32 to vector<16xi32>
      %add3A_344 = arith.addi %mul3A_13, %add3A_343 : vector<16xi32>
      %gather3A_345 = tpu.vector_load_idx %arg7[%add3A_344] : memref<25600xi32, #tpu.memory_space<vmem>>[vector<16xi32>], vector<16xi32>,
      %gather3A_346 = tpu.vector_load_idx %arg8[%gather3A_345] : memref<100352xf32, #tpu.memory_space<vmem>>[vector<16xi32>], vector<16xf32>,
      %add3A_347 = arith.addf %add3A_338, %gather3A_346 : vector<16xf32>
      %scan3A_348 = arith.constant 2 : i32
      %scan3A_349 = arith.addi %scan3A_331, %scan3A_348 : i32
      %add3A_350 = arith.constant 9600 : i32
      %add3A_351 = arith.addi %add3A_350, %scan3A_349 : i32
      %add3A_352 = vector.broadcast %add3A_351 : i32 to vector<16xi32>
      %add3A_353 = arith.addi %mul3A_13, %add3A_352 : vector<16xi32>
      %gather3A_354 = tpu.vector_load_idx %arg7[%add3A_353] : memref<25600xi32, #tpu.memory_space<vmem>>[vector<16xi32>], vector<16xi32>,
      %gather3A_355 = tpu.vector_load_idx %arg8[%gather3A_354] : memref<100352xf32, #tpu.memory_space<vmem>>[vector<16xi32>], vector<16xf32>,
      %add3A_356 = arith.addf %add3A_347, %gather3A_355 : vector<16xf32>
      %scan3A_357 = arith.constant 3 : i32
      %scan3A_358 = arith.addi %scan3A_331, %scan3A_357 : i32
      %add3A_359 = arith.constant 9600 : i32
      %add3A_360 = arith.addi %add3A_359, %scan3A_358 : i32
      %add3A_361 = vector.broadcast %add3A_360 : i32 to vector<16xi32>
      %add3A_362 = arith.addi %mul3A_13, %add3A_361 : vector<16xi32>
      %gather3A_363 = tpu.vector_load_idx %arg7[%add3A_362] : memref<25600xi32, #tpu.memory_space<vmem>>[vector<16xi32>], vector<16xi32>,
      %gather3A_364 = tpu.vector_load_idx %arg8[%gather3A_363] : memref<100352xf32, #tpu.memory_space<vmem>>[vector<16xi32>], vector<16xf32>,
      %add3A_365 = arith.addf %add3A_356, %gather3A_364 : vector<16xf32>
      %scan3A_366 = arith.constant 4 : i32
      %scan3A_367 = arith.addi %scan3A_331, %scan3A_366 : i32
      %add3A_368 = arith.constant 9600 : i32
      %add3A_369 = arith.addi %add3A_368, %scan3A_367 : i32
      %add3A_370 = vector.broadcast %add3A_369 : i32 to vector<16xi32>
      %add3A_371 = arith.addi %mul3A_13, %add3A_370 : vector<16xi32>
      %gather3A_372 = tpu.vector_load_idx %arg7[%add3A_371] : memref<25600xi32, #tpu.memory_space<vmem>>[vector<16xi32>], vector<16xi32>,
      %gather3A_373 = tpu.vector_load_idx %arg8[%gather3A_372] : memref<100352xf32, #tpu.memory_space<vmem>>[vector<16xi32>], vector<16xf32>,
      %add3A_374 = arith.addf %add3A_365, %gather3A_373 : vector<16xf32>
      %scan3A_375 = arith.constant 5 : i32
      %scan3A_376 = arith.addi %scan3A_331, %scan3A_375 : i32
      %add3A_377 = arith.constant 9600 : i32
      %add3A_378 = arith.addi %add3A_377, %scan3A_376 : i32
      %add3A_379 = vector.broadcast %add3A_378 : i32 to vector<16xi32>
      %add3A_380 = arith.addi %mul3A_13, %add3A_379 : vector<16xi32>
      %gather3A_381 = tpu.vector_load_idx %arg7[%add3A_380] : memref<25600xi32, #tpu.memory_space<vmem>>[vector<16xi32>], vector<16xi32>,
      %gather3A_382 = tpu.vector_load_idx %arg8[%gather3A_381] : memref<100352xf32, #tpu.memory_space<vmem>>[vector<16xi32>], vector<16xf32>,
      %add3A_383 = arith.addf %add3A_374, %gather3A_382 : vector<16xf32>
      %scan3A_384 = arith.constant 6 : i32
      %scan3A_385 = arith.addi %scan3A_331, %scan3A_384 : i32
      %add3A_386 = arith.constant 9600 : i32
      %add3A_387 = arith.addi %add3A_386, %scan3A_385 : i32
      %add3A_388 = vector.broadcast %add3A_387 : i32 to vector<16xi32>
      %add3A_389 = arith.addi %mul3A_13, %add3A_388 : vector<16xi32>
      %gather3A_390 = tpu.vector_load_idx %arg7[%add3A_389] : memref<25600xi32, #tpu.memory_space<vmem>>[vector<16xi32>], vector<16xi32>,
      %gather3A_391 = tpu.vector_load_idx %arg8[%gather3A_390] : memref<100352xf32, #tpu.memory_space<vmem>>[vector<16xi32>], vector<16xf32>,
      %add3A_392 = arith.addf %add3A_383, %gather3A_391 : vector<16xf32>
      %scan3A_393 = arith.constant 7 : i32
      %scan3A_394 = arith.addi %scan3A_331, %scan3A_393 : i32
      %add3A_395 = arith.constant 9600 : i32
      %add3A_396 = arith.addi %add3A_395, %scan3A_394 : i32
      %add3A_397 = vector.broadcast %add3A_396 : i32 to vector<16xi32>
      %add3A_398 = arith.addi %mul3A_13, %add3A_397 : vector<16xi32>
      %gather3A_399 = tpu.vector_load_idx %arg7[%add3A_398] : memref<25600xi32, #tpu.memory_space<vmem>>[vector<16xi32>], vector<16xi32>,
      %gather3A_400 = tpu.vector_load_idx %arg8[%gather3A_399] : memref<100352xf32, #tpu.memory_space<vmem>>[vector<16xi32>], vector<16xf32>,
      %add3A_401 = arith.addf %add3A_392, %gather3A_400 : vector<16xf32>
      %scan3A_402 = arith.constant 8 : i32
      %scan3A_403 = arith.addi %scan3A_331, %scan3A_402 : i32
      %add3A_404 = arith.constant 9600 : i32
      %add3A_405 = arith.addi %add3A_404, %scan3A_403 : i32
      %add3A_406 = vector.broadcast %add3A_405 : i32 to vector<16xi32>
      %add3A_407 = arith.addi %mul3A_13, %add3A_406 : vector<16xi32>
      %gather3A_408 = tpu.vector_load_idx %arg7[%add3A_407] : memref<25600xi32, #tpu.memory_space<vmem>>[vector<16xi32>], vector<16xi32>,
      %gather3A_409 = tpu.vector_load_idx %arg8[%gather3A_408] : memref<100352xf32, #tpu.memory_space<vmem>>[vector<16xi32>], vector<16xf32>,
      %add3A_410 = arith.addf %add3A_401, %gather3A_409 : vector<16xf32>
      %scan3A_411 = arith.constant 9 : i32
      %scan3A_412 = arith.addi %scan3A_331, %scan3A_411 : i32
      %add3A_413 = arith.constant 9600 : i32
      %add3A_414 = arith.addi %add3A_413, %scan3A_412 : i32
      %add3A_415 = vector.broadcast %add3A_414 : i32 to vector<16xi32>
      %add3A_416 = arith.addi %mul3A_13, %add3A_415 : vector<16xi32>
      %gather3A_417 = tpu.vector_load_idx %arg7[%add3A_416] : memref<25600xi32, #tpu.memory_space<vmem>>[vector<16xi32>], vector<16xi32>,
      %gather3A_418 = tpu.vector_load_idx %arg8[%gather3A_417] : memref<100352xf32, #tpu.memory_space<vmem>>[vector<16xi32>], vector<16xf32>,
      %add3A_419 = arith.addf %add3A_410, %gather3A_418 : vector<16xf32>
      scf.yield %add3A_419 : vector<16xf32>
    }
    %scan3A_138 = arith.constant 50 : i32
    %swap3A_139 = arith.constant 192 : index
    %swap3A_140 = tpu.vector_load %arg11[%swap3A_139] {strides = array<i32>} : memref<512xf32, #tpu.memory_space<vmem>>, vector<16xf32>,
    tpu.vector_store %arg11[%swap3A_139], %scan3A_137 {strides = array<i32>} : memref<512xf32, #tpu.memory_space<vmem>>, vector<16xf32>,
    %get3A_141 = arith.constant 208 : index
    %get3A_142 = tpu.vector_load %arg10[%get3A_141] {strides = array<i32>} : memref<512xf32, #tpu.memory_space<vmem>>, vector<16xf32>,
    %scan3A_143 = arith.constant 0 : i32
    %scan3A_144 = arith.constant 50 : i32
    %scan3A_145 = arith.addi %scan3A_143, %scan3A_144 : i32
    %scan3A_146 = arith.constant 10 : i32
    %scan3A_147 = scf.for %scan3A_331 = %scan3A_143 to %scan3A_145 step %scan3A_146 iter_args(%scan3A_332 = %get3A_142) -> (vector<16xf32>)  : i32 {
      %add3A_333 = arith.constant 10400 : i32
      %add3A_334 = arith.addi %add3A_333, %scan3A_331 : i32
      %add3A_335 = vector.broadcast %add3A_334 : i32 to vector<16xi32>
      %add3A_336 = arith.addi %mul3A_13, %add3A_335 : vector<16xi32>
      %gather3A = tpu.vector_load_idx %arg7[%add3A_336] : memref<25600xi32, #tpu.memory_space<vmem>>[vector<16xi32>], vector<16xi32>,
      %gather3A_337 = tpu.vector_load_idx %arg8[%gather3A] : memref<100352xf32, #tpu.memory_space<vmem>>[vector<16xi32>], vector<16xf32>,
      %add3A_338 = arith.addf %scan3A_332, %gather3A_337 : vector<16xf32>
      %scan3A_339 = arith.constant 1 : i32
      %scan3A_340 = arith.addi %scan3A_331, %scan3A_339 : i32
      %add3A_341 = arith.constant 10400 : i32
      %add3A_342 = arith.addi %add3A_341, %scan3A_340 : i32
      %add3A_343 = vector.broadcast %add3A_342 : i32 to vector<16xi32>
      %add3A_344 = arith.addi %mul3A_13, %add3A_343 : vector<16xi32>
      %gather3A_345 = tpu.vector_load_idx %arg7[%add3A_344] : memref<25600xi32, #tpu.memory_space<vmem>>[vector<16xi32>], vector<16xi32>,
      %gather3A_346 = tpu.vector_load_idx %arg8[%gather3A_345] : memref<100352xf32, #tpu.memory_space<vmem>>[vector<16xi32>], vector<16xf32>,
      %add3A_347 = arith.addf %add3A_338, %gather3A_346 : vector<16xf32>
      %scan3A_348 = arith.constant 2 : i32
      %scan3A_349 = arith.addi %scan3A_331, %scan3A_348 : i32
      %add3A_350 = arith.constant 10400 : i32
      %add3A_351 = arith.addi %add3A_350, %scan3A_349 : i32
      %add3A_352 = vector.broadcast %add3A_351 : i32 to vector<16xi32>
      %add3A_353 = arith.addi %mul3A_13, %add3A_352 : vector<16xi32>
      %gather3A_354 = tpu.vector_load_idx %arg7[%add3A_353] : memref<25600xi32, #tpu.memory_space<vmem>>[vector<16xi32>], vector<16xi32>,
      %gather3A_355 = tpu.vector_load_idx %arg8[%gather3A_354] : memref<100352xf32, #tpu.memory_space<vmem>>[vector<16xi32>], vector<16xf32>,
      %add3A_356 = arith.addf %add3A_347, %gather3A_355 : vector<16xf32>
      %scan3A_357 = arith.constant 3 : i32
      %scan3A_358 = arith.addi %scan3A_331, %scan3A_357 : i32
      %add3A_359 = arith.constant 10400 : i32
      %add3A_360 = arith.addi %add3A_359, %scan3A_358 : i32
      %add3A_361 = vector.broadcast %add3A_360 : i32 to vector<16xi32>
      %add3A_362 = arith.addi %mul3A_13, %add3A_361 : vector<16xi32>
      %gather3A_363 = tpu.vector_load_idx %arg7[%add3A_362] : memref<25600xi32, #tpu.memory_space<vmem>>[vector<16xi32>], vector<16xi32>,
      %gather3A_364 = tpu.vector_load_idx %arg8[%gather3A_363] : memref<100352xf32, #tpu.memory_space<vmem>>[vector<16xi32>], vector<16xf32>,
      %add3A_365 = arith.addf %add3A_356, %gather3A_364 : vector<16xf32>
      %scan3A_366 = arith.constant 4 : i32
      %scan3A_367 = arith.addi %scan3A_331, %scan3A_366 : i32
      %add3A_368 = arith.constant 10400 : i32
      %add3A_369 = arith.addi %add3A_368, %scan3A_367 : i32
      %add3A_370 = vector.broadcast %add3A_369 : i32 to vector<16xi32>
      %add3A_371 = arith.addi %mul3A_13, %add3A_370 : vector<16xi32>
      %gather3A_372 = tpu.vector_load_idx %arg7[%add3A_371] : memref<25600xi32, #tpu.memory_space<vmem>>[vector<16xi32>], vector<16xi32>,
      %gather3A_373 = tpu.vector_load_idx %arg8[%gather3A_372] : memref<100352xf32, #tpu.memory_space<vmem>>[vector<16xi32>], vector<16xf32>,
      %add3A_374 = arith.addf %add3A_365, %gather3A_373 : vector<16xf32>
      %scan3A_375 = arith.constant 5 : i32
      %scan3A_376 = arith.addi %scan3A_331, %scan3A_375 : i32
      %add3A_377 = arith.constant 10400 : i32
      %add3A_378 = arith.addi %add3A_377, %scan3A_376 : i32
      %add3A_379 = vector.broadcast %add3A_378 : i32 to vector<16xi32>
      %add3A_380 = arith.addi %mul3A_13, %add3A_379 : vector<16xi32>
      %gather3A_381 = tpu.vector_load_idx %arg7[%add3A_380] : memref<25600xi32, #tpu.memory_space<vmem>>[vector<16xi32>], vector<16xi32>,
      %gather3A_382 = tpu.vector_load_idx %arg8[%gather3A_381] : memref<100352xf32, #tpu.memory_space<vmem>>[vector<16xi32>], vector<16xf32>,
      %add3A_383 = arith.addf %add3A_374, %gather3A_382 : vector<16xf32>
      %scan3A_384 = arith.constant 6 : i32
      %scan3A_385 = arith.addi %scan3A_331, %scan3A_384 : i32
      %add3A_386 = arith.constant 10400 : i32
      %add3A_387 = arith.addi %add3A_386, %scan3A_385 : i32
      %add3A_388 = vector.broadcast %add3A_387 : i32 to vector<16xi32>
      %add3A_389 = arith.addi %mul3A_13, %add3A_388 : vector<16xi32>
      %gather3A_390 = tpu.vector_load_idx %arg7[%add3A_389] : memref<25600xi32, #tpu.memory_space<vmem>>[vector<16xi32>], vector<16xi32>,
      %gather3A_391 = tpu.vector_load_idx %arg8[%gather3A_390] : memref<100352xf32, #tpu.memory_space<vmem>>[vector<16xi32>], vector<16xf32>,
      %add3A_392 = arith.addf %add3A_383, %gather3A_391 : vector<16xf32>
      %scan3A_393 = arith.constant 7 : i32
      %scan3A_394 = arith.addi %scan3A_331, %scan3A_393 : i32
      %add3A_395 = arith.constant 10400 : i32
      %add3A_396 = arith.addi %add3A_395, %scan3A_394 : i32
      %add3A_397 = vector.broadcast %add3A_396 : i32 to vector<16xi32>
      %add3A_398 = arith.addi %mul3A_13, %add3A_397 : vector<16xi32>
      %gather3A_399 = tpu.vector_load_idx %arg7[%add3A_398] : memref<25600xi32, #tpu.memory_space<vmem>>[vector<16xi32>], vector<16xi32>,
      %gather3A_400 = tpu.vector_load_idx %arg8[%gather3A_399] : memref<100352xf32, #tpu.memory_space<vmem>>[vector<16xi32>], vector<16xf32>,
      %add3A_401 = arith.addf %add3A_392, %gather3A_400 : vector<16xf32>
      %scan3A_402 = arith.constant 8 : i32
      %scan3A_403 = arith.addi %scan3A_331, %scan3A_402 : i32
      %add3A_404 = arith.constant 10400 : i32
      %add3A_405 = arith.addi %add3A_404, %scan3A_403 : i32
      %add3A_406 = vector.broadcast %add3A_405 : i32 to vector<16xi32>
      %add3A_407 = arith.addi %mul3A_13, %add3A_406 : vector<16xi32>
      %gather3A_408 = tpu.vector_load_idx %arg7[%add3A_407] : memref<25600xi32, #tpu.memory_space<vmem>>[vector<16xi32>], vector<16xi32>,
      %gather3A_409 = tpu.vector_load_idx %arg8[%gather3A_408] : memref<100352xf32, #tpu.memory_space<vmem>>[vector<16xi32>], vector<16xf32>,
      %add3A_410 = arith.addf %add3A_401, %gather3A_409 : vector<16xf32>
      %scan3A_411 = arith.constant 9 : i32
      %scan3A_412 = arith.addi %scan3A_331, %scan3A_411 : i32
      %add3A_413 = arith.constant 10400 : i32
      %add3A_414 = arith.addi %add3A_413, %scan3A_412 : i32
      %add3A_415 = vector.broadcast %add3A_414 : i32 to vector<16xi32>
      %add3A_416 = arith.addi %mul3A_13, %add3A_415 : vector<16xi32>
      %gather3A_417 = tpu.vector_load_idx %arg7[%add3A_416] : memref<25600xi32, #tpu.memory_space<vmem>>[vector<16xi32>], vector<16xi32>,
      %gather3A_418 = tpu.vector_load_idx %arg8[%gather3A_417] : memref<100352xf32, #tpu.memory_space<vmem>>[vector<16xi32>], vector<16xf32>,
      %add3A_419 = arith.addf %add3A_410, %gather3A_418 : vector<16xf32>
      scf.yield %add3A_419 : vector<16xf32>
    }
    %scan3A_148 = arith.constant 50 : i32
    %swap3A_149 = arith.constant 208 : index
    %swap3A_150 = tpu.vector_load %arg11[%swap3A_149] {strides = array<i32>} : memref<512xf32, #tpu.memory_space<vmem>>, vector<16xf32>,
    tpu.vector_store %arg11[%swap3A_149], %scan3A_147 {strides = array<i32>} : memref<512xf32, #tpu.memory_space<vmem>>, vector<16xf32>,
    %get3A_151 = arith.constant 224 : index
    %get3A_152 = tpu.vector_load %arg10[%get3A_151] {strides = array<i32>} : memref<512xf32, #tpu.memory_space<vmem>>, vector<16xf32>,
    %scan3A_153 = arith.constant 0 : i32
    %scan3A_154 = arith.constant 50 : i32
    %scan3A_155 = arith.addi %scan3A_153, %scan3A_154 : i32
    %scan3A_156 = arith.constant 10 : i32
    %scan3A_157 = scf.for %scan3A_331 = %scan3A_153 to %scan3A_155 step %scan3A_156 iter_args(%scan3A_332 = %get3A_152) -> (vector<16xf32>)  : i32 {
      %add3A_333 = arith.constant 11200 : i32
      %add3A_334 = arith.addi %add3A_333, %scan3A_331 : i32
      %add3A_335 = vector.broadcast %add3A_334 : i32 to vector<16xi32>
      %add3A_336 = arith.addi %mul3A_13, %add3A_335 : vector<16xi32>
      %gather3A = tpu.vector_load_idx %arg7[%add3A_336] : memref<25600xi32, #tpu.memory_space<vmem>>[vector<16xi32>], vector<16xi32>,
      %gather3A_337 = tpu.vector_load_idx %arg8[%gather3A] : memref<100352xf32, #tpu.memory_space<vmem>>[vector<16xi32>], vector<16xf32>,
      %add3A_338 = arith.addf %scan3A_332, %gather3A_337 : vector<16xf32>
      %scan3A_339 = arith.constant 1 : i32
      %scan3A_340 = arith.addi %scan3A_331, %scan3A_339 : i32
      %add3A_341 = arith.constant 11200 : i32
      %add3A_342 = arith.addi %add3A_341, %scan3A_340 : i32
      %add3A_343 = vector.broadcast %add3A_342 : i32 to vector<16xi32>
      %add3A_344 = arith.addi %mul3A_13, %add3A_343 : vector<16xi32>
      %gather3A_345 = tpu.vector_load_idx %arg7[%add3A_344] : memref<25600xi32, #tpu.memory_space<vmem>>[vector<16xi32>], vector<16xi32>,
      %gather3A_346 = tpu.vector_load_idx %arg8[%gather3A_345] : memref<100352xf32, #tpu.memory_space<vmem>>[vector<16xi32>], vector<16xf32>,
      %add3A_347 = arith.addf %add3A_338, %gather3A_346 : vector<16xf32>
      %scan3A_348 = arith.constant 2 : i32
      %scan3A_349 = arith.addi %scan3A_331, %scan3A_348 : i32
      %add3A_350 = arith.constant 11200 : i32
      %add3A_351 = arith.addi %add3A_350, %scan3A_349 : i32
      %add3A_352 = vector.broadcast %add3A_351 : i32 to vector<16xi32>
      %add3A_353 = arith.addi %mul3A_13, %add3A_352 : vector<16xi32>
      %gather3A_354 = tpu.vector_load_idx %arg7[%add3A_353] : memref<25600xi32, #tpu.memory_space<vmem>>[vector<16xi32>], vector<16xi32>,
      %gather3A_355 = tpu.vector_load_idx %arg8[%gather3A_354] : memref<100352xf32, #tpu.memory_space<vmem>>[vector<16xi32>], vector<16xf32>,
      %add3A_356 = arith.addf %add3A_347, %gather3A_355 : vector<16xf32>
      %scan3A_357 = arith.constant 3 : i32
      %scan3A_358 = arith.addi %scan3A_331, %scan3A_357 : i32
      %add3A_359 = arith.constant 11200 : i32
      %add3A_360 = arith.addi %add3A_359, %scan3A_358 : i32
      %add3A_361 = vector.broadcast %add3A_360 : i32 to vector<16xi32>
      %add3A_362 = arith.addi %mul3A_13, %add3A_361 : vector<16xi32>
      %gather3A_363 = tpu.vector_load_idx %arg7[%add3A_362] : memref<25600xi32, #tpu.memory_space<vmem>>[vector<16xi32>], vector<16xi32>,
      %gather3A_364 = tpu.vector_load_idx %arg8[%gather3A_363] : memref<100352xf32, #tpu.memory_space<vmem>>[vector<16xi32>], vector<16xf32>,
      %add3A_365 = arith.addf %add3A_356, %gather3A_364 : vector<16xf32>
      %scan3A_366 = arith.constant 4 : i32
      %scan3A_367 = arith.addi %scan3A_331, %scan3A_366 : i32
      %add3A_368 = arith.constant 11200 : i32
      %add3A_369 = arith.addi %add3A_368, %scan3A_367 : i32
      %add3A_370 = vector.broadcast %add3A_369 : i32 to vector<16xi32>
      %add3A_371 = arith.addi %mul3A_13, %add3A_370 : vector<16xi32>
      %gather3A_372 = tpu.vector_load_idx %arg7[%add3A_371] : memref<25600xi32, #tpu.memory_space<vmem>>[vector<16xi32>], vector<16xi32>,
      %gather3A_373 = tpu.vector_load_idx %arg8[%gather3A_372] : memref<100352xf32, #tpu.memory_space<vmem>>[vector<16xi32>], vector<16xf32>,
      %add3A_374 = arith.addf %add3A_365, %gather3A_373 : vector<16xf32>
      %scan3A_375 = arith.constant 5 : i32
      %scan3A_376 = arith.addi %scan3A_331, %scan3A_375 : i32
      %add3A_377 = arith.constant 11200 : i32
      %add3A_378 = arith.addi %add3A_377, %scan3A_376 : i32
      %add3A_379 = vector.broadcast %add3A_378 : i32 to vector<16xi32>
      %add3A_380 = arith.addi %mul3A_13, %add3A_379 : vector<16xi32>
      %gather3A_381 = tpu.vector_load_idx %arg7[%add3A_380] : memref<25600xi32, #tpu.memory_space<vmem>>[vector<16xi32>], vector<16xi32>,
      %gather3A_382 = tpu.vector_load_idx %arg8[%gather3A_381] : memref<100352xf32, #tpu.memory_space<vmem>>[vector<16xi32>], vector<16xf32>,
      %add3A_383 = arith.addf %add3A_374, %gather3A_382 : vector<16xf32>
      %scan3A_384 = arith.constant 6 : i32
      %scan3A_385 = arith.addi %scan3A_331, %scan3A_384 : i32
      %add3A_386 = arith.constant 11200 : i32
      %add3A_387 = arith.addi %add3A_386, %scan3A_385 : i32
      %add3A_388 = vector.broadcast %add3A_387 : i32 to vector<16xi32>
      %add3A_389 = arith.addi %mul3A_13, %add3A_388 : vector<16xi32>
      %gather3A_390 = tpu.vector_load_idx %arg7[%add3A_389] : memref<25600xi32, #tpu.memory_space<vmem>>[vector<16xi32>], vector<16xi32>,
      %gather3A_391 = tpu.vector_load_idx %arg8[%gather3A_390] : memref<100352xf32, #tpu.memory_space<vmem>>[vector<16xi32>], vector<16xf32>,
      %add3A_392 = arith.addf %add3A_383, %gather3A_391 : vector<16xf32>
      %scan3A_393 = arith.constant 7 : i32
      %scan3A_394 = arith.addi %scan3A_331, %scan3A_393 : i32
      %add3A_395 = arith.constant 11200 : i32
      %add3A_396 = arith.addi %add3A_395, %scan3A_394 : i32
      %add3A_397 = vector.broadcast %add3A_396 : i32 to vector<16xi32>
      %add3A_398 = arith.addi %mul3A_13, %add3A_397 : vector<16xi32>
      %gather3A_399 = tpu.vector_load_idx %arg7[%add3A_398] : memref<25600xi32, #tpu.memory_space<vmem>>[vector<16xi32>], vector<16xi32>,
      %gather3A_400 = tpu.vector_load_idx %arg8[%gather3A_399] : memref<100352xf32, #tpu.memory_space<vmem>>[vector<16xi32>], vector<16xf32>,
      %add3A_401 = arith.addf %add3A_392, %gather3A_400 : vector<16xf32>
      %scan3A_402 = arith.constant 8 : i32
      %scan3A_403 = arith.addi %scan3A_331, %scan3A_402 : i32
      %add3A_404 = arith.constant 11200 : i32
      %add3A_405 = arith.addi %add3A_404, %scan3A_403 : i32
      %add3A_406 = vector.broadcast %add3A_405 : i32 to vector<16xi32>
      %add3A_407 = arith.addi %mul3A_13, %add3A_406 : vector<16xi32>
      %gather3A_408 = tpu.vector_load_idx %arg7[%add3A_407] : memref<25600xi32, #tpu.memory_space<vmem>>[vector<16xi32>], vector<16xi32>,
      %gather3A_409 = tpu.vector_load_idx %arg8[%gather3A_408] : memref<100352xf32, #tpu.memory_space<vmem>>[vector<16xi32>], vector<16xf32>,
      %add3A_410 = arith.addf %add3A_401, %gather3A_409 : vector<16xf32>
      %scan3A_411 = arith.constant 9 : i32
      %scan3A_412 = arith.addi %scan3A_331, %scan3A_411 : i32
      %add3A_413 = arith.constant 11200 : i32
      %add3A_414 = arith.addi %add3A_413, %scan3A_412 : i32
      %add3A_415 = vector.broadcast %add3A_414 : i32 to vector<16xi32>
      %add3A_416 = arith.addi %mul3A_13, %add3A_415 : vector<16xi32>
      %gather3A_417 = tpu.vector_load_idx %arg7[%add3A_416] : memref<25600xi32, #tpu.memory_space<vmem>>[vector<16xi32>], vector<16xi32>,
      %gather3A_418 = tpu.vector_load_idx %arg8[%gather3A_417] : memref<100352xf32, #tpu.memory_space<vmem>>[vector<16xi32>], vector<16xf32>,
      %add3A_419 = arith.addf %add3A_410, %gather3A_418 : vector<16xf32>
      scf.yield %add3A_419 : vector<16xf32>
    }
    %scan3A_158 = arith.constant 50 : i32
    %swap3A_159 = arith.constant 224 : index
    %swap3A_160 = tpu.vector_load %arg11[%swap3A_159] {strides = array<i32>} : memref<512xf32, #tpu.memory_space<vmem>>, vector<16xf32>,
    tpu.vector_store %arg11[%swap3A_159], %scan3A_157 {strides = array<i32>} : memref<512xf32, #tpu.memory_space<vmem>>, vector<16xf32>,
    %get3A_161 = arith.constant 240 : index
    %get3A_162 = tpu.vector_load %arg10[%get3A_161] {strides = array<i32>} : memref<512xf32, #tpu.memory_space<vmem>>, vector<16xf32>,
    %scan3A_163 = arith.constant 0 : i32
    %scan3A_164 = arith.constant 50 : i32
    %scan3A_165 = arith.addi %scan3A_163, %scan3A_164 : i32
    %scan3A_166 = arith.constant 10 : i32
    %scan3A_167 = scf.for %scan3A_331 = %scan3A_163 to %scan3A_165 step %scan3A_166 iter_args(%scan3A_332 = %get3A_162) -> (vector<16xf32>)  : i32 {
      %add3A_333 = arith.constant 12000 : i32
      %add3A_334 = arith.addi %add3A_333, %scan3A_331 : i32
      %add3A_335 = vector.broadcast %add3A_334 : i32 to vector<16xi32>
      %add3A_336 = arith.addi %mul3A_13, %add3A_335 : vector<16xi32>
      %gather3A = tpu.vector_load_idx %arg7[%add3A_336] : memref<25600xi32, #tpu.memory_space<vmem>>[vector<16xi32>], vector<16xi32>,
      %gather3A_337 = tpu.vector_load_idx %arg8[%gather3A] : memref<100352xf32, #tpu.memory_space<vmem>>[vector<16xi32>], vector<16xf32>,
      %add3A_338 = arith.addf %scan3A_332, %gather3A_337 : vector<16xf32>
      %scan3A_339 = arith.constant 1 : i32
      %scan3A_340 = arith.addi %scan3A_331, %scan3A_339 : i32
      %add3A_341 = arith.constant 12000 : i32
      %add3A_342 = arith.addi %add3A_341, %scan3A_340 : i32
      %add3A_343 = vector.broadcast %add3A_342 : i32 to vector<16xi32>
      %add3A_344 = arith.addi %mul3A_13, %add3A_343 : vector<16xi32>
      %gather3A_345 = tpu.vector_load_idx %arg7[%add3A_344] : memref<25600xi32, #tpu.memory_space<vmem>>[vector<16xi32>], vector<16xi32>,
      %gather3A_346 = tpu.vector_load_idx %arg8[%gather3A_345] : memref<100352xf32, #tpu.memory_space<vmem>>[vector<16xi32>], vector<16xf32>,
      %add3A_347 = arith.addf %add3A_338, %gather3A_346 : vector<16xf32>
      %scan3A_348 = arith.constant 2 : i32
      %scan3A_349 = arith.addi %scan3A_331, %scan3A_348 : i32
      %add3A_350 = arith.constant 12000 : i32
      %add3A_351 = arith.addi %add3A_350, %scan3A_349 : i32
      %add3A_352 = vector.broadcast %add3A_351 : i32 to vector<16xi32>
      %add3A_353 = arith.addi %mul3A_13, %add3A_352 : vector<16xi32>
      %gather3A_354 = tpu.vector_load_idx %arg7[%add3A_353] : memref<25600xi32, #tpu.memory_space<vmem>>[vector<16xi32>], vector<16xi32>,
      %gather3A_355 = tpu.vector_load_idx %arg8[%gather3A_354] : memref<100352xf32, #tpu.memory_space<vmem>>[vector<16xi32>], vector<16xf32>,
      %add3A_356 = arith.addf %add3A_347, %gather3A_355 : vector<16xf32>
      %scan3A_357 = arith.constant 3 : i32
      %scan3A_358 = arith.addi %scan3A_331, %scan3A_357 : i32
      %add3A_359 = arith.constant 12000 : i32
      %add3A_360 = arith.addi %add3A_359, %scan3A_358 : i32
      %add3A_361 = vector.broadcast %add3A_360 : i32 to vector<16xi32>
      %add3A_362 = arith.addi %mul3A_13, %add3A_361 : vector<16xi32>
      %gather3A_363 = tpu.vector_load_idx %arg7[%add3A_362] : memref<25600xi32, #tpu.memory_space<vmem>>[vector<16xi32>], vector<16xi32>,
      %gather3A_364 = tpu.vector_load_idx %arg8[%gather3A_363] : memref<100352xf32, #tpu.memory_space<vmem>>[vector<16xi32>], vector<16xf32>,
      %add3A_365 = arith.addf %add3A_356, %gather3A_364 : vector<16xf32>
      %scan3A_366 = arith.constant 4 : i32
      %scan3A_367 = arith.addi %scan3A_331, %scan3A_366 : i32
      %add3A_368 = arith.constant 12000 : i32
      %add3A_369 = arith.addi %add3A_368, %scan3A_367 : i32
      %add3A_370 = vector.broadcast %add3A_369 : i32 to vector<16xi32>
      %add3A_371 = arith.addi %mul3A_13, %add3A_370 : vector<16xi32>
      %gather3A_372 = tpu.vector_load_idx %arg7[%add3A_371] : memref<25600xi32, #tpu.memory_space<vmem>>[vector<16xi32>], vector<16xi32>,
      %gather3A_373 = tpu.vector_load_idx %arg8[%gather3A_372] : memref<100352xf32, #tpu.memory_space<vmem>>[vector<16xi32>], vector<16xf32>,
      %add3A_374 = arith.addf %add3A_365, %gather3A_373 : vector<16xf32>
      %scan3A_375 = arith.constant 5 : i32
      %scan3A_376 = arith.addi %scan3A_331, %scan3A_375 : i32
      %add3A_377 = arith.constant 12000 : i32
      %add3A_378 = arith.addi %add3A_377, %scan3A_376 : i32
      %add3A_379 = vector.broadcast %add3A_378 : i32 to vector<16xi32>
      %add3A_380 = arith.addi %mul3A_13, %add3A_379 : vector<16xi32>
      %gather3A_381 = tpu.vector_load_idx %arg7[%add3A_380] : memref<25600xi32, #tpu.memory_space<vmem>>[vector<16xi32>], vector<16xi32>,
      %gather3A_382 = tpu.vector_load_idx %arg8[%gather3A_381] : memref<100352xf32, #tpu.memory_space<vmem>>[vector<16xi32>], vector<16xf32>,
      %add3A_383 = arith.addf %add3A_374, %gather3A_382 : vector<16xf32>
      %scan3A_384 = arith.constant 6 : i32
      %scan3A_385 = arith.addi %scan3A_331, %scan3A_384 : i32
      %add3A_386 = arith.constant 12000 : i32
      %add3A_387 = arith.addi %add3A_386, %scan3A_385 : i32
      %add3A_388 = vector.broadcast %add3A_387 : i32 to vector<16xi32>
      %add3A_389 = arith.addi %mul3A_13, %add3A_388 : vector<16xi32>
      %gather3A_390 = tpu.vector_load_idx %arg7[%add3A_389] : memref<25600xi32, #tpu.memory_space<vmem>>[vector<16xi32>], vector<16xi32>,
      %gather3A_391 = tpu.vector_load_idx %arg8[%gather3A_390] : memref<100352xf32, #tpu.memory_space<vmem>>[vector<16xi32>], vector<16xf32>,
      %add3A_392 = arith.addf %add3A_383, %gather3A_391 : vector<16xf32>
      %scan3A_393 = arith.constant 7 : i32
      %scan3A_394 = arith.addi %scan3A_331, %scan3A_393 : i32
      %add3A_395 = arith.constant 12000 : i32
      %add3A_396 = arith.addi %add3A_395, %scan3A_394 : i32
      %add3A_397 = vector.broadcast %add3A_396 : i32 to vector<16xi32>
      %add3A_398 = arith.addi %mul3A_13, %add3A_397 : vector<16xi32>
      %gather3A_399 = tpu.vector_load_idx %arg7[%add3A_398] : memref<25600xi32, #tpu.memory_space<vmem>>[vector<16xi32>], vector<16xi32>,
      %gather3A_400 = tpu.vector_load_idx %arg8[%gather3A_399] : memref<100352xf32, #tpu.memory_space<vmem>>[vector<16xi32>], vector<16xf32>,
      %add3A_401 = arith.addf %add3A_392, %gather3A_400 : vector<16xf32>
      %scan3A_402 = arith.constant 8 : i32
      %scan3A_403 = arith.addi %scan3A_331, %scan3A_402 : i32
      %add3A_404 = arith.constant 12000 : i32
      %add3A_405 = arith.addi %add3A_404, %scan3A_403 : i32
      %add3A_406 = vector.broadcast %add3A_405 : i32 to vector<16xi32>
      %add3A_407 = arith.addi %mul3A_13, %add3A_406 : vector<16xi32>
      %gather3A_408 = tpu.vector_load_idx %arg7[%add3A_407] : memref<25600xi32, #tpu.memory_space<vmem>>[vector<16xi32>], vector<16xi32>,
      %gather3A_409 = tpu.vector_load_idx %arg8[%gather3A_408] : memref<100352xf32, #tpu.memory_space<vmem>>[vector<16xi32>], vector<16xf32>,
      %add3A_410 = arith.addf %add3A_401, %gather3A_409 : vector<16xf32>
      %scan3A_411 = arith.constant 9 : i32
      %scan3A_412 = arith.addi %scan3A_331, %scan3A_411 : i32
      %add3A_413 = arith.constant 12000 : i32
      %add3A_414 = arith.addi %add3A_413, %scan3A_412 : i32
      %add3A_415 = vector.broadcast %add3A_414 : i32 to vector<16xi32>
      %add3A_416 = arith.addi %mul3A_13, %add3A_415 : vector<16xi32>
      %gather3A_417 = tpu.vector_load_idx %arg7[%add3A_416] : memref<25600xi32, #tpu.memory_space<vmem>>[vector<16xi32>], vector<16xi32>,
      %gather3A_418 = tpu.vector_load_idx %arg8[%gather3A_417] : memref<100352xf32, #tpu.memory_space<vmem>>[vector<16xi32>], vector<16xf32>,
      %add3A_419 = arith.addf %add3A_410, %gather3A_418 : vector<16xf32>
      scf.yield %add3A_419 : vector<16xf32>
    }
    %scan3A_168 = arith.constant 50 : i32
    %swap3A_169 = arith.constant 240 : index
    %swap3A_170 = tpu.vector_load %arg11[%swap3A_169] {strides = array<i32>} : memref<512xf32, #tpu.memory_space<vmem>>, vector<16xf32>,
    tpu.vector_store %arg11[%swap3A_169], %scan3A_167 {strides = array<i32>} : memref<512xf32, #tpu.memory_space<vmem>>, vector<16xf32>,
    %get3A_171 = arith.constant 256 : index
    %get3A_172 = tpu.vector_load %arg10[%get3A_171] {strides = array<i32>} : memref<512xf32, #tpu.memory_space<vmem>>, vector<16xf32>,
    %scan3A_173 = arith.constant 0 : i32
    %scan3A_174 = arith.constant 50 : i32
    %scan3A_175 = arith.addi %scan3A_173, %scan3A_174 : i32
    %scan3A_176 = arith.constant 10 : i32
    %scan3A_177 = scf.for %scan3A_331 = %scan3A_173 to %scan3A_175 step %scan3A_176 iter_args(%scan3A_332 = %get3A_172) -> (vector<16xf32>)  : i32 {
      %add3A_333 = arith.constant 12800 : i32
      %add3A_334 = arith.addi %add3A_333, %scan3A_331 : i32
      %add3A_335 = vector.broadcast %add3A_334 : i32 to vector<16xi32>
      %add3A_336 = arith.addi %mul3A_13, %add3A_335 : vector<16xi32>
      %gather3A = tpu.vector_load_idx %arg7[%add3A_336] : memref<25600xi32, #tpu.memory_space<vmem>>[vector<16xi32>], vector<16xi32>,
      %gather3A_337 = tpu.vector_load_idx %arg8[%gather3A] : memref<100352xf32, #tpu.memory_space<vmem>>[vector<16xi32>], vector<16xf32>,
      %add3A_338 = arith.addf %scan3A_332, %gather3A_337 : vector<16xf32>
      %scan3A_339 = arith.constant 1 : i32
      %scan3A_340 = arith.addi %scan3A_331, %scan3A_339 : i32
      %add3A_341 = arith.constant 12800 : i32
      %add3A_342 = arith.addi %add3A_341, %scan3A_340 : i32
      %add3A_343 = vector.broadcast %add3A_342 : i32 to vector<16xi32>
      %add3A_344 = arith.addi %mul3A_13, %add3A_343 : vector<16xi32>
      %gather3A_345 = tpu.vector_load_idx %arg7[%add3A_344] : memref<25600xi32, #tpu.memory_space<vmem>>[vector<16xi32>], vector<16xi32>,
      %gather3A_346 = tpu.vector_load_idx %arg8[%gather3A_345] : memref<100352xf32, #tpu.memory_space<vmem>>[vector<16xi32>], vector<16xf32>,
      %add3A_347 = arith.addf %add3A_338, %gather3A_346 : vector<16xf32>
      %scan3A_348 = arith.constant 2 : i32
      %scan3A_349 = arith.addi %scan3A_331, %scan3A_348 : i32
      %add3A_350 = arith.constant 12800 : i32
      %add3A_351 = arith.addi %add3A_350, %scan3A_349 : i32
      %add3A_352 = vector.broadcast %add3A_351 : i32 to vector<16xi32>
      %add3A_353 = arith.addi %mul3A_13, %add3A_352 : vector<16xi32>
      %gather3A_354 = tpu.vector_load_idx %arg7[%add3A_353] : memref<25600xi32, #tpu.memory_space<vmem>>[vector<16xi32>], vector<16xi32>,
      %gather3A_355 = tpu.vector_load_idx %arg8[%gather3A_354] : memref<100352xf32, #tpu.memory_space<vmem>>[vector<16xi32>], vector<16xf32>,
      %add3A_356 = arith.addf %add3A_347, %gather3A_355 : vector<16xf32>
      %scan3A_357 = arith.constant 3 : i32
      %scan3A_358 = arith.addi %scan3A_331, %scan3A_357 : i32
      %add3A_359 = arith.constant 12800 : i32
      %add3A_360 = arith.addi %add3A_359, %scan3A_358 : i32
      %add3A_361 = vector.broadcast %add3A_360 : i32 to vector<16xi32>
      %add3A_362 = arith.addi %mul3A_13, %add3A_361 : vector<16xi32>
      %gather3A_363 = tpu.vector_load_idx %arg7[%add3A_362] : memref<25600xi32, #tpu.memory_space<vmem>>[vector<16xi32>], vector<16xi32>,
      %gather3A_364 = tpu.vector_load_idx %arg8[%gather3A_363] : memref<100352xf32, #tpu.memory_space<vmem>>[vector<16xi32>], vector<16xf32>,
      %add3A_365 = arith.addf %add3A_356, %gather3A_364 : vector<16xf32>
      %scan3A_366 = arith.constant 4 : i32
      %scan3A_367 = arith.addi %scan3A_331, %scan3A_366 : i32
      %add3A_368 = arith.constant 12800 : i32
      %add3A_369 = arith.addi %add3A_368, %scan3A_367 : i32
      %add3A_370 = vector.broadcast %add3A_369 : i32 to vector<16xi32>
      %add3A_371 = arith.addi %mul3A_13, %add3A_370 : vector<16xi32>
      %gather3A_372 = tpu.vector_load_idx %arg7[%add3A_371] : memref<25600xi32, #tpu.memory_space<vmem>>[vector<16xi32>], vector<16xi32>,
      %gather3A_373 = tpu.vector_load_idx %arg8[%gather3A_372] : memref<100352xf32, #tpu.memory_space<vmem>>[vector<16xi32>], vector<16xf32>,
      %add3A_374 = arith.addf %add3A_365, %gather3A_373 : vector<16xf32>
      %scan3A_375 = arith.constant 5 : i32
      %scan3A_376 = arith.addi %scan3A_331, %scan3A_375 : i32
      %add3A_377 = arith.constant 12800 : i32
      %add3A_378 = arith.addi %add3A_377, %scan3A_376 : i32
      %add3A_379 = vector.broadcast %add3A_378 : i32 to vector<16xi32>
      %add3A_380 = arith.addi %mul3A_13, %add3A_379 : vector<16xi32>
      %gather3A_381 = tpu.vector_load_idx %arg7[%add3A_380] : memref<25600xi32, #tpu.memory_space<vmem>>[vector<16xi32>], vector<16xi32>,
      %gather3A_382 = tpu.vector_load_idx %arg8[%gather3A_381] : memref<100352xf32, #tpu.memory_space<vmem>>[vector<16xi32>], vector<16xf32>,
      %add3A_383 = arith.addf %add3A_374, %gather3A_382 : vector<16xf32>
      %scan3A_384 = arith.constant 6 : i32
      %scan3A_385 = arith.addi %scan3A_331, %scan3A_384 : i32
      %add3A_386 = arith.constant 12800 : i32
      %add3A_387 = arith.addi %add3A_386, %scan3A_385 : i32
      %add3A_388 = vector.broadcast %add3A_387 : i32 to vector<16xi32>
      %add3A_389 = arith.addi %mul3A_13, %add3A_388 : vector<16xi32>
      %gather3A_390 = tpu.vector_load_idx %arg7[%add3A_389] : memref<25600xi32, #tpu.memory_space<vmem>>[vector<16xi32>], vector<16xi32>,
      %gather3A_391 = tpu.vector_load_idx %arg8[%gather3A_390] : memref<100352xf32, #tpu.memory_space<vmem>>[vector<16xi32>], vector<16xf32>,
      %add3A_392 = arith.addf %add3A_383, %gather3A_391 : vector<16xf32>
      %scan3A_393 = arith.constant 7 : i32
      %scan3A_394 = arith.addi %scan3A_331, %scan3A_393 : i32
      %add3A_395 = arith.constant 12800 : i32
      %add3A_396 = arith.addi %add3A_395, %scan3A_394 : i32
      %add3A_397 = vector.broadcast %add3A_396 : i32 to vector<16xi32>
      %add3A_398 = arith.addi %mul3A_13, %add3A_397 : vector<16xi32>
      %gather3A_399 = tpu.vector_load_idx %arg7[%add3A_398] : memref<25600xi32, #tpu.memory_space<vmem>>[vector<16xi32>], vector<16xi32>,
      %gather3A_400 = tpu.vector_load_idx %arg8[%gather3A_399] : memref<100352xf32, #tpu.memory_space<vmem>>[vector<16xi32>], vector<16xf32>,
      %add3A_401 = arith.addf %add3A_392, %gather3A_400 : vector<16xf32>
      %scan3A_402 = arith.constant 8 : i32
      %scan3A_403 = arith.addi %scan3A_331, %scan3A_402 : i32
      %add3A_404 = arith.constant 12800 : i32
      %add3A_405 = arith.addi %add3A_404, %scan3A_403 : i32
      %add3A_406 = vector.broadcast %add3A_405 : i32 to vector<16xi32>
      %add3A_407 = arith.addi %mul3A_13, %add3A_406 : vector<16xi32>
      %gather3A_408 = tpu.vector_load_idx %arg7[%add3A_407] : memref<25600xi32, #tpu.memory_space<vmem>>[vector<16xi32>], vector<16xi32>,
      %gather3A_409 = tpu.vector_load_idx %arg8[%gather3A_408] : memref<100352xf32, #tpu.memory_space<vmem>>[vector<16xi32>], vector<16xf32>,
      %add3A_410 = arith.addf %add3A_401, %gather3A_409 : vector<16xf32>
      %scan3A_411 = arith.constant 9 : i32
      %scan3A_412 = arith.addi %scan3A_331, %scan3A_411 : i32
      %add3A_413 = arith.constant 12800 : i32
      %add3A_414 = arith.addi %add3A_413, %scan3A_412 : i32
      %add3A_415 = vector.broadcast %add3A_414 : i32 to vector<16xi32>
      %add3A_416 = arith.addi %mul3A_13, %add3A_415 : vector<16xi32>
      %gather3A_417 = tpu.vector_load_idx %arg7[%add3A_416] : memref<25600xi32, #tpu.memory_space<vmem>>[vector<16xi32>], vector<16xi32>,
      %gather3A_418 = tpu.vector_load_idx %arg8[%gather3A_417] : memref<100352xf32, #tpu.memory_space<vmem>>[vector<16xi32>], vector<16xf32>,
      %add3A_419 = arith.addf %add3A_410, %gather3A_418 : vector<16xf32>
      scf.yield %add3A_419 : vector<16xf32>
    }
    %scan3A_178 = arith.constant 50 : i32
    %swap3A_179 = arith.constant 256 : index
    %swap3A_180 = tpu.vector_load %arg11[%swap3A_179] {strides = array<i32>} : memref<512xf32, #tpu.memory_space<vmem>>, vector<16xf32>,
    tpu.vector_store %arg11[%swap3A_179], %scan3A_177 {strides = array<i32>} : memref<512xf32, #tpu.memory_space<vmem>>, vector<16xf32>,
    %get3A_181 = arith.constant 272 : index
    %get3A_182 = tpu.vector_load %arg10[%get3A_181] {strides = array<i32>} : memref<512xf32, #tpu.memory_space<vmem>>, vector<16xf32>,
    %scan3A_183 = arith.constant 0 : i32
    %scan3A_184 = arith.constant 50 : i32
    %scan3A_185 = arith.addi %scan3A_183, %scan3A_184 : i32
    %scan3A_186 = arith.constant 10 : i32
    %scan3A_187 = scf.for %scan3A_331 = %scan3A_183 to %scan3A_185 step %scan3A_186 iter_args(%scan3A_332 = %get3A_182) -> (vector<16xf32>)  : i32 {
      %add3A_333 = arith.constant 13600 : i32
      %add3A_334 = arith.addi %add3A_333, %scan3A_331 : i32
      %add3A_335 = vector.broadcast %add3A_334 : i32 to vector<16xi32>
      %add3A_336 = arith.addi %mul3A_13, %add3A_335 : vector<16xi32>
      %gather3A = tpu.vector_load_idx %arg7[%add3A_336] : memref<25600xi32, #tpu.memory_space<vmem>>[vector<16xi32>], vector<16xi32>,
      %gather3A_337 = tpu.vector_load_idx %arg8[%gather3A] : memref<100352xf32, #tpu.memory_space<vmem>>[vector<16xi32>], vector<16xf32>,
      %add3A_338 = arith.addf %scan3A_332, %gather3A_337 : vector<16xf32>
      %scan3A_339 = arith.constant 1 : i32
      %scan3A_340 = arith.addi %scan3A_331, %scan3A_339 : i32
      %add3A_341 = arith.constant 13600 : i32
      %add3A_342 = arith.addi %add3A_341, %scan3A_340 : i32
      %add3A_343 = vector.broadcast %add3A_342 : i32 to vector<16xi32>
      %add3A_344 = arith.addi %mul3A_13, %add3A_343 : vector<16xi32>
      %gather3A_345 = tpu.vector_load_idx %arg7[%add3A_344] : memref<25600xi32, #tpu.memory_space<vmem>>[vector<16xi32>], vector<16xi32>,
      %gather3A_346 = tpu.vector_load_idx %arg8[%gather3A_345] : memref<100352xf32, #tpu.memory_space<vmem>>[vector<16xi32>], vector<16xf32>,
      %add3A_347 = arith.addf %add3A_338, %gather3A_346 : vector<16xf32>
      %scan3A_348 = arith.constant 2 : i32
      %scan3A_349 = arith.addi %scan3A_331, %scan3A_348 : i32
      %add3A_350 = arith.constant 13600 : i32
      %add3A_351 = arith.addi %add3A_350, %scan3A_349 : i32
      %add3A_352 = vector.broadcast %add3A_351 : i32 to vector<16xi32>
      %add3A_353 = arith.addi %mul3A_13, %add3A_352 : vector<16xi32>
      %gather3A_354 = tpu.vector_load_idx %arg7[%add3A_353] : memref<25600xi32, #tpu.memory_space<vmem>>[vector<16xi32>], vector<16xi32>,
      %gather3A_355 = tpu.vector_load_idx %arg8[%gather3A_354] : memref<100352xf32, #tpu.memory_space<vmem>>[vector<16xi32>], vector<16xf32>,
      %add3A_356 = arith.addf %add3A_347, %gather3A_355 : vector<16xf32>
      %scan3A_357 = arith.constant 3 : i32
      %scan3A_358 = arith.addi %scan3A_331, %scan3A_357 : i32
      %add3A_359 = arith.constant 13600 : i32
      %add3A_360 = arith.addi %add3A_359, %scan3A_358 : i32
      %add3A_361 = vector.broadcast %add3A_360 : i32 to vector<16xi32>
      %add3A_362 = arith.addi %mul3A_13, %add3A_361 : vector<16xi32>
      %gather3A_363 = tpu.vector_load_idx %arg7[%add3A_362] : memref<25600xi32, #tpu.memory_space<vmem>>[vector<16xi32>], vector<16xi32>,
      %gather3A_364 = tpu.vector_load_idx %arg8[%gather3A_363] : memref<100352xf32, #tpu.memory_space<vmem>>[vector<16xi32>], vector<16xf32>,
      %add3A_365 = arith.addf %add3A_356, %gather3A_364 : vector<16xf32>
      %scan3A_366 = arith.constant 4 : i32
      %scan3A_367 = arith.addi %scan3A_331, %scan3A_366 : i32
      %add3A_368 = arith.constant 13600 : i32
      %add3A_369 = arith.addi %add3A_368, %scan3A_367 : i32
      %add3A_370 = vector.broadcast %add3A_369 : i32 to vector<16xi32>
      %add3A_371 = arith.addi %mul3A_13, %add3A_370 : vector<16xi32>
      %gather3A_372 = tpu.vector_load_idx %arg7[%add3A_371] : memref<25600xi32, #tpu.memory_space<vmem>>[vector<16xi32>], vector<16xi32>,
      %gather3A_373 = tpu.vector_load_idx %arg8[%gather3A_372] : memref<100352xf32, #tpu.memory_space<vmem>>[vector<16xi32>], vector<16xf32>,
      %add3A_374 = arith.addf %add3A_365, %gather3A_373 : vector<16xf32>
      %scan3A_375 = arith.constant 5 : i32
      %scan3A_376 = arith.addi %scan3A_331, %scan3A_375 : i32
      %add3A_377 = arith.constant 13600 : i32
      %add3A_378 = arith.addi %add3A_377, %scan3A_376 : i32
      %add3A_379 = vector.broadcast %add3A_378 : i32 to vector<16xi32>
      %add3A_380 = arith.addi %mul3A_13, %add3A_379 : vector<16xi32>
      %gather3A_381 = tpu.vector_load_idx %arg7[%add3A_380] : memref<25600xi32, #tpu.memory_space<vmem>>[vector<16xi32>], vector<16xi32>,
      %gather3A_382 = tpu.vector_load_idx %arg8[%gather3A_381] : memref<100352xf32, #tpu.memory_space<vmem>>[vector<16xi32>], vector<16xf32>,
      %add3A_383 = arith.addf %add3A_374, %gather3A_382 : vector<16xf32>
      %scan3A_384 = arith.constant 6 : i32
      %scan3A_385 = arith.addi %scan3A_331, %scan3A_384 : i32
      %add3A_386 = arith.constant 13600 : i32
      %add3A_387 = arith.addi %add3A_386, %scan3A_385 : i32
      %add3A_388 = vector.broadcast %add3A_387 : i32 to vector<16xi32>
      %add3A_389 = arith.addi %mul3A_13, %add3A_388 : vector<16xi32>
      %gather3A_390 = tpu.vector_load_idx %arg7[%add3A_389] : memref<25600xi32, #tpu.memory_space<vmem>>[vector<16xi32>], vector<16xi32>,
      %gather3A_391 = tpu.vector_load_idx %arg8[%gather3A_390] : memref<100352xf32, #tpu.memory_space<vmem>>[vector<16xi32>], vector<16xf32>,
      %add3A_392 = arith.addf %add3A_383, %gather3A_391 : vector<16xf32>
      %scan3A_393 = arith.constant 7 : i32
      %scan3A_394 = arith.addi %scan3A_331, %scan3A_393 : i32
      %add3A_395 = arith.constant 13600 : i32
      %add3A_396 = arith.addi %add3A_395, %scan3A_394 : i32
      %add3A_397 = vector.broadcast %add3A_396 : i32 to vector<16xi32>
      %add3A_398 = arith.addi %mul3A_13, %add3A_397 : vector<16xi32>
      %gather3A_399 = tpu.vector_load_idx %arg7[%add3A_398] : memref<25600xi32, #tpu.memory_space<vmem>>[vector<16xi32>], vector<16xi32>,
      %gather3A_400 = tpu.vector_load_idx %arg8[%gather3A_399] : memref<100352xf32, #tpu.memory_space<vmem>>[vector<16xi32>], vector<16xf32>,
      %add3A_401 = arith.addf %add3A_392, %gather3A_400 : vector<16xf32>
      %scan3A_402 = arith.constant 8 : i32
      %scan3A_403 = arith.addi %scan3A_331, %scan3A_402 : i32
      %add3A_404 = arith.constant 13600 : i32
      %add3A_405 = arith.addi %add3A_404, %scan3A_403 : i32
      %add3A_406 = vector.broadcast %add3A_405 : i32 to vector<16xi32>
      %add3A_407 = arith.addi %mul3A_13, %add3A_406 : vector<16xi32>
      %gather3A_408 = tpu.vector_load_idx %arg7[%add3A_407] : memref<25600xi32, #tpu.memory_space<vmem>>[vector<16xi32>], vector<16xi32>,
      %gather3A_409 = tpu.vector_load_idx %arg8[%gather3A_408] : memref<100352xf32, #tpu.memory_space<vmem>>[vector<16xi32>], vector<16xf32>,
      %add3A_410 = arith.addf %add3A_401, %gather3A_409 : vector<16xf32>
      %scan3A_411 = arith.constant 9 : i32
      %scan3A_412 = arith.addi %scan3A_331, %scan3A_411 : i32
      %add3A_413 = arith.constant 13600 : i32
      %add3A_414 = arith.addi %add3A_413, %scan3A_412 : i32
      %add3A_415 = vector.broadcast %add3A_414 : i32 to vector<16xi32>
      %add3A_416 = arith.addi %mul3A_13, %add3A_415 : vector<16xi32>
      %gather3A_417 = tpu.vector_load_idx %arg7[%add3A_416] : memref<25600xi32, #tpu.memory_space<vmem>>[vector<16xi32>], vector<16xi32>,
      %gather3A_418 = tpu.vector_load_idx %arg8[%gather3A_417] : memref<100352xf32, #tpu.memory_space<vmem>>[vector<16xi32>], vector<16xf32>,
      %add3A_419 = arith.addf %add3A_410, %gather3A_418 : vector<16xf32>
      scf.yield %add3A_419 : vector<16xf32>
    }
    %scan3A_188 = arith.constant 50 : i32
    %swap3A_189 = arith.constant 272 : index
    %swap3A_190 = tpu.vector_load %arg11[%swap3A_189] {strides = array<i32>} : memref<512xf32, #tpu.memory_space<vmem>>, vector<16xf32>,
    tpu.vector_store %arg11[%swap3A_189], %scan3A_187 {strides = array<i32>} : memref<512xf32, #tpu.memory_space<vmem>>, vector<16xf32>,
    %get3A_191 = arith.constant 288 : index
    %get3A_192 = tpu.vector_load %arg10[%get3A_191] {strides = array<i32>} : memref<512xf32, #tpu.memory_space<vmem>>, vector<16xf32>,
    %scan3A_193 = arith.constant 0 : i32
    %scan3A_194 = arith.constant 50 : i32
    %scan3A_195 = arith.addi %scan3A_193, %scan3A_194 : i32
    %scan3A_196 = arith.constant 10 : i32
    %scan3A_197 = scf.for %scan3A_331 = %scan3A_193 to %scan3A_195 step %scan3A_196 iter_args(%scan3A_332 = %get3A_192) -> (vector<16xf32>)  : i32 {
      %add3A_333 = arith.constant 14400 : i32
      %add3A_334 = arith.addi %add3A_333, %scan3A_331 : i32
      %add3A_335 = vector.broadcast %add3A_334 : i32 to vector<16xi32>
      %add3A_336 = arith.addi %mul3A_13, %add3A_335 : vector<16xi32>
      %gather3A = tpu.vector_load_idx %arg7[%add3A_336] : memref<25600xi32, #tpu.memory_space<vmem>>[vector<16xi32>], vector<16xi32>,
      %gather3A_337 = tpu.vector_load_idx %arg8[%gather3A] : memref<100352xf32, #tpu.memory_space<vmem>>[vector<16xi32>], vector<16xf32>,
      %add3A_338 = arith.addf %scan3A_332, %gather3A_337 : vector<16xf32>
      %scan3A_339 = arith.constant 1 : i32
      %scan3A_340 = arith.addi %scan3A_331, %scan3A_339 : i32
      %add3A_341 = arith.constant 14400 : i32
      %add3A_342 = arith.addi %add3A_341, %scan3A_340 : i32
      %add3A_343 = vector.broadcast %add3A_342 : i32 to vector<16xi32>
      %add3A_344 = arith.addi %mul3A_13, %add3A_343 : vector<16xi32>
      %gather3A_345 = tpu.vector_load_idx %arg7[%add3A_344] : memref<25600xi32, #tpu.memory_space<vmem>>[vector<16xi32>], vector<16xi32>,
      %gather3A_346 = tpu.vector_load_idx %arg8[%gather3A_345] : memref<100352xf32, #tpu.memory_space<vmem>>[vector<16xi32>], vector<16xf32>,
      %add3A_347 = arith.addf %add3A_338, %gather3A_346 : vector<16xf32>
      %scan3A_348 = arith.constant 2 : i32
      %scan3A_349 = arith.addi %scan3A_331, %scan3A_348 : i32
      %add3A_350 = arith.constant 14400 : i32
      %add3A_351 = arith.addi %add3A_350, %scan3A_349 : i32
      %add3A_352 = vector.broadcast %add3A_351 : i32 to vector<16xi32>
      %add3A_353 = arith.addi %mul3A_13, %add3A_352 : vector<16xi32>
      %gather3A_354 = tpu.vector_load_idx %arg7[%add3A_353] : memref<25600xi32, #tpu.memory_space<vmem>>[vector<16xi32>], vector<16xi32>,
      %gather3A_355 = tpu.vector_load_idx %arg8[%gather3A_354] : memref<100352xf32, #tpu.memory_space<vmem>>[vector<16xi32>], vector<16xf32>,
      %add3A_356 = arith.addf %add3A_347, %gather3A_355 : vector<16xf32>
      %scan3A_357 = arith.constant 3 : i32
      %scan3A_358 = arith.addi %scan3A_331, %scan3A_357 : i32
      %add3A_359 = arith.constant 14400 : i32
      %add3A_360 = arith.addi %add3A_359, %scan3A_358 : i32
      %add3A_361 = vector.broadcast %add3A_360 : i32 to vector<16xi32>
      %add3A_362 = arith.addi %mul3A_13, %add3A_361 : vector<16xi32>
      %gather3A_363 = tpu.vector_load_idx %arg7[%add3A_362] : memref<25600xi32, #tpu.memory_space<vmem>>[vector<16xi32>], vector<16xi32>,
      %gather3A_364 = tpu.vector_load_idx %arg8[%gather3A_363] : memref<100352xf32, #tpu.memory_space<vmem>>[vector<16xi32>], vector<16xf32>,
      %add3A_365 = arith.addf %add3A_356, %gather3A_364 : vector<16xf32>
      %scan3A_366 = arith.constant 4 : i32
      %scan3A_367 = arith.addi %scan3A_331, %scan3A_366 : i32
      %add3A_368 = arith.constant 14400 : i32
      %add3A_369 = arith.addi %add3A_368, %scan3A_367 : i32
      %add3A_370 = vector.broadcast %add3A_369 : i32 to vector<16xi32>
      %add3A_371 = arith.addi %mul3A_13, %add3A_370 : vector<16xi32>
      %gather3A_372 = tpu.vector_load_idx %arg7[%add3A_371] : memref<25600xi32, #tpu.memory_space<vmem>>[vector<16xi32>], vector<16xi32>,
      %gather3A_373 = tpu.vector_load_idx %arg8[%gather3A_372] : memref<100352xf32, #tpu.memory_space<vmem>>[vector<16xi32>], vector<16xf32>,
      %add3A_374 = arith.addf %add3A_365, %gather3A_373 : vector<16xf32>
      %scan3A_375 = arith.constant 5 : i32
      %scan3A_376 = arith.addi %scan3A_331, %scan3A_375 : i32
      %add3A_377 = arith.constant 14400 : i32
      %add3A_378 = arith.addi %add3A_377, %scan3A_376 : i32
      %add3A_379 = vector.broadcast %add3A_378 : i32 to vector<16xi32>
      %add3A_380 = arith.addi %mul3A_13, %add3A_379 : vector<16xi32>
      %gather3A_381 = tpu.vector_load_idx %arg7[%add3A_380] : memref<25600xi32, #tpu.memory_space<vmem>>[vector<16xi32>], vector<16xi32>,
      %gather3A_382 = tpu.vector_load_idx %arg8[%gather3A_381] : memref<100352xf32, #tpu.memory_space<vmem>>[vector<16xi32>], vector<16xf32>,
      %add3A_383 = arith.addf %add3A_374, %gather3A_382 : vector<16xf32>
      %scan3A_384 = arith.constant 6 : i32
      %scan3A_385 = arith.addi %scan3A_331, %scan3A_384 : i32
      %add3A_386 = arith.constant 14400 : i32
      %add3A_387 = arith.addi %add3A_386, %scan3A_385 : i32
      %add3A_388 = vector.broadcast %add3A_387 : i32 to vector<16xi32>
      %add3A_389 = arith.addi %mul3A_13, %add3A_388 : vector<16xi32>
      %gather3A_390 = tpu.vector_load_idx %arg7[%add3A_389] : memref<25600xi32, #tpu.memory_space<vmem>>[vector<16xi32>], vector<16xi32>,
      %gather3A_391 = tpu.vector_load_idx %arg8[%gather3A_390] : memref<100352xf32, #tpu.memory_space<vmem>>[vector<16xi32>], vector<16xf32>,
      %add3A_392 = arith.addf %add3A_383, %gather3A_391 : vector<16xf32>
      %scan3A_393 = arith.constant 7 : i32
      %scan3A_394 = arith.addi %scan3A_331, %scan3A_393 : i32
      %add3A_395 = arith.constant 14400 : i32
      %add3A_396 = arith.addi %add3A_395, %scan3A_394 : i32
      %add3A_397 = vector.broadcast %add3A_396 : i32 to vector<16xi32>
      %add3A_398 = arith.addi %mul3A_13, %add3A_397 : vector<16xi32>
      %gather3A_399 = tpu.vector_load_idx %arg7[%add3A_398] : memref<25600xi32, #tpu.memory_space<vmem>>[vector<16xi32>], vector<16xi32>,
      %gather3A_400 = tpu.vector_load_idx %arg8[%gather3A_399] : memref<100352xf32, #tpu.memory_space<vmem>>[vector<16xi32>], vector<16xf32>,
      %add3A_401 = arith.addf %add3A_392, %gather3A_400 : vector<16xf32>
      %scan3A_402 = arith.constant 8 : i32
      %scan3A_403 = arith.addi %scan3A_331, %scan3A_402 : i32
      %add3A_404 = arith.constant 14400 : i32
      %add3A_405 = arith.addi %add3A_404, %scan3A_403 : i32
      %add3A_406 = vector.broadcast %add3A_405 : i32 to vector<16xi32>
      %add3A_407 = arith.addi %mul3A_13, %add3A_406 : vector<16xi32>
      %gather3A_408 = tpu.vector_load_idx %arg7[%add3A_407] : memref<25600xi32, #tpu.memory_space<vmem>>[vector<16xi32>], vector<16xi32>,
      %gather3A_409 = tpu.vector_load_idx %arg8[%gather3A_408] : memref<100352xf32, #tpu.memory_space<vmem>>[vector<16xi32>], vector<16xf32>,
      %add3A_410 = arith.addf %add3A_401, %gather3A_409 : vector<16xf32>
      %scan3A_411 = arith.constant 9 : i32
      %scan3A_412 = arith.addi %scan3A_331, %scan3A_411 : i32
      %add3A_413 = arith.constant 14400 : i32
      %add3A_414 = arith.addi %add3A_413, %scan3A_412 : i32
      %add3A_415 = vector.broadcast %add3A_414 : i32 to vector<16xi32>
      %add3A_416 = arith.addi %mul3A_13, %add3A_415 : vector<16xi32>
      %gather3A_417 = tpu.vector_load_idx %arg7[%add3A_416] : memref<25600xi32, #tpu.memory_space<vmem>>[vector<16xi32>], vector<16xi32>,
      %gather3A_418 = tpu.vector_load_idx %arg8[%gather3A_417] : memref<100352xf32, #tpu.memory_space<vmem>>[vector<16xi32>], vector<16xf32>,
      %add3A_419 = arith.addf %add3A_410, %gather3A_418 : vector<16xf32>
      scf.yield %add3A_419 : vector<16xf32>
    }
    %scan3A_198 = arith.constant 50 : i32
    %swap3A_199 = arith.constant 288 : index
    %swap3A_200 = tpu.vector_load %arg11[%swap3A_199] {strides = array<i32>} : memref<512xf32, #tpu.memory_space<vmem>>, vector<16xf32>,
    tpu.vector_store %arg11[%swap3A_199], %scan3A_197 {strides = array<i32>} : memref<512xf32, #tpu.memory_space<vmem>>, vector<16xf32>,
    %get3A_201 = arith.constant 304 : index
    %get3A_202 = tpu.vector_load %arg10[%get3A_201] {strides = array<i32>} : memref<512xf32, #tpu.memory_space<vmem>>, vector<16xf32>,
    %scan3A_203 = arith.constant 0 : i32
    %scan3A_204 = arith.constant 50 : i32
    %scan3A_205 = arith.addi %scan3A_203, %scan3A_204 : i32
    %scan3A_206 = arith.constant 10 : i32
    %scan3A_207 = scf.for %scan3A_331 = %scan3A_203 to %scan3A_205 step %scan3A_206 iter_args(%scan3A_332 = %get3A_202) -> (vector<16xf32>)  : i32 {
      %add3A_333 = arith.constant 15200 : i32
      %add3A_334 = arith.addi %add3A_333, %scan3A_331 : i32
      %add3A_335 = vector.broadcast %add3A_334 : i32 to vector<16xi32>
      %add3A_336 = arith.addi %mul3A_13, %add3A_335 : vector<16xi32>
      %gather3A = tpu.vector_load_idx %arg7[%add3A_336] : memref<25600xi32, #tpu.memory_space<vmem>>[vector<16xi32>], vector<16xi32>,
      %gather3A_337 = tpu.vector_load_idx %arg8[%gather3A] : memref<100352xf32, #tpu.memory_space<vmem>>[vector<16xi32>], vector<16xf32>,
      %add3A_338 = arith.addf %scan3A_332, %gather3A_337 : vector<16xf32>
      %scan3A_339 = arith.constant 1 : i32
      %scan3A_340 = arith.addi %scan3A_331, %scan3A_339 : i32
      %add3A_341 = arith.constant 15200 : i32
      %add3A_342 = arith.addi %add3A_341, %scan3A_340 : i32
      %add3A_343 = vector.broadcast %add3A_342 : i32 to vector<16xi32>
      %add3A_344 = arith.addi %mul3A_13, %add3A_343 : vector<16xi32>
      %gather3A_345 = tpu.vector_load_idx %arg7[%add3A_344] : memref<25600xi32, #tpu.memory_space<vmem>>[vector<16xi32>], vector<16xi32>,
      %gather3A_346 = tpu.vector_load_idx %arg8[%gather3A_345] : memref<100352xf32, #tpu.memory_space<vmem>>[vector<16xi32>], vector<16xf32>,
      %add3A_347 = arith.addf %add3A_338, %gather3A_346 : vector<16xf32>
      %scan3A_348 = arith.constant 2 : i32
      %scan3A_349 = arith.addi %scan3A_331, %scan3A_348 : i32
      %add3A_350 = arith.constant 15200 : i32
      %add3A_351 = arith.addi %add3A_350, %scan3A_349 : i32
      %add3A_352 = vector.broadcast %add3A_351 : i32 to vector<16xi32>
      %add3A_353 = arith.addi %mul3A_13, %add3A_352 : vector<16xi32>
      %gather3A_354 = tpu.vector_load_idx %arg7[%add3A_353] : memref<25600xi32, #tpu.memory_space<vmem>>[vector<16xi32>], vector<16xi32>,
      %gather3A_355 = tpu.vector_load_idx %arg8[%gather3A_354] : memref<100352xf32, #tpu.memory_space<vmem>>[vector<16xi32>], vector<16xf32>,
      %add3A_356 = arith.addf %add3A_347, %gather3A_355 : vector<16xf32>
      %scan3A_357 = arith.constant 3 : i32
      %scan3A_358 = arith.addi %scan3A_331, %scan3A_357 : i32
      %add3A_359 = arith.constant 15200 : i32
      %add3A_360 = arith.addi %add3A_359, %scan3A_358 : i32
      %add3A_361 = vector.broadcast %add3A_360 : i32 to vector<16xi32>
      %add3A_362 = arith.addi %mul3A_13, %add3A_361 : vector<16xi32>
      %gather3A_363 = tpu.vector_load_idx %arg7[%add3A_362] : memref<25600xi32, #tpu.memory_space<vmem>>[vector<16xi32>], vector<16xi32>,
      %gather3A_364 = tpu.vector_load_idx %arg8[%gather3A_363] : memref<100352xf32, #tpu.memory_space<vmem>>[vector<16xi32>], vector<16xf32>,
      %add3A_365 = arith.addf %add3A_356, %gather3A_364 : vector<16xf32>
      %scan3A_366 = arith.constant 4 : i32
      %scan3A_367 = arith.addi %scan3A_331, %scan3A_366 : i32
      %add3A_368 = arith.constant 15200 : i32
      %add3A_369 = arith.addi %add3A_368, %scan3A_367 : i32
      %add3A_370 = vector.broadcast %add3A_369 : i32 to vector<16xi32>
      %add3A_371 = arith.addi %mul3A_13, %add3A_370 : vector<16xi32>
      %gather3A_372 = tpu.vector_load_idx %arg7[%add3A_371] : memref<25600xi32, #tpu.memory_space<vmem>>[vector<16xi32>], vector<16xi32>,
      %gather3A_373 = tpu.vector_load_idx %arg8[%gather3A_372] : memref<100352xf32, #tpu.memory_space<vmem>>[vector<16xi32>], vector<16xf32>,
      %add3A_374 = arith.addf %add3A_365, %gather3A_373 : vector<16xf32>
      %scan3A_375 = arith.constant 5 : i32
      %scan3A_376 = arith.addi %scan3A_331, %scan3A_375 : i32
      %add3A_377 = arith.constant 15200 : i32
      %add3A_378 = arith.addi %add3A_377, %scan3A_376 : i32
      %add3A_379 = vector.broadcast %add3A_378 : i32 to vector<16xi32>
      %add3A_380 = arith.addi %mul3A_13, %add3A_379 : vector<16xi32>
      %gather3A_381 = tpu.vector_load_idx %arg7[%add3A_380] : memref<25600xi32, #tpu.memory_space<vmem>>[vector<16xi32>], vector<16xi32>,
      %gather3A_382 = tpu.vector_load_idx %arg8[%gather3A_381] : memref<100352xf32, #tpu.memory_space<vmem>>[vector<16xi32>], vector<16xf32>,
      %add3A_383 = arith.addf %add3A_374, %gather3A_382 : vector<16xf32>
      %scan3A_384 = arith.constant 6 : i32
      %scan3A_385 = arith.addi %scan3A_331, %scan3A_384 : i32
      %add3A_386 = arith.constant 15200 : i32
      %add3A_387 = arith.addi %add3A_386, %scan3A_385 : i32
      %add3A_388 = vector.broadcast %add3A_387 : i32 to vector<16xi32>
      %add3A_389 = arith.addi %mul3A_13, %add3A_388 : vector<16xi32>
      %gather3A_390 = tpu.vector_load_idx %arg7[%add3A_389] : memref<25600xi32, #tpu.memory_space<vmem>>[vector<16xi32>], vector<16xi32>,
      %gather3A_391 = tpu.vector_load_idx %arg8[%gather3A_390] : memref<100352xf32, #tpu.memory_space<vmem>>[vector<16xi32>], vector<16xf32>,
      %add3A_392 = arith.addf %add3A_383, %gather3A_391 : vector<16xf32>
      %scan3A_393 = arith.constant 7 : i32
      %scan3A_394 = arith.addi %scan3A_331, %scan3A_393 : i32
      %add3A_395 = arith.constant 15200 : i32
      %add3A_396 = arith.addi %add3A_395, %scan3A_394 : i32
      %add3A_397 = vector.broadcast %add3A_396 : i32 to vector<16xi32>
      %add3A_398 = arith.addi %mul3A_13, %add3A_397 : vector<16xi32>
      %gather3A_399 = tpu.vector_load_idx %arg7[%add3A_398] : memref<25600xi32, #tpu.memory_space<vmem>>[vector<16xi32>], vector<16xi32>,
      %gather3A_400 = tpu.vector_load_idx %arg8[%gather3A_399] : memref<100352xf32, #tpu.memory_space<vmem>>[vector<16xi32>], vector<16xf32>,
      %add3A_401 = arith.addf %add3A_392, %gather3A_400 : vector<16xf32>
      %scan3A_402 = arith.constant 8 : i32
      %scan3A_403 = arith.addi %scan3A_331, %scan3A_402 : i32
      %add3A_404 = arith.constant 15200 : i32
      %add3A_405 = arith.addi %add3A_404, %scan3A_403 : i32
      %add3A_406 = vector.broadcast %add3A_405 : i32 to vector<16xi32>
      %add3A_407 = arith.addi %mul3A_13, %add3A_406 : vector<16xi32>
      %gather3A_408 = tpu.vector_load_idx %arg7[%add3A_407] : memref<25600xi32, #tpu.memory_space<vmem>>[vector<16xi32>], vector<16xi32>,
      %gather3A_409 = tpu.vector_load_idx %arg8[%gather3A_408] : memref<100352xf32, #tpu.memory_space<vmem>>[vector<16xi32>], vector<16xf32>,
      %add3A_410 = arith.addf %add3A_401, %gather3A_409 : vector<16xf32>
      %scan3A_411 = arith.constant 9 : i32
      %scan3A_412 = arith.addi %scan3A_331, %scan3A_411 : i32
      %add3A_413 = arith.constant 15200 : i32
      %add3A_414 = arith.addi %add3A_413, %scan3A_412 : i32
      %add3A_415 = vector.broadcast %add3A_414 : i32 to vector<16xi32>
      %add3A_416 = arith.addi %mul3A_13, %add3A_415 : vector<16xi32>
      %gather3A_417 = tpu.vector_load_idx %arg7[%add3A_416] : memref<25600xi32, #tpu.memory_space<vmem>>[vector<16xi32>], vector<16xi32>,
      %gather3A_418 = tpu.vector_load_idx %arg8[%gather3A_417] : memref<100352xf32, #tpu.memory_space<vmem>>[vector<16xi32>], vector<16xf32>,
      %add3A_419 = arith.addf %add3A_410, %gather3A_418 : vector<16xf32>
      scf.yield %add3A_419 : vector<16xf32>
    }
    %scan3A_208 = arith.constant 50 : i32
    %swap3A_209 = arith.constant 304 : index
    %swap3A_210 = tpu.vector_load %arg11[%swap3A_209] {strides = array<i32>} : memref<512xf32, #tpu.memory_space<vmem>>, vector<16xf32>,
    tpu.vector_store %arg11[%swap3A_209], %scan3A_207 {strides = array<i32>} : memref<512xf32, #tpu.memory_space<vmem>>, vector<16xf32>,
    %get3A_211 = arith.constant 320 : index
    %get3A_212 = tpu.vector_load %arg10[%get3A_211] {strides = array<i32>} : memref<512xf32, #tpu.memory_space<vmem>>, vector<16xf32>,
    %scan3A_213 = arith.constant 0 : i32
    %scan3A_214 = arith.constant 50 : i32
    %scan3A_215 = arith.addi %scan3A_213, %scan3A_214 : i32
    %scan3A_216 = arith.constant 10 : i32
    %scan3A_217 = scf.for %scan3A_331 = %scan3A_213 to %scan3A_215 step %scan3A_216 iter_args(%scan3A_332 = %get3A_212) -> (vector<16xf32>)  : i32 {
      %add3A_333 = arith.constant 16000 : i32
      %add3A_334 = arith.addi %add3A_333, %scan3A_331 : i32
      %add3A_335 = vector.broadcast %add3A_334 : i32 to vector<16xi32>
      %add3A_336 = arith.addi %mul3A_13, %add3A_335 : vector<16xi32>
      %gather3A = tpu.vector_load_idx %arg7[%add3A_336] : memref<25600xi32, #tpu.memory_space<vmem>>[vector<16xi32>], vector<16xi32>,
      %gather3A_337 = tpu.vector_load_idx %arg8[%gather3A] : memref<100352xf32, #tpu.memory_space<vmem>>[vector<16xi32>], vector<16xf32>,
      %add3A_338 = arith.addf %scan3A_332, %gather3A_337 : vector<16xf32>
      %scan3A_339 = arith.constant 1 : i32
      %scan3A_340 = arith.addi %scan3A_331, %scan3A_339 : i32
      %add3A_341 = arith.constant 16000 : i32
      %add3A_342 = arith.addi %add3A_341, %scan3A_340 : i32
      %add3A_343 = vector.broadcast %add3A_342 : i32 to vector<16xi32>
      %add3A_344 = arith.addi %mul3A_13, %add3A_343 : vector<16xi32>
      %gather3A_345 = tpu.vector_load_idx %arg7[%add3A_344] : memref<25600xi32, #tpu.memory_space<vmem>>[vector<16xi32>], vector<16xi32>,
      %gather3A_346 = tpu.vector_load_idx %arg8[%gather3A_345] : memref<100352xf32, #tpu.memory_space<vmem>>[vector<16xi32>], vector<16xf32>,
      %add3A_347 = arith.addf %add3A_338, %gather3A_346 : vector<16xf32>
      %scan3A_348 = arith.constant 2 : i32
      %scan3A_349 = arith.addi %scan3A_331, %scan3A_348 : i32
      %add3A_350 = arith.constant 16000 : i32
      %add3A_351 = arith.addi %add3A_350, %scan3A_349 : i32
      %add3A_352 = vector.broadcast %add3A_351 : i32 to vector<16xi32>
      %add3A_353 = arith.addi %mul3A_13, %add3A_352 : vector<16xi32>
      %gather3A_354 = tpu.vector_load_idx %arg7[%add3A_353] : memref<25600xi32, #tpu.memory_space<vmem>>[vector<16xi32>], vector<16xi32>,
      %gather3A_355 = tpu.vector_load_idx %arg8[%gather3A_354] : memref<100352xf32, #tpu.memory_space<vmem>>[vector<16xi32>], vector<16xf32>,
      %add3A_356 = arith.addf %add3A_347, %gather3A_355 : vector<16xf32>
      %scan3A_357 = arith.constant 3 : i32
      %scan3A_358 = arith.addi %scan3A_331, %scan3A_357 : i32
      %add3A_359 = arith.constant 16000 : i32
      %add3A_360 = arith.addi %add3A_359, %scan3A_358 : i32
      %add3A_361 = vector.broadcast %add3A_360 : i32 to vector<16xi32>
      %add3A_362 = arith.addi %mul3A_13, %add3A_361 : vector<16xi32>
      %gather3A_363 = tpu.vector_load_idx %arg7[%add3A_362] : memref<25600xi32, #tpu.memory_space<vmem>>[vector<16xi32>], vector<16xi32>,
      %gather3A_364 = tpu.vector_load_idx %arg8[%gather3A_363] : memref<100352xf32, #tpu.memory_space<vmem>>[vector<16xi32>], vector<16xf32>,
      %add3A_365 = arith.addf %add3A_356, %gather3A_364 : vector<16xf32>
      %scan3A_366 = arith.constant 4 : i32
      %scan3A_367 = arith.addi %scan3A_331, %scan3A_366 : i32
      %add3A_368 = arith.constant 16000 : i32
      %add3A_369 = arith.addi %add3A_368, %scan3A_367 : i32
      %add3A_370 = vector.broadcast %add3A_369 : i32 to vector<16xi32>
      %add3A_371 = arith.addi %mul3A_13, %add3A_370 : vector<16xi32>
      %gather3A_372 = tpu.vector_load_idx %arg7[%add3A_371] : memref<25600xi32, #tpu.memory_space<vmem>>[vector<16xi32>], vector<16xi32>,
      %gather3A_373 = tpu.vector_load_idx %arg8[%gather3A_372] : memref<100352xf32, #tpu.memory_space<vmem>>[vector<16xi32>], vector<16xf32>,
      %add3A_374 = arith.addf %add3A_365, %gather3A_373 : vector<16xf32>
      %scan3A_375 = arith.constant 5 : i32
      %scan3A_376 = arith.addi %scan3A_331, %scan3A_375 : i32
      %add3A_377 = arith.constant 16000 : i32
      %add3A_378 = arith.addi %add3A_377, %scan3A_376 : i32
      %add3A_379 = vector.broadcast %add3A_378 : i32 to vector<16xi32>
      %add3A_380 = arith.addi %mul3A_13, %add3A_379 : vector<16xi32>
      %gather3A_381 = tpu.vector_load_idx %arg7[%add3A_380] : memref<25600xi32, #tpu.memory_space<vmem>>[vector<16xi32>], vector<16xi32>,
      %gather3A_382 = tpu.vector_load_idx %arg8[%gather3A_381] : memref<100352xf32, #tpu.memory_space<vmem>>[vector<16xi32>], vector<16xf32>,
      %add3A_383 = arith.addf %add3A_374, %gather3A_382 : vector<16xf32>
      %scan3A_384 = arith.constant 6 : i32
      %scan3A_385 = arith.addi %scan3A_331, %scan3A_384 : i32
      %add3A_386 = arith.constant 16000 : i32
      %add3A_387 = arith.addi %add3A_386, %scan3A_385 : i32
      %add3A_388 = vector.broadcast %add3A_387 : i32 to vector<16xi32>
      %add3A_389 = arith.addi %mul3A_13, %add3A_388 : vector<16xi32>
      %gather3A_390 = tpu.vector_load_idx %arg7[%add3A_389] : memref<25600xi32, #tpu.memory_space<vmem>>[vector<16xi32>], vector<16xi32>,
      %gather3A_391 = tpu.vector_load_idx %arg8[%gather3A_390] : memref<100352xf32, #tpu.memory_space<vmem>>[vector<16xi32>], vector<16xf32>,
      %add3A_392 = arith.addf %add3A_383, %gather3A_391 : vector<16xf32>
      %scan3A_393 = arith.constant 7 : i32
      %scan3A_394 = arith.addi %scan3A_331, %scan3A_393 : i32
      %add3A_395 = arith.constant 16000 : i32
      %add3A_396 = arith.addi %add3A_395, %scan3A_394 : i32
      %add3A_397 = vector.broadcast %add3A_396 : i32 to vector<16xi32>
      %add3A_398 = arith.addi %mul3A_13, %add3A_397 : vector<16xi32>
      %gather3A_399 = tpu.vector_load_idx %arg7[%add3A_398] : memref<25600xi32, #tpu.memory_space<vmem>>[vector<16xi32>], vector<16xi32>,
      %gather3A_400 = tpu.vector_load_idx %arg8[%gather3A_399] : memref<100352xf32, #tpu.memory_space<vmem>>[vector<16xi32>], vector<16xf32>,
      %add3A_401 = arith.addf %add3A_392, %gather3A_400 : vector<16xf32>
      %scan3A_402 = arith.constant 8 : i32
      %scan3A_403 = arith.addi %scan3A_331, %scan3A_402 : i32
      %add3A_404 = arith.constant 16000 : i32
      %add3A_405 = arith.addi %add3A_404, %scan3A_403 : i32
      %add3A_406 = vector.broadcast %add3A_405 : i32 to vector<16xi32>
      %add3A_407 = arith.addi %mul3A_13, %add3A_406 : vector<16xi32>
      %gather3A_408 = tpu.vector_load_idx %arg7[%add3A_407] : memref<25600xi32, #tpu.memory_space<vmem>>[vector<16xi32>], vector<16xi32>,
      %gather3A_409 = tpu.vector_load_idx %arg8[%gather3A_408] : memref<100352xf32, #tpu.memory_space<vmem>>[vector<16xi32>], vector<16xf32>,
      %add3A_410 = arith.addf %add3A_401, %gather3A_409 : vector<16xf32>
      %scan3A_411 = arith.constant 9 : i32
      %scan3A_412 = arith.addi %scan3A_331, %scan3A_411 : i32
      %add3A_413 = arith.constant 16000 : i32
      %add3A_414 = arith.addi %add3A_413, %scan3A_412 : i32
      %add3A_415 = vector.broadcast %add3A_414 : i32 to vector<16xi32>
      %add3A_416 = arith.addi %mul3A_13, %add3A_415 : vector<16xi32>
      %gather3A_417 = tpu.vector_load_idx %arg7[%add3A_416] : memref<25600xi32, #tpu.memory_space<vmem>>[vector<16xi32>], vector<16xi32>,
      %gather3A_418 = tpu.vector_load_idx %arg8[%gather3A_417] : memref<100352xf32, #tpu.memory_space<vmem>>[vector<16xi32>], vector<16xf32>,
      %add3A_419 = arith.addf %add3A_410, %gather3A_418 : vector<16xf32>
      scf.yield %add3A_419 : vector<16xf32>
    }
    %scan3A_218 = arith.constant 50 : i32
    %swap3A_219 = arith.constant 320 : index
    %swap3A_220 = tpu.vector_load %arg11[%swap3A_219] {strides = array<i32>} : memref<512xf32, #tpu.memory_space<vmem>>, vector<16xf32>,
    tpu.vector_store %arg11[%swap3A_219], %scan3A_217 {strides = array<i32>} : memref<512xf32, #tpu.memory_space<vmem>>, vector<16xf32>,
    %get3A_221 = arith.constant 336 : index
    %get3A_222 = tpu.vector_load %arg10[%get3A_221] {strides = array<i32>} : memref<512xf32, #tpu.memory_space<vmem>>, vector<16xf32>,
    %scan3A_223 = arith.constant 0 : i32
    %scan3A_224 = arith.constant 50 : i32
    %scan3A_225 = arith.addi %scan3A_223, %scan3A_224 : i32
    %scan3A_226 = arith.constant 10 : i32
    %scan3A_227 = scf.for %scan3A_331 = %scan3A_223 to %scan3A_225 step %scan3A_226 iter_args(%scan3A_332 = %get3A_222) -> (vector<16xf32>)  : i32 {
      %add3A_333 = arith.constant 16800 : i32
      %add3A_334 = arith.addi %add3A_333, %scan3A_331 : i32
      %add3A_335 = vector.broadcast %add3A_334 : i32 to vector<16xi32>
      %add3A_336 = arith.addi %mul3A_13, %add3A_335 : vector<16xi32>
      %gather3A = tpu.vector_load_idx %arg7[%add3A_336] : memref<25600xi32, #tpu.memory_space<vmem>>[vector<16xi32>], vector<16xi32>,
      %gather3A_337 = tpu.vector_load_idx %arg8[%gather3A] : memref<100352xf32, #tpu.memory_space<vmem>>[vector<16xi32>], vector<16xf32>,
      %add3A_338 = arith.addf %scan3A_332, %gather3A_337 : vector<16xf32>
      %scan3A_339 = arith.constant 1 : i32
      %scan3A_340 = arith.addi %scan3A_331, %scan3A_339 : i32
      %add3A_341 = arith.constant 16800 : i32
      %add3A_342 = arith.addi %add3A_341, %scan3A_340 : i32
      %add3A_343 = vector.broadcast %add3A_342 : i32 to vector<16xi32>
      %add3A_344 = arith.addi %mul3A_13, %add3A_343 : vector<16xi32>
      %gather3A_345 = tpu.vector_load_idx %arg7[%add3A_344] : memref<25600xi32, #tpu.memory_space<vmem>>[vector<16xi32>], vector<16xi32>,
      %gather3A_346 = tpu.vector_load_idx %arg8[%gather3A_345] : memref<100352xf32, #tpu.memory_space<vmem>>[vector<16xi32>], vector<16xf32>,
      %add3A_347 = arith.addf %add3A_338, %gather3A_346 : vector<16xf32>
      %scan3A_348 = arith.constant 2 : i32
      %scan3A_349 = arith.addi %scan3A_331, %scan3A_348 : i32
      %add3A_350 = arith.constant 16800 : i32
      %add3A_351 = arith.addi %add3A_350, %scan3A_349 : i32
      %add3A_352 = vector.broadcast %add3A_351 : i32 to vector<16xi32>
      %add3A_353 = arith.addi %mul3A_13, %add3A_352 : vector<16xi32>
      %gather3A_354 = tpu.vector_load_idx %arg7[%add3A_353] : memref<25600xi32, #tpu.memory_space<vmem>>[vector<16xi32>], vector<16xi32>,
      %gather3A_355 = tpu.vector_load_idx %arg8[%gather3A_354] : memref<100352xf32, #tpu.memory_space<vmem>>[vector<16xi32>], vector<16xf32>,
      %add3A_356 = arith.addf %add3A_347, %gather3A_355 : vector<16xf32>
      %scan3A_357 = arith.constant 3 : i32
      %scan3A_358 = arith.addi %scan3A_331, %scan3A_357 : i32
      %add3A_359 = arith.constant 16800 : i32
      %add3A_360 = arith.addi %add3A_359, %scan3A_358 : i32
      %add3A_361 = vector.broadcast %add3A_360 : i32 to vector<16xi32>
      %add3A_362 = arith.addi %mul3A_13, %add3A_361 : vector<16xi32>
      %gather3A_363 = tpu.vector_load_idx %arg7[%add3A_362] : memref<25600xi32, #tpu.memory_space<vmem>>[vector<16xi32>], vector<16xi32>,
      %gather3A_364 = tpu.vector_load_idx %arg8[%gather3A_363] : memref<100352xf32, #tpu.memory_space<vmem>>[vector<16xi32>], vector<16xf32>,
      %add3A_365 = arith.addf %add3A_356, %gather3A_364 : vector<16xf32>
      %scan3A_366 = arith.constant 4 : i32
      %scan3A_367 = arith.addi %scan3A_331, %scan3A_366 : i32
      %add3A_368 = arith.constant 16800 : i32
      %add3A_369 = arith.addi %add3A_368, %scan3A_367 : i32
      %add3A_370 = vector.broadcast %add3A_369 : i32 to vector<16xi32>
      %add3A_371 = arith.addi %mul3A_13, %add3A_370 : vector<16xi32>
      %gather3A_372 = tpu.vector_load_idx %arg7[%add3A_371] : memref<25600xi32, #tpu.memory_space<vmem>>[vector<16xi32>], vector<16xi32>,
      %gather3A_373 = tpu.vector_load_idx %arg8[%gather3A_372] : memref<100352xf32, #tpu.memory_space<vmem>>[vector<16xi32>], vector<16xf32>,
      %add3A_374 = arith.addf %add3A_365, %gather3A_373 : vector<16xf32>
      %scan3A_375 = arith.constant 5 : i32
      %scan3A_376 = arith.addi %scan3A_331, %scan3A_375 : i32
      %add3A_377 = arith.constant 16800 : i32
      %add3A_378 = arith.addi %add3A_377, %scan3A_376 : i32
      %add3A_379 = vector.broadcast %add3A_378 : i32 to vector<16xi32>
      %add3A_380 = arith.addi %mul3A_13, %add3A_379 : vector<16xi32>
      %gather3A_381 = tpu.vector_load_idx %arg7[%add3A_380] : memref<25600xi32, #tpu.memory_space<vmem>>[vector<16xi32>], vector<16xi32>,
      %gather3A_382 = tpu.vector_load_idx %arg8[%gather3A_381] : memref<100352xf32, #tpu.memory_space<vmem>>[vector<16xi32>], vector<16xf32>,
      %add3A_383 = arith.addf %add3A_374, %gather3A_382 : vector<16xf32>
      %scan3A_384 = arith.constant 6 : i32
      %scan3A_385 = arith.addi %scan3A_331, %scan3A_384 : i32
      %add3A_386 = arith.constant 16800 : i32
      %add3A_387 = arith.addi %add3A_386, %scan3A_385 : i32
      %add3A_388 = vector.broadcast %add3A_387 : i32 to vector<16xi32>
      %add3A_389 = arith.addi %mul3A_13, %add3A_388 : vector<16xi32>
      %gather3A_390 = tpu.vector_load_idx %arg7[%add3A_389] : memref<25600xi32, #tpu.memory_space<vmem>>[vector<16xi32>], vector<16xi32>,
      %gather3A_391 = tpu.vector_load_idx %arg8[%gather3A_390] : memref<100352xf32, #tpu.memory_space<vmem>>[vector<16xi32>], vector<16xf32>,
      %add3A_392 = arith.addf %add3A_383, %gather3A_391 : vector<16xf32>
      %scan3A_393 = arith.constant 7 : i32
      %scan3A_394 = arith.addi %scan3A_331, %scan3A_393 : i32
      %add3A_395 = arith.constant 16800 : i32
      %add3A_396 = arith.addi %add3A_395, %scan3A_394 : i32
      %add3A_397 = vector.broadcast %add3A_396 : i32 to vector<16xi32>
      %add3A_398 = arith.addi %mul3A_13, %add3A_397 : vector<16xi32>
      %gather3A_399 = tpu.vector_load_idx %arg7[%add3A_398] : memref<25600xi32, #tpu.memory_space<vmem>>[vector<16xi32>], vector<16xi32>,
      %gather3A_400 = tpu.vector_load_idx %arg8[%gather3A_399] : memref<100352xf32, #tpu.memory_space<vmem>>[vector<16xi32>], vector<16xf32>,
      %add3A_401 = arith.addf %add3A_392, %gather3A_400 : vector<16xf32>
      %scan3A_402 = arith.constant 8 : i32
      %scan3A_403 = arith.addi %scan3A_331, %scan3A_402 : i32
      %add3A_404 = arith.constant 16800 : i32
      %add3A_405 = arith.addi %add3A_404, %scan3A_403 : i32
      %add3A_406 = vector.broadcast %add3A_405 : i32 to vector<16xi32>
      %add3A_407 = arith.addi %mul3A_13, %add3A_406 : vector<16xi32>
      %gather3A_408 = tpu.vector_load_idx %arg7[%add3A_407] : memref<25600xi32, #tpu.memory_space<vmem>>[vector<16xi32>], vector<16xi32>,
      %gather3A_409 = tpu.vector_load_idx %arg8[%gather3A_408] : memref<100352xf32, #tpu.memory_space<vmem>>[vector<16xi32>], vector<16xf32>,
      %add3A_410 = arith.addf %add3A_401, %gather3A_409 : vector<16xf32>
      %scan3A_411 = arith.constant 9 : i32
      %scan3A_412 = arith.addi %scan3A_331, %scan3A_411 : i32
      %add3A_413 = arith.constant 16800 : i32
      %add3A_414 = arith.addi %add3A_413, %scan3A_412 : i32
      %add3A_415 = vector.broadcast %add3A_414 : i32 to vector<16xi32>
      %add3A_416 = arith.addi %mul3A_13, %add3A_415 : vector<16xi32>
      %gather3A_417 = tpu.vector_load_idx %arg7[%add3A_416] : memref<25600xi32, #tpu.memory_space<vmem>>[vector<16xi32>], vector<16xi32>,
      %gather3A_418 = tpu.vector_load_idx %arg8[%gather3A_417] : memref<100352xf32, #tpu.memory_space<vmem>>[vector<16xi32>], vector<16xf32>,
      %add3A_419 = arith.addf %add3A_410, %gather3A_418 : vector<16xf32>
      scf.yield %add3A_419 : vector<16xf32>
    }
    %scan3A_228 = arith.constant 50 : i32
    %swap3A_229 = arith.constant 336 : index
    %swap3A_230 = tpu.vector_load %arg11[%swap3A_229] {strides = array<i32>} : memref<512xf32, #tpu.memory_space<vmem>>, vector<16xf32>,
    tpu.vector_store %arg11[%swap3A_229], %scan3A_227 {strides = array<i32>} : memref<512xf32, #tpu.memory_space<vmem>>, vector<16xf32>,
    %get3A_231 = arith.constant 352 : index
    %get3A_232 = tpu.vector_load %arg10[%get3A_231] {strides = array<i32>} : memref<512xf32, #tpu.memory_space<vmem>>, vector<16xf32>,
    %scan3A_233 = arith.constant 0 : i32
    %scan3A_234 = arith.constant 50 : i32
    %scan3A_235 = arith.addi %scan3A_233, %scan3A_234 : i32
    %scan3A_236 = arith.constant 10 : i32
    %scan3A_237 = scf.for %scan3A_331 = %scan3A_233 to %scan3A_235 step %scan3A_236 iter_args(%scan3A_332 = %get3A_232) -> (vector<16xf32>)  : i32 {
      %add3A_333 = arith.constant 17600 : i32
      %add3A_334 = arith.addi %add3A_333, %scan3A_331 : i32
      %add3A_335 = vector.broadcast %add3A_334 : i32 to vector<16xi32>
      %add3A_336 = arith.addi %mul3A_13, %add3A_335 : vector<16xi32>
      %gather3A = tpu.vector_load_idx %arg7[%add3A_336] : memref<25600xi32, #tpu.memory_space<vmem>>[vector<16xi32>], vector<16xi32>,
      %gather3A_337 = tpu.vector_load_idx %arg8[%gather3A] : memref<100352xf32, #tpu.memory_space<vmem>>[vector<16xi32>], vector<16xf32>,
      %add3A_338 = arith.addf %scan3A_332, %gather3A_337 : vector<16xf32>
      %scan3A_339 = arith.constant 1 : i32
      %scan3A_340 = arith.addi %scan3A_331, %scan3A_339 : i32
      %add3A_341 = arith.constant 17600 : i32
      %add3A_342 = arith.addi %add3A_341, %scan3A_340 : i32
      %add3A_343 = vector.broadcast %add3A_342 : i32 to vector<16xi32>
      %add3A_344 = arith.addi %mul3A_13, %add3A_343 : vector<16xi32>
      %gather3A_345 = tpu.vector_load_idx %arg7[%add3A_344] : memref<25600xi32, #tpu.memory_space<vmem>>[vector<16xi32>], vector<16xi32>,
      %gather3A_346 = tpu.vector_load_idx %arg8[%gather3A_345] : memref<100352xf32, #tpu.memory_space<vmem>>[vector<16xi32>], vector<16xf32>,
      %add3A_347 = arith.addf %add3A_338, %gather3A_346 : vector<16xf32>
      %scan3A_348 = arith.constant 2 : i32
      %scan3A_349 = arith.addi %scan3A_331, %scan3A_348 : i32
      %add3A_350 = arith.constant 17600 : i32
      %add3A_351 = arith.addi %add3A_350, %scan3A_349 : i32
      %add3A_352 = vector.broadcast %add3A_351 : i32 to vector<16xi32>
      %add3A_353 = arith.addi %mul3A_13, %add3A_352 : vector<16xi32>
      %gather3A_354 = tpu.vector_load_idx %arg7[%add3A_353] : memref<25600xi32, #tpu.memory_space<vmem>>[vector<16xi32>], vector<16xi32>,
      %gather3A_355 = tpu.vector_load_idx %arg8[%gather3A_354] : memref<100352xf32, #tpu.memory_space<vmem>>[vector<16xi32>], vector<16xf32>,
      %add3A_356 = arith.addf %add3A_347, %gather3A_355 : vector<16xf32>
      %scan3A_357 = arith.constant 3 : i32
      %scan3A_358 = arith.addi %scan3A_331, %scan3A_357 : i32
      %add3A_359 = arith.constant 17600 : i32
      %add3A_360 = arith.addi %add3A_359, %scan3A_358 : i32
      %add3A_361 = vector.broadcast %add3A_360 : i32 to vector<16xi32>
      %add3A_362 = arith.addi %mul3A_13, %add3A_361 : vector<16xi32>
      %gather3A_363 = tpu.vector_load_idx %arg7[%add3A_362] : memref<25600xi32, #tpu.memory_space<vmem>>[vector<16xi32>], vector<16xi32>,
      %gather3A_364 = tpu.vector_load_idx %arg8[%gather3A_363] : memref<100352xf32, #tpu.memory_space<vmem>>[vector<16xi32>], vector<16xf32>,
      %add3A_365 = arith.addf %add3A_356, %gather3A_364 : vector<16xf32>
      %scan3A_366 = arith.constant 4 : i32
      %scan3A_367 = arith.addi %scan3A_331, %scan3A_366 : i32
      %add3A_368 = arith.constant 17600 : i32
      %add3A_369 = arith.addi %add3A_368, %scan3A_367 : i32
      %add3A_370 = vector.broadcast %add3A_369 : i32 to vector<16xi32>
      %add3A_371 = arith.addi %mul3A_13, %add3A_370 : vector<16xi32>
      %gather3A_372 = tpu.vector_load_idx %arg7[%add3A_371] : memref<25600xi32, #tpu.memory_space<vmem>>[vector<16xi32>], vector<16xi32>,
      %gather3A_373 = tpu.vector_load_idx %arg8[%gather3A_372] : memref<100352xf32, #tpu.memory_space<vmem>>[vector<16xi32>], vector<16xf32>,
      %add3A_374 = arith.addf %add3A_365, %gather3A_373 : vector<16xf32>
      %scan3A_375 = arith.constant 5 : i32
      %scan3A_376 = arith.addi %scan3A_331, %scan3A_375 : i32
      %add3A_377 = arith.constant 17600 : i32
      %add3A_378 = arith.addi %add3A_377, %scan3A_376 : i32
      %add3A_379 = vector.broadcast %add3A_378 : i32 to vector<16xi32>
      %add3A_380 = arith.addi %mul3A_13, %add3A_379 : vector<16xi32>
      %gather3A_381 = tpu.vector_load_idx %arg7[%add3A_380] : memref<25600xi32, #tpu.memory_space<vmem>>[vector<16xi32>], vector<16xi32>,
      %gather3A_382 = tpu.vector_load_idx %arg8[%gather3A_381] : memref<100352xf32, #tpu.memory_space<vmem>>[vector<16xi32>], vector<16xf32>,
      %add3A_383 = arith.addf %add3A_374, %gather3A_382 : vector<16xf32>
      %scan3A_384 = arith.constant 6 : i32
      %scan3A_385 = arith.addi %scan3A_331, %scan3A_384 : i32
      %add3A_386 = arith.constant 17600 : i32
      %add3A_387 = arith.addi %add3A_386, %scan3A_385 : i32
      %add3A_388 = vector.broadcast %add3A_387 : i32 to vector<16xi32>
      %add3A_389 = arith.addi %mul3A_13, %add3A_388 : vector<16xi32>
      %gather3A_390 = tpu.vector_load_idx %arg7[%add3A_389] : memref<25600xi32, #tpu.memory_space<vmem>>[vector<16xi32>], vector<16xi32>,
      %gather3A_391 = tpu.vector_load_idx %arg8[%gather3A_390] : memref<100352xf32, #tpu.memory_space<vmem>>[vector<16xi32>], vector<16xf32>,
      %add3A_392 = arith.addf %add3A_383, %gather3A_391 : vector<16xf32>
      %scan3A_393 = arith.constant 7 : i32
      %scan3A_394 = arith.addi %scan3A_331, %scan3A_393 : i32
      %add3A_395 = arith.constant 17600 : i32
      %add3A_396 = arith.addi %add3A_395, %scan3A_394 : i32
      %add3A_397 = vector.broadcast %add3A_396 : i32 to vector<16xi32>
      %add3A_398 = arith.addi %mul3A_13, %add3A_397 : vector<16xi32>
      %gather3A_399 = tpu.vector_load_idx %arg7[%add3A_398] : memref<25600xi32, #tpu.memory_space<vmem>>[vector<16xi32>], vector<16xi32>,
      %gather3A_400 = tpu.vector_load_idx %arg8[%gather3A_399] : memref<100352xf32, #tpu.memory_space<vmem>>[vector<16xi32>], vector<16xf32>,
      %add3A_401 = arith.addf %add3A_392, %gather3A_400 : vector<16xf32>
      %scan3A_402 = arith.constant 8 : i32
      %scan3A_403 = arith.addi %scan3A_331, %scan3A_402 : i32
      %add3A_404 = arith.constant 17600 : i32
      %add3A_405 = arith.addi %add3A_404, %scan3A_403 : i32
      %add3A_406 = vector.broadcast %add3A_405 : i32 to vector<16xi32>
      %add3A_407 = arith.addi %mul3A_13, %add3A_406 : vector<16xi32>
      %gather3A_408 = tpu.vector_load_idx %arg7[%add3A_407] : memref<25600xi32, #tpu.memory_space<vmem>>[vector<16xi32>], vector<16xi32>,
      %gather3A_409 = tpu.vector_load_idx %arg8[%gather3A_408] : memref<100352xf32, #tpu.memory_space<vmem>>[vector<16xi32>], vector<16xf32>,
      %add3A_410 = arith.addf %add3A_401, %gather3A_409 : vector<16xf32>
      %scan3A_411 = arith.constant 9 : i32
      %scan3A_412 = arith.addi %scan3A_331, %scan3A_411 : i32
      %add3A_413 = arith.constant 17600 : i32
      %add3A_414 = arith.addi %add3A_413, %scan3A_412 : i32
      %add3A_415 = vector.broadcast %add3A_414 : i32 to vector<16xi32>
      %add3A_416 = arith.addi %mul3A_13, %add3A_415 : vector<16xi32>
      %gather3A_417 = tpu.vector_load_idx %arg7[%add3A_416] : memref<25600xi32, #tpu.memory_space<vmem>>[vector<16xi32>], vector<16xi32>,
      %gather3A_418 = tpu.vector_load_idx %arg8[%gather3A_417] : memref<100352xf32, #tpu.memory_space<vmem>>[vector<16xi32>], vector<16xf32>,
      %add3A_419 = arith.addf %add3A_410, %gather3A_418 : vector<16xf32>
      scf.yield %add3A_419 : vector<16xf32>
    }
    %scan3A_238 = arith.constant 50 : i32
    %swap3A_239 = arith.constant 352 : index
    %swap3A_240 = tpu.vector_load %arg11[%swap3A_239] {strides = array<i32>} : memref<512xf32, #tpu.memory_space<vmem>>, vector<16xf32>,
    tpu.vector_store %arg11[%swap3A_239], %scan3A_237 {strides = array<i32>} : memref<512xf32, #tpu.memory_space<vmem>>, vector<16xf32>,
    %get3A_241 = arith.constant 368 : index
    %get3A_242 = tpu.vector_load %arg10[%get3A_241] {strides = array<i32>} : memref<512xf32, #tpu.memory_space<vmem>>, vector<16xf32>,
    %scan3A_243 = arith.constant 0 : i32
    %scan3A_244 = arith.constant 50 : i32
    %scan3A_245 = arith.addi %scan3A_243, %scan3A_244 : i32
    %scan3A_246 = arith.constant 10 : i32
    %scan3A_247 = scf.for %scan3A_331 = %scan3A_243 to %scan3A_245 step %scan3A_246 iter_args(%scan3A_332 = %get3A_242) -> (vector<16xf32>)  : i32 {
      %add3A_333 = arith.constant 18400 : i32
      %add3A_334 = arith.addi %add3A_333, %scan3A_331 : i32
      %add3A_335 = vector.broadcast %add3A_334 : i32 to vector<16xi32>
      %add3A_336 = arith.addi %mul3A_13, %add3A_335 : vector<16xi32>
      %gather3A = tpu.vector_load_idx %arg7[%add3A_336] : memref<25600xi32, #tpu.memory_space<vmem>>[vector<16xi32>], vector<16xi32>,
      %gather3A_337 = tpu.vector_load_idx %arg8[%gather3A] : memref<100352xf32, #tpu.memory_space<vmem>>[vector<16xi32>], vector<16xf32>,
      %add3A_338 = arith.addf %scan3A_332, %gather3A_337 : vector<16xf32>
      %scan3A_339 = arith.constant 1 : i32
      %scan3A_340 = arith.addi %scan3A_331, %scan3A_339 : i32
      %add3A_341 = arith.constant 18400 : i32
      %add3A_342 = arith.addi %add3A_341, %scan3A_340 : i32
      %add3A_343 = vector.broadcast %add3A_342 : i32 to vector<16xi32>
      %add3A_344 = arith.addi %mul3A_13, %add3A_343 : vector<16xi32>
      %gather3A_345 = tpu.vector_load_idx %arg7[%add3A_344] : memref<25600xi32, #tpu.memory_space<vmem>>[vector<16xi32>], vector<16xi32>,
      %gather3A_346 = tpu.vector_load_idx %arg8[%gather3A_345] : memref<100352xf32, #tpu.memory_space<vmem>>[vector<16xi32>], vector<16xf32>,
      %add3A_347 = arith.addf %add3A_338, %gather3A_346 : vector<16xf32>
      %scan3A_348 = arith.constant 2 : i32
      %scan3A_349 = arith.addi %scan3A_331, %scan3A_348 : i32
      %add3A_350 = arith.constant 18400 : i32
      %add3A_351 = arith.addi %add3A_350, %scan3A_349 : i32
      %add3A_352 = vector.broadcast %add3A_351 : i32 to vector<16xi32>
      %add3A_353 = arith.addi %mul3A_13, %add3A_352 : vector<16xi32>
      %gather3A_354 = tpu.vector_load_idx %arg7[%add3A_353] : memref<25600xi32, #tpu.memory_space<vmem>>[vector<16xi32>], vector<16xi32>,
      %gather3A_355 = tpu.vector_load_idx %arg8[%gather3A_354] : memref<100352xf32, #tpu.memory_space<vmem>>[vector<16xi32>], vector<16xf32>,
      %add3A_356 = arith.addf %add3A_347, %gather3A_355 : vector<16xf32>
      %scan3A_357 = arith.constant 3 : i32
      %scan3A_358 = arith.addi %scan3A_331, %scan3A_357 : i32
      %add3A_359 = arith.constant 18400 : i32
      %add3A_360 = arith.addi %add3A_359, %scan3A_358 : i32
      %add3A_361 = vector.broadcast %add3A_360 : i32 to vector<16xi32>
      %add3A_362 = arith.addi %mul3A_13, %add3A_361 : vector<16xi32>
      %gather3A_363 = tpu.vector_load_idx %arg7[%add3A_362] : memref<25600xi32, #tpu.memory_space<vmem>>[vector<16xi32>], vector<16xi32>,
      %gather3A_364 = tpu.vector_load_idx %arg8[%gather3A_363] : memref<100352xf32, #tpu.memory_space<vmem>>[vector<16xi32>], vector<16xf32>,
      %add3A_365 = arith.addf %add3A_356, %gather3A_364 : vector<16xf32>
      %scan3A_366 = arith.constant 4 : i32
      %scan3A_367 = arith.addi %scan3A_331, %scan3A_366 : i32
      %add3A_368 = arith.constant 18400 : i32
      %add3A_369 = arith.addi %add3A_368, %scan3A_367 : i32
      %add3A_370 = vector.broadcast %add3A_369 : i32 to vector<16xi32>
      %add3A_371 = arith.addi %mul3A_13, %add3A_370 : vector<16xi32>
      %gather3A_372 = tpu.vector_load_idx %arg7[%add3A_371] : memref<25600xi32, #tpu.memory_space<vmem>>[vector<16xi32>], vector<16xi32>,
      %gather3A_373 = tpu.vector_load_idx %arg8[%gather3A_372] : memref<100352xf32, #tpu.memory_space<vmem>>[vector<16xi32>], vector<16xf32>,
      %add3A_374 = arith.addf %add3A_365, %gather3A_373 : vector<16xf32>
      %scan3A_375 = arith.constant 5 : i32
      %scan3A_376 = arith.addi %scan3A_331, %scan3A_375 : i32
      %add3A_377 = arith.constant 18400 : i32
      %add3A_378 = arith.addi %add3A_377, %scan3A_376 : i32
      %add3A_379 = vector.broadcast %add3A_378 : i32 to vector<16xi32>
      %add3A_380 = arith.addi %mul3A_13, %add3A_379 : vector<16xi32>
      %gather3A_381 = tpu.vector_load_idx %arg7[%add3A_380] : memref<25600xi32, #tpu.memory_space<vmem>>[vector<16xi32>], vector<16xi32>,
      %gather3A_382 = tpu.vector_load_idx %arg8[%gather3A_381] : memref<100352xf32, #tpu.memory_space<vmem>>[vector<16xi32>], vector<16xf32>,
      %add3A_383 = arith.addf %add3A_374, %gather3A_382 : vector<16xf32>
      %scan3A_384 = arith.constant 6 : i32
      %scan3A_385 = arith.addi %scan3A_331, %scan3A_384 : i32
      %add3A_386 = arith.constant 18400 : i32
      %add3A_387 = arith.addi %add3A_386, %scan3A_385 : i32
      %add3A_388 = vector.broadcast %add3A_387 : i32 to vector<16xi32>
      %add3A_389 = arith.addi %mul3A_13, %add3A_388 : vector<16xi32>
      %gather3A_390 = tpu.vector_load_idx %arg7[%add3A_389] : memref<25600xi32, #tpu.memory_space<vmem>>[vector<16xi32>], vector<16xi32>,
      %gather3A_391 = tpu.vector_load_idx %arg8[%gather3A_390] : memref<100352xf32, #tpu.memory_space<vmem>>[vector<16xi32>], vector<16xf32>,
      %add3A_392 = arith.addf %add3A_383, %gather3A_391 : vector<16xf32>
      %scan3A_393 = arith.constant 7 : i32
      %scan3A_394 = arith.addi %scan3A_331, %scan3A_393 : i32
      %add3A_395 = arith.constant 18400 : i32
      %add3A_396 = arith.addi %add3A_395, %scan3A_394 : i32
      %add3A_397 = vector.broadcast %add3A_396 : i32 to vector<16xi32>
      %add3A_398 = arith.addi %mul3A_13, %add3A_397 : vector<16xi32>
      %gather3A_399 = tpu.vector_load_idx %arg7[%add3A_398] : memref<25600xi32, #tpu.memory_space<vmem>>[vector<16xi32>], vector<16xi32>,
      %gather3A_400 = tpu.vector_load_idx %arg8[%gather3A_399] : memref<100352xf32, #tpu.memory_space<vmem>>[vector<16xi32>], vector<16xf32>,
      %add3A_401 = arith.addf %add3A_392, %gather3A_400 : vector<16xf32>
      %scan3A_402 = arith.constant 8 : i32
      %scan3A_403 = arith.addi %scan3A_331, %scan3A_402 : i32
      %add3A_404 = arith.constant 18400 : i32
      %add3A_405 = arith.addi %add3A_404, %scan3A_403 : i32
      %add3A_406 = vector.broadcast %add3A_405 : i32 to vector<16xi32>
      %add3A_407 = arith.addi %mul3A_13, %add3A_406 : vector<16xi32>
      %gather3A_408 = tpu.vector_load_idx %arg7[%add3A_407] : memref<25600xi32, #tpu.memory_space<vmem>>[vector<16xi32>], vector<16xi32>,
      %gather3A_409 = tpu.vector_load_idx %arg8[%gather3A_408] : memref<100352xf32, #tpu.memory_space<vmem>>[vector<16xi32>], vector<16xf32>,
      %add3A_410 = arith.addf %add3A_401, %gather3A_409 : vector<16xf32>
      %scan3A_411 = arith.constant 9 : i32
      %scan3A_412 = arith.addi %scan3A_331, %scan3A_411 : i32
      %add3A_413 = arith.constant 18400 : i32
      %add3A_414 = arith.addi %add3A_413, %scan3A_412 : i32
      %add3A_415 = vector.broadcast %add3A_414 : i32 to vector<16xi32>
      %add3A_416 = arith.addi %mul3A_13, %add3A_415 : vector<16xi32>
      %gather3A_417 = tpu.vector_load_idx %arg7[%add3A_416] : memref<25600xi32, #tpu.memory_space<vmem>>[vector<16xi32>], vector<16xi32>,
      %gather3A_418 = tpu.vector_load_idx %arg8[%gather3A_417] : memref<100352xf32, #tpu.memory_space<vmem>>[vector<16xi32>], vector<16xf32>,
      %add3A_419 = arith.addf %add3A_410, %gather3A_418 : vector<16xf32>
      scf.yield %add3A_419 : vector<16xf32>
    }
    %scan3A_248 = arith.constant 50 : i32
    %swap3A_249 = arith.constant 368 : index
    %swap3A_250 = tpu.vector_load %arg11[%swap3A_249] {strides = array<i32>} : memref<512xf32, #tpu.memory_space<vmem>>, vector<16xf32>,
    tpu.vector_store %arg11[%swap3A_249], %scan3A_247 {strides = array<i32>} : memref<512xf32, #tpu.memory_space<vmem>>, vector<16xf32>,
    %get3A_251 = arith.constant 384 : index
    %get3A_252 = tpu.vector_load %arg10[%get3A_251] {strides = array<i32>} : memref<512xf32, #tpu.memory_space<vmem>>, vector<16xf32>,
    %scan3A_253 = arith.constant 0 : i32
    %scan3A_254 = arith.constant 50 : i32
    %scan3A_255 = arith.addi %scan3A_253, %scan3A_254 : i32
    %scan3A_256 = arith.constant 10 : i32
    %scan3A_257 = scf.for %scan3A_331 = %scan3A_253 to %scan3A_255 step %scan3A_256 iter_args(%scan3A_332 = %get3A_252) -> (vector<16xf32>)  : i32 {
      %add3A_333 = arith.constant 19200 : i32
      %add3A_334 = arith.addi %add3A_333, %scan3A_331 : i32
      %add3A_335 = vector.broadcast %add3A_334 : i32 to vector<16xi32>
      %add3A_336 = arith.addi %mul3A_13, %add3A_335 : vector<16xi32>
      %gather3A = tpu.vector_load_idx %arg7[%add3A_336] : memref<25600xi32, #tpu.memory_space<vmem>>[vector<16xi32>], vector<16xi32>,
      %gather3A_337 = tpu.vector_load_idx %arg8[%gather3A] : memref<100352xf32, #tpu.memory_space<vmem>>[vector<16xi32>], vector<16xf32>,
      %add3A_338 = arith.addf %scan3A_332, %gather3A_337 : vector<16xf32>
      %scan3A_339 = arith.constant 1 : i32
      %scan3A_340 = arith.addi %scan3A_331, %scan3A_339 : i32
      %add3A_341 = arith.constant 19200 : i32
      %add3A_342 = arith.addi %add3A_341, %scan3A_340 : i32
      %add3A_343 = vector.broadcast %add3A_342 : i32 to vector<16xi32>
      %add3A_344 = arith.addi %mul3A_13, %add3A_343 : vector<16xi32>
      %gather3A_345 = tpu.vector_load_idx %arg7[%add3A_344] : memref<25600xi32, #tpu.memory_space<vmem>>[vector<16xi32>], vector<16xi32>,
      %gather3A_346 = tpu.vector_load_idx %arg8[%gather3A_345] : memref<100352xf32, #tpu.memory_space<vmem>>[vector<16xi32>], vector<16xf32>,
      %add3A_347 = arith.addf %add3A_338, %gather3A_346 : vector<16xf32>
      %scan3A_348 = arith.constant 2 : i32
      %scan3A_349 = arith.addi %scan3A_331, %scan3A_348 : i32
      %add3A_350 = arith.constant 19200 : i32
      %add3A_351 = arith.addi %add3A_350, %scan3A_349 : i32
      %add3A_352 = vector.broadcast %add3A_351 : i32 to vector<16xi32>
      %add3A_353 = arith.addi %mul3A_13, %add3A_352 : vector<16xi32>
      %gather3A_354 = tpu.vector_load_idx %arg7[%add3A_353] : memref<25600xi32, #tpu.memory_space<vmem>>[vector<16xi32>], vector<16xi32>,
      %gather3A_355 = tpu.vector_load_idx %arg8[%gather3A_354] : memref<100352xf32, #tpu.memory_space<vmem>>[vector<16xi32>], vector<16xf32>,
      %add3A_356 = arith.addf %add3A_347, %gather3A_355 : vector<16xf32>
      %scan3A_357 = arith.constant 3 : i32
      %scan3A_358 = arith.addi %scan3A_331, %scan3A_357 : i32
      %add3A_359 = arith.constant 19200 : i32
      %add3A_360 = arith.addi %add3A_359, %scan3A_358 : i32
      %add3A_361 = vector.broadcast %add3A_360 : i32 to vector<16xi32>
      %add3A_362 = arith.addi %mul3A_13, %add3A_361 : vector<16xi32>
      %gather3A_363 = tpu.vector_load_idx %arg7[%add3A_362] : memref<25600xi32, #tpu.memory_space<vmem>>[vector<16xi32>], vector<16xi32>,
      %gather3A_364 = tpu.vector_load_idx %arg8[%gather3A_363] : memref<100352xf32, #tpu.memory_space<vmem>>[vector<16xi32>], vector<16xf32>,
      %add3A_365 = arith.addf %add3A_356, %gather3A_364 : vector<16xf32>
      %scan3A_366 = arith.constant 4 : i32
      %scan3A_367 = arith.addi %scan3A_331, %scan3A_366 : i32
      %add3A_368 = arith.constant 19200 : i32
      %add3A_369 = arith.addi %add3A_368, %scan3A_367 : i32
      %add3A_370 = vector.broadcast %add3A_369 : i32 to vector<16xi32>
      %add3A_371 = arith.addi %mul3A_13, %add3A_370 : vector<16xi32>
      %gather3A_372 = tpu.vector_load_idx %arg7[%add3A_371] : memref<25600xi32, #tpu.memory_space<vmem>>[vector<16xi32>], vector<16xi32>,
      %gather3A_373 = tpu.vector_load_idx %arg8[%gather3A_372] : memref<100352xf32, #tpu.memory_space<vmem>>[vector<16xi32>], vector<16xf32>,
      %add3A_374 = arith.addf %add3A_365, %gather3A_373 : vector<16xf32>
      %scan3A_375 = arith.constant 5 : i32
      %scan3A_376 = arith.addi %scan3A_331, %scan3A_375 : i32
      %add3A_377 = arith.constant 19200 : i32
      %add3A_378 = arith.addi %add3A_377, %scan3A_376 : i32
      %add3A_379 = vector.broadcast %add3A_378 : i32 to vector<16xi32>
      %add3A_380 = arith.addi %mul3A_13, %add3A_379 : vector<16xi32>
      %gather3A_381 = tpu.vector_load_idx %arg7[%add3A_380] : memref<25600xi32, #tpu.memory_space<vmem>>[vector<16xi32>], vector<16xi32>,
      %gather3A_382 = tpu.vector_load_idx %arg8[%gather3A_381] : memref<100352xf32, #tpu.memory_space<vmem>>[vector<16xi32>], vector<16xf32>,
      %add3A_383 = arith.addf %add3A_374, %gather3A_382 : vector<16xf32>
      %scan3A_384 = arith.constant 6 : i32
      %scan3A_385 = arith.addi %scan3A_331, %scan3A_384 : i32
      %add3A_386 = arith.constant 19200 : i32
      %add3A_387 = arith.addi %add3A_386, %scan3A_385 : i32
      %add3A_388 = vector.broadcast %add3A_387 : i32 to vector<16xi32>
      %add3A_389 = arith.addi %mul3A_13, %add3A_388 : vector<16xi32>
      %gather3A_390 = tpu.vector_load_idx %arg7[%add3A_389] : memref<25600xi32, #tpu.memory_space<vmem>>[vector<16xi32>], vector<16xi32>,
      %gather3A_391 = tpu.vector_load_idx %arg8[%gather3A_390] : memref<100352xf32, #tpu.memory_space<vmem>>[vector<16xi32>], vector<16xf32>,
      %add3A_392 = arith.addf %add3A_383, %gather3A_391 : vector<16xf32>
      %scan3A_393 = arith.constant 7 : i32
      %scan3A_394 = arith.addi %scan3A_331, %scan3A_393 : i32
      %add3A_395 = arith.constant 19200 : i32
      %add3A_396 = arith.addi %add3A_395, %scan3A_394 : i32
      %add3A_397 = vector.broadcast %add3A_396 : i32 to vector<16xi32>
      %add3A_398 = arith.addi %mul3A_13, %add3A_397 : vector<16xi32>
      %gather3A_399 = tpu.vector_load_idx %arg7[%add3A_398] : memref<25600xi32, #tpu.memory_space<vmem>>[vector<16xi32>], vector<16xi32>,
      %gather3A_400 = tpu.vector_load_idx %arg8[%gather3A_399] : memref<100352xf32, #tpu.memory_space<vmem>>[vector<16xi32>], vector<16xf32>,
      %add3A_401 = arith.addf %add3A_392, %gather3A_400 : vector<16xf32>
      %scan3A_402 = arith.constant 8 : i32
      %scan3A_403 = arith.addi %scan3A_331, %scan3A_402 : i32
      %add3A_404 = arith.constant 19200 : i32
      %add3A_405 = arith.addi %add3A_404, %scan3A_403 : i32
      %add3A_406 = vector.broadcast %add3A_405 : i32 to vector<16xi32>
      %add3A_407 = arith.addi %mul3A_13, %add3A_406 : vector<16xi32>
      %gather3A_408 = tpu.vector_load_idx %arg7[%add3A_407] : memref<25600xi32, #tpu.memory_space<vmem>>[vector<16xi32>], vector<16xi32>,
      %gather3A_409 = tpu.vector_load_idx %arg8[%gather3A_408] : memref<100352xf32, #tpu.memory_space<vmem>>[vector<16xi32>], vector<16xf32>,
      %add3A_410 = arith.addf %add3A_401, %gather3A_409 : vector<16xf32>
      %scan3A_411 = arith.constant 9 : i32
      %scan3A_412 = arith.addi %scan3A_331, %scan3A_411 : i32
      %add3A_413 = arith.constant 19200 : i32
      %add3A_414 = arith.addi %add3A_413, %scan3A_412 : i32
      %add3A_415 = vector.broadcast %add3A_414 : i32 to vector<16xi32>
      %add3A_416 = arith.addi %mul3A_13, %add3A_415 : vector<16xi32>
      %gather3A_417 = tpu.vector_load_idx %arg7[%add3A_416] : memref<25600xi32, #tpu.memory_space<vmem>>[vector<16xi32>], vector<16xi32>,
      %gather3A_418 = tpu.vector_load_idx %arg8[%gather3A_417] : memref<100352xf32, #tpu.memory_space<vmem>>[vector<16xi32>], vector<16xf32>,
      %add3A_419 = arith.addf %add3A_410, %gather3A_418 : vector<16xf32>
      scf.yield %add3A_419 : vector<16xf32>
    }
    %scan3A_258 = arith.constant 50 : i32
    %swap3A_259 = arith.constant 384 : index
    %swap3A_260 = tpu.vector_load %arg11[%swap3A_259] {strides = array<i32>} : memref<512xf32, #tpu.memory_space<vmem>>, vector<16xf32>,
    tpu.vector_store %arg11[%swap3A_259], %scan3A_257 {strides = array<i32>} : memref<512xf32, #tpu.memory_space<vmem>>, vector<16xf32>,
    %get3A_261 = arith.constant 400 : index
    %get3A_262 = tpu.vector_load %arg10[%get3A_261] {strides = array<i32>} : memref<512xf32, #tpu.memory_space<vmem>>, vector<16xf32>,
    %scan3A_263 = arith.constant 0 : i32
    %scan3A_264 = arith.constant 50 : i32
    %scan3A_265 = arith.addi %scan3A_263, %scan3A_264 : i32
    %scan3A_266 = arith.constant 10 : i32
    %scan3A_267 = scf.for %scan3A_331 = %scan3A_263 to %scan3A_265 step %scan3A_266 iter_args(%scan3A_332 = %get3A_262) -> (vector<16xf32>)  : i32 {
      %add3A_333 = arith.constant 20000 : i32
      %add3A_334 = arith.addi %add3A_333, %scan3A_331 : i32
      %add3A_335 = vector.broadcast %add3A_334 : i32 to vector<16xi32>
      %add3A_336 = arith.addi %mul3A_13, %add3A_335 : vector<16xi32>
      %gather3A = tpu.vector_load_idx %arg7[%add3A_336] : memref<25600xi32, #tpu.memory_space<vmem>>[vector<16xi32>], vector<16xi32>,
      %gather3A_337 = tpu.vector_load_idx %arg8[%gather3A] : memref<100352xf32, #tpu.memory_space<vmem>>[vector<16xi32>], vector<16xf32>,
      %add3A_338 = arith.addf %scan3A_332, %gather3A_337 : vector<16xf32>
      %scan3A_339 = arith.constant 1 : i32
      %scan3A_340 = arith.addi %scan3A_331, %scan3A_339 : i32
      %add3A_341 = arith.constant 20000 : i32
      %add3A_342 = arith.addi %add3A_341, %scan3A_340 : i32
      %add3A_343 = vector.broadcast %add3A_342 : i32 to vector<16xi32>
      %add3A_344 = arith.addi %mul3A_13, %add3A_343 : vector<16xi32>
      %gather3A_345 = tpu.vector_load_idx %arg7[%add3A_344] : memref<25600xi32, #tpu.memory_space<vmem>>[vector<16xi32>], vector<16xi32>,
      %gather3A_346 = tpu.vector_load_idx %arg8[%gather3A_345] : memref<100352xf32, #tpu.memory_space<vmem>>[vector<16xi32>], vector<16xf32>,
      %add3A_347 = arith.addf %add3A_338, %gather3A_346 : vector<16xf32>
      %scan3A_348 = arith.constant 2 : i32
      %scan3A_349 = arith.addi %scan3A_331, %scan3A_348 : i32
      %add3A_350 = arith.constant 20000 : i32
      %add3A_351 = arith.addi %add3A_350, %scan3A_349 : i32
      %add3A_352 = vector.broadcast %add3A_351 : i32 to vector<16xi32>
      %add3A_353 = arith.addi %mul3A_13, %add3A_352 : vector<16xi32>
      %gather3A_354 = tpu.vector_load_idx %arg7[%add3A_353] : memref<25600xi32, #tpu.memory_space<vmem>>[vector<16xi32>], vector<16xi32>,
      %gather3A_355 = tpu.vector_load_idx %arg8[%gather3A_354] : memref<100352xf32, #tpu.memory_space<vmem>>[vector<16xi32>], vector<16xf32>,
      %add3A_356 = arith.addf %add3A_347, %gather3A_355 : vector<16xf32>
      %scan3A_357 = arith.constant 3 : i32
      %scan3A_358 = arith.addi %scan3A_331, %scan3A_357 : i32
      %add3A_359 = arith.constant 20000 : i32
      %add3A_360 = arith.addi %add3A_359, %scan3A_358 : i32
      %add3A_361 = vector.broadcast %add3A_360 : i32 to vector<16xi32>
      %add3A_362 = arith.addi %mul3A_13, %add3A_361 : vector<16xi32>
      %gather3A_363 = tpu.vector_load_idx %arg7[%add3A_362] : memref<25600xi32, #tpu.memory_space<vmem>>[vector<16xi32>], vector<16xi32>,
      %gather3A_364 = tpu.vector_load_idx %arg8[%gather3A_363] : memref<100352xf32, #tpu.memory_space<vmem>>[vector<16xi32>], vector<16xf32>,
      %add3A_365 = arith.addf %add3A_356, %gather3A_364 : vector<16xf32>
      %scan3A_366 = arith.constant 4 : i32
      %scan3A_367 = arith.addi %scan3A_331, %scan3A_366 : i32
      %add3A_368 = arith.constant 20000 : i32
      %add3A_369 = arith.addi %add3A_368, %scan3A_367 : i32
      %add3A_370 = vector.broadcast %add3A_369 : i32 to vector<16xi32>
      %add3A_371 = arith.addi %mul3A_13, %add3A_370 : vector<16xi32>
      %gather3A_372 = tpu.vector_load_idx %arg7[%add3A_371] : memref<25600xi32, #tpu.memory_space<vmem>>[vector<16xi32>], vector<16xi32>,
      %gather3A_373 = tpu.vector_load_idx %arg8[%gather3A_372] : memref<100352xf32, #tpu.memory_space<vmem>>[vector<16xi32>], vector<16xf32>,
      %add3A_374 = arith.addf %add3A_365, %gather3A_373 : vector<16xf32>
      %scan3A_375 = arith.constant 5 : i32
      %scan3A_376 = arith.addi %scan3A_331, %scan3A_375 : i32
      %add3A_377 = arith.constant 20000 : i32
      %add3A_378 = arith.addi %add3A_377, %scan3A_376 : i32
      %add3A_379 = vector.broadcast %add3A_378 : i32 to vector<16xi32>
      %add3A_380 = arith.addi %mul3A_13, %add3A_379 : vector<16xi32>
      %gather3A_381 = tpu.vector_load_idx %arg7[%add3A_380] : memref<25600xi32, #tpu.memory_space<vmem>>[vector<16xi32>], vector<16xi32>,
      %gather3A_382 = tpu.vector_load_idx %arg8[%gather3A_381] : memref<100352xf32, #tpu.memory_space<vmem>>[vector<16xi32>], vector<16xf32>,
      %add3A_383 = arith.addf %add3A_374, %gather3A_382 : vector<16xf32>
      %scan3A_384 = arith.constant 6 : i32
      %scan3A_385 = arith.addi %scan3A_331, %scan3A_384 : i32
      %add3A_386 = arith.constant 20000 : i32
      %add3A_387 = arith.addi %add3A_386, %scan3A_385 : i32
      %add3A_388 = vector.broadcast %add3A_387 : i32 to vector<16xi32>
      %add3A_389 = arith.addi %mul3A_13, %add3A_388 : vector<16xi32>
      %gather3A_390 = tpu.vector_load_idx %arg7[%add3A_389] : memref<25600xi32, #tpu.memory_space<vmem>>[vector<16xi32>], vector<16xi32>,
      %gather3A_391 = tpu.vector_load_idx %arg8[%gather3A_390] : memref<100352xf32, #tpu.memory_space<vmem>>[vector<16xi32>], vector<16xf32>,
      %add3A_392 = arith.addf %add3A_383, %gather3A_391 : vector<16xf32>
      %scan3A_393 = arith.constant 7 : i32
      %scan3A_394 = arith.addi %scan3A_331, %scan3A_393 : i32
      %add3A_395 = arith.constant 20000 : i32
      %add3A_396 = arith.addi %add3A_395, %scan3A_394 : i32
      %add3A_397 = vector.broadcast %add3A_396 : i32 to vector<16xi32>
      %add3A_398 = arith.addi %mul3A_13, %add3A_397 : vector<16xi32>
      %gather3A_399 = tpu.vector_load_idx %arg7[%add3A_398] : memref<25600xi32, #tpu.memory_space<vmem>>[vector<16xi32>], vector<16xi32>,
      %gather3A_400 = tpu.vector_load_idx %arg8[%gather3A_399] : memref<100352xf32, #tpu.memory_space<vmem>>[vector<16xi32>], vector<16xf32>,
      %add3A_401 = arith.addf %add3A_392, %gather3A_400 : vector<16xf32>
      %scan3A_402 = arith.constant 8 : i32
      %scan3A_403 = arith.addi %scan3A_331, %scan3A_402 : i32
      %add3A_404 = arith.constant 20000 : i32
      %add3A_405 = arith.addi %add3A_404, %scan3A_403 : i32
      %add3A_406 = vector.broadcast %add3A_405 : i32 to vector<16xi32>
      %add3A_407 = arith.addi %mul3A_13, %add3A_406 : vector<16xi32>
      %gather3A_408 = tpu.vector_load_idx %arg7[%add3A_407] : memref<25600xi32, #tpu.memory_space<vmem>>[vector<16xi32>], vector<16xi32>,
      %gather3A_409 = tpu.vector_load_idx %arg8[%gather3A_408] : memref<100352xf32, #tpu.memory_space<vmem>>[vector<16xi32>], vector<16xf32>,
      %add3A_410 = arith.addf %add3A_401, %gather3A_409 : vector<16xf32>
      %scan3A_411 = arith.constant 9 : i32
      %scan3A_412 = arith.addi %scan3A_331, %scan3A_411 : i32
      %add3A_413 = arith.constant 20000 : i32
      %add3A_414 = arith.addi %add3A_413, %scan3A_412 : i32
      %add3A_415 = vector.broadcast %add3A_414 : i32 to vector<16xi32>
      %add3A_416 = arith.addi %mul3A_13, %add3A_415 : vector<16xi32>
      %gather3A_417 = tpu.vector_load_idx %arg7[%add3A_416] : memref<25600xi32, #tpu.memory_space<vmem>>[vector<16xi32>], vector<16xi32>,
      %gather3A_418 = tpu.vector_load_idx %arg8[%gather3A_417] : memref<100352xf32, #tpu.memory_space<vmem>>[vector<16xi32>], vector<16xf32>,
      %add3A_419 = arith.addf %add3A_410, %gather3A_418 : vector<16xf32>
      scf.yield %add3A_419 : vector<16xf32>
    }
    %scan3A_268 = arith.constant 50 : i32
    %swap3A_269 = arith.constant 400 : index
    %swap3A_270 = tpu.vector_load %arg11[%swap3A_269] {strides = array<i32>} : memref<512xf32, #tpu.memory_space<vmem>>, vector<16xf32>,
    tpu.vector_store %arg11[%swap3A_269], %scan3A_267 {strides = array<i32>} : memref<512xf32, #tpu.memory_space<vmem>>, vector<16xf32>,
    %get3A_271 = arith.constant 416 : index
    %get3A_272 = tpu.vector_load %arg10[%get3A_271] {strides = array<i32>} : memref<512xf32, #tpu.memory_space<vmem>>, vector<16xf32>,
    %scan3A_273 = arith.constant 0 : i32
    %scan3A_274 = arith.constant 50 : i32
    %scan3A_275 = arith.addi %scan3A_273, %scan3A_274 : i32
    %scan3A_276 = arith.constant 10 : i32
    %scan3A_277 = scf.for %scan3A_331 = %scan3A_273 to %scan3A_275 step %scan3A_276 iter_args(%scan3A_332 = %get3A_272) -> (vector<16xf32>)  : i32 {
      %add3A_333 = arith.constant 20800 : i32
      %add3A_334 = arith.addi %add3A_333, %scan3A_331 : i32
      %add3A_335 = vector.broadcast %add3A_334 : i32 to vector<16xi32>
      %add3A_336 = arith.addi %mul3A_13, %add3A_335 : vector<16xi32>
      %gather3A = tpu.vector_load_idx %arg7[%add3A_336] : memref<25600xi32, #tpu.memory_space<vmem>>[vector<16xi32>], vector<16xi32>,
      %gather3A_337 = tpu.vector_load_idx %arg8[%gather3A] : memref<100352xf32, #tpu.memory_space<vmem>>[vector<16xi32>], vector<16xf32>,
      %add3A_338 = arith.addf %scan3A_332, %gather3A_337 : vector<16xf32>
      %scan3A_339 = arith.constant 1 : i32
      %scan3A_340 = arith.addi %scan3A_331, %scan3A_339 : i32
      %add3A_341 = arith.constant 20800 : i32
      %add3A_342 = arith.addi %add3A_341, %scan3A_340 : i32
      %add3A_343 = vector.broadcast %add3A_342 : i32 to vector<16xi32>
      %add3A_344 = arith.addi %mul3A_13, %add3A_343 : vector<16xi32>
      %gather3A_345 = tpu.vector_load_idx %arg7[%add3A_344] : memref<25600xi32, #tpu.memory_space<vmem>>[vector<16xi32>], vector<16xi32>,
      %gather3A_346 = tpu.vector_load_idx %arg8[%gather3A_345] : memref<100352xf32, #tpu.memory_space<vmem>>[vector<16xi32>], vector<16xf32>,
      %add3A_347 = arith.addf %add3A_338, %gather3A_346 : vector<16xf32>
      %scan3A_348 = arith.constant 2 : i32
      %scan3A_349 = arith.addi %scan3A_331, %scan3A_348 : i32
      %add3A_350 = arith.constant 20800 : i32
      %add3A_351 = arith.addi %add3A_350, %scan3A_349 : i32
      %add3A_352 = vector.broadcast %add3A_351 : i32 to vector<16xi32>
      %add3A_353 = arith.addi %mul3A_13, %add3A_352 : vector<16xi32>
      %gather3A_354 = tpu.vector_load_idx %arg7[%add3A_353] : memref<25600xi32, #tpu.memory_space<vmem>>[vector<16xi32>], vector<16xi32>,
      %gather3A_355 = tpu.vector_load_idx %arg8[%gather3A_354] : memref<100352xf32, #tpu.memory_space<vmem>>[vector<16xi32>], vector<16xf32>,
      %add3A_356 = arith.addf %add3A_347, %gather3A_355 : vector<16xf32>
      %scan3A_357 = arith.constant 3 : i32
      %scan3A_358 = arith.addi %scan3A_331, %scan3A_357 : i32
      %add3A_359 = arith.constant 20800 : i32
      %add3A_360 = arith.addi %add3A_359, %scan3A_358 : i32
      %add3A_361 = vector.broadcast %add3A_360 : i32 to vector<16xi32>
      %add3A_362 = arith.addi %mul3A_13, %add3A_361 : vector<16xi32>
      %gather3A_363 = tpu.vector_load_idx %arg7[%add3A_362] : memref<25600xi32, #tpu.memory_space<vmem>>[vector<16xi32>], vector<16xi32>,
      %gather3A_364 = tpu.vector_load_idx %arg8[%gather3A_363] : memref<100352xf32, #tpu.memory_space<vmem>>[vector<16xi32>], vector<16xf32>,
      %add3A_365 = arith.addf %add3A_356, %gather3A_364 : vector<16xf32>
      %scan3A_366 = arith.constant 4 : i32
      %scan3A_367 = arith.addi %scan3A_331, %scan3A_366 : i32
      %add3A_368 = arith.constant 20800 : i32
      %add3A_369 = arith.addi %add3A_368, %scan3A_367 : i32
      %add3A_370 = vector.broadcast %add3A_369 : i32 to vector<16xi32>
      %add3A_371 = arith.addi %mul3A_13, %add3A_370 : vector<16xi32>
      %gather3A_372 = tpu.vector_load_idx %arg7[%add3A_371] : memref<25600xi32, #tpu.memory_space<vmem>>[vector<16xi32>], vector<16xi32>,
      %gather3A_373 = tpu.vector_load_idx %arg8[%gather3A_372] : memref<100352xf32, #tpu.memory_space<vmem>>[vector<16xi32>], vector<16xf32>,
      %add3A_374 = arith.addf %add3A_365, %gather3A_373 : vector<16xf32>
      %scan3A_375 = arith.constant 5 : i32
      %scan3A_376 = arith.addi %scan3A_331, %scan3A_375 : i32
      %add3A_377 = arith.constant 20800 : i32
      %add3A_378 = arith.addi %add3A_377, %scan3A_376 : i32
      %add3A_379 = vector.broadcast %add3A_378 : i32 to vector<16xi32>
      %add3A_380 = arith.addi %mul3A_13, %add3A_379 : vector<16xi32>
      %gather3A_381 = tpu.vector_load_idx %arg7[%add3A_380] : memref<25600xi32, #tpu.memory_space<vmem>>[vector<16xi32>], vector<16xi32>,
      %gather3A_382 = tpu.vector_load_idx %arg8[%gather3A_381] : memref<100352xf32, #tpu.memory_space<vmem>>[vector<16xi32>], vector<16xf32>,
      %add3A_383 = arith.addf %add3A_374, %gather3A_382 : vector<16xf32>
      %scan3A_384 = arith.constant 6 : i32
      %scan3A_385 = arith.addi %scan3A_331, %scan3A_384 : i32
      %add3A_386 = arith.constant 20800 : i32
      %add3A_387 = arith.addi %add3A_386, %scan3A_385 : i32
      %add3A_388 = vector.broadcast %add3A_387 : i32 to vector<16xi32>
      %add3A_389 = arith.addi %mul3A_13, %add3A_388 : vector<16xi32>
      %gather3A_390 = tpu.vector_load_idx %arg7[%add3A_389] : memref<25600xi32, #tpu.memory_space<vmem>>[vector<16xi32>], vector<16xi32>,
      %gather3A_391 = tpu.vector_load_idx %arg8[%gather3A_390] : memref<100352xf32, #tpu.memory_space<vmem>>[vector<16xi32>], vector<16xf32>,
      %add3A_392 = arith.addf %add3A_383, %gather3A_391 : vector<16xf32>
      %scan3A_393 = arith.constant 7 : i32
      %scan3A_394 = arith.addi %scan3A_331, %scan3A_393 : i32
      %add3A_395 = arith.constant 20800 : i32
      %add3A_396 = arith.addi %add3A_395, %scan3A_394 : i32
      %add3A_397 = vector.broadcast %add3A_396 : i32 to vector<16xi32>
      %add3A_398 = arith.addi %mul3A_13, %add3A_397 : vector<16xi32>
      %gather3A_399 = tpu.vector_load_idx %arg7[%add3A_398] : memref<25600xi32, #tpu.memory_space<vmem>>[vector<16xi32>], vector<16xi32>,
      %gather3A_400 = tpu.vector_load_idx %arg8[%gather3A_399] : memref<100352xf32, #tpu.memory_space<vmem>>[vector<16xi32>], vector<16xf32>,
      %add3A_401 = arith.addf %add3A_392, %gather3A_400 : vector<16xf32>
      %scan3A_402 = arith.constant 8 : i32
      %scan3A_403 = arith.addi %scan3A_331, %scan3A_402 : i32
      %add3A_404 = arith.constant 20800 : i32
      %add3A_405 = arith.addi %add3A_404, %scan3A_403 : i32
      %add3A_406 = vector.broadcast %add3A_405 : i32 to vector<16xi32>
      %add3A_407 = arith.addi %mul3A_13, %add3A_406 : vector<16xi32>
      %gather3A_408 = tpu.vector_load_idx %arg7[%add3A_407] : memref<25600xi32, #tpu.memory_space<vmem>>[vector<16xi32>], vector<16xi32>,
      %gather3A_409 = tpu.vector_load_idx %arg8[%gather3A_408] : memref<100352xf32, #tpu.memory_space<vmem>>[vector<16xi32>], vector<16xf32>,
      %add3A_410 = arith.addf %add3A_401, %gather3A_409 : vector<16xf32>
      %scan3A_411 = arith.constant 9 : i32
      %scan3A_412 = arith.addi %scan3A_331, %scan3A_411 : i32
      %add3A_413 = arith.constant 20800 : i32
      %add3A_414 = arith.addi %add3A_413, %scan3A_412 : i32
      %add3A_415 = vector.broadcast %add3A_414 : i32 to vector<16xi32>
      %add3A_416 = arith.addi %mul3A_13, %add3A_415 : vector<16xi32>
      %gather3A_417 = tpu.vector_load_idx %arg7[%add3A_416] : memref<25600xi32, #tpu.memory_space<vmem>>[vector<16xi32>], vector<16xi32>,
      %gather3A_418 = tpu.vector_load_idx %arg8[%gather3A_417] : memref<100352xf32, #tpu.memory_space<vmem>>[vector<16xi32>], vector<16xf32>,
      %add3A_419 = arith.addf %add3A_410, %gather3A_418 : vector<16xf32>
      scf.yield %add3A_419 : vector<16xf32>
    }
    %scan3A_278 = arith.constant 50 : i32
    %swap3A_279 = arith.constant 416 : index
    %swap3A_280 = tpu.vector_load %arg11[%swap3A_279] {strides = array<i32>} : memref<512xf32, #tpu.memory_space<vmem>>, vector<16xf32>,
    tpu.vector_store %arg11[%swap3A_279], %scan3A_277 {strides = array<i32>} : memref<512xf32, #tpu.memory_space<vmem>>, vector<16xf32>,
    %get3A_281 = arith.constant 432 : index
    %get3A_282 = tpu.vector_load %arg10[%get3A_281] {strides = array<i32>} : memref<512xf32, #tpu.memory_space<vmem>>, vector<16xf32>,
    %scan3A_283 = arith.constant 0 : i32
    %scan3A_284 = arith.constant 50 : i32
    %scan3A_285 = arith.addi %scan3A_283, %scan3A_284 : i32
    %scan3A_286 = arith.constant 10 : i32
    %scan3A_287 = scf.for %scan3A_331 = %scan3A_283 to %scan3A_285 step %scan3A_286 iter_args(%scan3A_332 = %get3A_282) -> (vector<16xf32>)  : i32 {
      %add3A_333 = arith.constant 21600 : i32
      %add3A_334 = arith.addi %add3A_333, %scan3A_331 : i32
      %add3A_335 = vector.broadcast %add3A_334 : i32 to vector<16xi32>
      %add3A_336 = arith.addi %mul3A_13, %add3A_335 : vector<16xi32>
      %gather3A = tpu.vector_load_idx %arg7[%add3A_336] : memref<25600xi32, #tpu.memory_space<vmem>>[vector<16xi32>], vector<16xi32>,
      %gather3A_337 = tpu.vector_load_idx %arg8[%gather3A] : memref<100352xf32, #tpu.memory_space<vmem>>[vector<16xi32>], vector<16xf32>,
      %add3A_338 = arith.addf %scan3A_332, %gather3A_337 : vector<16xf32>
      %scan3A_339 = arith.constant 1 : i32
      %scan3A_340 = arith.addi %scan3A_331, %scan3A_339 : i32
      %add3A_341 = arith.constant 21600 : i32
      %add3A_342 = arith.addi %add3A_341, %scan3A_340 : i32
      %add3A_343 = vector.broadcast %add3A_342 : i32 to vector<16xi32>
      %add3A_344 = arith.addi %mul3A_13, %add3A_343 : vector<16xi32>
      %gather3A_345 = tpu.vector_load_idx %arg7[%add3A_344] : memref<25600xi32, #tpu.memory_space<vmem>>[vector<16xi32>], vector<16xi32>,
      %gather3A_346 = tpu.vector_load_idx %arg8[%gather3A_345] : memref<100352xf32, #tpu.memory_space<vmem>>[vector<16xi32>], vector<16xf32>,
      %add3A_347 = arith.addf %add3A_338, %gather3A_346 : vector<16xf32>
      %scan3A_348 = arith.constant 2 : i32
      %scan3A_349 = arith.addi %scan3A_331, %scan3A_348 : i32
      %add3A_350 = arith.constant 21600 : i32
      %add3A_351 = arith.addi %add3A_350, %scan3A_349 : i32
      %add3A_352 = vector.broadcast %add3A_351 : i32 to vector<16xi32>
      %add3A_353 = arith.addi %mul3A_13, %add3A_352 : vector<16xi32>
      %gather3A_354 = tpu.vector_load_idx %arg7[%add3A_353] : memref<25600xi32, #tpu.memory_space<vmem>>[vector<16xi32>], vector<16xi32>,
      %gather3A_355 = tpu.vector_load_idx %arg8[%gather3A_354] : memref<100352xf32, #tpu.memory_space<vmem>>[vector<16xi32>], vector<16xf32>,
      %add3A_356 = arith.addf %add3A_347, %gather3A_355 : vector<16xf32>
      %scan3A_357 = arith.constant 3 : i32
      %scan3A_358 = arith.addi %scan3A_331, %scan3A_357 : i32
      %add3A_359 = arith.constant 21600 : i32
      %add3A_360 = arith.addi %add3A_359, %scan3A_358 : i32
      %add3A_361 = vector.broadcast %add3A_360 : i32 to vector<16xi32>
      %add3A_362 = arith.addi %mul3A_13, %add3A_361 : vector<16xi32>
      %gather3A_363 = tpu.vector_load_idx %arg7[%add3A_362] : memref<25600xi32, #tpu.memory_space<vmem>>[vector<16xi32>], vector<16xi32>,
      %gather3A_364 = tpu.vector_load_idx %arg8[%gather3A_363] : memref<100352xf32, #tpu.memory_space<vmem>>[vector<16xi32>], vector<16xf32>,
      %add3A_365 = arith.addf %add3A_356, %gather3A_364 : vector<16xf32>
      %scan3A_366 = arith.constant 4 : i32
      %scan3A_367 = arith.addi %scan3A_331, %scan3A_366 : i32
      %add3A_368 = arith.constant 21600 : i32
      %add3A_369 = arith.addi %add3A_368, %scan3A_367 : i32
      %add3A_370 = vector.broadcast %add3A_369 : i32 to vector<16xi32>
      %add3A_371 = arith.addi %mul3A_13, %add3A_370 : vector<16xi32>
      %gather3A_372 = tpu.vector_load_idx %arg7[%add3A_371] : memref<25600xi32, #tpu.memory_space<vmem>>[vector<16xi32>], vector<16xi32>,
      %gather3A_373 = tpu.vector_load_idx %arg8[%gather3A_372] : memref<100352xf32, #tpu.memory_space<vmem>>[vector<16xi32>], vector<16xf32>,
      %add3A_374 = arith.addf %add3A_365, %gather3A_373 : vector<16xf32>
      %scan3A_375 = arith.constant 5 : i32
      %scan3A_376 = arith.addi %scan3A_331, %scan3A_375 : i32
      %add3A_377 = arith.constant 21600 : i32
      %add3A_378 = arith.addi %add3A_377, %scan3A_376 : i32
      %add3A_379 = vector.broadcast %add3A_378 : i32 to vector<16xi32>
      %add3A_380 = arith.addi %mul3A_13, %add3A_379 : vector<16xi32>
      %gather3A_381 = tpu.vector_load_idx %arg7[%add3A_380] : memref<25600xi32, #tpu.memory_space<vmem>>[vector<16xi32>], vector<16xi32>,
      %gather3A_382 = tpu.vector_load_idx %arg8[%gather3A_381] : memref<100352xf32, #tpu.memory_space<vmem>>[vector<16xi32>], vector<16xf32>,
      %add3A_383 = arith.addf %add3A_374, %gather3A_382 : vector<16xf32>
      %scan3A_384 = arith.constant 6 : i32
      %scan3A_385 = arith.addi %scan3A_331, %scan3A_384 : i32
      %add3A_386 = arith.constant 21600 : i32
      %add3A_387 = arith.addi %add3A_386, %scan3A_385 : i32
      %add3A_388 = vector.broadcast %add3A_387 : i32 to vector<16xi32>
      %add3A_389 = arith.addi %mul3A_13, %add3A_388 : vector<16xi32>
      %gather3A_390 = tpu.vector_load_idx %arg7[%add3A_389] : memref<25600xi32, #tpu.memory_space<vmem>>[vector<16xi32>], vector<16xi32>,
      %gather3A_391 = tpu.vector_load_idx %arg8[%gather3A_390] : memref<100352xf32, #tpu.memory_space<vmem>>[vector<16xi32>], vector<16xf32>,
      %add3A_392 = arith.addf %add3A_383, %gather3A_391 : vector<16xf32>
      %scan3A_393 = arith.constant 7 : i32
      %scan3A_394 = arith.addi %scan3A_331, %scan3A_393 : i32
      %add3A_395 = arith.constant 21600 : i32
      %add3A_396 = arith.addi %add3A_395, %scan3A_394 : i32
      %add3A_397 = vector.broadcast %add3A_396 : i32 to vector<16xi32>
      %add3A_398 = arith.addi %mul3A_13, %add3A_397 : vector<16xi32>
      %gather3A_399 = tpu.vector_load_idx %arg7[%add3A_398] : memref<25600xi32, #tpu.memory_space<vmem>>[vector<16xi32>], vector<16xi32>,
      %gather3A_400 = tpu.vector_load_idx %arg8[%gather3A_399] : memref<100352xf32, #tpu.memory_space<vmem>>[vector<16xi32>], vector<16xf32>,
      %add3A_401 = arith.addf %add3A_392, %gather3A_400 : vector<16xf32>
      %scan3A_402 = arith.constant 8 : i32
      %scan3A_403 = arith.addi %scan3A_331, %scan3A_402 : i32
      %add3A_404 = arith.constant 21600 : i32
      %add3A_405 = arith.addi %add3A_404, %scan3A_403 : i32
      %add3A_406 = vector.broadcast %add3A_405 : i32 to vector<16xi32>
      %add3A_407 = arith.addi %mul3A_13, %add3A_406 : vector<16xi32>
      %gather3A_408 = tpu.vector_load_idx %arg7[%add3A_407] : memref<25600xi32, #tpu.memory_space<vmem>>[vector<16xi32>], vector<16xi32>,
      %gather3A_409 = tpu.vector_load_idx %arg8[%gather3A_408] : memref<100352xf32, #tpu.memory_space<vmem>>[vector<16xi32>], vector<16xf32>,
      %add3A_410 = arith.addf %add3A_401, %gather3A_409 : vector<16xf32>
      %scan3A_411 = arith.constant 9 : i32
      %scan3A_412 = arith.addi %scan3A_331, %scan3A_411 : i32
      %add3A_413 = arith.constant 21600 : i32
      %add3A_414 = arith.addi %add3A_413, %scan3A_412 : i32
      %add3A_415 = vector.broadcast %add3A_414 : i32 to vector<16xi32>
      %add3A_416 = arith.addi %mul3A_13, %add3A_415 : vector<16xi32>
      %gather3A_417 = tpu.vector_load_idx %arg7[%add3A_416] : memref<25600xi32, #tpu.memory_space<vmem>>[vector<16xi32>], vector<16xi32>,
      %gather3A_418 = tpu.vector_load_idx %arg8[%gather3A_417] : memref<100352xf32, #tpu.memory_space<vmem>>[vector<16xi32>], vector<16xf32>,
      %add3A_419 = arith.addf %add3A_410, %gather3A_418 : vector<16xf32>
      scf.yield %add3A_419 : vector<16xf32>
    }
    %scan3A_288 = arith.constant 50 : i32
    %swap3A_289 = arith.constant 432 : index
    %swap3A_290 = tpu.vector_load %arg11[%swap3A_289] {strides = array<i32>} : memref<512xf32, #tpu.memory_space<vmem>>, vector<16xf32>,
    tpu.vector_store %arg11[%swap3A_289], %scan3A_287 {strides = array<i32>} : memref<512xf32, #tpu.memory_space<vmem>>, vector<16xf32>,
    %get3A_291 = arith.constant 448 : index
    %get3A_292 = tpu.vector_load %arg10[%get3A_291] {strides = array<i32>} : memref<512xf32, #tpu.memory_space<vmem>>, vector<16xf32>,
    %scan3A_293 = arith.constant 0 : i32
    %scan3A_294 = arith.constant 50 : i32
    %scan3A_295 = arith.addi %scan3A_293, %scan3A_294 : i32
    %scan3A_296 = arith.constant 10 : i32
    %scan3A_297 = scf.for %scan3A_331 = %scan3A_293 to %scan3A_295 step %scan3A_296 iter_args(%scan3A_332 = %get3A_292) -> (vector<16xf32>)  : i32 {
      %add3A_333 = arith.constant 22400 : i32
      %add3A_334 = arith.addi %add3A_333, %scan3A_331 : i32
      %add3A_335 = vector.broadcast %add3A_334 : i32 to vector<16xi32>
      %add3A_336 = arith.addi %mul3A_13, %add3A_335 : vector<16xi32>
      %gather3A = tpu.vector_load_idx %arg7[%add3A_336] : memref<25600xi32, #tpu.memory_space<vmem>>[vector<16xi32>], vector<16xi32>,
      %gather3A_337 = tpu.vector_load_idx %arg8[%gather3A] : memref<100352xf32, #tpu.memory_space<vmem>>[vector<16xi32>], vector<16xf32>,
      %add3A_338 = arith.addf %scan3A_332, %gather3A_337 : vector<16xf32>
      %scan3A_339 = arith.constant 1 : i32
      %scan3A_340 = arith.addi %scan3A_331, %scan3A_339 : i32
      %add3A_341 = arith.constant 22400 : i32
      %add3A_342 = arith.addi %add3A_341, %scan3A_340 : i32
      %add3A_343 = vector.broadcast %add3A_342 : i32 to vector<16xi32>
      %add3A_344 = arith.addi %mul3A_13, %add3A_343 : vector<16xi32>
      %gather3A_345 = tpu.vector_load_idx %arg7[%add3A_344] : memref<25600xi32, #tpu.memory_space<vmem>>[vector<16xi32>], vector<16xi32>,
      %gather3A_346 = tpu.vector_load_idx %arg8[%gather3A_345] : memref<100352xf32, #tpu.memory_space<vmem>>[vector<16xi32>], vector<16xf32>,
      %add3A_347 = arith.addf %add3A_338, %gather3A_346 : vector<16xf32>
      %scan3A_348 = arith.constant 2 : i32
      %scan3A_349 = arith.addi %scan3A_331, %scan3A_348 : i32
      %add3A_350 = arith.constant 22400 : i32
      %add3A_351 = arith.addi %add3A_350, %scan3A_349 : i32
      %add3A_352 = vector.broadcast %add3A_351 : i32 to vector<16xi32>
      %add3A_353 = arith.addi %mul3A_13, %add3A_352 : vector<16xi32>
      %gather3A_354 = tpu.vector_load_idx %arg7[%add3A_353] : memref<25600xi32, #tpu.memory_space<vmem>>[vector<16xi32>], vector<16xi32>,
      %gather3A_355 = tpu.vector_load_idx %arg8[%gather3A_354] : memref<100352xf32, #tpu.memory_space<vmem>>[vector<16xi32>], vector<16xf32>,
      %add3A_356 = arith.addf %add3A_347, %gather3A_355 : vector<16xf32>
      %scan3A_357 = arith.constant 3 : i32
      %scan3A_358 = arith.addi %scan3A_331, %scan3A_357 : i32
      %add3A_359 = arith.constant 22400 : i32
      %add3A_360 = arith.addi %add3A_359, %scan3A_358 : i32
      %add3A_361 = vector.broadcast %add3A_360 : i32 to vector<16xi32>
      %add3A_362 = arith.addi %mul3A_13, %add3A_361 : vector<16xi32>
      %gather3A_363 = tpu.vector_load_idx %arg7[%add3A_362] : memref<25600xi32, #tpu.memory_space<vmem>>[vector<16xi32>], vector<16xi32>,
      %gather3A_364 = tpu.vector_load_idx %arg8[%gather3A_363] : memref<100352xf32, #tpu.memory_space<vmem>>[vector<16xi32>], vector<16xf32>,
      %add3A_365 = arith.addf %add3A_356, %gather3A_364 : vector<16xf32>
      %scan3A_366 = arith.constant 4 : i32
      %scan3A_367 = arith.addi %scan3A_331, %scan3A_366 : i32
      %add3A_368 = arith.constant 22400 : i32
      %add3A_369 = arith.addi %add3A_368, %scan3A_367 : i32
      %add3A_370 = vector.broadcast %add3A_369 : i32 to vector<16xi32>
      %add3A_371 = arith.addi %mul3A_13, %add3A_370 : vector<16xi32>
      %gather3A_372 = tpu.vector_load_idx %arg7[%add3A_371] : memref<25600xi32, #tpu.memory_space<vmem>>[vector<16xi32>], vector<16xi32>,
      %gather3A_373 = tpu.vector_load_idx %arg8[%gather3A_372] : memref<100352xf32, #tpu.memory_space<vmem>>[vector<16xi32>], vector<16xf32>,
      %add3A_374 = arith.addf %add3A_365, %gather3A_373 : vector<16xf32>
      %scan3A_375 = arith.constant 5 : i32
      %scan3A_376 = arith.addi %scan3A_331, %scan3A_375 : i32
      %add3A_377 = arith.constant 22400 : i32
      %add3A_378 = arith.addi %add3A_377, %scan3A_376 : i32
      %add3A_379 = vector.broadcast %add3A_378 : i32 to vector<16xi32>
      %add3A_380 = arith.addi %mul3A_13, %add3A_379 : vector<16xi32>
      %gather3A_381 = tpu.vector_load_idx %arg7[%add3A_380] : memref<25600xi32, #tpu.memory_space<vmem>>[vector<16xi32>], vector<16xi32>,
      %gather3A_382 = tpu.vector_load_idx %arg8[%gather3A_381] : memref<100352xf32, #tpu.memory_space<vmem>>[vector<16xi32>], vector<16xf32>,
      %add3A_383 = arith.addf %add3A_374, %gather3A_382 : vector<16xf32>
      %scan3A_384 = arith.constant 6 : i32
      %scan3A_385 = arith.addi %scan3A_331, %scan3A_384 : i32
      %add3A_386 = arith.constant 22400 : i32
      %add3A_387 = arith.addi %add3A_386, %scan3A_385 : i32
      %add3A_388 = vector.broadcast %add3A_387 : i32 to vector<16xi32>
      %add3A_389 = arith.addi %mul3A_13, %add3A_388 : vector<16xi32>
      %gather3A_390 = tpu.vector_load_idx %arg7[%add3A_389] : memref<25600xi32, #tpu.memory_space<vmem>>[vector<16xi32>], vector<16xi32>,
      %gather3A_391 = tpu.vector_load_idx %arg8[%gather3A_390] : memref<100352xf32, #tpu.memory_space<vmem>>[vector<16xi32>], vector<16xf32>,
      %add3A_392 = arith.addf %add3A_383, %gather3A_391 : vector<16xf32>
      %scan3A_393 = arith.constant 7 : i32
      %scan3A_394 = arith.addi %scan3A_331, %scan3A_393 : i32
      %add3A_395 = arith.constant 22400 : i32
      %add3A_396 = arith.addi %add3A_395, %scan3A_394 : i32
      %add3A_397 = vector.broadcast %add3A_396 : i32 to vector<16xi32>
      %add3A_398 = arith.addi %mul3A_13, %add3A_397 : vector<16xi32>
      %gather3A_399 = tpu.vector_load_idx %arg7[%add3A_398] : memref<25600xi32, #tpu.memory_space<vmem>>[vector<16xi32>], vector<16xi32>,
      %gather3A_400 = tpu.vector_load_idx %arg8[%gather3A_399] : memref<100352xf32, #tpu.memory_space<vmem>>[vector<16xi32>], vector<16xf32>,
      %add3A_401 = arith.addf %add3A_392, %gather3A_400 : vector<16xf32>
      %scan3A_402 = arith.constant 8 : i32
      %scan3A_403 = arith.addi %scan3A_331, %scan3A_402 : i32
      %add3A_404 = arith.constant 22400 : i32
      %add3A_405 = arith.addi %add3A_404, %scan3A_403 : i32
      %add3A_406 = vector.broadcast %add3A_405 : i32 to vector<16xi32>
      %add3A_407 = arith.addi %mul3A_13, %add3A_406 : vector<16xi32>
      %gather3A_408 = tpu.vector_load_idx %arg7[%add3A_407] : memref<25600xi32, #tpu.memory_space<vmem>>[vector<16xi32>], vector<16xi32>,
      %gather3A_409 = tpu.vector_load_idx %arg8[%gather3A_408] : memref<100352xf32, #tpu.memory_space<vmem>>[vector<16xi32>], vector<16xf32>,
      %add3A_410 = arith.addf %add3A_401, %gather3A_409 : vector<16xf32>
      %scan3A_411 = arith.constant 9 : i32
      %scan3A_412 = arith.addi %scan3A_331, %scan3A_411 : i32
      %add3A_413 = arith.constant 22400 : i32
      %add3A_414 = arith.addi %add3A_413, %scan3A_412 : i32
      %add3A_415 = vector.broadcast %add3A_414 : i32 to vector<16xi32>
      %add3A_416 = arith.addi %mul3A_13, %add3A_415 : vector<16xi32>
      %gather3A_417 = tpu.vector_load_idx %arg7[%add3A_416] : memref<25600xi32, #tpu.memory_space<vmem>>[vector<16xi32>], vector<16xi32>,
      %gather3A_418 = tpu.vector_load_idx %arg8[%gather3A_417] : memref<100352xf32, #tpu.memory_space<vmem>>[vector<16xi32>], vector<16xf32>,
      %add3A_419 = arith.addf %add3A_410, %gather3A_418 : vector<16xf32>
      scf.yield %add3A_419 : vector<16xf32>
    }
    %scan3A_298 = arith.constant 50 : i32
    %swap3A_299 = arith.constant 448 : index
    %swap3A_300 = tpu.vector_load %arg11[%swap3A_299] {strides = array<i32>} : memref<512xf32, #tpu.memory_space<vmem>>, vector<16xf32>,
    tpu.vector_store %arg11[%swap3A_299], %scan3A_297 {strides = array<i32>} : memref<512xf32, #tpu.memory_space<vmem>>, vector<16xf32>,
    %get3A_301 = arith.constant 464 : index
    %get3A_302 = tpu.vector_load %arg10[%get3A_301] {strides = array<i32>} : memref<512xf32, #tpu.memory_space<vmem>>, vector<16xf32>,
    %scan3A_303 = arith.constant 0 : i32
    %scan3A_304 = arith.constant 50 : i32
    %scan3A_305 = arith.addi %scan3A_303, %scan3A_304 : i32
    %scan3A_306 = arith.constant 10 : i32
    %scan3A_307 = scf.for %scan3A_331 = %scan3A_303 to %scan3A_305 step %scan3A_306 iter_args(%scan3A_332 = %get3A_302) -> (vector<16xf32>)  : i32 {
      %add3A_333 = arith.constant 23200 : i32
      %add3A_334 = arith.addi %add3A_333, %scan3A_331 : i32
      %add3A_335 = vector.broadcast %add3A_334 : i32 to vector<16xi32>
      %add3A_336 = arith.addi %mul3A_13, %add3A_335 : vector<16xi32>
      %gather3A = tpu.vector_load_idx %arg7[%add3A_336] : memref<25600xi32, #tpu.memory_space<vmem>>[vector<16xi32>], vector<16xi32>,
      %gather3A_337 = tpu.vector_load_idx %arg8[%gather3A] : memref<100352xf32, #tpu.memory_space<vmem>>[vector<16xi32>], vector<16xf32>,
      %add3A_338 = arith.addf %scan3A_332, %gather3A_337 : vector<16xf32>
      %scan3A_339 = arith.constant 1 : i32
      %scan3A_340 = arith.addi %scan3A_331, %scan3A_339 : i32
      %add3A_341 = arith.constant 23200 : i32
      %add3A_342 = arith.addi %add3A_341, %scan3A_340 : i32
      %add3A_343 = vector.broadcast %add3A_342 : i32 to vector<16xi32>
      %add3A_344 = arith.addi %mul3A_13, %add3A_343 : vector<16xi32>
      %gather3A_345 = tpu.vector_load_idx %arg7[%add3A_344] : memref<25600xi32, #tpu.memory_space<vmem>>[vector<16xi32>], vector<16xi32>,
      %gather3A_346 = tpu.vector_load_idx %arg8[%gather3A_345] : memref<100352xf32, #tpu.memory_space<vmem>>[vector<16xi32>], vector<16xf32>,
      %add3A_347 = arith.addf %add3A_338, %gather3A_346 : vector<16xf32>
      %scan3A_348 = arith.constant 2 : i32
      %scan3A_349 = arith.addi %scan3A_331, %scan3A_348 : i32
      %add3A_350 = arith.constant 23200 : i32
      %add3A_351 = arith.addi %add3A_350, %scan3A_349 : i32
      %add3A_352 = vector.broadcast %add3A_351 : i32 to vector<16xi32>
      %add3A_353 = arith.addi %mul3A_13, %add3A_352 : vector<16xi32>
      %gather3A_354 = tpu.vector_load_idx %arg7[%add3A_353] : memref<25600xi32, #tpu.memory_space<vmem>>[vector<16xi32>], vector<16xi32>,
      %gather3A_355 = tpu.vector_load_idx %arg8[%gather3A_354] : memref<100352xf32, #tpu.memory_space<vmem>>[vector<16xi32>], vector<16xf32>,
      %add3A_356 = arith.addf %add3A_347, %gather3A_355 : vector<16xf32>
      %scan3A_357 = arith.constant 3 : i32
      %scan3A_358 = arith.addi %scan3A_331, %scan3A_357 : i32
      %add3A_359 = arith.constant 23200 : i32
      %add3A_360 = arith.addi %add3A_359, %scan3A_358 : i32
      %add3A_361 = vector.broadcast %add3A_360 : i32 to vector<16xi32>
      %add3A_362 = arith.addi %mul3A_13, %add3A_361 : vector<16xi32>
      %gather3A_363 = tpu.vector_load_idx %arg7[%add3A_362] : memref<25600xi32, #tpu.memory_space<vmem>>[vector<16xi32>], vector<16xi32>,
      %gather3A_364 = tpu.vector_load_idx %arg8[%gather3A_363] : memref<100352xf32, #tpu.memory_space<vmem>>[vector<16xi32>], vector<16xf32>,
      %add3A_365 = arith.addf %add3A_356, %gather3A_364 : vector<16xf32>
      %scan3A_366 = arith.constant 4 : i32
      %scan3A_367 = arith.addi %scan3A_331, %scan3A_366 : i32
      %add3A_368 = arith.constant 23200 : i32
      %add3A_369 = arith.addi %add3A_368, %scan3A_367 : i32
      %add3A_370 = vector.broadcast %add3A_369 : i32 to vector<16xi32>
      %add3A_371 = arith.addi %mul3A_13, %add3A_370 : vector<16xi32>
      %gather3A_372 = tpu.vector_load_idx %arg7[%add3A_371] : memref<25600xi32, #tpu.memory_space<vmem>>[vector<16xi32>], vector<16xi32>,
      %gather3A_373 = tpu.vector_load_idx %arg8[%gather3A_372] : memref<100352xf32, #tpu.memory_space<vmem>>[vector<16xi32>], vector<16xf32>,
      %add3A_374 = arith.addf %add3A_365, %gather3A_373 : vector<16xf32>
      %scan3A_375 = arith.constant 5 : i32
      %scan3A_376 = arith.addi %scan3A_331, %scan3A_375 : i32
      %add3A_377 = arith.constant 23200 : i32
      %add3A_378 = arith.addi %add3A_377, %scan3A_376 : i32
      %add3A_379 = vector.broadcast %add3A_378 : i32 to vector<16xi32>
      %add3A_380 = arith.addi %mul3A_13, %add3A_379 : vector<16xi32>
      %gather3A_381 = tpu.vector_load_idx %arg7[%add3A_380] : memref<25600xi32, #tpu.memory_space<vmem>>[vector<16xi32>], vector<16xi32>,
      %gather3A_382 = tpu.vector_load_idx %arg8[%gather3A_381] : memref<100352xf32, #tpu.memory_space<vmem>>[vector<16xi32>], vector<16xf32>,
      %add3A_383 = arith.addf %add3A_374, %gather3A_382 : vector<16xf32>
      %scan3A_384 = arith.constant 6 : i32
      %scan3A_385 = arith.addi %scan3A_331, %scan3A_384 : i32
      %add3A_386 = arith.constant 23200 : i32
      %add3A_387 = arith.addi %add3A_386, %scan3A_385 : i32
      %add3A_388 = vector.broadcast %add3A_387 : i32 to vector<16xi32>
      %add3A_389 = arith.addi %mul3A_13, %add3A_388 : vector<16xi32>
      %gather3A_390 = tpu.vector_load_idx %arg7[%add3A_389] : memref<25600xi32, #tpu.memory_space<vmem>>[vector<16xi32>], vector<16xi32>,
      %gather3A_391 = tpu.vector_load_idx %arg8[%gather3A_390] : memref<100352xf32, #tpu.memory_space<vmem>>[vector<16xi32>], vector<16xf32>,
      %add3A_392 = arith.addf %add3A_383, %gather3A_391 : vector<16xf32>
      %scan3A_393 = arith.constant 7 : i32
      %scan3A_394 = arith.addi %scan3A_331, %scan3A_393 : i32
      %add3A_395 = arith.constant 23200 : i32
      %add3A_396 = arith.addi %add3A_395, %scan3A_394 : i32
      %add3A_397 = vector.broadcast %add3A_396 : i32 to vector<16xi32>
      %add3A_398 = arith.addi %mul3A_13, %add3A_397 : vector<16xi32>
      %gather3A_399 = tpu.vector_load_idx %arg7[%add3A_398] : memref<25600xi32, #tpu.memory_space<vmem>>[vector<16xi32>], vector<16xi32>,
      %gather3A_400 = tpu.vector_load_idx %arg8[%gather3A_399] : memref<100352xf32, #tpu.memory_space<vmem>>[vector<16xi32>], vector<16xf32>,
      %add3A_401 = arith.addf %add3A_392, %gather3A_400 : vector<16xf32>
      %scan3A_402 = arith.constant 8 : i32
      %scan3A_403 = arith.addi %scan3A_331, %scan3A_402 : i32
      %add3A_404 = arith.constant 23200 : i32
      %add3A_405 = arith.addi %add3A_404, %scan3A_403 : i32
      %add3A_406 = vector.broadcast %add3A_405 : i32 to vector<16xi32>
      %add3A_407 = arith.addi %mul3A_13, %add3A_406 : vector<16xi32>
      %gather3A_408 = tpu.vector_load_idx %arg7[%add3A_407] : memref<25600xi32, #tpu.memory_space<vmem>>[vector<16xi32>], vector<16xi32>,
      %gather3A_409 = tpu.vector_load_idx %arg8[%gather3A_408] : memref<100352xf32, #tpu.memory_space<vmem>>[vector<16xi32>], vector<16xf32>,
      %add3A_410 = arith.addf %add3A_401, %gather3A_409 : vector<16xf32>
      %scan3A_411 = arith.constant 9 : i32
      %scan3A_412 = arith.addi %scan3A_331, %scan3A_411 : i32
      %add3A_413 = arith.constant 23200 : i32
      %add3A_414 = arith.addi %add3A_413, %scan3A_412 : i32
      %add3A_415 = vector.broadcast %add3A_414 : i32 to vector<16xi32>
      %add3A_416 = arith.addi %mul3A_13, %add3A_415 : vector<16xi32>
      %gather3A_417 = tpu.vector_load_idx %arg7[%add3A_416] : memref<25600xi32, #tpu.memory_space<vmem>>[vector<16xi32>], vector<16xi32>,
      %gather3A_418 = tpu.vector_load_idx %arg8[%gather3A_417] : memref<100352xf32, #tpu.memory_space<vmem>>[vector<16xi32>], vector<16xf32>,
      %add3A_419 = arith.addf %add3A_410, %gather3A_418 : vector<16xf32>
      scf.yield %add3A_419 : vector<16xf32>
    }
    %scan3A_308 = arith.constant 50 : i32
    %swap3A_309 = arith.constant 464 : index
    %swap3A_310 = tpu.vector_load %arg11[%swap3A_309] {strides = array<i32>} : memref<512xf32, #tpu.memory_space<vmem>>, vector<16xf32>,
    tpu.vector_store %arg11[%swap3A_309], %scan3A_307 {strides = array<i32>} : memref<512xf32, #tpu.memory_space<vmem>>, vector<16xf32>,
    %get3A_311 = arith.constant 480 : index
    %get3A_312 = tpu.vector_load %arg10[%get3A_311] {strides = array<i32>} : memref<512xf32, #tpu.memory_space<vmem>>, vector<16xf32>,
    %scan3A_313 = arith.constant 0 : i32
    %scan3A_314 = arith.constant 50 : i32
    %scan3A_315 = arith.addi %scan3A_313, %scan3A_314 : i32
    %scan3A_316 = arith.constant 10 : i32
    %scan3A_317 = scf.for %scan3A_331 = %scan3A_313 to %scan3A_315 step %scan3A_316 iter_args(%scan3A_332 = %get3A_312) -> (vector<16xf32>)  : i32 {
      %add3A_333 = arith.constant 24000 : i32
      %add3A_334 = arith.addi %add3A_333, %scan3A_331 : i32
      %add3A_335 = vector.broadcast %add3A_334 : i32 to vector<16xi32>
      %add3A_336 = arith.addi %mul3A_13, %add3A_335 : vector<16xi32>
      %gather3A = tpu.vector_load_idx %arg7[%add3A_336] : memref<25600xi32, #tpu.memory_space<vmem>>[vector<16xi32>], vector<16xi32>,
      %gather3A_337 = tpu.vector_load_idx %arg8[%gather3A] : memref<100352xf32, #tpu.memory_space<vmem>>[vector<16xi32>], vector<16xf32>,
      %add3A_338 = arith.addf %scan3A_332, %gather3A_337 : vector<16xf32>
      %scan3A_339 = arith.constant 1 : i32
      %scan3A_340 = arith.addi %scan3A_331, %scan3A_339 : i32
      %add3A_341 = arith.constant 24000 : i32
      %add3A_342 = arith.addi %add3A_341, %scan3A_340 : i32
      %add3A_343 = vector.broadcast %add3A_342 : i32 to vector<16xi32>
      %add3A_344 = arith.addi %mul3A_13, %add3A_343 : vector<16xi32>
      %gather3A_345 = tpu.vector_load_idx %arg7[%add3A_344] : memref<25600xi32, #tpu.memory_space<vmem>>[vector<16xi32>], vector<16xi32>,
      %gather3A_346 = tpu.vector_load_idx %arg8[%gather3A_345] : memref<100352xf32, #tpu.memory_space<vmem>>[vector<16xi32>], vector<16xf32>,
      %add3A_347 = arith.addf %add3A_338, %gather3A_346 : vector<16xf32>
      %scan3A_348 = arith.constant 2 : i32
      %scan3A_349 = arith.addi %scan3A_331, %scan3A_348 : i32
      %add3A_350 = arith.constant 24000 : i32
      %add3A_351 = arith.addi %add3A_350, %scan3A_349 : i32
      %add3A_352 = vector.broadcast %add3A_351 : i32 to vector<16xi32>
      %add3A_353 = arith.addi %mul3A_13, %add3A_352 : vector<16xi32>
      %gather3A_354 = tpu.vector_load_idx %arg7[%add3A_353] : memref<25600xi32, #tpu.memory_space<vmem>>[vector<16xi32>], vector<16xi32>,
      %gather3A_355 = tpu.vector_load_idx %arg8[%gather3A_354] : memref<100352xf32, #tpu.memory_space<vmem>>[vector<16xi32>], vector<16xf32>,
      %add3A_356 = arith.addf %add3A_347, %gather3A_355 : vector<16xf32>
      %scan3A_357 = arith.constant 3 : i32
      %scan3A_358 = arith.addi %scan3A_331, %scan3A_357 : i32
      %add3A_359 = arith.constant 24000 : i32
      %add3A_360 = arith.addi %add3A_359, %scan3A_358 : i32
      %add3A_361 = vector.broadcast %add3A_360 : i32 to vector<16xi32>
      %add3A_362 = arith.addi %mul3A_13, %add3A_361 : vector<16xi32>
      %gather3A_363 = tpu.vector_load_idx %arg7[%add3A_362] : memref<25600xi32, #tpu.memory_space<vmem>>[vector<16xi32>], vector<16xi32>,
      %gather3A_364 = tpu.vector_load_idx %arg8[%gather3A_363] : memref<100352xf32, #tpu.memory_space<vmem>>[vector<16xi32>], vector<16xf32>,
      %add3A_365 = arith.addf %add3A_356, %gather3A_364 : vector<16xf32>
      %scan3A_366 = arith.constant 4 : i32
      %scan3A_367 = arith.addi %scan3A_331, %scan3A_366 : i32
      %add3A_368 = arith.constant 24000 : i32
      %add3A_369 = arith.addi %add3A_368, %scan3A_367 : i32
      %add3A_370 = vector.broadcast %add3A_369 : i32 to vector<16xi32>
      %add3A_371 = arith.addi %mul3A_13, %add3A_370 : vector<16xi32>
      %gather3A_372 = tpu.vector_load_idx %arg7[%add3A_371] : memref<25600xi32, #tpu.memory_space<vmem>>[vector<16xi32>], vector<16xi32>,
      %gather3A_373 = tpu.vector_load_idx %arg8[%gather3A_372] : memref<100352xf32, #tpu.memory_space<vmem>>[vector<16xi32>], vector<16xf32>,
      %add3A_374 = arith.addf %add3A_365, %gather3A_373 : vector<16xf32>
      %scan3A_375 = arith.constant 5 : i32
      %scan3A_376 = arith.addi %scan3A_331, %scan3A_375 : i32
      %add3A_377 = arith.constant 24000 : i32
      %add3A_378 = arith.addi %add3A_377, %scan3A_376 : i32
      %add3A_379 = vector.broadcast %add3A_378 : i32 to vector<16xi32>
      %add3A_380 = arith.addi %mul3A_13, %add3A_379 : vector<16xi32>
      %gather3A_381 = tpu.vector_load_idx %arg7[%add3A_380] : memref<25600xi32, #tpu.memory_space<vmem>>[vector<16xi32>], vector<16xi32>,
      %gather3A_382 = tpu.vector_load_idx %arg8[%gather3A_381] : memref<100352xf32, #tpu.memory_space<vmem>>[vector<16xi32>], vector<16xf32>,
      %add3A_383 = arith.addf %add3A_374, %gather3A_382 : vector<16xf32>
      %scan3A_384 = arith.constant 6 : i32
      %scan3A_385 = arith.addi %scan3A_331, %scan3A_384 : i32
      %add3A_386 = arith.constant 24000 : i32
      %add3A_387 = arith.addi %add3A_386, %scan3A_385 : i32
      %add3A_388 = vector.broadcast %add3A_387 : i32 to vector<16xi32>
      %add3A_389 = arith.addi %mul3A_13, %add3A_388 : vector<16xi32>
      %gather3A_390 = tpu.vector_load_idx %arg7[%add3A_389] : memref<25600xi32, #tpu.memory_space<vmem>>[vector<16xi32>], vector<16xi32>,
      %gather3A_391 = tpu.vector_load_idx %arg8[%gather3A_390] : memref<100352xf32, #tpu.memory_space<vmem>>[vector<16xi32>], vector<16xf32>,
      %add3A_392 = arith.addf %add3A_383, %gather3A_391 : vector<16xf32>
      %scan3A_393 = arith.constant 7 : i32
      %scan3A_394 = arith.addi %scan3A_331, %scan3A_393 : i32
      %add3A_395 = arith.constant 24000 : i32
      %add3A_396 = arith.addi %add3A_395, %scan3A_394 : i32
      %add3A_397 = vector.broadcast %add3A_396 : i32 to vector<16xi32>
      %add3A_398 = arith.addi %mul3A_13, %add3A_397 : vector<16xi32>
      %gather3A_399 = tpu.vector_load_idx %arg7[%add3A_398] : memref<25600xi32, #tpu.memory_space<vmem>>[vector<16xi32>], vector<16xi32>,
      %gather3A_400 = tpu.vector_load_idx %arg8[%gather3A_399] : memref<100352xf32, #tpu.memory_space<vmem>>[vector<16xi32>], vector<16xf32>,
      %add3A_401 = arith.addf %add3A_392, %gather3A_400 : vector<16xf32>
      %scan3A_402 = arith.constant 8 : i32
      %scan3A_403 = arith.addi %scan3A_331, %scan3A_402 : i32
      %add3A_404 = arith.constant 24000 : i32
      %add3A_405 = arith.addi %add3A_404, %scan3A_403 : i32
      %add3A_406 = vector.broadcast %add3A_405 : i32 to vector<16xi32>
      %add3A_407 = arith.addi %mul3A_13, %add3A_406 : vector<16xi32>
      %gather3A_408 = tpu.vector_load_idx %arg7[%add3A_407] : memref<25600xi32, #tpu.memory_space<vmem>>[vector<16xi32>], vector<16xi32>,
      %gather3A_409 = tpu.vector_load_idx %arg8[%gather3A_408] : memref<100352xf32, #tpu.memory_space<vmem>>[vector<16xi32>], vector<16xf32>,
      %add3A_410 = arith.addf %add3A_401, %gather3A_409 : vector<16xf32>
      %scan3A_411 = arith.constant 9 : i32
      %scan3A_412 = arith.addi %scan3A_331, %scan3A_411 : i32
      %add3A_413 = arith.constant 24000 : i32
      %add3A_414 = arith.addi %add3A_413, %scan3A_412 : i32
      %add3A_415 = vector.broadcast %add3A_414 : i32 to vector<16xi32>
      %add3A_416 = arith.addi %mul3A_13, %add3A_415 : vector<16xi32>
      %gather3A_417 = tpu.vector_load_idx %arg7[%add3A_416] : memref<25600xi32, #tpu.memory_space<vmem>>[vector<16xi32>], vector<16xi32>,
      %gather3A_418 = tpu.vector_load_idx %arg8[%gather3A_417] : memref<100352xf32, #tpu.memory_space<vmem>>[vector<16xi32>], vector<16xf32>,
      %add3A_419 = arith.addf %add3A_410, %gather3A_418 : vector<16xf32>
      scf.yield %add3A_419 : vector<16xf32>
    }
    %scan3A_318 = arith.constant 50 : i32
    %swap3A_319 = arith.constant 480 : index
    %swap3A_320 = tpu.vector_load %arg11[%swap3A_319] {strides = array<i32>} : memref<512xf32, #tpu.memory_space<vmem>>, vector<16xf32>,
    tpu.vector_store %arg11[%swap3A_319], %scan3A_317 {strides = array<i32>} : memref<512xf32, #tpu.memory_space<vmem>>, vector<16xf32>,
    %get3A_321 = arith.constant 496 : index
    %get3A_322 = tpu.vector_load %arg10[%get3A_321] {strides = array<i32>} : memref<512xf32, #tpu.memory_space<vmem>>, vector<16xf32>,
    %scan3A_323 = arith.constant 0 : i32
    %scan3A_324 = arith.constant 50 : i32
    %scan3A_325 = arith.addi %scan3A_323, %scan3A_324 : i32
    %scan3A_326 = arith.constant 10 : i32
    %scan3A_327 = scf.for %scan3A_331 = %scan3A_323 to %scan3A_325 step %scan3A_326 iter_args(%scan3A_332 = %get3A_322) -> (vector<16xf32>)  : i32 {
      %add3A_333 = arith.constant 24800 : i32
      %add3A_334 = arith.addi %add3A_333, %scan3A_331 : i32
      %add3A_335 = vector.broadcast %add3A_334 : i32 to vector<16xi32>
      %add3A_336 = arith.addi %mul3A_13, %add3A_335 : vector<16xi32>
      %gather3A = tpu.vector_load_idx %arg7[%add3A_336] : memref<25600xi32, #tpu.memory_space<vmem>>[vector<16xi32>], vector<16xi32>,
      %gather3A_337 = tpu.vector_load_idx %arg8[%gather3A] : memref<100352xf32, #tpu.memory_space<vmem>>[vector<16xi32>], vector<16xf32>,
      %add3A_338 = arith.addf %scan3A_332, %gather3A_337 : vector<16xf32>
      %scan3A_339 = arith.constant 1 : i32
      %scan3A_340 = arith.addi %scan3A_331, %scan3A_339 : i32
      %add3A_341 = arith.constant 24800 : i32
      %add3A_342 = arith.addi %add3A_341, %scan3A_340 : i32
      %add3A_343 = vector.broadcast %add3A_342 : i32 to vector<16xi32>
      %add3A_344 = arith.addi %mul3A_13, %add3A_343 : vector<16xi32>
      %gather3A_345 = tpu.vector_load_idx %arg7[%add3A_344] : memref<25600xi32, #tpu.memory_space<vmem>>[vector<16xi32>], vector<16xi32>,
      %gather3A_346 = tpu.vector_load_idx %arg8[%gather3A_345] : memref<100352xf32, #tpu.memory_space<vmem>>[vector<16xi32>], vector<16xf32>,
      %add3A_347 = arith.addf %add3A_338, %gather3A_346 : vector<16xf32>
      %scan3A_348 = arith.constant 2 : i32
      %scan3A_349 = arith.addi %scan3A_331, %scan3A_348 : i32
      %add3A_350 = arith.constant 24800 : i32
      %add3A_351 = arith.addi %add3A_350, %scan3A_349 : i32
      %add3A_352 = vector.broadcast %add3A_351 : i32 to vector<16xi32>
      %add3A_353 = arith.addi %mul3A_13, %add3A_352 : vector<16xi32>
      %gather3A_354 = tpu.vector_load_idx %arg7[%add3A_353] : memref<25600xi32, #tpu.memory_space<vmem>>[vector<16xi32>], vector<16xi32>,
      %gather3A_355 = tpu.vector_load_idx %arg8[%gather3A_354] : memref<100352xf32, #tpu.memory_space<vmem>>[vector<16xi32>], vector<16xf32>,
      %add3A_356 = arith.addf %add3A_347, %gather3A_355 : vector<16xf32>
      %scan3A_357 = arith.constant 3 : i32
      %scan3A_358 = arith.addi %scan3A_331, %scan3A_357 : i32
      %add3A_359 = arith.constant 24800 : i32
      %add3A_360 = arith.addi %add3A_359, %scan3A_358 : i32
      %add3A_361 = vector.broadcast %add3A_360 : i32 to vector<16xi32>
      %add3A_362 = arith.addi %mul3A_13, %add3A_361 : vector<16xi32>
      %gather3A_363 = tpu.vector_load_idx %arg7[%add3A_362] : memref<25600xi32, #tpu.memory_space<vmem>>[vector<16xi32>], vector<16xi32>,
      %gather3A_364 = tpu.vector_load_idx %arg8[%gather3A_363] : memref<100352xf32, #tpu.memory_space<vmem>>[vector<16xi32>], vector<16xf32>,
      %add3A_365 = arith.addf %add3A_356, %gather3A_364 : vector<16xf32>
      %scan3A_366 = arith.constant 4 : i32
      %scan3A_367 = arith.addi %scan3A_331, %scan3A_366 : i32
      %add3A_368 = arith.constant 24800 : i32
      %add3A_369 = arith.addi %add3A_368, %scan3A_367 : i32
      %add3A_370 = vector.broadcast %add3A_369 : i32 to vector<16xi32>
      %add3A_371 = arith.addi %mul3A_13, %add3A_370 : vector<16xi32>
      %gather3A_372 = tpu.vector_load_idx %arg7[%add3A_371] : memref<25600xi32, #tpu.memory_space<vmem>>[vector<16xi32>], vector<16xi32>,
      %gather3A_373 = tpu.vector_load_idx %arg8[%gather3A_372] : memref<100352xf32, #tpu.memory_space<vmem>>[vector<16xi32>], vector<16xf32>,
      %add3A_374 = arith.addf %add3A_365, %gather3A_373 : vector<16xf32>
      %scan3A_375 = arith.constant 5 : i32
      %scan3A_376 = arith.addi %scan3A_331, %scan3A_375 : i32
      %add3A_377 = arith.constant 24800 : i32
      %add3A_378 = arith.addi %add3A_377, %scan3A_376 : i32
      %add3A_379 = vector.broadcast %add3A_378 : i32 to vector<16xi32>
      %add3A_380 = arith.addi %mul3A_13, %add3A_379 : vector<16xi32>
      %gather3A_381 = tpu.vector_load_idx %arg7[%add3A_380] : memref<25600xi32, #tpu.memory_space<vmem>>[vector<16xi32>], vector<16xi32>,
      %gather3A_382 = tpu.vector_load_idx %arg8[%gather3A_381] : memref<100352xf32, #tpu.memory_space<vmem>>[vector<16xi32>], vector<16xf32>,
      %add3A_383 = arith.addf %add3A_374, %gather3A_382 : vector<16xf32>
      %scan3A_384 = arith.constant 6 : i32
      %scan3A_385 = arith.addi %scan3A_331, %scan3A_384 : i32
      %add3A_386 = arith.constant 24800 : i32
      %add3A_387 = arith.addi %add3A_386, %scan3A_385 : i32
      %add3A_388 = vector.broadcast %add3A_387 : i32 to vector<16xi32>
      %add3A_389 = arith.addi %mul3A_13, %add3A_388 : vector<16xi32>
      %gather3A_390 = tpu.vector_load_idx %arg7[%add3A_389] : memref<25600xi32, #tpu.memory_space<vmem>>[vector<16xi32>], vector<16xi32>,
      %gather3A_391 = tpu.vector_load_idx %arg8[%gather3A_390] : memref<100352xf32, #tpu.memory_space<vmem>>[vector<16xi32>], vector<16xf32>,
      %add3A_392 = arith.addf %add3A_383, %gather3A_391 : vector<16xf32>
      %scan3A_393 = arith.constant 7 : i32
      %scan3A_394 = arith.addi %scan3A_331, %scan3A_393 : i32
      %add3A_395 = arith.constant 24800 : i32
      %add3A_396 = arith.addi %add3A_395, %scan3A_394 : i32
      %add3A_397 = vector.broadcast %add3A_396 : i32 to vector<16xi32>
      %add3A_398 = arith.addi %mul3A_13, %add3A_397 : vector<16xi32>
      %gather3A_399 = tpu.vector_load_idx %arg7[%add3A_398] : memref<25600xi32, #tpu.memory_space<vmem>>[vector<16xi32>], vector<16xi32>,
      %gather3A_400 = tpu.vector_load_idx %arg8[%gather3A_399] : memref<100352xf32, #tpu.memory_space<vmem>>[vector<16xi32>], vector<16xf32>,
      %add3A_401 = arith.addf %add3A_392, %gather3A_400 : vector<16xf32>
      %scan3A_402 = arith.constant 8 : i32
      %scan3A_403 = arith.addi %scan3A_331, %scan3A_402 : i32
      %add3A_404 = arith.constant 24800 : i32
      %add3A_405 = arith.addi %add3A_404, %scan3A_403 : i32
      %add3A_406 = vector.broadcast %add3A_405 : i32 to vector<16xi32>
      %add3A_407 = arith.addi %mul3A_13, %add3A_406 : vector<16xi32>
      %gather3A_408 = tpu.vector_load_idx %arg7[%add3A_407] : memref<25600xi32, #tpu.memory_space<vmem>>[vector<16xi32>], vector<16xi32>,
      %gather3A_409 = tpu.vector_load_idx %arg8[%gather3A_408] : memref<100352xf32, #tpu.memory_space<vmem>>[vector<16xi32>], vector<16xf32>,
      %add3A_410 = arith.addf %add3A_401, %gather3A_409 : vector<16xf32>
      %scan3A_411 = arith.constant 9 : i32
      %scan3A_412 = arith.addi %scan3A_331, %scan3A_411 : i32
      %add3A_413 = arith.constant 24800 : i32
      %add3A_414 = arith.addi %add3A_413, %scan3A_412 : i32
      %add3A_415 = vector.broadcast %add3A_414 : i32 to vector<16xi32>
      %add3A_416 = arith.addi %mul3A_13, %add3A_415 : vector<16xi32>
      %gather3A_417 = tpu.vector_load_idx %arg7[%add3A_416] : memref<25600xi32, #tpu.memory_space<vmem>>[vector<16xi32>], vector<16xi32>,
      %gather3A_418 = tpu.vector_load_idx %arg8[%gather3A_417] : memref<100352xf32, #tpu.memory_space<vmem>>[vector<16xi32>], vector<16xf32>,
      %add3A_419 = arith.addf %add3A_410, %gather3A_418 : vector<16xf32>
      scf.yield %add3A_419 : vector<16xf32>
    }
    %scan3A_328 = arith.constant 50 : i32
    %swap3A_329 = arith.constant 496 : index
    %swap3A_330 = tpu.vector_load %arg11[%swap3A_329] {strides = array<i32>} : memref<512xf32, #tpu.memory_space<vmem>>, vector<16xf32>,
    tpu.vector_store %arg11[%swap3A_329], %scan3A_327 {strides = array<i32>} : memref<512xf32, #tpu.memory_space<vmem>>, vector<16xf32>,
    "tpu.region"() ({
      %run_scoped3A = tpu.sem_alloc : memref<!tpu.dma_semaphore, #tpu.memory_space<semaphore_mem>>
      %dma_start3A_331 = tpu.memref_slice %arg6[%mul3A_2] : memref<16384xf32, #tpu.memory_space<hbm>> -> memref<512xf32, #tpu.memory_space<hbm>>
      %dma_start3A_332 = tpu.memref_slice %arg6[%mul3A_2] : memref<16384xf32, #tpu.memory_space<hbm>> -> memref<512xf32, #tpu.memory_space<hbm>>
      tpu.enqueue_dma source(%arg11 : memref<512xf32, #tpu.memory_space<vmem>>) target(%dma_start3A_332 : memref<512xf32, #tpu.memory_space<hbm>>) target_semaphore(%run_scoped3A : memref<!tpu.dma_semaphore, #tpu.memory_space<semaphore_mem>>)
      %dma_wait3A_333 = tpu.memref_slice %arg6[%mul3A_2] : memref<16384xf32, #tpu.memory_space<hbm>> -> memref<512xf32, #tpu.memory_space<hbm>>
      %dma_wait3A_334 = tpu.memref_slice %arg6[%mul3A_2] : memref<16384xf32, #tpu.memory_space<hbm>> -> memref<512xf32, #tpu.memory_space<hbm>>
      tpu.wait_dma2 semaphore(%run_scoped3A : memref<!tpu.dma_semaphore, #tpu.memory_space<semaphore_mem>>) src(%arg11 : memref<512xf32, #tpu.memory_space<vmem>>) dst(%dma_wait3A_334 : memref<512xf32, #tpu.memory_space<hbm>>)
      tpu.yield
    }) : () -> ()
    return
  }
}

module attributes {stable_mosaic.version = 14 : i64} {
  func.func @_score_body(%arg0: i32, %arg1: memref<2x64xf32, #tpu.memory_space<vmem>>, %arg2: memref<1xf32, #tpu.memory_space<smem>>, %arg3: memref<8192x64xf32, #tpu.memory_space<vmem>>, %arg4: memref<1x8192xf32, #tpu.memory_space<vmem>>, %arg5: memref<1x8192xf32, #tpu.memory_space<vmem>>) attributes {dimension_semantics = [#tpu.dimension_semantics<arbitrary>], iteration_bounds = array<i64: 13>, scalar_prefetch = 0 : i64, scratch_operands = 0 : i64, tpu.core_type = #tpu.core_type<tc>, window_params = [{pipeline_mode = #tpu.pipeline_mode<synchronous>, transform_indices = @transform_0, window_bounds = array<i64: 2, 64>}, {transform_indices = @transform_1, window_bounds = array<i64: 1>}, {transform_indices = @transform_2, window_bounds = array<i64: 8192, 64>}, {transform_indices = @transform_3, window_bounds = array<i64: 1, 8192>}, {transform_indices = @transform_4, window_bounds = array<i64: 1, 8192>}]} {
    %get3A = arith.constant 0 : index
    %get3A_0 = arith.constant 0 : index
    %get3A_1 = vector.load %arg3[%get3A, %get3A_0] : memref<8192x64xf32, #tpu.memory_space<vmem>>, vector<8192x64xf32>
    %get3A_2 = arith.constant 0 : index
    %get3A_3 = arith.constant 0 : index
    %get3A_4 = vector.load %arg1[%get3A_2, %get3A_3] : memref<2x64xf32, #tpu.memory_space<vmem>>, vector<2x64xf32>
    %dot_general3A = arith.constant dense<0.000000e+00> : vector<2x8192xf32>
    %dot_general3A_5 = tpu.matmul %get3A_4, %get3A_1, %dot_general3A {dimension_numbers = #tpu.dot_dimension_numbers<[1], [1], [0], [0], [0, 0, 1, 0], [], []>, transpose_lhs_hint = false} : vector<2x64xf32>, vector<8192x64xf32>, vector<2x8192xf32> -> vector<2x8192xf32>
    %slice3A = vector.extract_strided_slice %dot_general3A_5 {offsets = [0, 0], sizes = [1, 8192], strides = [1, 1]} : vector<2x8192xf32> to vector<1x8192xf32>
    %mul3A = arith.constant 2.000000e-02 : f32
    %mul3A_6 = vector.broadcast %mul3A : f32 to vector<1x8192xf32>
    %mul3A_7 = arith.mulf %slice3A, %mul3A_6 : vector<1x8192xf32>
    %swap3A = arith.constant 0 : index
    %swap3A_8 = arith.constant 0 : index
    %swap3A_9 = vector.load %arg4[%swap3A, %swap3A_8] : memref<1x8192xf32, #tpu.memory_space<vmem>>, vector<1x8192xf32>
    tpu.vector_store %arg4[%swap3A, %swap3A_8], %mul3A_7 {strides = array<i32>} : memref<1x8192xf32, #tpu.memory_space<vmem>>, vector<1x8192xf32>,
    %slice3A_10 = vector.extract_strided_slice %dot_general3A_5 {offsets = [1, 0], sizes = [1, 8192], strides = [1, 1]} : vector<2x8192xf32> to vector<1x8192xf32>
    %get3A_11 = arith.constant 0 : index
    %get3A_12 = memref.load %arg2[%get3A_11] : memref<1xf32, #tpu.memory_space<smem>>
    %add3A = vector.broadcast %get3A_12 : f32 to vector<1x8192xf32>
    %add3A_13 = arith.addf %slice3A_10, %add3A : vector<1x8192xf32>
    %swap3A_14 = arith.constant 0 : index
    %swap3A_15 = arith.constant 0 : index
    %swap3A_16 = vector.load %arg5[%swap3A_14, %swap3A_15] : memref<1x8192xf32, #tpu.memory_space<vmem>>, vector<1x8192xf32>
    tpu.vector_store %arg5[%swap3A_14, %swap3A_15], %add3A_13 {strides = array<i32>} : memref<1x8192xf32, #tpu.memory_space<vmem>>, vector<1x8192xf32>,
    return
  }
  func.func @transform_0(%arg0: i32) -> (i32, i32) {
    %c0_i32 = arith.constant 0 : i32
    %c0_i32_0 = arith.constant 0 : i32
    %c0_i32_1 = arith.constant 0 : i32
    return %c0_i32, %c0_i32_0 : i32, i32
  }
  func.func @transform_1(%arg0: i32) -> i32 {
    %c0_i32 = arith.constant 0 : i32
    %c0_i32_0 = arith.constant 0 : i32
    return %c0_i32 : i32
  }
  func.func @transform_2(%arg0: i32) -> (i32, i32) {
    %c0_i32 = arith.constant 0 : i32
    %c0_i32_0 = arith.constant 0 : i32
    return %arg0, %c0_i32 : i32, i32
  }
  func.func @transform_3(%arg0: i32) -> (i32, i32) {
    %c0_i32 = arith.constant 0 : i32
    %c0_i32_0 = arith.constant 0 : i32
    return %c0_i32, %arg0 : i32, i32
  }
  func.func @transform_4(%arg0: i32) -> (i32, i32) {
    %c0_i32 = arith.constant 0 : i32
    %c0_i32_0 = arith.constant 0 : i32
    return %c0_i32, %arg0 : i32, i32
  }
}

</mosaic_0001>

<sc_bundles>
// kernel: kernel.4.cloned.1.call-start
scs
__scs_entry_jumppad:
0x0: {  	(pc) =	sbr.rel $0x88, $3  }
0x1: {  	(tag) =	ssettag $0x0;
	lr =	simm.s32 $0x1  }
0x2: {  	[smem:$0x3F9C] =	sst lr;
	_ =	strace $0xD0000000  }
0x3: {  	_ = 	snop  }
0x4: {  	_ = 	snop  }
0x5: {  	_ = 	snop  }
0x6: {  	_ = 	snop  }
0x7: {  	_ = 	snop  }
__scs_overlays_trampoline_lowered:
0x8: {  	[smem:$0x3FAB] =	sst s0  }
0x9: {  	[smem:$0x3FAC] =	sst s1  }
0xa: {  	[smem:$0x3FAD] =	sst s2  }
0xb: {  	[smem:$0x3FAE] =	sst s3  }
0xc: {  	[smem:$0x3FAF] =	sst s4  }
0xd: {  	[smem:$0x3FB0] =	sst s5  }
0xe: {  	[smem:$0x3FB1] =	sst s6  }
0xf: {  	[smem:$0x3FB2] =	sst s7  }
0x10: {  	[smem:$0x3FB3] =	sst s8  }
0x11: {  	[smem:$0x3FB4] =	sst s9;
	s0 =	simm.s32 @!p0 $0x0  }
0x12: {  	s1 =	sld [smem:$0x3F9A];
	s0 =	simm.s32 @p0 $0x1  }
0x13: {  	[smem:$0x3FB5] =	sst s0;
	s0 =	simm.s32 @!p1 $0x0  }
0x14: {  	s2 =	sld [smem:$0x3F99];
	s0 =	simm.s32 @p1 $0x1  }
0x15: {  	[smem:$0x3FB6] =	sst s0;
	s0 =	simm.s32 @!p2 $0x0  }
0x16: {  	s3 =	sld [smem:$0x3FDB];
	s0 =	simm.s32 @p2 $0x1  }
0x17: {  	s4 =	simm.s32 $0x1BF5;
	[smem:$0x3FB8] =	sst s0  }
0x18: {  	s0 =	sld [smem:$0x3F9B];
	_ =	swait.ge [sflag:s4], $0x0  }
0x19: {  	s7 =	sld [smem:$0x3F9C]  }
0x1a: {  	s8 =	sadd.s32 $0xFFFFE003, lr  }
0x1b: {  	s9 =	sadd.s32 $0xFFFFFEF7, lr;
	s5 =	simm.s32 $0xFFFFFFFF;
	p2 =	slt.u32 s8, $0xFFFFF086  }
0x1c: {  	p1 =	slt.u32 s9, $0xF7A;
	s5 =	simm.s32 @!p2 $0x0  }
0x1d: {  	s5 =	simm.s32 @p1 $0x1;
	p0 =	seq.s32 s7, s2  }
0x1e: {  	s7 =	smul.u32 @!p0 $0xF7A, s2;
	p2 =	seq.s32 @!p0 s5, $0x0  }
0x1f: {  	s9 =	smul.u32 $0xF7A, s1;
	s8 =	simm.s32 @!p0 $0x1BF5;
	p2 =	por !p2, p0  }
0x20: {  	[sflag:s8] =	ssyncset.s32 @!p0 $0xFFFFF086;
	s6 =	sadd.s32 @!p0 s3, s7;
	s7 =	simm.s32 @!p0 $0x108  }
0x21: {  	s3 =	sadd.s32 s3, s9;
	s6 =	sadd.s32 @!p0 $0x88, s6;
	s7 =	simm.s32 @p2 $0x1082  }
0x22: {  	[simem:s7], [sflag:s8] =	dma.local @!p0 [hbm:s6], $0xF7A  }
0x23: {  	s9 =	sor.u32 $0xD0000000, s2;
	s6 =	simm.s32 $0x108;
	_ =	swait.ge @!p0 [sflag:s8], $0x0  }
0x24: {  	s3 =	sadd.s32 $0x88, s3;
	s6 =	simm.s32 @!p1 $0x1082;
	[sflag:s4] =	ssyncset.s32 $0xFFFFF086  }
0x25: {  	[simem:s6], [sflag:s4] =	dma.local [hbm:s3], $0xF7A  }
0x26: {  	[smem:$0x3F9C] =	sst s1;
	(tag) =	ssettag s2;
	_ =	strace s9  }
0x27: {  	s1 =	sld [smem:$0x3FAC]  }
0x28: {  	s2 =	sld [smem:$0x3FAD]  }
0x29: {  	s4 =	sld [smem:$0x3FAF]  }
0x2a: {  	p0 =	seq.s32 s5, $0x0;
	s5 =	sld [smem:$0x3FB0]  }
0x2b: {  	s6 =	sld [smem:$0x3FB1]  }
0x2c: {  	s7 =	sld [smem:$0x3FB2]  }
0x2d: {  	s3 =	simm.s32 $0x108;
	s8 =	sld [smem:$0x3FB3]  }
0x2e: {  	s3 =	simm.s32 @!p0 $0x1082;
	s9 =	sld [smem:$0x3FB4]  }
0x2f: {  	lr =	sadd.s32 s0, s3;
	s0 =	sld [smem:$0x3FAB]  }
0x30: {  	s3 =	sld [smem:$0x3FAE]  }
0x31: {  	[smem:$0x3FB7] =	sst s10  }
0x32: {  	s10 =	sld [smem:$0x3FB5];
	_ =	sdelay $0x3  }
0x33: {  	p0 =	seq.s32 s10, $0x1;
	s10 =	sld [smem:$0x3FB7];
	_ =	sdelay $0x3  }
0x34: {  	[smem:$0x3FB7] =	sst s10  }
0x35: {  	s10 =	sld [smem:$0x3FB6];
	_ =	sdelay $0x3  }
0x36: {  	p1 =	seq.s32 s10, $0x1;
	s10 =	sld [smem:$0x3FB7];
	_ =	sdelay $0x3  }
0x37: {  	[smem:$0x3FB7] =	sst s10  }
0x38: {  	s10 =	sld [smem:$0x3FB8]  }
0x39: {  	_ = 	snop;
	(pc) =	sbr.ind lr, $3  }
0x3a: {  	_ = 	snop  }
0x3b: {  	_ = 	snop  }
0x3c: {  	p2 =	seq.s32 s10, $0x1;
	s10 =	sld [smem:$0x3FB7]  }
0x3d: {  	_ =	shalt  }
0x3e: {  	_ =	shalt  }
0x3f: {  	_ =	shalt  }
0x40: {  	_ =	shalt  }
0x41: {  	_ =	shalt  }
0x42: {  	_ =	shalt  }
0x43: {  	_ =	shalt  }
0x44: {  	_ =	shalt  }
0x45: {  	_ =	shalt  }
0x46: {  	_ =	shalt  }
0x47: {  	_ =	shalt  }
0x48: {  	_ =	shalt  }
0x49: {  	_ =	shalt  }
0x4a: {  	_ =	shalt  }
0x4b: {  	_ =	shalt  }
0x4c: {  	_ =	shalt  }
0x4d: {  	_ =	shalt  }
0x4e: {  	_ =	shalt  }
0x4f: {  	_ =	shalt  }
0x50: {  	_ =	shalt  }
0x51: {  	_ =	shalt  }
0x52: {  	_ =	shalt  }
0x53: {  	_ =	shalt  }
0x54: {  	_ =	shalt  }
0x55: {  	_ =	shalt  }
0x56: {  	_ =	shalt  }
0x57: {  	_ =	shalt  }
0x58: {  	_ =	shalt  }
0x59: {  	_ =	shalt  }
0x5a: {  	_ =	shalt  }
0x5b: {  	_ =	shalt  }
0x5c: {  	_ =	shalt  }
0x5d: {  	_ =	shalt  }
0x5e: {  	_ =	shalt  }
0x5f: {  	_ =	shalt  }
0x60: {  	_ =	shalt  }
0x61: {  	_ =	shalt  }
0x62: {  	_ =	shalt  }
0x63: {  	_ =	shalt  }
0x64: {  	_ =	shalt  }
0x65: {  	_ =	shalt  }
0x66: {  	_ =	shalt  }
0x67: {  	_ =	shalt  }
0x68: {  	_ =	shalt  }
0x69: {  	_ =	shalt  }
0x6a: {  	_ =	shalt  }
0x6b: {  	_ =	shalt  }
0x6c: {  	_ =	shalt  }
0x6d: {  	_ =	shalt  }
0x6e: {  	_ =	shalt  }
0x6f: {  	_ =	shalt  }
0x70: {  	_ =	shalt  }
0x71: {  	_ =	shalt  }
0x72: {  	_ =	shalt  }
0x73: {  	_ =	shalt  }
0x74: {  	_ =	shalt  }
0x75: {  	_ =	shalt  }
0x76: {  	_ =	shalt  }
0x77: {  	_ =	shalt  }
0x78: {  	_ =	shalt  }
0x79: {  	_ =	shalt  }
0x7a: {  	_ =	shalt  }
0x7b: {  	_ =	shalt  }
0x7c: {  	_ =	shalt  }
0x7d: {  	_ =	shalt  }
0x7e: {  	_ =	shalt  }
0x7f: {  	_ =	shalt  }
0x80: {  	_ =	shalt  }
0x81: {  	_ =	shalt  }
0x82: {  	_ =	shalt  }
0x83: {  	_ =	shalt  }
0x84: {  	_ =	shalt  }
0x85: {  	_ =	shalt  }
0x86: {  	_ =	shalt  }
0x87: {  	_ =	shalt  }
.Lfunc_end0:
.L_simem_size_0:
called_computation_lowered:
.L_overlay_start_0:
0x88: {  	s2 =	sld [smem:$0x3FD9]  }
0x89: {  	s3 =	sld [smem:$0x3FFE];
	_ =	sdelay $0x1  }
0x8a: {  	s1 =	srdreg.scid  }
0x8b: {  	s0 =	sand.u32 $0x1, s1  }
0x8c: {  	s17 =	sshll.u32 s0, $0xA;
	s2 =	sadd.s32 s3, s2  }
0x8d: {  	s2 =	sadd.s32 s2, s17  }
0x8e: {  	[smem:$0x3FC3] =	sst s2  }
0x8f: {  	_ = 	snop  }
0x90: {  	s2 =	sld [smem:$0x3FC8]  }
0x91: {  	s18 =	sld [smem:$0x3FD0];
	(tm) =	ssettm $0x1  }
0x92: {  	s4 =	sld [smem:$0x3FFB];
	_ =	sdelay $0x3  }
0x93: {  	_ =	strace s4  }
0x94: {  	s4 =	sld [smem:$0x3FFC];
	_ =	sdelay $0x3  }
0x95: {  	_ =	strace s4  }
0x96: {  	s4 =	sld [smem:$0x3FFD];
	_ =	sdelay $0x3  }
0x97: {  	_ =	strace s4  }
0x98: {  	_ =	strace $0x8FFFFFFF  }
0x99: {  	s19 =	sld [smem:$0x3FDB];
	_ =	sdelay $0x1  }
0x9a: {  	s5 =	simm.s32 $_scs_section_size  }
0x9b: {  	s6 =	simm.s32 $_size__tile_overlayer_lowered;
	s7 =	simm.s32 $_tile_overlayer_lowered  }
0x9c: {  	s22 =	simm.s32 $0x1BFF;
	s21 =	sshll.u32 s7, $0x1;
	s4 =	sadd.s32 s5, s19  }
0x9d: {  	s8 =	simm.s32 $0x0;
	s20 =	sshll.u32 s6, $0x1;
	s6 =	sadd.s32 s21, s4  }
0x9e: {  	[timem:s8], [sflag:s22] =	dma.local [hbm:s6], s20  }
0x9f: {  	_ =	swait.ge [sflag:s22], s20  }
0xa0: {  	s5 =	ssub.s32 $0x0, s20;
	[sflag:s22] =	ssyncset.done $0x0  }
0xa1: {  	[sflag:s22] =	ssyncadd.s32 s5;
	_ =	sdelay $0x1  }
0xa2: {  	s23 =	simm.s32 $0x1B8B  }
0xa3: {  	_ =	swait.ge [sflag:s23], $0x1  }
0xa4: {  	[sflag:s23] =	ssyncset.done $0x0  }
0xa5: {  	s25 =	simm.s32 $0x1B8E;
	s24 =	sld [smem:$0x3FFE];
	[sflag:s23] =	ssyncadd.s32 $0xFFFFFFFF  }
0xa6: {  	s26 =	simm.s32 $execute0_lowered;
	[smem:$0x3FD2] =	sst s25  }
0xa7: {  	s6 =	sshll.u32 s26, $0x1;
	_ =	strace $0x80000046;
	[dreg:$0x1] =	wrdreg $0xFFFFFFFF  }
0xa8: {  	s28 =	simm.s32 $_size_execute0_lowered;
	s4 =	sadd.s32 s4, s6;
	[dreg:$0x0] =	wrdreg $0x0  }
0xa9: {  	s6 =	sshll.u32 s28, $0x1;
	[dreg:$0x2] =	wrdreg s4  }
0xaa: {  	[dreg:$0x3] =	wrdreg s6  }
0xab: {  	[dreg:$0x4] =	wrdreg $0xC0  }
0xac: {  	_ =	task [dreg:s8], $0x5FFFF  }
0xad: {  	[dreg:$0x1] =	wrdreg $0xFFFFFFFF  }
0xae: {  	[dreg:$0x0] =	wrdreg $0x60  }
0xaf: {  	[dreg:$0x2] =	wrdreg s24  }
0xb0: {  	[dreg:$0x3] =	wrdreg s2  }
0xb1: {  	[dreg:$0x4] =	wrdreg s18  }
0xb2: {  	[dreg:$0x5] =	wrdreg $0x9  }
0xb3: {  	_ =	task.clear_ibuf [dreg:s8], $0x6FFFF;
	_ =	strace $0x90000046  }
0xb4: {  	s29 =	simm.s32 $0x9;
	_ =	strace $0x80000048  }
0xb5: {  	_ =	swait.ge [sflag:s29], $0x1  }
0xb6: {  	[sflag:s29] =	ssyncadd.s32 $0xFFFFFFFF  }
0xb7: {  	_ =	strace $0x90000048  }
0xb8: {  	_ =	sfence  }
0xb9: {  	s30 =	sld [smem:$0x0];
	_ =	sdelay $0x2  }
0xba: {  	s31 =	sshll.u32 s1, $0xD;
	s1 =	sshrl.u32 s1, $0x2  }
0xbb: {  	s3 =	sand.u32 $0x4000, s31;
	s1 =	sadd.s32 s1, s30  }
0xbc: {  	s0 =	sor.u32 s3, s0;
	s1 =	sshll.u32 s1, $0x11  }
0xbd: {  	s0 =	sor.u32 s1, s0  }
0xbe: {  	s0 =	sadd.s32 $0x8F2B, s0  }
0xbf: {  	[sflag:s0] =	ssyncadd.remote.s32 $0x1  }
0xc0: {  	_ =	sfence.sel $0xFFFF  }
0xc1: {  	[dreg:$0x0] =	wrdreg $0xFFFFFFFF;
	(pc) =	sbr.abs _section_cstart, $3  }
0xc2: {  	[dreg:$0x1] =	wrdreg $0xFFFFFFFF  }
0xc3: {  	_ =	task.clear_ibuf [dreg:s8], $0x2FFFF;
	_ =	strace $0x9FFFFFFF  }
0xc4: {  	(tm) =	ssettm $0x7FFFFFFF  }
0xc5: {  	_ =	shalt  }
tec
execute0_lowered:
.L_overlay_start_1:
0x0: {  	(tag) =	ssettag $0x1  }
0x1: {  	s4 =	rddreg [dreg:$0x0]  }
0x2: {  	s6 =	rddreg [dreg:$0x1]  }
0x3: {  	s1 =	srdreg.scid;
	s0 =	stileid.u32  }
0x4: {  	s7 =	rddreg [dreg:$0x2];
	s2 =	simm.s32 $0x0;
	s11 =	simm.s32 $0x4  }
0x5: {  	s12 =	simm.s32 $0x200;
	s13 =	simm.s32 $0x1EE00;
	s14 =	simm.s32 $0x1  }
0x6: {  	s15 =	simm.s32 $0x2;
	s16 =	simm.s32 $0x3;
	s17 =	simm.s32 $0x1F000  }
0x7: {  	s18 =	simm.s32 $0x0;
	s5 =	sand.u32 $0x1, s1;
	s3 =	sshll.u32 s0, $0x1  }
0x8: {  	s1 =	rddreg [dreg:$0x3];
	s8 =	sor.u32 s5, s3;
	s5 =	ssub.s32 $0x2, s5  }
0x9: {  	[smem:$0x7FF] =	sst s2;
	s3 =	smul.u32 $0xC80, s8;
	s10 =	sshrl.u32 s5, $0x1  }
0xa: {  	_ =	strace $0x80000047;
	s8 =	sshll.u32 s8, $0x6;
	s10 =	ssub.s32 s5, s10  }
0xb: {  	v0 =	vlaneseq.u32;
	s6 =	sadd.s32 s6, s8;
	s7 =	sadd.s32 s7, s8;
	s9 =	sadd.s32 s3, s4  }
0xc: {  	v0 =	vmul.u32 $0x32, v0;
	s3 =	sadd.s32 $0xA00, s4;
	s4 =	sadd.s32 $0x3C00, s4;
	s8 =	smax.u32 s10, $0x1  }
0xd: {  	s10 =	simm.s32 $0x1EC00;
	s5 =	sadd.s32 $0x187600, s9;
	s9 =	simm.s32 $0x6400  }
.LBB2_1:
0xe: {  	[tilespmem:s2], [sflag:$0x1] =	stream.linear.gather [hbm4b:s5+s2], $0x6400, $0x38;
	[tilespmem:$0x1F200] =	vst v63  }
0xf: {  	_ = 	snop  }
0x10: {  	[tilespmem:s9], [sflag:$0x2] =	stream.linear.gather [hbm4b:s3+s2], $0x18800, $0x38;
	[tilespmem:$0x1F200] =	vst v63  }
0x11: {  	_ = 	snop  }
0x12: {  	[tilespmem:s10], [sflag:$0x4] =	stream.linear.gather [hbm4b:s6+s2], $0x200, $0x38;
	[tilespmem:$0x1F200] =	vst v63  }
0x13: {  	_ =	swait.ge [sflag:s11], $0x200  }
0x14: {  	[sflag:s11] =	ssyncset.done $0x0  }
0x15: {  	[sflag:s11] =	ssyncadd.s32 $0xFFFFFE00  }
0x16: {  	[tilespmem:s13], [sflag:$0x3] =	stream.indirect.gather [hbm4b:s4+s12], $0x1, s10, s12, $0xb8;
	[tilespmem:$0x1F200] =	vst v63  }
0x17: {  	_ =	swait.ge [sflag:s14], $0x6400  }
0x18: {  	[sflag:s14] =	ssyncset.done $0x0  }
0x19: {  	[sflag:s14] =	ssyncadd.s32 $0xFFFF9C00  }
0x1a: {  	_ =	swait.ge [sflag:s15], $0x18800  }
0x1b: {  	v1 =	vadd.s32 s2, v0;
	s19 =	simm.s32 $0x1;
	[sflag:s15] =	ssyncset.done $0x0  }
0x1c: {  	s24 =	simm.s32 $0x2;
	v2 =	vadd.s32 s19, v0;
	[sflag:s15] =	ssyncadd.s32 $0xFFFE7800  }
0x1d: {  	v3 =	vadd.s32 s24, v0;
	_ =	swait.ge [sflag:s16], $0x200  }
0x1e: {  	s25 =	simm.s32 $0x3;
	[sflag:s16] =	ssyncset.done $0x0  }
0x1f: {  	v4 =	vadd.s32 s25, v0;
	[sflag:s16] =	ssyncadd.s32 $0xFFFFFE00  }
0x20: {  	s26 =	simm.s32 $0x4;
	v1 =	vld.idx.msk [tilespmem:v1+s2+$0x0], $0xffff  }
0x21: {  	s28 =	simm.s32 $0x5;
	v5 =	vadd.s32 s26, v0;
	v2 =	vld.idx.msk [tilespmem:v2+s2+$0x0], $0xffff  }
0x22: {  	v6 =	vld.idx.msk [tilespmem:v3+s2+$0x0], $0xffff;
	v3 =	vadd.s32 s28, v0;
	_ =	sdelay $0x1  }
0x23: {  	s29 =	simm.s32 $0x6;
	v7 =	vld.idx.msk [tilespmem:v4+s2+$0x0], $0xffff  }
0x24: {  	v9 =	vadd.s32 s29, v0;
	v11 =	vld [tilespmem:$0x1EE00]  }
0x25: {  	v4 =	vld.idx.msk [tilespmem:v5+s2+$0x0], $0xffff  }
0x26: {  	s30 =	simm.s32 $0x7;
	v3 =	vld.idx.msk [tilespmem:v3+s2+$0x0], $0xffff  }
0x27: {  	s31 =	simm.s32 $0x8;
	v5 =	vld.idx.msk [tilespmem:v1+s9+$0x0], $0xffff;
	v1 =	vadd.s32 s30, v0  }
0x28: {  	v12 =	vadd.s32 s31, v0;
	v8 =	vld.idx.msk [tilespmem:v2+s9+$0x0], $0xffff  }
0x29: {  	s20 =	simm.s32 $0x9;
	v2 =	vld.idx.msk [tilespmem:v9+s2+$0x0], $0xffff  }
0x2a: {  	v10 =	vadd.s32 s20, v0;
	v6 =	vld.idx.msk [tilespmem:v6+s9+$0x0], $0xffff  }
0x2b: {  	s19 =	simm.s32 $0xA;
	v7 =	vld.idx.msk [tilespmem:v7+s9+$0x0], $0xffff  }
0x2c: {  	v9 =	vadd.s32 s19, v0;
	v1 =	vld.idx.msk [tilespmem:v1+s2+$0x0], $0xffff;
	v11 =	vadd.f32 v5, v11  }
0x2d: {  	s21 =	simm.s32 $0xB;
	s20 =	simm.s32 $0x14;
	v5 =	vld.idx.msk [tilespmem:v12+s2+$0x0], $0xffff  }
.LBB2_2:
0x2e: {  	p0 =	slt.u32 s20, $0x28;
	v12 =	vadd.s32 s21, v0;
	v8 =	vadd.f32 v8, v11;
	v4 =	vld.idx.msk [tilespmem:v4+s9+$0x0], $0xffff  }
0x2f: {  	s21 =	sadd.s32 $0x2, s19;
	v10 =	vld.idx.msk [tilespmem:v10+s2+$0x0], $0xffff  }
0x30: {  	v11 =	vadd.s32 s21, v0;
	v6 =	vadd.f32 v6, v8;
	v3 =	vld.idx.msk [tilespmem:v3+s9+$0x0], $0xffff  }
0x31: {  	s21 =	sadd.s32 $0x3, s19;
	v8 =	vld.idx.msk [tilespmem:v9+s2+$0x0], $0xffff  }
0x32: {  	v9 =	vadd.s32 s21, v0;
	v6 =	vadd.f32 v7, v6;
	v2 =	vld.idx.msk [tilespmem:v2+s9+$0x0], $0xffff  }
0x33: {  	s21 =	sadd.s32 $0x4, s19;
	v7 =	vld.idx.msk [tilespmem:v12+s2+$0x0], $0xffff  }
0x34: {  	v12 =	vadd.s32 s21, v0;
	v4 =	vadd.f32 v4, v6;
	v1 =	vld.idx.msk [tilespmem:v1+s9+$0x0], $0xffff  }
0x35: {  	s21 =	sadd.s32 $0x5, s19;
	v6 =	vld.idx.msk [tilespmem:v11+s2+$0x0], $0xffff  }
0x36: {  	v11 =	vadd.s32 s21, v0;
	v3 =	vadd.f32 v3, v4;
	v5 =	vld.idx.msk [tilespmem:v5+s9+$0x0], $0xffff  }
0x37: {  	s21 =	sadd.s32 $0x6, s19;
	v13 =	vld.idx.msk [tilespmem:v9+s2+$0x0], $0xffff  }
0x38: {  	v9 =	vadd.s32 s21, v0;
	v2 =	vadd.f32 v2, v3;
	v14 =	vld.idx.msk [tilespmem:v10+s9+$0x0], $0xffff  }
0x39: {  	s21 =	sadd.s32 $0x7, s19;
	v4 =	vld.idx.msk [tilespmem:v12+s2+$0x0], $0xffff  }
0x3a: {  	v15 =	vadd.s32 s21, v0;
	v12 =	vld.idx.msk [tilespmem:v8+s9+$0x0], $0xffff;
	v1 =	vadd.f32 v1, v2  }
0x3b: {  	s21 =	sadd.s32 $0x8, s19;
	v3 =	vld.idx.msk [tilespmem:v11+s2+$0x0], $0xffff  }
0x3c: {  	v16 =	vadd.s32 s21, v0;
	v8 =	vld.idx.msk [tilespmem:v7+s9+$0x0], $0xffff;
	v1 =	vadd.f32 v5, v1  }
.Ltmp0:
0x3d: {  	s21 =	sadd.s32 $0x9, s19;
	s19 =	smov.u32 s20;
	v2 =	vld.idx.msk [tilespmem:v9+s2+$0x0], $0xffff;
	(pc) =	sbr.rel @p0 .LBB2_2-.Ltmp0, $4  }
0x3e: {  	v10 =	vadd.s32 s21, v0;
	v6 =	vld.idx.msk [tilespmem:v6+s9+$0x0], $0xffff;
	v5 =	vadd.f32 v14, v1  }
0x3f: {  	v1 =	vld.idx.msk [tilespmem:v15+s2+$0x0], $0xffff  }
0x40: {  	v9 =	vadd.s32 s20, v0;
	v11 =	vadd.f32 v12, v5;
	v7 =	vld.idx.msk [tilespmem:v13+s9+$0x0], $0xffff  }
0x41: {  	s21 =	sadd.s32 $0x1, s19;
	s20 =	sadd.s32 $0xA, s20;
	v5 =	vld.idx.msk [tilespmem:v16+s2+$0x0], $0xffff  }
0x42: {  	_ =	sdelay $0x2  }
0x43: {  	v8 =	vadd.f32 v8, v11  }
0x44: {  	v4 =	vld.idx.msk [tilespmem:v4+s9+$0x0], $0xffff  }
0x45: {  	v11 =	vadd.s32 s21, v0;
	v10 =	vld.idx.msk [tilespmem:v10+s2+$0x0], $0xffff;
	v6 =	vadd.f32 v6, v8  }
0x46: {  	s20 =	sadd.s32 $0x2, s19;
	v3 =	vld.idx.msk [tilespmem:v3+s9+$0x0], $0xffff  }
0x47: {  	v9 =	vld.idx.msk [tilespmem:v9+s2+$0x0], $0xffff;
	v8 =	vadd.s32 s20, v0;
	v6 =	vadd.f32 v7, v6  }
0x48: {  	s25 =	sadd.s32 $0x3, s19;
	v2 =	vld.idx.msk [tilespmem:v2+s9+$0x0], $0xffff  }
0x49: {  	s26 =	sadd.s32 $0x4, s19;
	v1 =	vld.idx.msk [tilespmem:v1+s9+$0x0], $0xffff;
	v7 =	vadd.s32 s25, v0;
	v4 =	vadd.f32 v4, v6  }
0x4a: {  	v11 =	vld.idx.msk [tilespmem:v11+s2+$0x0], $0xffff;
	v6 =	vadd.s32 s26, v0  }
0x4b: {  	s28 =	sadd.s32 $0x5, s19;
	v5 =	vld.idx.msk [tilespmem:v5+s9+$0x0], $0xffff;
	v3 =	vadd.f32 v3, v4  }
0x4c: {  	v8 =	vld.idx.msk [tilespmem:v8+s2+$0x0], $0xffff;
	v4 =	vadd.s32 s28, v0  }
0x4d: {  	s29 =	sadd.s32 $0x6, s19;
	v10 =	vld.idx.msk [tilespmem:v10+s9+$0x0], $0xffff;
	v2 =	vadd.f32 v2, v3  }
0x4e: {  	v7 =	vld.idx.msk [tilespmem:v7+s2+$0x0], $0xffff;
	v3 =	vadd.s32 s29, v0  }
0x4f: {  	s30 =	sadd.s32 $0x7, s19;
	v6 =	vld.idx.msk [tilespmem:v6+s2+$0x0], $0xffff;
	v1 =	vadd.f32 v1, v2  }
0x50: {  	v2 =	vld.idx.msk [tilespmem:v9+s9+$0x0], $0xffff;
	v9 =	vadd.s32 s30, v0  }
0x51: {  	s31 =	sadd.s32 $0x8, s19;
	v4 =	vld.idx.msk [tilespmem:v4+s2+$0x0], $0xffff;
	v1 =	vadd.f32 v5, v1  }
0x52: {  	v5 =	vld.idx.msk [tilespmem:v11+s9+$0x0], $0xffff;
	v11 =	vadd.s32 s31, v0  }
0x53: {  	s20 =	sadd.s32 $0x9, s19;
	v3 =	vld.idx.msk [tilespmem:v3+s2+$0x0], $0xffff;
	v1 =	vadd.f32 v10, v1  }
0x54: {  	v8 =	vld.idx.msk [tilespmem:v8+s9+$0x0], $0xffff;
	v10 =	vadd.s32 s20, v0  }
0x55: {  	v9 =	vld.idx.msk [tilespmem:v9+s2+$0x0], $0xffff;
	v1 =	vadd.f32 v2, v1  }
0x56: {  	v2 =	vld.idx.msk [tilespmem:v7+s9+$0x0], $0xffff  }
0x57: {  	v7 =	vld.idx.msk [tilespmem:v11+s2+$0x0], $0xffff;
	v1 =	vadd.f32 v5, v1  }
0x58: {  	v5 =	vld.idx.msk [tilespmem:v6+s9+$0x0], $0xffff  }
0x59: {  	v6 =	vld.idx.msk [tilespmem:v10+s2+$0x0], $0xffff;
	v1 =	vadd.f32 v8, v1  }
0x5a: {  	v4 =	vld.idx.msk [tilespmem:v4+s9+$0x0], $0xffff  }
0x5b: {  	v1 =	vadd.f32 v2, v1  }
0x5c: {  	v2 =	vld.idx.msk [tilespmem:v3+s9+$0x0], $0xffff  }
0x5d: {  	v1 =	vadd.f32 v5, v1  }
0x5e: {  	v3 =	vld.idx.msk [tilespmem:v9+s9+$0x0], $0xffff  }
0x5f: {  	v1 =	vadd.f32 v4, v1  }
0x60: {  	v4 =	vld.idx.msk [tilespmem:v7+s9+$0x0], $0xffff  }
0x61: {  	v1 =	vadd.f32 v2, v1  }
0x62: {  	v2 =	vld.idx.msk [tilespmem:v6+s9+$0x0], $0xffff  }
0x63: {  	v1 =	vadd.f32 v3, v1  }
0x64: {  	s21 =	simm.s32 $0x320  }
0x65: {  	v3 =	vadd.s32 s21, v0;
	v1 =	vadd.f32 v4, v1  }
0x66: {  	s22 =	simm.s32 $0x321  }
0x67: {  	v1 =	vadd.f32 v2, v1;
	v2 =	vadd.s32 s22, v0  }
0x68: {  	s23 =	simm.s32 $0x322  }
0x69: {  	[tilespmem:$0x1F000] =	vst v1;
	v1 =	vadd.s32 s23, v0  }
0x6a: {  	s24 =	simm.s32 $0x323;
	v3 =	vld.idx.msk [tilespmem:v3+s2+$0x0], $0xffff  }
0x6b: {  	s25 =	simm.s32 $0x324;
	v4 =	vadd.s32 s24, v0  }
0x6c: {  	v5 =	vld.idx.msk [tilespmem:v2+s2+$0x0], $0xffff;
	v2 =	vadd.s32 s25, v0  }
0x6d: {  	s28 =	simm.s32 $0x326  }
0x6e: {  	s26 =	simm.s32 $0x325;
	v8 =	vadd.s32 s28, v0;
	v7 =	vld.idx.msk [tilespmem:v1+s2+$0x0], $0xffff  }
0x6f: {  	v10 =	vld [tilespmem:$0x1EE10];
	v1 =	vadd.s32 s26, v0  }
0x70: {  	v4 =	vld.idx.msk [tilespmem:v4+s2+$0x0], $0xffff  }
0x71: {  	s29 =	simm.s32 $0x327;
	v2 =	vld.idx.msk [tilespmem:v2+s2+$0x0], $0xffff  }
0x72: {  	v11 =	vadd.s32 s29, v0;
	v6 =	vld.idx.msk [tilespmem:v3+s9+$0x0], $0xffff  }
0x73: {  	s30 =	simm.s32 $0x328;
	v3 =	vld.idx.msk [tilespmem:v8+s2+$0x0], $0xffff  }
0x74: {  	v8 =	vadd.s32 s30, v0;
	v1 =	vld.idx.msk [tilespmem:v1+s2+$0x0], $0xffff  }
0x75: {  	s31 =	simm.s32 $0x329;
	v5 =	vld.idx.msk [tilespmem:v5+s9+$0x0], $0xffff  }
0x76: {  	s19 =	simm.s32 $0x0;
	v9 =	vadd.s32 s31, v0;
	v7 =	vld.idx.msk [tilespmem:v7+s9+$0x0], $0xffff  }
.LBB2_4:
0x77: {  	s21 =	sadd.s32 $0x32A, s19;
	v11 =	vld.idx.msk [tilespmem:v11+s2+$0x0], $0xffff;
	s20 =	smov.u32 s19  }
0x78: {  	s19 =	sadd.s32 $0xA, s19;
	v12 =	vadd.s32 s21, v0;
	v6 =	vadd.f32 v6, v10;
	v4 =	vld.idx.msk [tilespmem:v4+s9+$0x0], $0xffff  }
0x79: {  	s21 =	sadd.s32 $0x32B, s20;
	p0 =	slt.u32 s19, $0x28;
	v8 =	vld.idx.msk [tilespmem:v8+s2+$0x0], $0xffff  }
0x7a: {  	v10 =	vadd.s32 s21, v0;
	v5 =	vadd.f32 v5, v6;
	v2 =	vld.idx.msk [tilespmem:v2+s9+$0x0], $0xffff  }
0x7b: {  	s21 =	sadd.s32 $0x32C, s20;
	v6 =	vld.idx.msk [tilespmem:v9+s2+$0x0], $0xffff  }
0x7c: {  	v9 =	vadd.s32 s21, v0;
	v5 =	vadd.f32 v7, v5;
	v1 =	vld.idx.msk [tilespmem:v1+s9+$0x0], $0xffff  }
0x7d: {  	s21 =	sadd.s32 $0x32D, s20;
	v7 =	vld.idx.msk [tilespmem:v12+s2+$0x0], $0xffff  }
0x7e: {  	v12 =	vadd.s32 s21, v0;
	v4 =	vadd.f32 v4, v5;
	v3 =	vld.idx.msk [tilespmem:v3+s9+$0x0], $0xffff  }
0x7f: {  	s21 =	sadd.s32 $0x32E, s20;
	v5 =	vld.idx.msk [tilespmem:v10+s2+$0x0], $0xffff  }
0x80: {  	v10 =	vadd.s32 s21, v0;
	v2 =	vadd.f32 v2, v4;
	v13 =	vld.idx.msk [tilespmem:v11+s9+$0x0], $0xffff  }
0x81: {  	s21 =	sadd.s32 $0x32F, s20;
	v9 =	vld.idx.msk [tilespmem:v9+s2+$0x0], $0xffff  }
0x82: {  	v14 =	vadd.s32 s21, v0;
	v1 =	vadd.f32 v1, v2;
	v15 =	vld.idx.msk [tilespmem:v8+s9+$0x0], $0xffff  }
0x83: {  	s21 =	sadd.s32 $0x330, s20;
	v4 =	vld.idx.msk [tilespmem:v12+s2+$0x0], $0xffff  }
0x84: {  	v12 =	vadd.s32 s21, v0;
	v1 =	vadd.f32 v3, v1;
	v16 =	vld.idx.msk [tilespmem:v6+s9+$0x0], $0xffff  }
0x85: {  	s21 =	sadd.s32 $0x331, s20;
	v2 =	vld.idx.msk [tilespmem:v10+s2+$0x0], $0xffff  }
.Ltmp1:
0x86: {  	v11 =	vadd.s32 s21, v0;
	v6 =	vld.idx.msk [tilespmem:v7+s9+$0x0], $0xffff;
	v3 =	vadd.f32 v13, v1;
	(pc) =	sbr.rel @p0 .LBB2_4-.Ltmp1, $4  }
0x87: {  	s21 =	sadd.s32 $0x332, s20;
	v1 =	vld.idx.msk [tilespmem:v14+s2+$0x0], $0xffff  }
0x88: {  	v8 =	vadd.s32 s21, v0;
	v5 =	vld.idx.msk [tilespmem:v5+s9+$0x0], $0xffff;
	v10 =	vadd.f32 v15, v3  }
0x89: {  	s20 =	sadd.s32 $0x333, s20;
	v3 =	vld.idx.msk [tilespmem:v12+s2+$0x0], $0xffff  }
0x8a: {  	v7 =	vld.idx.msk [tilespmem:v9+s9+$0x0], $0xffff;
	v9 =	vadd.s32 s20, v0;
	v10 =	vadd.f32 v16, v10  }
0x8b: {  	_ =	sdelay $0x3  }
0x8c: {  	v11 =	vld.idx.msk [tilespmem:v11+s2+$0x0], $0xffff;
	v6 =	vadd.f32 v6, v10  }
0x8d: {  	v4 =	vld.idx.msk [tilespmem:v4+s9+$0x0], $0xffff  }
0x8e: {  	v8 =	vld.idx.msk [tilespmem:v8+s2+$0x0], $0xffff;
	v5 =	vadd.f32 v5, v6  }
0x8f: {  	v2 =	vld.idx.msk [tilespmem:v2+s9+$0x0], $0xffff  }
0x90: {  	v1 =	vld.idx.msk [tilespmem:v1+s9+$0x0], $0xffff;
	v5 =	vadd.f32 v7, v5  }
0x91: {  	v6 =	vld.idx.msk [tilespmem:v9+s2+$0x0], $0xffff  }
0x92: {  	v4 =	vadd.f32 v4, v5  }
0x93: {  	v3 =	vld.idx.msk [tilespmem:v3+s9+$0x0], $0xffff  }
0x94: {  	v2 =	vadd.f32 v2, v4  }
0x95: {  	v4 =	vld.idx.msk [tilespmem:v11+s9+$0x0], $0xffff  }
0x96: {  	v1 =	vadd.f32 v1, v2  }
0x97: {  	v2 =	vld.idx.msk [tilespmem:v8+s9+$0x0], $0xffff  }
0x98: {  	v1 =	vadd.f32 v3, v1  }
0x99: {  	v3 =	vld.idx.msk [tilespmem:v6+s9+$0x0], $0xffff  }
0x9a: {  	v1 =	vadd.f32 v4, v1  }
0x9b: {  	s19 =	simm.s32 $0x640  }
0x9c: {  	v1 =	vadd.f32 v2, v1;
	v2 =	vadd.s32 s19, v0  }
0x9d: {  	s24 =	simm.s32 $0x641  }
0x9e: {  	v1 =	vadd.f32 v3, v1;
	v3 =	vadd.s32 s24, v0  }
0x9f: {  	s25 =	simm.s32 $0x642  }
0xa0: {  	[tilespmem:$0x1F010] =	vst v1;
	v1 =	vadd.s32 s25, v0  }
0xa1: {  	s26 =	simm.s32 $0x643;
	v5 =	vld.idx.msk [tilespmem:v2+s2+$0x0], $0xffff  }
0xa2: {  	s28 =	simm.s32 $0x644;
	v2 =	vadd.s32 s26, v0  }
0xa3: {  	v6 =	vadd.s32 s28, v0;
	v3 =	vld.idx.msk [tilespmem:v3+s2+$0x0], $0xffff  }
0xa4: {  	s29 =	simm.s32 $0x645  }
0xa5: {  	v7 =	vld.idx.msk [tilespmem:v1+s2+$0x0], $0xffff;
	v1 =	vadd.s32 s29, v0  }
0xa6: {  	s30 =	simm.s32 $0x646;
	v10 =	vld [tilespmem:$0x1EE20]  }
0xa7: {  	v8 =	vadd.s32 s30, v0;
	v4 =	vld.idx.msk [tilespmem:v2+s2+$0x0], $0xffff  }
0xa8: {  	v2 =	vld.idx.msk [tilespmem:v6+s2+$0x0], $0xffff  }
0xa9: {  	s31 =	simm.s32 $0x647;
	v6 =	vld.idx.msk [tilespmem:v5+s9+$0x0], $0xffff  }
0xaa: {  	v11 =	vadd.s32 s31, v0;
	v1 =	vld.idx.msk [tilespmem:v1+s2+$0x0], $0xffff  }
0xab: {  	s20 =	simm.s32 $0x648;
	v5 =	vld.idx.msk [tilespmem:v3+s9+$0x0], $0xffff  }
0xac: {  	v3 =	vld.idx.msk [tilespmem:v8+s2+$0x0], $0xffff;
	v8 =	vadd.s32 s20, v0  }
0xad: {  	s21 =	simm.s32 $0x649  }
0xae: {  	v9 =	vadd.s32 s21, v0;
	s19 =	simm.s32 $0x0;
	v7 =	vld.idx.msk [tilespmem:v7+s9+$0x0], $0xffff  }
.LBB2_6:
0xaf: {  	s21 =	sadd.s32 $0x64A, s19;
	v11 =	vld.idx.msk [tilespmem:v11+s2+$0x0], $0xffff;
	s20 =	smov.u32 s19  }
0xb0: {  	s19 =	sadd.s32 $0xA, s19;
	v12 =	vadd.s32 s21, v0;
	v6 =	vadd.f32 v6, v10;
	v4 =	vld.idx.msk [tilespmem:v4+s9+$0x0], $0xffff  }
0xb1: {  	s21 =	sadd.s32 $0x64B, s20;
	p0 =	slt.u32 s19, $0x28;
	v8 =	vld.idx.msk [tilespmem:v8+s2+$0x0], $0xffff  }
0xb2: {  	v10 =	vadd.s32 s21, v0;
	v5 =	vadd.f32 v5, v6;
	v2 =	vld.idx.msk [tilespmem:v2+s9+$0x0], $0xffff  }
0xb3: {  	s21 =	sadd.s32 $0x64C, s20;
	v6 =	vld.idx.msk [tilespmem:v9+s2+$0x0], $0xffff  }
0xb4: {  	v9 =	vadd.s32 s21, v0;
	v5 =	vadd.f32 v7, v5;
	v1 =	vld.idx.msk [tilespmem:v1+s9+$0x0], $0xffff  }
0xb5: {  	s21 =	sadd.s32 $0x64D, s20;
	v7 =	vld.idx.msk [tilespmem:v12+s2+$0x0], $0xffff  }
0xb6: {  	v12 =	vadd.s32 s21, v0;
	v4 =	vadd.f32 v4, v5;
	v3 =	vld.idx.msk [tilespmem:v3+s9+$0x0], $0xffff  }
0xb7: {  	s21 =	sadd.s32 $0x64E, s20;
	v5 =	vld.idx.msk [tilespmem:v10+s2+$0x0], $0xffff  }
0xb8: {  	v10 =	vadd.s32 s21, v0;
	v2 =	vadd.f32 v2, v4;
	v13 =	vld.idx.msk [tilespmem:v11+s9+$0x0], $0xffff  }
0xb9: {  	s21 =	sadd.s32 $0x64F, s20;
	v9 =	vld.idx.msk [tilespmem:v9+s2+$0x0], $0xffff  }
0xba: {  	v14 =	vadd.s32 s21, v0;
	v1 =	vadd.f32 v1, v2;
	v15 =	vld.idx.msk [tilespmem:v8+s9+$0x0], $0xffff  }
0xbb: {  	s21 =	sadd.s32 $0x650, s20;
	v4 =	vld.idx.msk [tilespmem:v12+s2+$0x0], $0xffff  }
0xbc: {  	v12 =	vadd.s32 s21, v0;
	v1 =	vadd.f32 v3, v1;
	v16 =	vld.idx.msk [tilespmem:v6+s9+$0x0], $0xffff  }
0xbd: {  	s21 =	sadd.s32 $0x651, s20;
	v2 =	vld.idx.msk [tilespmem:v10+s2+$0x0], $0xffff  }
.Ltmp2:
0xbe: {  	v11 =	vadd.s32 s21, v0;
	v6 =	vld.idx.msk [tilespmem:v7+s9+$0x0], $0xffff;
	v3 =	vadd.f32 v13, v1;
	(pc) =	sbr.rel @p0 .LBB2_6-.Ltmp2, $4  }
0xbf: {  	s21 =	sadd.s32 $0x652, s20;
	v1 =	vld.idx.msk [tilespmem:v14+s2+$0x0], $0xffff  }
0xc0: {  	v8 =	vadd.s32 s21, v0;
	v5 =	vld.idx.msk [tilespmem:v5+s9+$0x0], $0xffff;
	v10 =	vadd.f32 v15, v3  }
0xc1: {  	s20 =	sadd.s32 $0x653, s20;
	v3 =	vld.idx.msk [tilespmem:v12+s2+$0x0], $0xffff  }
0xc2: {  	v7 =	vld.idx.msk [tilespmem:v9+s9+$0x0], $0xffff;
	v9 =	vadd.s32 s20, v0;
	v10 =	vadd.f32 v16, v10  }
0xc3: {  	_ =	sdelay $0x3  }
0xc4: {  	v11 =	vld.idx.msk [tilespmem:v11+s2+$0x0], $0xffff;
	v6 =	vadd.f32 v6, v10  }
0xc5: {  	v4 =	vld.idx.msk [tilespmem:v4+s9+$0x0], $0xffff  }
0xc6: {  	v8 =	vld.idx.msk [tilespmem:v8+s2+$0x0], $0xffff;
	v5 =	vadd.f32 v5, v6  }
0xc7: {  	v2 =	vld.idx.msk [tilespmem:v2+s9+$0x0], $0xffff  }
0xc8: {  	v1 =	vld.idx.msk [tilespmem:v1+s9+$0x0], $0xffff;
	v5 =	vadd.f32 v7, v5  }
0xc9: {  	v6 =	vld.idx.msk [tilespmem:v9+s2+$0x0], $0xffff  }
0xca: {  	v4 =	vadd.f32 v4, v5  }
0xcb: {  	v3 =	vld.idx.msk [tilespmem:v3+s9+$0x0], $0xffff  }
0xcc: {  	v2 =	vadd.f32 v2, v4  }
0xcd: {  	v4 =	vld.idx.msk [tilespmem:v11+s9+$0x0], $0xffff  }
0xce: {  	v1 =	vadd.f32 v1, v2  }
0xcf: {  	v2 =	vld.idx.msk [tilespmem:v8+s9+$0x0], $0xffff  }
0xd0: {  	v1 =	vadd.f32 v3, v1  }
0xd1: {  	v3 =	vld.idx.msk [tilespmem:v6+s9+$0x0], $0xffff  }
0xd2: {  	v1 =	vadd.f32 v4, v1  }
0xd3: {  	s19 =	simm.s32 $0x960  }
0xd4: {  	v1 =	vadd.f32 v2, v1;
	v2 =	vadd.s32 s19, v0  }
0xd5: {  	s24 =	simm.s32 $0x961  }
0xd6: {  	v1 =	vadd.f32 v3, v1;
	v3 =	vadd.s32 s24, v0  }
0xd7: {  	s25 =	simm.s32 $0x962  }
0xd8: {  	[tilespmem:$0x1F020] =	vst v1;
	v1 =	vadd.s32 s25, v0  }
0xd9: {  	s26 =	simm.s32 $0x963;
	v5 =	vld.idx.msk [tilespmem:v2+s2+$0x0], $0xffff  }
0xda: {  	s28 =	simm.s32 $0x964;
	v2 =	vadd.s32 s26, v0  }
0xdb: {  	v6 =	vadd.s32 s28, v0;
	v3 =	vld.idx.msk [tilespmem:v3+s2+$0x0], $0xffff  }
0xdc: {  	s29 =	simm.s32 $0x965  }
0xdd: {  	v7 =	vld.idx.msk [tilespmem:v1+s2+$0x0], $0xffff;
	v1 =	vadd.s32 s29, v0  }
0xde: {  	s30 =	simm.s32 $0x966;
	v10 =	vld [tilespmem:$0x1EE30]  }
0xdf: {  	v8 =	vadd.s32 s30, v0;
	v4 =	vld.idx.msk [tilespmem:v2+s2+$0x0], $0xffff  }
0xe0: {  	v2 =	vld.idx.msk [tilespmem:v6+s2+$0x0], $0xffff  }
0xe1: {  	s31 =	simm.s32 $0x967;
	v6 =	vld.idx.msk [tilespmem:v5+s9+$0x0], $0xffff  }
0xe2: {  	v11 =	vadd.s32 s31, v0;
	v1 =	vld.idx.msk [tilespmem:v1+s2+$0x0], $0xffff  }
0xe3: {  	s20 =	simm.s32 $0x968;
	v5 =	vld.idx.msk [tilespmem:v3+s9+$0x0], $0xffff  }
0xe4: {  	v3 =	vld.idx.msk [tilespmem:v8+s2+$0x0], $0xffff;
	v8 =	vadd.s32 s20, v0  }
0xe5: {  	s21 =	simm.s32 $0x969  }
0xe6: {  	v9 =	vadd.s32 s21, v0;
	s19 =	simm.s32 $0x0;
	v7 =	vld.idx.msk [tilespmem:v7+s9+$0x0], $0xffff  }
.LBB2_8:
0xe7: {  	s21 =	sadd.s32 $0x96A, s19;
	v11 =	vld.idx.msk [tilespmem:v11+s2+$0x0], $0xffff;
	s20 =	smov.u32 s19  }
0xe8: {  	s19 =	sadd.s32 $0xA, s19;
	v12 =	vadd.s32 s21, v0;
	v6 =	vadd.f32 v6, v10;
	v4 =	vld.idx.msk [tilespmem:v4+s9+$0x0], $0xffff  }
0xe9: {  	s21 =	sadd.s32 $0x96B, s20;
	p0 =	slt.u32 s19, $0x28;
	v8 =	vld.idx.msk [tilespmem:v8+s2+$0x0], $0xffff  }
0xea: {  	v10 =	vadd.s32 s21, v0;
	v5 =	vadd.f32 v5, v6;
	v2 =	vld.idx.msk [tilespmem:v2+s9+$0x0], $0xffff  }
0xeb: {  	s21 =	sadd.s32 $0x96C, s20;
	v6 =	vld.idx.msk [tilespmem:v9+s2+$0x0], $0xffff  }
0xec: {  	v9 =	vadd.s32 s21, v0;
	v5 =	vadd.f32 v7, v5;
	v1 =	vld.idx.msk [tilespmem:v1+s9+$0x0], $0xffff  }
0xed: {  	s21 =	sadd.s32 $0x96D, s20;
	v7 =	vld.idx.msk [tilespmem:v12+s2+$0x0], $0xffff  }
0xee: {  	v12 =	vadd.s32 s21, v0;
	v4 =	vadd.f32 v4, v5;
	v3 =	vld.idx.msk [tilespmem:v3+s9+$0x0], $0xffff  }
0xef: {  	s21 =	sadd.s32 $0x96E, s20;
	v5 =	vld.idx.msk [tilespmem:v10+s2+$0x0], $0xffff  }
0xf0: {  	v10 =	vadd.s32 s21, v0;
	v2 =	vadd.f32 v2, v4;
	v13 =	vld.idx.msk [tilespmem:v11+s9+$0x0], $0xffff  }
0xf1: {  	s21 =	sadd.s32 $0x96F, s20;
	v9 =	vld.idx.msk [tilespmem:v9+s2+$0x0], $0xffff  }
0xf2: {  	v14 =	vadd.s32 s21, v0;
	v1 =	vadd.f32 v1, v2;
	v15 =	vld.idx.msk [tilespmem:v8+s9+$0x0], $0xffff  }
0xf3: {  	s21 =	sadd.s32 $0x970, s20;
	v4 =	vld.idx.msk [tilespmem:v12+s2+$0x0], $0xffff  }
0xf4: {  	v12 =	vadd.s32 s21, v0;
	v1 =	vadd.f32 v3, v1;
	v16 =	vld.idx.msk [tilespmem:v6+s9+$0x0], $0xffff  }
0xf5: {  	s21 =	sadd.s32 $0x971, s20;
	v2 =	vld.idx.msk [tilespmem:v10+s2+$0x0], $0xffff  }
.Ltmp3:
0xf6: {  	v11 =	vadd.s32 s21, v0;
	v6 =	vld.idx.msk [tilespmem:v7+s9+$0x0], $0xffff;
	v3 =	vadd.f32 v13, v1;
	(pc) =	sbr.rel @p0 .LBB2_8-.Ltmp3, $4  }
0xf7: {  	s21 =	sadd.s32 $0x972, s20;
	v1 =	vld.idx.msk [tilespmem:v14+s2+$0x0], $0xffff  }
0xf8: {  	v8 =	vadd.s32 s21, v0;
	v5 =	vld.idx.msk [tilespmem:v5+s9+$0x0], $0xffff;
	v10 =	vadd.f32 v15, v3  }
0xf9: {  	s20 =	sadd.s32 $0x973, s20;
	v3 =	vld.idx.msk [tilespmem:v12+s2+$0x0], $0xffff  }
0xfa: {  	v7 =	vld.idx.msk [tilespmem:v9+s9+$0x0], $0xffff;
	v9 =	vadd.s32 s20, v0;
	v10 =	vadd.f32 v16, v10  }
0xfb: {  	_ =	sdelay $0x3  }
0xfc: {  	v11 =	vld.idx.msk [tilespmem:v11+s2+$0x0], $0xffff;
	v6 =	vadd.f32 v6, v10  }
0xfd: {  	v4 =	vld.idx.msk [tilespmem:v4+s9+$0x0], $0xffff  }
0xfe: {  	v8 =	vld.idx.msk [tilespmem:v8+s2+$0x0], $0xffff;
	v5 =	vadd.f32 v5, v6  }
0xff: {  	v2 =	vld.idx.msk [tilespmem:v2+s9+$0x0], $0xffff  }
0x100: {  	v1 =	vld.idx.msk [tilespmem:v1+s9+$0x0], $0xffff;
	v5 =	vadd.f32 v7, v5  }
0x101: {  	v6 =	vld.idx.msk [tilespmem:v9+s2+$0x0], $0xffff  }
0x102: {  	v4 =	vadd.f32 v4, v5  }
0x103: {  	v3 =	vld.idx.msk [tilespmem:v3+s9+$0x0], $0xffff  }
0x104: {  	v2 =	vadd.f32 v2, v4  }
0x105: {  	v4 =	vld.idx.msk [tilespmem:v11+s9+$0x0], $0xffff  }
0x106: {  	v1 =	vadd.f32 v1, v2  }
0x107: {  	v2 =	vld.idx.msk [tilespmem:v8+s9+$0x0], $0xffff  }
0x108: {  	v1 =	vadd.f32 v3, v1  }
0x109: {  	v3 =	vld.idx.msk [tilespmem:v6+s9+$0x0], $0xffff  }
0x10a: {  	v1 =	vadd.f32 v4, v1  }
0x10b: {  	s19 =	simm.s32 $0xC80  }
0x10c: {  	v1 =	vadd.f32 v2, v1;
	v2 =	vadd.s32 s19, v0  }
0x10d: {  	s24 =	simm.s32 $0xC81  }
0x10e: {  	v1 =	vadd.f32 v3, v1;
	v3 =	vadd.s32 s24, v0  }
0x10f: {  	s25 =	simm.s32 $0xC82  }
0x110: {  	[tilespmem:$0x1F030] =	vst v1;
	v1 =	vadd.s32 s25, v0  }
0x111: {  	s26 =	simm.s32 $0xC83;
	v5 =	vld.idx.msk [tilespmem:v2+s2+$0x0], $0xffff  }
0x112: {  	s28 =	simm.s32 $0xC84;
	v2 =	vadd.s32 s26, v0  }
0x113: {  	v6 =	vadd.s32 s28, v0;
	v3 =	vld.idx.msk [tilespmem:v3+s2+$0x0], $0xffff  }
0x114: {  	s29 =	simm.s32 $0xC85  }
0x115: {  	v7 =	vld.idx.msk [tilespmem:v1+s2+$0x0], $0xffff;
	v1 =	vadd.s32 s29, v0  }
0x116: {  	s30 =	simm.s32 $0xC86;
	v10 =	vld [tilespmem:$0x1EE40]  }
0x117: {  	v8 =	vadd.s32 s30, v0;
	v4 =	vld.idx.msk [tilespmem:v2+s2+$0x0], $0xffff  }
0x118: {  	v2 =	vld.idx.msk [tilespmem:v6+s2+$0x0], $0xffff  }
0x119: {  	s31 =	simm.s32 $0xC87;
	v6 =	vld.idx.msk [tilespmem:v5+s9+$0x0], $0xffff  }
0x11a: {  	v11 =	vadd.s32 s31, v0;
	v1 =	vld.idx.msk [tilespmem:v1+s2+$0x0], $0xffff  }
0x11b: {  	s20 =	simm.s32 $0xC88;
	v5 =	vld.idx.msk [tilespmem:v3+s9+$0x0], $0xffff  }
0x11c: {  	v3 =	vld.idx.msk [tilespmem:v8+s2+$0x0], $0xffff;
	v8 =	vadd.s32 s20, v0  }
0x11d: {  	s21 =	simm.s32 $0xC89  }
0x11e: {  	v9 =	vadd.s32 s21, v0;
	s19 =	simm.s32 $0x0;
	v7 =	vld.idx.msk [tilespmem:v7+s9+$0x0], $0xffff  }
.LBB2_10:
0x11f: {  	s21 =	sadd.s32 $0xC8A, s19;
	v11 =	vld.idx.msk [tilespmem:v11+s2+$0x0], $0xffff;
	s20 =	smov.u32 s19  }
0x120: {  	s19 =	sadd.s32 $0xA, s19;
	v12 =	vadd.s32 s21, v0;
	v6 =	vadd.f32 v6, v10;
	v4 =	vld.idx.msk [tilespmem:v4+s9+$0x0], $0xffff  }
0x121: {  	s21 =	sadd.s32 $0xC8B, s20;
	p0 =	slt.u32 s19, $0x28;
	v8 =	vld.idx.msk [tilespmem:v8+s2+$0x0], $0xffff  }
0x122: {  	v10 =	vadd.s32 s21, v0;
	v5 =	vadd.f32 v5, v6;
	v2 =	vld.idx.msk [tilespmem:v2+s9+$0x0], $0xffff  }
0x123: {  	s21 =	sadd.s32 $0xC8C, s20;
	v6 =	vld.idx.msk [tilespmem:v9+s2+$0x0], $0xffff  }
0x124: {  	v9 =	vadd.s32 s21, v0;
	v5 =	vadd.f32 v7, v5;
	v1 =	vld.idx.msk [tilespmem:v1+s9+$0x0], $0xffff  }
0x125: {  	s21 =	sadd.s32 $0xC8D, s20;
	v7 =	vld.idx.msk [tilespmem:v12+s2+$0x0], $0xffff  }
0x126: {  	v12 =	vadd.s32 s21, v0;
	v4 =	vadd.f32 v4, v5;
	v3 =	vld.idx.msk [tilespmem:v3+s9+$0x0], $0xffff  }
0x127: {  	s21 =	sadd.s32 $0xC8E, s20;
	v5 =	vld.idx.msk [tilespmem:v10+s2+$0x0], $0xffff  }
0x128: {  	v10 =	vadd.s32 s21, v0;
	v2 =	vadd.f32 v2, v4;
	v13 =	vld.idx.msk [tilespmem:v11+s9+$0x0], $0xffff  }
0x129: {  	s21 =	sadd.s32 $0xC8F, s20;
	v9 =	vld.idx.msk [tilespmem:v9+s2+$0x0], $0xffff  }
0x12a: {  	v14 =	vadd.s32 s21, v0;
	v1 =	vadd.f32 v1, v2;
	v15 =	vld.idx.msk [tilespmem:v8+s9+$0x0], $0xffff  }
0x12b: {  	s21 =	sadd.s32 $0xC90, s20;
	v4 =	vld.idx.msk [tilespmem:v12+s2+$0x0], $0xffff  }
0x12c: {  	v12 =	vadd.s32 s21, v0;
	v1 =	vadd.f32 v3, v1;
	v16 =	vld.idx.msk [tilespmem:v6+s9+$0x0], $0xffff  }
0x12d: {  	s21 =	sadd.s32 $0xC91, s20;
	v2 =	vld.idx.msk [tilespmem:v10+s2+$0x0], $0xffff  }
.Ltmp4:
0x12e: {  	v11 =	vadd.s32 s21, v0;
	v6 =	vld.idx.msk [tilespmem:v7+s9+$0x0], $0xffff;
	v3 =	vadd.f32 v13, v1;
	(pc) =	sbr.rel @p0 .LBB2_10-.Ltmp4, $4  }
0x12f: {  	s21 =	sadd.s32 $0xC92, s20;
	v1 =	vld.idx.msk [tilespmem:v14+s2+$0x0], $0xffff  }
0x130: {  	v8 =	vadd.s32 s21, v0;
	v5 =	vld.idx.msk [tilespmem:v5+s9+$0x0], $0xffff;
	v10 =	vadd.f32 v15, v3  }
0x131: {  	s20 =	sadd.s32 $0xC93, s20;
	v3 =	vld.idx.msk [tilespmem:v12+s2+$0x0], $0xffff  }
0x132: {  	v7 =	vld.idx.msk [tilespmem:v9+s9+$0x0], $0xffff;
	v9 =	vadd.s32 s20, v0;
	v10 =	vadd.f32 v16, v10  }
0x133: {  	_ =	sdelay $0x3  }
0x134: {  	v11 =	vld.idx.msk [tilespmem:v11+s2+$0x0], $0xffff;
	v6 =	vadd.f32 v6, v10  }
0x135: {  	v4 =	vld.idx.msk [tilespmem:v4+s9+$0x0], $0xffff  }
0x136: {  	v8 =	vld.idx.msk [tilespmem:v8+s2+$0x0], $0xffff;
	v5 =	vadd.f32 v5, v6  }
0x137: {  	v2 =	vld.idx.msk [tilespmem:v2+s9+$0x0], $0xffff  }
0x138: {  	v1 =	vld.idx.msk [tilespmem:v1+s9+$0x0], $0xffff;
	v5 =	vadd.f32 v7, v5  }
0x139: {  	v6 =	vld.idx.msk [tilespmem:v9+s2+$0x0], $0xffff  }
0x13a: {  	v4 =	vadd.f32 v4, v5  }
0x13b: {  	v3 =	vld.idx.msk [tilespmem:v3+s9+$0x0], $0xffff  }
0x13c: {  	v2 =	vadd.f32 v2, v4  }
0x13d: {  	v4 =	vld.idx.msk [tilespmem:v11+s9+$0x0], $0xffff  }
0x13e: {  	v1 =	vadd.f32 v1, v2  }
0x13f: {  	v2 =	vld.idx.msk [tilespmem:v8+s9+$0x0], $0xffff  }
0x140: {  	v1 =	vadd.f32 v3, v1  }
0x141: {  	v3 =	vld.idx.msk [tilespmem:v6+s9+$0x0], $0xffff  }
0x142: {  	v1 =	vadd.f32 v4, v1  }
0x143: {  	s19 =	simm.s32 $0xFA0  }
0x144: {  	v1 =	vadd.f32 v2, v1;
	v2 =	vadd.s32 s19, v0  }
0x145: {  	s24 =	simm.s32 $0xFA1  }
0x146: {  	v1 =	vadd.f32 v3, v1;
	v3 =	vadd.s32 s24, v0  }
0x147: {  	s25 =	simm.s32 $0xFA2  }
0x148: {  	[tilespmem:$0x1F040] =	vst v1;
	v1 =	vadd.s32 s25, v0  }
0x149: {  	s26 =	simm.s32 $0xFA3;
	v5 =	vld.idx.msk [tilespmem:v2+s2+$0x0], $0xffff  }
0x14a: {  	s28 =	simm.s32 $0xFA4;
	v2 =	vadd.s32 s26, v0  }
0x14b: {  	v6 =	vadd.s32 s28, v0;
	v3 =	vld.idx.msk [tilespmem:v3+s2+$0x0], $0xffff  }
0x14c: {  	s29 =	simm.s32 $0xFA5  }
0x14d: {  	v7 =	vld.idx.msk [tilespmem:v1+s2+$0x0], $0xffff;
	v1 =	vadd.s32 s29, v0  }
0x14e: {  	s30 =	simm.s32 $0xFA6;
	v10 =	vld [tilespmem:$0x1EE50]  }
0x14f: {  	v8 =	vadd.s32 s30, v0;
	v4 =	vld.idx.msk [tilespmem:v2+s2+$0x0], $0xffff  }
0x150: {  	v2 =	vld.idx.msk [tilespmem:v6+s2+$0x0], $0xffff  }
0x151: {  	s31 =	simm.s32 $0xFA7;
	v6 =	vld.idx.msk [tilespmem:v5+s9+$0x0], $0xffff  }
0x152: {  	v11 =	vadd.s32 s31, v0;
	v1 =	vld.idx.msk [tilespmem:v1+s2+$0x0], $0xffff  }
0x153: {  	s20 =	simm.s32 $0xFA8;
	v5 =	vld.idx.msk [tilespmem:v3+s9+$0x0], $0xffff  }
0x154: {  	v3 =	vld.idx.msk [tilespmem:v8+s2+$0x0], $0xffff;
	v8 =	vadd.s32 s20, v0  }
0x155: {  	s21 =	simm.s32 $0xFA9  }
0x156: {  	v9 =	vadd.s32 s21, v0;
	s19 =	simm.s32 $0x0;
	v7 =	vld.idx.msk [tilespmem:v7+s9+$0x0], $0xffff  }
.LBB2_12:
0x157: {  	s21 =	sadd.s32 $0xFAA, s19;
	v11 =	vld.idx.msk [tilespmem:v11+s2+$0x0], $0xffff;
	s20 =	smov.u32 s19  }
0x158: {  	s19 =	sadd.s32 $0xA, s19;
	v12 =	vadd.s32 s21, v0;
	v6 =	vadd.f32 v6, v10;
	v4 =	vld.idx.msk [tilespmem:v4+s9+$0x0], $0xffff  }
0x159: {  	s21 =	sadd.s32 $0xFAB, s20;
	p0 =	slt.u32 s19, $0x28;
	v8 =	vld.idx.msk [tilespmem:v8+s2+$0x0], $0xffff  }
0x15a: {  	v10 =	vadd.s32 s21, v0;
	v5 =	vadd.f32 v5, v6;
	v2 =	vld.idx.msk [tilespmem:v2+s9+$0x0], $0xffff  }
0x15b: {  	s21 =	sadd.s32 $0xFAC, s20;
	v6 =	vld.idx.msk [tilespmem:v9+s2+$0x0], $0xffff  }
0x15c: {  	v9 =	vadd.s32 s21, v0;
	v5 =	vadd.f32 v7, v5;
	v1 =	vld.idx.msk [tilespmem:v1+s9+$0x0], $0xffff  }
0x15d: {  	s21 =	sadd.s32 $0xFAD, s20;
	v7 =	vld.idx.msk [tilespmem:v12+s2+$0x0], $0xffff  }
0x15e: {  	v12 =	vadd.s32 s21, v0;
	v4 =	vadd.f32 v4, v5;
	v3 =	vld.idx.msk [tilespmem:v3+s9+$0x0], $0xffff  }
0x15f: {  	s21 =	sadd.s32 $0xFAE, s20;
	v5 =	vld.idx.msk [tilespmem:v10+s2+$0x0], $0xffff  }
0x160: {  	v10 =	vadd.s32 s21, v0;
	v2 =	vadd.f32 v2, v4;
	v13 =	vld.idx.msk [tilespmem:v11+s9+$0x0], $0xffff  }
0x161: {  	s21 =	sadd.s32 $0xFAF, s20;
	v9 =	vld.idx.msk [tilespmem:v9+s2+$0x0], $0xffff  }
0x162: {  	v14 =	vadd.s32 s21, v0;
	v1 =	vadd.f32 v1, v2;
	v15 =	vld.idx.msk [tilespmem:v8+s9+$0x0], $0xffff  }
0x163: {  	s21 =	sadd.s32 $0xFB0, s20;
	v4 =	vld.idx.msk [tilespmem:v12+s2+$0x0], $0xffff  }
0x164: {  	v12 =	vadd.s32 s21, v0;
	v1 =	vadd.f32 v3, v1;
	v16 =	vld.idx.msk [tilespmem:v6+s9+$0x0], $0xffff  }
0x165: {  	s21 =	sadd.s32 $0xFB1, s20;
	v2 =	vld.idx.msk [tilespmem:v10+s2+$0x0], $0xffff  }
.Ltmp5:
0x166: {  	v11 =	vadd.s32 s21, v0;
	v6 =	vld.idx.msk [tilespmem:v7+s9+$0x0], $0xffff;
	v3 =	vadd.f32 v13, v1;
	(pc) =	sbr.rel @p0 .LBB2_12-.Ltmp5, $4  }
0x167: {  	s21 =	sadd.s32 $0xFB2, s20;
	v1 =	vld.idx.msk [tilespmem:v14+s2+$0x0], $0xffff  }
0x168: {  	v8 =	vadd.s32 s21, v0;
	v5 =	vld.idx.msk [tilespmem:v5+s9+$0x0], $0xffff;
	v10 =	vadd.f32 v15, v3  }
0x169: {  	s20 =	sadd.s32 $0xFB3, s20;
	v3 =	vld.idx.msk [tilespmem:v12+s2+$0x0], $0xffff  }
0x16a: {  	v7 =	vld.idx.msk [tilespmem:v9+s9+$0x0], $0xffff;
	v9 =	vadd.s32 s20, v0;
	v10 =	vadd.f32 v16, v10  }
0x16b: {  	_ =	sdelay $0x3  }
0x16c: {  	v11 =	vld.idx.msk [tilespmem:v11+s2+$0x0], $0xffff;
	v6 =	vadd.f32 v6, v10  }
0x16d: {  	v4 =	vld.idx.msk [tilespmem:v4+s9+$0x0], $0xffff  }
0x16e: {  	v8 =	vld.idx.msk [tilespmem:v8+s2+$0x0], $0xffff;
	v5 =	vadd.f32 v5, v6  }
0x16f: {  	v2 =	vld.idx.msk [tilespmem:v2+s9+$0x0], $0xffff  }
0x170: {  	v1 =	vld.idx.msk [tilespmem:v1+s9+$0x0], $0xffff;
	v5 =	vadd.f32 v7, v5  }
0x171: {  	v6 =	vld.idx.msk [tilespmem:v9+s2+$0x0], $0xffff  }
0x172: {  	v4 =	vadd.f32 v4, v5  }
0x173: {  	v3 =	vld.idx.msk [tilespmem:v3+s9+$0x0], $0xffff  }
0x174: {  	v2 =	vadd.f32 v2, v4  }
0x175: {  	v4 =	vld.idx.msk [tilespmem:v11+s9+$0x0], $0xffff  }
0x176: {  	v1 =	vadd.f32 v1, v2  }
0x177: {  	v2 =	vld.idx.msk [tilespmem:v8+s9+$0x0], $0xffff  }
0x178: {  	v1 =	vadd.f32 v3, v1  }
0x179: {  	v3 =	vld.idx.msk [tilespmem:v6+s9+$0x0], $0xffff  }
0x17a: {  	v1 =	vadd.f32 v4, v1  }
0x17b: {  	s19 =	simm.s32 $0x12C0  }
0x17c: {  	v1 =	vadd.f32 v2, v1;
	v2 =	vadd.s32 s19, v0  }
0x17d: {  	s24 =	simm.s32 $0x12C1  }
0x17e: {  	v1 =	vadd.f32 v3, v1;
	v3 =	vadd.s32 s24, v0  }
0x17f: {  	s25 =	simm.s32 $0x12C2  }
0x180: {  	[tilespmem:$0x1F050] =	vst v1;
	v1 =	vadd.s32 s25, v0  }
0x181: {  	s26 =	simm.s32 $0x12C3;
	v5 =	vld.idx.msk [tilespmem:v2+s2+$0x0], $0xffff  }
0x182: {  	s28 =	simm.s32 $0x12C4;
	v2 =	vadd.s32 s26, v0  }
0x183: {  	v6 =	vadd.s32 s28, v0;
	v3 =	vld.idx.msk [tilespmem:v3+s2+$0x0], $0xffff  }
0x184: {  	s29 =	simm.s32 $0x12C5  }
0x185: {  	v7 =	vld.idx.msk [tilespmem:v1+s2+$0x0], $0xffff;
	v1 =	vadd.s32 s29, v0  }
0x186: {  	s30 =	simm.s32 $0x12C6;
	v10 =	vld [tilespmem:$0x1EE60]  }
0x187: {  	v8 =	vadd.s32 s30, v0;
	v4 =	vld.idx.msk [tilespmem:v2+s2+$0x0], $0xffff  }
0x188: {  	v2 =	vld.idx.msk [tilespmem:v6+s2+$0x0], $0xffff  }
0x189: {  	s31 =	simm.s32 $0x12C7;
	v6 =	vld.idx.msk [tilespmem:v5+s9+$0x0], $0xffff  }
0x18a: {  	v11 =	vadd.s32 s31, v0;
	v1 =	vld.idx.msk [tilespmem:v1+s2+$0x0], $0xffff  }
0x18b: {  	s20 =	simm.s32 $0x12C8;
	v5 =	vld.idx.msk [tilespmem:v3+s9+$0x0], $0xffff  }
0x18c: {  	v3 =	vld.idx.msk [tilespmem:v8+s2+$0x0], $0xffff;
	v8 =	vadd.s32 s20, v0  }
0x18d: {  	s21 =	simm.s32 $0x12C9  }
0x18e: {  	v9 =	vadd.s32 s21, v0;
	s19 =	simm.s32 $0x0;
	v7 =	vld.idx.msk [tilespmem:v7+s9+$0x0], $0xffff  }
.LBB2_14:
0x18f: {  	s21 =	sadd.s32 $0x12CA, s19;
	v11 =	vld.idx.msk [tilespmem:v11+s2+$0x0], $0xffff;
	s20 =	smov.u32 s19  }
0x190: {  	s19 =	sadd.s32 $0xA, s19;
	v12 =	vadd.s32 s21, v0;
	v6 =	vadd.f32 v6, v10;
	v4 =	vld.idx.msk [tilespmem:v4+s9+$0x0], $0xffff  }
0x191: {  	s21 =	sadd.s32 $0x12CB, s20;
	p0 =	slt.u32 s19, $0x28;
	v8 =	vld.idx.msk [tilespmem:v8+s2+$0x0], $0xffff  }
0x192: {  	v10 =	vadd.s32 s21, v0;
	v5 =	vadd.f32 v5, v6;
	v2 =	vld.idx.msk [tilespmem:v2+s9+$0x0], $0xffff  }
0x193: {  	s21 =	sadd.s32 $0x12CC, s20;
	v6 =	vld.idx.msk [tilespmem:v9+s2+$0x0], $0xffff  }
0x194: {  	v9 =	vadd.s32 s21, v0;
	v5 =	vadd.f32 v7, v5;
	v1 =	vld.idx.msk [tilespmem:v1+s9+$0x0], $0xffff  }
0x195: {  	s21 =	sadd.s32 $0x12CD, s20;
	v7 =	vld.idx.msk [tilespmem:v12+s2+$0x0], $0xffff  }
0x196: {  	v12 =	vadd.s32 s21, v0;
	v4 =	vadd.f32 v4, v5;
	v3 =	vld.idx.msk [tilespmem:v3+s9+$0x0], $0xffff  }
0x197: {  	s21 =	sadd.s32 $0x12CE, s20;
	v5 =	vld.idx.msk [tilespmem:v10+s2+$0x0], $0xffff  }
0x198: {  	v10 =	vadd.s32 s21, v0;
	v2 =	vadd.f32 v2, v4;
	v13 =	vld.idx.msk [tilespmem:v11+s9+$0x0], $0xffff  }
0x199: {  	s21 =	sadd.s32 $0x12CF, s20;
	v9 =	vld.idx.msk [tilespmem:v9+s2+$0x0], $0xffff  }
0x19a: {  	v14 =	vadd.s32 s21, v0;
	v1 =	vadd.f32 v1, v2;
	v15 =	vld.idx.msk [tilespmem:v8+s9+$0x0], $0xffff  }
0x19b: {  	s21 =	sadd.s32 $0x12D0, s20;
	v4 =	vld.idx.msk [tilespmem:v12+s2+$0x0], $0xffff  }
0x19c: {  	v12 =	vadd.s32 s21, v0;
	v1 =	vadd.f32 v3, v1;
	v16 =	vld.idx.msk [tilespmem:v6+s9+$0x0], $0xffff  }
0x19d: {  	s21 =	sadd.s32 $0x12D1, s20;
	v2 =	vld.idx.msk [tilespmem:v10+s2+$0x0], $0xffff  }
.Ltmp6:
0x19e: {  	v11 =	vadd.s32 s21, v0;
	v6 =	vld.idx.msk [tilespmem:v7+s9+$0x0], $0xffff;
	v3 =	vadd.f32 v13, v1;
	(pc) =	sbr.rel @p0 .LBB2_14-.Ltmp6, $4  }
0x19f: {  	s21 =	sadd.s32 $0x12D2, s20;
	v1 =	vld.idx.msk [tilespmem:v14+s2+$0x0], $0xffff  }
0x1a0: {  	v8 =	vadd.s32 s21, v0;
	v5 =	vld.idx.msk [tilespmem:v5+s9+$0x0], $0xffff;
	v10 =	vadd.f32 v15, v3  }
0x1a1: {  	s20 =	sadd.s32 $0x12D3, s20;
	v3 =	vld.idx.msk [tilespmem:v12+s2+$0x0], $0xffff  }
0x1a2: {  	v7 =	vld.idx.msk [tilespmem:v9+s9+$0x0], $0xffff;
	v9 =	vadd.s32 s20, v0;
	v10 =	vadd.f32 v16, v10  }
0x1a3: {  	_ =	sdelay $0x3  }
0x1a4: {  	v11 =	vld.idx.msk [tilespmem:v11+s2+$0x0], $0xffff;
	v6 =	vadd.f32 v6, v10  }
0x1a5: {  	v4 =	vld.idx.msk [tilespmem:v4+s9+$0x0], $0xffff  }
0x1a6: {  	v8 =	vld.idx.msk [tilespmem:v8+s2+$0x0], $0xffff;
	v5 =	vadd.f32 v5, v6  }
0x1a7: {  	v2 =	vld.idx.msk [tilespmem:v2+s9+$0x0], $0xffff  }
0x1a8: {  	v1 =	vld.idx.msk [tilespmem:v1+s9+$0x0], $0xffff;
	v5 =	vadd.f32 v7, v5  }
0x1a9: {  	v6 =	vld.idx.msk [tilespmem:v9+s2+$0x0], $0xffff  }
0x1aa: {  	v4 =	vadd.f32 v4, v5  }
0x1ab: {  	v3 =	vld.idx.msk [tilespmem:v3+s9+$0x0], $0xffff  }
0x1ac: {  	v2 =	vadd.f32 v2, v4  }
0x1ad: {  	v4 =	vld.idx.msk [tilespmem:v11+s9+$0x0], $0xffff  }
0x1ae: {  	v1 =	vadd.f32 v1, v2  }
0x1af: {  	v2 =	vld.idx.msk [tilespmem:v8+s9+$0x0], $0xffff  }
0x1b0: {  	v1 =	vadd.f32 v3, v1  }
0x1b1: {  	v3 =	vld.idx.msk [tilespmem:v6+s9+$0x0], $0xffff  }
0x1b2: {  	v1 =	vadd.f32 v4, v1  }
0x1b3: {  	s19 =	simm.s32 $0x15E0  }
0x1b4: {  	v1 =	vadd.f32 v2, v1;
	v2 =	vadd.s32 s19, v0  }
0x1b5: {  	s24 =	simm.s32 $0x15E1  }
0x1b6: {  	v1 =	vadd.f32 v3, v1;
	v3 =	vadd.s32 s24, v0  }
0x1b7: {  	s25 =	simm.s32 $0x15E2  }
0x1b8: {  	[tilespmem:$0x1F060] =	vst v1;
	v1 =	vadd.s32 s25, v0  }
0x1b9: {  	s26 =	simm.s32 $0x15E3;
	v5 =	vld.idx.msk [tilespmem:v2+s2+$0x0], $0xffff  }
0x1ba: {  	s28 =	simm.s32 $0x15E4;
	v2 =	vadd.s32 s26, v0  }
0x1bb: {  	v6 =	vadd.s32 s28, v0;
	v3 =	vld.idx.msk [tilespmem:v3+s2+$0x0], $0xffff  }
0x1bc: {  	s29 =	simm.s32 $0x15E5  }
0x1bd: {  	v7 =	vld.idx.msk [tilespmem:v1+s2+$0x0], $0xffff;
	v1 =	vadd.s32 s29, v0  }
0x1be: {  	s30 =	simm.s32 $0x15E6;
	v10 =	vld [tilespmem:$0x1EE70]  }
0x1bf: {  	v8 =	vadd.s32 s30, v0;
	v4 =	vld.idx.msk [tilespmem:v2+s2+$0x0], $0xffff  }
0x1c0: {  	v2 =	vld.idx.msk [tilespmem:v6+s2+$0x0], $0xffff  }
0x1c1: {  	s31 =	simm.s32 $0x15E7;
	v6 =	vld.idx.msk [tilespmem:v5+s9+$0x0], $0xffff  }
0x1c2: {  	v11 =	vadd.s32 s31, v0;
	v1 =	vld.idx.msk [tilespmem:v1+s2+$0x0], $0xffff  }
0x1c3: {  	s20 =	simm.s32 $0x15E8;
	v5 =	vld.idx.msk [tilespmem:v3+s9+$0x0], $0xffff  }
0x1c4: {  	v3 =	vld.idx.msk [tilespmem:v8+s2+$0x0], $0xffff;
	v8 =	vadd.s32 s20, v0  }
0x1c5: {  	s21 =	simm.s32 $0x15E9  }
0x1c6: {  	v9 =	vadd.s32 s21, v0;
	s19 =	simm.s32 $0x0;
	v7 =	vld.idx.msk [tilespmem:v7+s9+$0x0], $0xffff  }
.LBB2_16:
0x1c7: {  	s21 =	sadd.s32 $0x15EA, s19;
	v11 =	vld.idx.msk [tilespmem:v11+s2+$0x0], $0xffff;
	s20 =	smov.u32 s19  }
0x1c8: {  	s19 =	sadd.s32 $0xA, s19;
	v12 =	vadd.s32 s21, v0;
	v6 =	vadd.f32 v6, v10;
	v4 =	vld.idx.msk [tilespmem:v4+s9+$0x0], $0xffff  }
0x1c9: {  	s21 =	sadd.s32 $0x15EB, s20;
	p0 =	slt.u32 s19, $0x28;
	v8 =	vld.idx.msk [tilespmem:v8+s2+$0x0], $0xffff  }
0x1ca: {  	v10 =	vadd.s32 s21, v0;
	v5 =	vadd.f32 v5, v6;
	v2 =	vld.idx.msk [tilespmem:v2+s9+$0x0], $0xffff  }
0x1cb: {  	s21 =	sadd.s32 $0x15EC, s20;
	v6 =	vld.idx.msk [tilespmem:v9+s2+$0x0], $0xffff  }
0x1cc: {  	v9 =	vadd.s32 s21, v0;
	v5 =	vadd.f32 v7, v5;
	v1 =	vld.idx.msk [tilespmem:v1+s9+$0x0], $0xffff  }
0x1cd: {  	s21 =	sadd.s32 $0x15ED, s20;
	v7 =	vld.idx.msk [tilespmem:v12+s2+$0x0], $0xffff  }
0x1ce: {  	v12 =	vadd.s32 s21, v0;
	v4 =	vadd.f32 v4, v5;
	v3 =	vld.idx.msk [tilespmem:v3+s9+$0x0], $0xffff  }
0x1cf: {  	s21 =	sadd.s32 $0x15EE, s20;
	v5 =	vld.idx.msk [tilespmem:v10+s2+$0x0], $0xffff  }
0x1d0: {  	v10 =	vadd.s32 s21, v0;
	v2 =	vadd.f32 v2, v4;
	v13 =	vld.idx.msk [tilespmem:v11+s9+$0x0], $0xffff  }
0x1d1: {  	s21 =	sadd.s32 $0x15EF, s20;
	v9 =	vld.idx.msk [tilespmem:v9+s2+$0x0], $0xffff  }
0x1d2: {  	v14 =	vadd.s32 s21, v0;
	v1 =	vadd.f32 v1, v2;
	v15 =	vld.idx.msk [tilespmem:v8+s9+$0x0], $0xffff  }
0x1d3: {  	s21 =	sadd.s32 $0x15F0, s20;
	v4 =	vld.idx.msk [tilespmem:v12+s2+$0x0], $0xffff  }
0x1d4: {  	v12 =	vadd.s32 s21, v0;
	v1 =	vadd.f32 v3, v1;
	v16 =	vld.idx.msk [tilespmem:v6+s9+$0x0], $0xffff  }
0x1d5: {  	s21 =	sadd.s32 $0x15F1, s20;
	v2 =	vld.idx.msk [tilespmem:v10+s2+$0x0], $0xffff  }
.Ltmp7:
0x1d6: {  	v11 =	vadd.s32 s21, v0;
	v6 =	vld.idx.msk [tilespmem:v7+s9+$0x0], $0xffff;
	v3 =	vadd.f32 v13, v1;
	(pc) =	sbr.rel @p0 .LBB2_16-.Ltmp7, $4  }
0x1d7: {  	s21 =	sadd.s32 $0x15F2, s20;
	v1 =	vld.idx.msk [tilespmem:v14+s2+$0x0], $0xffff  }
0x1d8: {  	v8 =	vadd.s32 s21, v0;
	v5 =	vld.idx.msk [tilespmem:v5+s9+$0x0], $0xffff;
	v10 =	vadd.f32 v15, v3  }
0x1d9: {  	s20 =	sadd.s32 $0x15F3, s20;
	v3 =	vld.idx.msk [tilespmem:v12+s2+$0x0], $0xffff  }
0x1da: {  	v7 =	vld.idx.msk [tilespmem:v9+s9+$0x0], $0xffff;
	v9 =	vadd.s32 s20, v0;
	v10 =	vadd.f32 v16, v10  }
0x1db: {  	_ =	sdelay $0x3  }
0x1dc: {  	v11 =	vld.idx.msk [tilespmem:v11+s2+$0x0], $0xffff;
	v6 =	vadd.f32 v6, v10  }
0x1dd: {  	v4 =	vld.idx.msk [tilespmem:v4+s9+$0x0], $0xffff  }
0x1de: {  	v8 =	vld.idx.msk [tilespmem:v8+s2+$0x0], $0xffff;
	v5 =	vadd.f32 v5, v6  }
0x1df: {  	v2 =	vld.idx.msk [tilespmem:v2+s9+$0x0], $0xffff  }
0x1e0: {  	v1 =	vld.idx.msk [tilespmem:v1+s9+$0x0], $0xffff;
	v5 =	vadd.f32 v7, v5  }
0x1e1: {  	v6 =	vld.idx.msk [tilespmem:v9+s2+$0x0], $0xffff  }
0x1e2: {  	v4 =	vadd.f32 v4, v5  }
0x1e3: {  	v3 =	vld.idx.msk [tilespmem:v3+s9+$0x0], $0xffff  }
0x1e4: {  	v2 =	vadd.f32 v2, v4  }
0x1e5: {  	v4 =	vld.idx.msk [tilespmem:v11+s9+$0x0], $0xffff  }
0x1e6: {  	v1 =	vadd.f32 v1, v2  }
0x1e7: {  	v2 =	vld.idx.msk [tilespmem:v8+s9+$0x0], $0xffff  }
0x1e8: {  	v1 =	vadd.f32 v3, v1  }
0x1e9: {  	v3 =	vld.idx.msk [tilespmem:v6+s9+$0x0], $0xffff  }
0x1ea: {  	v1 =	vadd.f32 v4, v1  }
0x1eb: {  	s19 =	simm.s32 $0x1900  }
0x1ec: {  	v1 =	vadd.f32 v2, v1;
	v2 =	vadd.s32 s19, v0  }
0x1ed: {  	s24 =	simm.s32 $0x1901  }
0x1ee: {  	v1 =	vadd.f32 v3, v1;
	v3 =	vadd.s32 s24, v0  }
0x1ef: {  	s25 =	simm.s32 $0x1902  }
0x1f0: {  	[tilespmem:$0x1F070] =	vst v1;
	v1 =	vadd.s32 s25, v0  }
0x1f1: {  	s26 =	simm.s32 $0x1903;
	v5 =	vld.idx.msk [tilespmem:v2+s2+$0x0], $0xffff  }
0x1f2: {  	s28 =	simm.s32 $0x1904;
	v2 =	vadd.s32 s26, v0  }
0x1f3: {  	v6 =	vadd.s32 s28, v0;
	v3 =	vld.idx.msk [tilespmem:v3+s2+$0x0], $0xffff  }
0x1f4: {  	s29 =	simm.s32 $0x1905  }
0x1f5: {  	v7 =	vld.idx.msk [tilespmem:v1+s2+$0x0], $0xffff;
	v1 =	vadd.s32 s29, v0  }
0x1f6: {  	s30 =	simm.s32 $0x1906;
	v10 =	vld [tilespmem:$0x1EE80]  }
0x1f7: {  	v8 =	vadd.s32 s30, v0;
	v4 =	vld.idx.msk [tilespmem:v2+s2+$0x0], $0xffff  }
0x1f8: {  	v2 =	vld.idx.msk [tilespmem:v6+s2+$0x0], $0xffff  }
0x1f9: {  	s31 =	simm.s32 $0x1907;
	v6 =	vld.idx.msk [tilespmem:v5+s9+$0x0], $0xffff  }
0x1fa: {  	v11 =	vadd.s32 s31, v0;
	v1 =	vld.idx.msk [tilespmem:v1+s2+$0x0], $0xffff  }
0x1fb: {  	s20 =	simm.s32 $0x1908;
	v5 =	vld.idx.msk [tilespmem:v3+s9+$0x0], $0xffff  }
0x1fc: {  	v3 =	vld.idx.msk [tilespmem:v8+s2+$0x0], $0xffff;
	v8 =	vadd.s32 s20, v0  }
0x1fd: {  	s21 =	simm.s32 $0x1909  }
0x1fe: {  	v9 =	vadd.s32 s21, v0;
	s19 =	simm.s32 $0x0;
	v7 =	vld.idx.msk [tilespmem:v7+s9+$0x0], $0xffff  }
.LBB2_18:
0x1ff: {  	s21 =	sadd.s32 $0x190A, s19;
	v11 =	vld.idx.msk [tilespmem:v11+s2+$0x0], $0xffff;
	s20 =	smov.u32 s19  }
0x200: {  	s19 =	sadd.s32 $0xA, s19;
	v12 =	vadd.s32 s21, v0;
	v6 =	vadd.f32 v6, v10;
	v4 =	vld.idx.msk [tilespmem:v4+s9+$0x0], $0xffff  }
0x201: {  	s21 =	sadd.s32 $0x190B, s20;
	p0 =	slt.u32 s19, $0x28;
	v8 =	vld.idx.msk [tilespmem:v8+s2+$0x0], $0xffff  }
0x202: {  	v10 =	vadd.s32 s21, v0;
	v5 =	vadd.f32 v5, v6;
	v2 =	vld.idx.msk [tilespmem:v2+s9+$0x0], $0xffff  }
0x203: {  	s21 =	sadd.s32 $0x190C, s20;
	v6 =	vld.idx.msk [tilespmem:v9+s2+$0x0], $0xffff  }
0x204: {  	v9 =	vadd.s32 s21, v0;
	v5 =	vadd.f32 v7, v5;
	v1 =	vld.idx.msk [tilespmem:v1+s9+$0x0], $0xffff  }
0x205: {  	s21 =	sadd.s32 $0x190D, s20;
	v7 =	vld.idx.msk [tilespmem:v12+s2+$0x0], $0xffff  }
0x206: {  	v12 =	vadd.s32 s21, v0;
	v4 =	vadd.f32 v4, v5;
	v3 =	vld.idx.msk [tilespmem:v3+s9+$0x0], $0xffff  }
0x207: {  	s21 =	sadd.s32 $0x190E, s20;
	v5 =	vld.idx.msk [tilespmem:v10+s2+$0x0], $0xffff  }
0x208: {  	v10 =	vadd.s32 s21, v0;
	v2 =	vadd.f32 v2, v4;
	v13 =	vld.idx.msk [tilespmem:v11+s9+$0x0], $0xffff  }
0x209: {  	s21 =	sadd.s32 $0x190F, s20;
	v9 =	vld.idx.msk [tilespmem:v9+s2+$0x0], $0xffff  }
0x20a: {  	v14 =	vadd.s32 s21, v0;
	v1 =	vadd.f32 v1, v2;
	v15 =	vld.idx.msk [tilespmem:v8+s9+$0x0], $0xffff  }
0x20b: {  	s21 =	sadd.s32 $0x1910, s20;
	v4 =	vld.idx.msk [tilespmem:v12+s2+$0x0], $0xffff  }
0x20c: {  	v12 =	vadd.s32 s21, v0;
	v1 =	vadd.f32 v3, v1;
	v16 =	vld.idx.msk [tilespmem:v6+s9+$0x0], $0xffff  }
0x20d: {  	s21 =	sadd.s32 $0x1911, s20;
	v2 =	vld.idx.msk [tilespmem:v10+s2+$0x0], $0xffff  }
.Ltmp8:
0x20e: {  	v11 =	vadd.s32 s21, v0;
	v6 =	vld.idx.msk [tilespmem:v7+s9+$0x0], $0xffff;
	v3 =	vadd.f32 v13, v1;
	(pc) =	sbr.rel @p0 .LBB2_18-.Ltmp8, $4  }
0x20f: {  	s21 =	sadd.s32 $0x1912, s20;
	v1 =	vld.idx.msk [tilespmem:v14+s2+$0x0], $0xffff  }
0x210: {  	v8 =	vadd.s32 s21, v0;
	v5 =	vld.idx.msk [tilespmem:v5+s9+$0x0], $0xffff;
	v10 =	vadd.f32 v15, v3  }
0x211: {  	s20 =	sadd.s32 $0x1913, s20;
	v3 =	vld.idx.msk [tilespmem:v12+s2+$0x0], $0xffff  }
0x212: {  	v7 =	vld.idx.msk [tilespmem:v9+s9+$0x0], $0xffff;
	v9 =	vadd.s32 s20, v0;
	v10 =	vadd.f32 v16, v10  }
0x213: {  	_ =	sdelay $0x3  }
0x214: {  	v11 =	vld.idx.msk [tilespmem:v11+s2+$0x0], $0xffff;
	v6 =	vadd.f32 v6, v10  }
0x215: {  	v4 =	vld.idx.msk [tilespmem:v4+s9+$0x0], $0xffff  }
0x216: {  	v8 =	vld.idx.msk [tilespmem:v8+s2+$0x0], $0xffff;
	v5 =	vadd.f32 v5, v6  }
0x217: {  	v2 =	vld.idx.msk [tilespmem:v2+s9+$0x0], $0xffff  }
0x218: {  	v1 =	vld.idx.msk [tilespmem:v1+s9+$0x0], $0xffff;
	v5 =	vadd.f32 v7, v5  }
0x219: {  	v6 =	vld.idx.msk [tilespmem:v9+s2+$0x0], $0xffff  }
0x21a: {  	v4 =	vadd.f32 v4, v5  }
0x21b: {  	v3 =	vld.idx.msk [tilespmem:v3+s9+$0x0], $0xffff  }
0x21c: {  	v2 =	vadd.f32 v2, v4  }
0x21d: {  	v4 =	vld.idx.msk [tilespmem:v11+s9+$0x0], $0xffff  }
0x21e: {  	v1 =	vadd.f32 v1, v2  }
0x21f: {  	v2 =	vld.idx.msk [tilespmem:v8+s9+$0x0], $0xffff  }
0x220: {  	v1 =	vadd.f32 v3, v1  }
0x221: {  	v3 =	vld.idx.msk [tilespmem:v6+s9+$0x0], $0xffff  }
0x222: {  	v1 =	vadd.f32 v4, v1  }
0x223: {  	s19 =	simm.s32 $0x1C20  }
0x224: {  	v1 =	vadd.f32 v2, v1;
	v2 =	vadd.s32 s19, v0  }
0x225: {  	s24 =	simm.s32 $0x1C21  }
0x226: {  	v1 =	vadd.f32 v3, v1;
	v3 =	vadd.s32 s24, v0  }
0x227: {  	s25 =	simm.s32 $0x1C22  }
0x228: {  	[tilespmem:$0x1F080] =	vst v1;
	v1 =	vadd.s32 s25, v0  }
0x229: {  	s26 =	simm.s32 $0x1C23;
	v5 =	vld.idx.msk [tilespmem:v2+s2+$0x0], $0xffff  }
0x22a: {  	s28 =	simm.s32 $0x1C24;
	v2 =	vadd.s32 s26, v0  }
0x22b: {  	v6 =	vadd.s32 s28, v0;
	v3 =	vld.idx.msk [tilespmem:v3+s2+$0x0], $0xffff  }
0x22c: {  	s29 =	simm.s32 $0x1C25  }
0x22d: {  	v7 =	vld.idx.msk [tilespmem:v1+s2+$0x0], $0xffff;
	v1 =	vadd.s32 s29, v0  }
0x22e: {  	s30 =	simm.s32 $0x1C26;
	v10 =	vld [tilespmem:$0x1EE90]  }
0x22f: {  	v8 =	vadd.s32 s30, v0;
	v4 =	vld.idx.msk [tilespmem:v2+s2+$0x0], $0xffff  }
0x230: {  	v2 =	vld.idx.msk [tilespmem:v6+s2+$0x0], $0xffff  }
0x231: {  	s31 =	simm.s32 $0x1C27;
	v6 =	vld.idx.msk [tilespmem:v5+s9+$0x0], $0xffff  }
0x232: {  	v11 =	vadd.s32 s31, v0;
	v1 =	vld.idx.msk [tilespmem:v1+s2+$0x0], $0xffff  }
0x233: {  	s20 =	simm.s32 $0x1C28;
	v5 =	vld.idx.msk [tilespmem:v3+s9+$0x0], $0xffff  }
0x234: {  	v3 =	vld.idx.msk [tilespmem:v8+s2+$0x0], $0xffff;
	v8 =	vadd.s32 s20, v0  }
0x235: {  	s21 =	simm.s32 $0x1C29  }
0x236: {  	v9 =	vadd.s32 s21, v0;
	s19 =	simm.s32 $0x0;
	v7 =	vld.idx.msk [tilespmem:v7+s9+$0x0], $0xffff  }
.LBB2_20:
0x237: {  	s21 =	sadd.s32 $0x1C2A, s19;
	v11 =	vld.idx.msk [tilespmem:v11+s2+$0x0], $0xffff;
	s20 =	smov.u32 s19  }
0x238: {  	s19 =	sadd.s32 $0xA, s19;
	v12 =	vadd.s32 s21, v0;
	v6 =	vadd.f32 v6, v10;
	v4 =	vld.idx.msk [tilespmem:v4+s9+$0x0], $0xffff  }
0x239: {  	s21 =	sadd.s32 $0x1C2B, s20;
	p0 =	slt.u32 s19, $0x28;
	v8 =	vld.idx.msk [tilespmem:v8+s2+$0x0], $0xffff  }
0x23a: {  	v10 =	vadd.s32 s21, v0;
	v5 =	vadd.f32 v5, v6;
	v2 =	vld.idx.msk [tilespmem:v2+s9+$0x0], $0xffff  }
0x23b: {  	s21 =	sadd.s32 $0x1C2C, s20;
	v6 =	vld.idx.msk [tilespmem:v9+s2+$0x0], $0xffff  }
0x23c: {  	v9 =	vadd.s32 s21, v0;
	v5 =	vadd.f32 v7, v5;
	v1 =	vld.idx.msk [tilespmem:v1+s9+$0x0], $0xffff  }
0x23d: {  	s21 =	sadd.s32 $0x1C2D, s20;
	v7 =	vld.idx.msk [tilespmem:v12+s2+$0x0], $0xffff  }
0x23e: {  	v12 =	vadd.s32 s21, v0;
	v4 =	vadd.f32 v4, v5;
	v3 =	vld.idx.msk [tilespmem:v3+s9+$0x0], $0xffff  }
0x23f: {  	s21 =	sadd.s32 $0x1C2E, s20;
	v5 =	vld.idx.msk [tilespmem:v10+s2+$0x0], $0xffff  }
0x240: {  	v10 =	vadd.s32 s21, v0;
	v2 =	vadd.f32 v2, v4;
	v13 =	vld.idx.msk [tilespmem:v11+s9+$0x0], $0xffff  }
0x241: {  	s21 =	sadd.s32 $0x1C2F, s20;
	v9 =	vld.idx.msk [tilespmem:v9+s2+$0x0], $0xffff  }
0x242: {  	v14 =	vadd.s32 s21, v0;
	v1 =	vadd.f32 v1, v2;
	v15 =	vld.idx.msk [tilespmem:v8+s9+$0x0], $0xffff  }
0x243: {  	s21 =	sadd.s32 $0x1C30, s20;
	v4 =	vld.idx.msk [tilespmem:v12+s2+$0x0], $0xffff  }
0x244: {  	v12 =	vadd.s32 s21, v0;
	v1 =	vadd.f32 v3, v1;
	v16 =	vld.idx.msk [tilespmem:v6+s9+$0x0], $0xffff  }
0x245: {  	s21 =	sadd.s32 $0x1C31, s20;
	v2 =	vld.idx.msk [tilespmem:v10+s2+$0x0], $0xffff  }
.Ltmp9:
0x246: {  	v11 =	vadd.s32 s21, v0;
	v6 =	vld.idx.msk [tilespmem:v7+s9+$0x0], $0xffff;
	v3 =	vadd.f32 v13, v1;
	(pc) =	sbr.rel @p0 .LBB2_20-.Ltmp9, $4  }
0x247: {  	s21 =	sadd.s32 $0x1C32, s20;
	v1 =	vld.idx.msk [tilespmem:v14+s2+$0x0], $0xffff  }
0x248: {  	v8 =	vadd.s32 s21, v0;
	v5 =	vld.idx.msk [tilespmem:v5+s9+$0x0], $0xffff;
	v10 =	vadd.f32 v15, v3  }
0x249: {  	s20 =	sadd.s32 $0x1C33, s20;
	v3 =	vld.idx.msk [tilespmem:v12+s2+$0x0], $0xffff  }
0x24a: {  	v7 =	vld.idx.msk [tilespmem:v9+s9+$0x0], $0xffff;
	v9 =	vadd.s32 s20, v0;
	v10 =	vadd.f32 v16, v10  }
0x24b: {  	_ =	sdelay $0x3  }
0x24c: {  	v11 =	vld.idx.msk [tilespmem:v11+s2+$0x0], $0xffff;
	v6 =	vadd.f32 v6, v10  }
0x24d: {  	v4 =	vld.idx.msk [tilespmem:v4+s9+$0x0], $0xffff  }
0x24e: {  	v8 =	vld.idx.msk [tilespmem:v8+s2+$0x0], $0xffff;
	v5 =	vadd.f32 v5, v6  }
0x24f: {  	v2 =	vld.idx.msk [tilespmem:v2+s9+$0x0], $0xffff  }
0x250: {  	v1 =	vld.idx.msk [tilespmem:v1+s9+$0x0], $0xffff;
	v5 =	vadd.f32 v7, v5  }
0x251: {  	v6 =	vld.idx.msk [tilespmem:v9+s2+$0x0], $0xffff  }
0x252: {  	v4 =	vadd.f32 v4, v5  }
0x253: {  	v3 =	vld.idx.msk [tilespmem:v3+s9+$0x0], $0xffff  }
0x254: {  	v2 =	vadd.f32 v2, v4  }
0x255: {  	v4 =	vld.idx.msk [tilespmem:v11+s9+$0x0], $0xffff  }
0x256: {  	v1 =	vadd.f32 v1, v2  }
0x257: {  	v2 =	vld.idx.msk [tilespmem:v8+s9+$0x0], $0xffff  }
0x258: {  	v1 =	vadd.f32 v3, v1  }
0x259: {  	v3 =	vld.idx.msk [tilespmem:v6+s9+$0x0], $0xffff  }
0x25a: {  	v1 =	vadd.f32 v4, v1  }
0x25b: {  	s19 =	simm.s32 $0x1F40  }
0x25c: {  	v1 =	vadd.f32 v2, v1;
	v2 =	vadd.s32 s19, v0  }
0x25d: {  	s24 =	simm.s32 $0x1F41  }
0x25e: {  	v1 =	vadd.f32 v3, v1;
	v3 =	vadd.s32 s24, v0  }
0x25f: {  	s25 =	simm.s32 $0x1F42  }
0x260: {  	[tilespmem:$0x1F090] =	vst v1;
	v1 =	vadd.s32 s25, v0  }
0x261: {  	s26 =	simm.s32 $0x1F43;
	v5 =	vld.idx.msk [tilespmem:v2+s2+$0x0], $0xffff  }
0x262: {  	s28 =	simm.s32 $0x1F44;
	v2 =	vadd.s32 s26, v0  }
0x263: {  	v6 =	vadd.s32 s28, v0;
	v3 =	vld.idx.msk [tilespmem:v3+s2+$0x0], $0xffff  }
0x264: {  	s29 =	simm.s32 $0x1F45  }
0x265: {  	v7 =	vld.idx.msk [tilespmem:v1+s2+$0x0], $0xffff;
	v1 =	vadd.s32 s29, v0  }
0x266: {  	s30 =	simm.s32 $0x1F46;
	v10 =	vld [tilespmem:$0x1EEA0]  }
0x267: {  	v8 =	vadd.s32 s30, v0;
	v4 =	vld.idx.msk [tilespmem:v2+s2+$0x0], $0xffff  }
0x268: {  	v2 =	vld.idx.msk [tilespmem:v6+s2+$0x0], $0xffff  }
0x269: {  	s31 =	simm.s32 $0x1F47;
	v6 =	vld.idx.msk [tilespmem:v5+s9+$0x0], $0xffff  }
0x26a: {  	v11 =	vadd.s32 s31, v0;
	v1 =	vld.idx.msk [tilespmem:v1+s2+$0x0], $0xffff  }
0x26b: {  	s20 =	simm.s32 $0x1F48;
	v5 =	vld.idx.msk [tilespmem:v3+s9+$0x0], $0xffff  }
0x26c: {  	v3 =	vld.idx.msk [tilespmem:v8+s2+$0x0], $0xffff;
	v8 =	vadd.s32 s20, v0  }
0x26d: {  	s21 =	simm.s32 $0x1F49  }
0x26e: {  	v9 =	vadd.s32 s21, v0;
	s19 =	simm.s32 $0x0;
	v7 =	vld.idx.msk [tilespmem:v7+s9+$0x0], $0xffff  }
.LBB2_22:
0x26f: {  	s21 =	sadd.s32 $0x1F4A, s19;
	v11 =	vld.idx.msk [tilespmem:v11+s2+$0x0], $0xffff;
	s20 =	smov.u32 s19  }
0x270: {  	s19 =	sadd.s32 $0xA, s19;
	v12 =	vadd.s32 s21, v0;
	v6 =	vadd.f32 v6, v10;
	v4 =	vld.idx.msk [tilespmem:v4+s9+$0x0], $0xffff  }
0x271: {  	s21 =	sadd.s32 $0x1F4B, s20;
	p0 =	slt.u32 s19, $0x28;
	v8 =	vld.idx.msk [tilespmem:v8+s2+$0x0], $0xffff  }
0x272: {  	v10 =	vadd.s32 s21, v0;
	v5 =	vadd.f32 v5, v6;
	v2 =	vld.idx.msk [tilespmem:v2+s9+$0x0], $0xffff  }
0x273: {  	s21 =	sadd.s32 $0x1F4C, s20;
	v6 =	vld.idx.msk [tilespmem:v9+s2+$0x0], $0xffff  }
0x274: {  	v9 =	vadd.s32 s21, v0;
	v5 =	vadd.f32 v7, v5;
	v1 =	vld.idx.msk [tilespmem:v1+s9+$0x0], $0xffff  }
0x275: {  	s21 =	sadd.s32 $0x1F4D, s20;
	v7 =	vld.idx.msk [tilespmem:v12+s2+$0x0], $0xffff  }
0x276: {  	v12 =	vadd.s32 s21, v0;
	v4 =	vadd.f32 v4, v5;
	v3 =	vld.idx.msk [tilespmem:v3+s9+$0x0], $0xffff  }
0x277: {  	s21 =	sadd.s32 $0x1F4E, s20;
	v5 =	vld.idx.msk [tilespmem:v10+s2+$0x0], $0xffff  }
0x278: {  	v10 =	vadd.s32 s21, v0;
	v2 =	vadd.f32 v2, v4;
	v13 =	vld.idx.msk [tilespmem:v11+s9+$0x0], $0xffff  }
0x279: {  	s21 =	sadd.s32 $0x1F4F, s20;
	v9 =	vld.idx.msk [tilespmem:v9+s2+$0x0], $0xffff  }
0x27a: {  	v14 =	vadd.s32 s21, v0;
	v1 =	vadd.f32 v1, v2;
	v15 =	vld.idx.msk [tilespmem:v8+s9+$0x0], $0xffff  }
0x27b: {  	s21 =	sadd.s32 $0x1F50, s20;
	v4 =	vld.idx.msk [tilespmem:v12+s2+$0x0], $0xffff  }
0x27c: {  	v12 =	vadd.s32 s21, v0;
	v1 =	vadd.f32 v3, v1;
	v16 =	vld.idx.msk [tilespmem:v6+s9+$0x0], $0xffff  }
0x27d: {  	s21 =	sadd.s32 $0x1F51, s20;
	v2 =	vld.idx.msk [tilespmem:v10+s2+$0x0], $0xffff  }
.Ltmp10:
0x27e: {  	v11 =	vadd.s32 s21, v0;
	v6 =	vld.idx.msk [tilespmem:v7+s9+$0x0], $0xffff;
	v3 =	vadd.f32 v13, v1;
	(pc) =	sbr.rel @p0 .LBB2_22-.Ltmp10, $4  }
0x27f: {  	s21 =	sadd.s32 $0x1F52, s20;
	v1 =	vld.idx.msk [tilespmem:v14+s2+$0x0], $0xffff  }
0x280: {  	v8 =	vadd.s32 s21, v0;
	v5 =	vld.idx.msk [tilespmem:v5+s9+$0x0], $0xffff;
	v10 =	vadd.f32 v15, v3  }
0x281: {  	s20 =	sadd.s32 $0x1F53, s20;
	v3 =	vld.idx.msk [tilespmem:v12+s2+$0x0], $0xffff  }
0x282: {  	v7 =	vld.idx.msk [tilespmem:v9+s9+$0x0], $0xffff;
	v9 =	vadd.s32 s20, v0;
	v10 =	vadd.f32 v16, v10  }
0x283: {  	_ =	sdelay $0x3  }
0x284: {  	v11 =	vld.idx.msk [tilespmem:v11+s2+$0x0], $0xffff;
	v6 =	vadd.f32 v6, v10  }
0x285: {  	v4 =	vld.idx.msk [tilespmem:v4+s9+$0x0], $0xffff  }
0x286: {  	v8 =	vld.idx.msk [tilespmem:v8+s2+$0x0], $0xffff;
	v5 =	vadd.f32 v5, v6  }
0x287: {  	v2 =	vld.idx.msk [tilespmem:v2+s9+$0x0], $0xffff  }
0x288: {  	v1 =	vld.idx.msk [tilespmem:v1+s9+$0x0], $0xffff;
	v5 =	vadd.f32 v7, v5  }
0x289: {  	v6 =	vld.idx.msk [tilespmem:v9+s2+$0x0], $0xffff  }
0x28a: {  	v4 =	vadd.f32 v4, v5  }
0x28b: {  	v3 =	vld.idx.msk [tilespmem:v3+s9+$0x0], $0xffff  }
0x28c: {  	v2 =	vadd.f32 v2, v4  }
0x28d: {  	v4 =	vld.idx.msk [tilespmem:v11+s9+$0x0], $0xffff  }
0x28e: {  	v1 =	vadd.f32 v1, v2  }
0x28f: {  	v2 =	vld.idx.msk [tilespmem:v8+s9+$0x0], $0xffff  }
0x290: {  	v1 =	vadd.f32 v3, v1  }
0x291: {  	v3 =	vld.idx.msk [tilespmem:v6+s9+$0x0], $0xffff  }
0x292: {  	v1 =	vadd.f32 v4, v1  }
0x293: {  	s19 =	simm.s32 $0x2260  }
0x294: {  	v1 =	vadd.f32 v2, v1;
	v2 =	vadd.s32 s19, v0  }
0x295: {  	s24 =	simm.s32 $0x2261  }
0x296: {  	v1 =	vadd.f32 v3, v1;
	v3 =	vadd.s32 s24, v0  }
0x297: {  	s25 =	simm.s32 $0x2262  }
0x298: {  	[tilespmem:$0x1F0A0] =	vst v1;
	v1 =	vadd.s32 s25, v0  }
0x299: {  	s26 =	simm.s32 $0x2263;
	v5 =	vld.idx.msk [tilespmem:v2+s2+$0x0], $0xffff  }
0x29a: {  	s28 =	simm.s32 $0x2264;
	v2 =	vadd.s32 s26, v0  }
0x29b: {  	v6 =	vadd.s32 s28, v0;
	v3 =	vld.idx.msk [tilespmem:v3+s2+$0x0], $0xffff  }
0x29c: {  	s29 =	simm.s32 $0x2265  }
0x29d: {  	v7 =	vld.idx.msk [tilespmem:v1+s2+$0x0], $0xffff;
	v1 =	vadd.s32 s29, v0  }
0x29e: {  	s30 =	simm.s32 $0x2266;
	v10 =	vld [tilespmem:$0x1EEB0]  }
0x29f: {  	v8 =	vadd.s32 s30, v0;
	v4 =	vld.idx.msk [tilespmem:v2+s2+$0x0], $0xffff  }
0x2a0: {  	v2 =	vld.idx.msk [tilespmem:v6+s2+$0x0], $0xffff  }
0x2a1: {  	s31 =	simm.s32 $0x2267;
	v6 =	vld.idx.msk [tilespmem:v5+s9+$0x0], $0xffff  }
0x2a2: {  	v11 =	vadd.s32 s31, v0;
	v1 =	vld.idx.msk [tilespmem:v1+s2+$0x0], $0xffff  }
0x2a3: {  	s20 =	simm.s32 $0x2268;
	v5 =	vld.idx.msk [tilespmem:v3+s9+$0x0], $0xffff  }
0x2a4: {  	v3 =	vld.idx.msk [tilespmem:v8+s2+$0x0], $0xffff;
	v8 =	vadd.s32 s20, v0  }
0x2a5: {  	s21 =	simm.s32 $0x2269  }
0x2a6: {  	v9 =	vadd.s32 s21, v0;
	s19 =	simm.s32 $0x0;
	v7 =	vld.idx.msk [tilespmem:v7+s9+$0x0], $0xffff  }
.LBB2_24:
0x2a7: {  	s21 =	sadd.s32 $0x226A, s19;
	v11 =	vld.idx.msk [tilespmem:v11+s2+$0x0], $0xffff;
	s20 =	smov.u32 s19  }
0x2a8: {  	s19 =	sadd.s32 $0xA, s19;
	v12 =	vadd.s32 s21, v0;
	v6 =	vadd.f32 v6, v10;
	v4 =	vld.idx.msk [tilespmem:v4+s9+$0x0], $0xffff  }
0x2a9: {  	s21 =	sadd.s32 $0x226B, s20;
	p0 =	slt.u32 s19, $0x28;
	v8 =	vld.idx.msk [tilespmem:v8+s2+$0x0], $0xffff  }
0x2aa: {  	v10 =	vadd.s32 s21, v0;
	v5 =	vadd.f32 v5, v6;
	v2 =	vld.idx.msk [tilespmem:v2+s9+$0x0], $0xffff  }
0x2ab: {  	s21 =	sadd.s32 $0x226C, s20;
	v6 =	vld.idx.msk [tilespmem:v9+s2+$0x0], $0xffff  }
0x2ac: {  	v9 =	vadd.s32 s21, v0;
	v5 =	vadd.f32 v7, v5;
	v1 =	vld.idx.msk [tilespmem:v1+s9+$0x0], $0xffff  }
0x2ad: {  	s21 =	sadd.s32 $0x226D, s20;
	v7 =	vld.idx.msk [tilespmem:v12+s2+$0x0], $0xffff  }
0x2ae: {  	v12 =	vadd.s32 s21, v0;
	v4 =	vadd.f32 v4, v5;
	v3 =	vld.idx.msk [tilespmem:v3+s9+$0x0], $0xffff  }
0x2af: {  	s21 =	sadd.s32 $0x226E, s20;
	v5 =	vld.idx.msk [tilespmem:v10+s2+$0x0], $0xffff  }
0x2b0: {  	v10 =	vadd.s32 s21, v0;
	v2 =	vadd.f32 v2, v4;
	v13 =	vld.idx.msk [tilespmem:v11+s9+$0x0], $0xffff  }
0x2b1: {  	s21 =	sadd.s32 $0x226F, s20;
	v9 =	vld.idx.msk [tilespmem:v9+s2+$0x0], $0xffff  }
0x2b2: {  	v14 =	vadd.s32 s21, v0;
	v1 =	vadd.f32 v1, v2;
	v15 =	vld.idx.msk [tilespmem:v8+s9+$0x0], $0xffff  }
0x2b3: {  	s21 =	sadd.s32 $0x2270, s20;
	v4 =	vld.idx.msk [tilespmem:v12+s2+$0x0], $0xffff  }
0x2b4: {  	v12 =	vadd.s32 s21, v0;
	v1 =	vadd.f32 v3, v1;
	v16 =	vld.idx.msk [tilespmem:v6+s9+$0x0], $0xffff  }
0x2b5: {  	s21 =	sadd.s32 $0x2271, s20;
	v2 =	vld.idx.msk [tilespmem:v10+s2+$0x0], $0xffff  }
.Ltmp11:
0x2b6: {  	v11 =	vadd.s32 s21, v0;
	v6 =	vld.idx.msk [tilespmem:v7+s9+$0x0], $0xffff;
	v3 =	vadd.f32 v13, v1;
	(pc) =	sbr.rel @p0 .LBB2_24-.Ltmp11, $4  }
0x2b7: {  	s21 =	sadd.s32 $0x2272, s20;
	v1 =	vld.idx.msk [tilespmem:v14+s2+$0x0], $0xffff  }
0x2b8: {  	v8 =	vadd.s32 s21, v0;
	v5 =	vld.idx.msk [tilespmem:v5+s9+$0x0], $0xffff;
	v10 =	vadd.f32 v15, v3  }
0x2b9: {  	s20 =	sadd.s32 $0x2273, s20;
	v3 =	vld.idx.msk [tilespmem:v12+s2+$0x0], $0xffff  }
0x2ba: {  	v7 =	vld.idx.msk [tilespmem:v9+s9+$0x0], $0xffff;
	v9 =	vadd.s32 s20, v0;
	v10 =	vadd.f32 v16, v10  }
0x2bb: {  	_ =	sdelay $0x3  }
0x2bc: {  	v11 =	vld.idx.msk [tilespmem:v11+s2+$0x0], $0xffff;
	v6 =	vadd.f32 v6, v10  }
0x2bd: {  	v4 =	vld.idx.msk [tilespmem:v4+s9+$0x0], $0xffff  }
0x2be: {  	v8 =	vld.idx.msk [tilespmem:v8+s2+$0x0], $0xffff;
	v5 =	vadd.f32 v5, v6  }
0x2bf: {  	v2 =	vld.idx.msk [tilespmem:v2+s9+$0x0], $0xffff  }
0x2c0: {  	v1 =	vld.idx.msk [tilespmem:v1+s9+$0x0], $0xffff;
	v5 =	vadd.f32 v7, v5  }
0x2c1: {  	v6 =	vld.idx.msk [tilespmem:v9+s2+$0x0], $0xffff  }
0x2c2: {  	v4 =	vadd.f32 v4, v5  }
0x2c3: {  	v3 =	vld.idx.msk [tilespmem:v3+s9+$0x0], $0xffff  }
0x2c4: {  	v2 =	vadd.f32 v2, v4  }
0x2c5: {  	v4 =	vld.idx.msk [tilespmem:v11+s9+$0x0], $0xffff  }
0x2c6: {  	v1 =	vadd.f32 v1, v2  }
0x2c7: {  	v2 =	vld.idx.msk [tilespmem:v8+s9+$0x0], $0xffff  }
0x2c8: {  	v1 =	vadd.f32 v3, v1  }
0x2c9: {  	v3 =	vld.idx.msk [tilespmem:v6+s9+$0x0], $0xffff  }
0x2ca: {  	v1 =	vadd.f32 v4, v1  }
0x2cb: {  	s19 =	simm.s32 $0x2580  }
0x2cc: {  	v1 =	vadd.f32 v2, v1;
	v2 =	vadd.s32 s19, v0  }
0x2cd: {  	s24 =	simm.s32 $0x2581  }
0x2ce: {  	v1 =	vadd.f32 v3, v1;
	v3 =	vadd.s32 s24, v0  }
0x2cf: {  	s25 =	simm.s32 $0x2582  }
0x2d0: {  	[tilespmem:$0x1F0B0] =	vst v1;
	v1 =	vadd.s32 s25, v0  }
0x2d1: {  	s26 =	simm.s32 $0x2583;
	v5 =	vld.idx.msk [tilespmem:v2+s2+$0x0], $0xffff  }
0x2d2: {  	s28 =	simm.s32 $0x2584;
	v2 =	vadd.s32 s26, v0  }
0x2d3: {  	v6 =	vadd.s32 s28, v0;
	v3 =	vld.idx.msk [tilespmem:v3+s2+$0x0], $0xffff  }
0x2d4: {  	s29 =	simm.s32 $0x2585  }
0x2d5: {  	v7 =	vld.idx.msk [tilespmem:v1+s2+$0x0], $0xffff;
	v1 =	vadd.s32 s29, v0  }
0x2d6: {  	s30 =	simm.s32 $0x2586;
	v10 =	vld [tilespmem:$0x1EEC0]  }
0x2d7: {  	v8 =	vadd.s32 s30, v0;
	v4 =	vld.idx.msk [tilespmem:v2+s2+$0x0], $0xffff  }
0x2d8: {  	v2 =	vld.idx.msk [tilespmem:v6+s2+$0x0], $0xffff  }
0x2d9: {  	s31 =	simm.s32 $0x2587;
	v6 =	vld.idx.msk [tilespmem:v5+s9+$0x0], $0xffff  }
0x2da: {  	v11 =	vadd.s32 s31, v0;
	v1 =	vld.idx.msk [tilespmem:v1+s2+$0x0], $0xffff  }
0x2db: {  	s20 =	simm.s32 $0x2588;
	v5 =	vld.idx.msk [tilespmem:v3+s9+$0x0], $0xffff  }
0x2dc: {  	v3 =	vld.idx.msk [tilespmem:v8+s2+$0x0], $0xffff;
	v8 =	vadd.s32 s20, v0  }
0x2dd: {  	s21 =	simm.s32 $0x2589  }
0x2de: {  	v9 =	vadd.s32 s21, v0;
	s19 =	simm.s32 $0x0;
	v7 =	vld.idx.msk [tilespmem:v7+s9+$0x0], $0xffff  }
.LBB2_26:
0x2df: {  	s21 =	sadd.s32 $0x258A, s19;
	v11 =	vld.idx.msk [tilespmem:v11+s2+$0x0], $0xffff;
	s20 =	smov.u32 s19  }
0x2e0: {  	s19 =	sadd.s32 $0xA, s19;
	v12 =	vadd.s32 s21, v0;
	v6 =	vadd.f32 v6, v10;
	v4 =	vld.idx.msk [tilespmem:v4+s9+$0x0], $0xffff  }
0x2e1: {  	s21 =	sadd.s32 $0x258B, s20;
	p0 =	slt.u32 s19, $0x28;
	v8 =	vld.idx.msk [tilespmem:v8+s2+$0x0], $0xffff  }
0x2e2: {  	v10 =	vadd.s32 s21, v0;
	v5 =	vadd.f32 v5, v6;
	v2 =	vld.idx.msk [tilespmem:v2+s9+$0x0], $0xffff  }
0x2e3: {  	s21 =	sadd.s32 $0x258C, s20;
	v6 =	vld.idx.msk [tilespmem:v9+s2+$0x0], $0xffff  }
0x2e4: {  	v9 =	vadd.s32 s21, v0;
	v5 =	vadd.f32 v7, v5;
	v1 =	vld.idx.msk [tilespmem:v1+s9+$0x0], $0xffff  }
0x2e5: {  	s21 =	sadd.s32 $0x258D, s20;
	v7 =	vld.idx.msk [tilespmem:v12+s2+$0x0], $0xffff  }
0x2e6: {  	v12 =	vadd.s32 s21, v0;
	v4 =	vadd.f32 v4, v5;
	v3 =	vld.idx.msk [tilespmem:v3+s9+$0x0], $0xffff  }
0x2e7: {  	s21 =	sadd.s32 $0x258E, s20;
	v5 =	vld.idx.msk [tilespmem:v10+s2+$0x0], $0xffff  }
0x2e8: {  	v10 =	vadd.s32 s21, v0;
	v2 =	vadd.f32 v2, v4;
	v13 =	vld.idx.msk [tilespmem:v11+s9+$0x0], $0xffff  }
0x2e9: {  	s21 =	sadd.s32 $0x258F, s20;
	v9 =	vld.idx.msk [tilespmem:v9+s2+$0x0], $0xffff  }
0x2ea: {  	v14 =	vadd.s32 s21, v0;
	v1 =	vadd.f32 v1, v2;
	v15 =	vld.idx.msk [tilespmem:v8+s9+$0x0], $0xffff  }
0x2eb: {  	s21 =	sadd.s32 $0x2590, s20;
	v4 =	vld.idx.msk [tilespmem:v12+s2+$0x0], $0xffff  }
0x2ec: {  	v12 =	vadd.s32 s21, v0;
	v1 =	vadd.f32 v3, v1;
	v16 =	vld.idx.msk [tilespmem:v6+s9+$0x0], $0xffff  }
0x2ed: {  	s21 =	sadd.s32 $0x2591, s20;
	v2 =	vld.idx.msk [tilespmem:v10+s2+$0x0], $0xffff  }
.Ltmp12:
0x2ee: {  	v11 =	vadd.s32 s21, v0;
	v6 =	vld.idx.msk [tilespmem:v7+s9+$0x0], $0xffff;
	v3 =	vadd.f32 v13, v1;
	(pc) =	sbr.rel @p0 .LBB2_26-.Ltmp12, $4  }
0x2ef: {  	s21 =	sadd.s32 $0x2592, s20;
	v1 =	vld.idx.msk [tilespmem:v14+s2+$0x0], $0xffff  }
0x2f0: {  	v8 =	vadd.s32 s21, v0;
	v5 =	vld.idx.msk [tilespmem:v5+s9+$0x0], $0xffff;
	v10 =	vadd.f32 v15, v3  }
0x2f1: {  	s20 =	sadd.s32 $0x2593, s20;
	v3 =	vld.idx.msk [tilespmem:v12+s2+$0x0], $0xffff  }
0x2f2: {  	v7 =	vld.idx.msk [tilespmem:v9+s9+$0x0], $0xffff;
	v9 =	vadd.s32 s20, v0;
	v10 =	vadd.f32 v16, v10  }
0x2f3: {  	_ =	sdelay $0x3  }
0x2f4: {  	v11 =	vld.idx.msk [tilespmem:v11+s2+$0x0], $0xffff;
	v6 =	vadd.f32 v6, v10  }
0x2f5: {  	v4 =	vld.idx.msk [tilespmem:v4+s9+$0x0], $0xffff  }
0x2f6: {  	v8 =	vld.idx.msk [tilespmem:v8+s2+$0x0], $0xffff;
	v5 =	vadd.f32 v5, v6  }
0x2f7: {  	v2 =	vld.idx.msk [tilespmem:v2+s9+$0x0], $0xffff  }
0x2f8: {  	v1 =	vld.idx.msk [tilespmem:v1+s9+$0x0], $0xffff;
	v5 =	vadd.f32 v7, v5  }
0x2f9: {  	v6 =	vld.idx.msk [tilespmem:v9+s2+$0x0], $0xffff  }
0x2fa: {  	v4 =	vadd.f32 v4, v5  }
0x2fb: {  	v3 =	vld.idx.msk [tilespmem:v3+s9+$0x0], $0xffff  }
0x2fc: {  	v2 =	vadd.f32 v2, v4  }
0x2fd: {  	v4 =	vld.idx.msk [tilespmem:v11+s9+$0x0], $0xffff  }
0x2fe: {  	v1 =	vadd.f32 v1, v2  }
0x2ff: {  	v2 =	vld.idx.msk [tilespmem:v8+s9+$0x0], $0xffff  }
0x300: {  	v1 =	vadd.f32 v3, v1  }
0x301: {  	v3 =	vld.idx.msk [tilespmem:v6+s9+$0x0], $0xffff  }
0x302: {  	v1 =	vadd.f32 v4, v1  }
0x303: {  	s19 =	simm.s32 $0x28A0  }
0x304: {  	v1 =	vadd.f32 v2, v1;
	v2 =	vadd.s32 s19, v0  }
0x305: {  	s24 =	simm.s32 $0x28A1  }
0x306: {  	v1 =	vadd.f32 v3, v1;
	v3 =	vadd.s32 s24, v0  }
0x307: {  	s25 =	simm.s32 $0x28A2  }
0x308: {  	[tilespmem:$0x1F0C0] =	vst v1;
	v1 =	vadd.s32 s25, v0  }
0x309: {  	s26 =	simm.s32 $0x28A3;
	v5 =	vld.idx.msk [tilespmem:v2+s2+$0x0], $0xffff  }
0x30a: {  	s28 =	simm.s32 $0x28A4;
	v2 =	vadd.s32 s26, v0  }
0x30b: {  	v6 =	vadd.s32 s28, v0;
	v3 =	vld.idx.msk [tilespmem:v3+s2+$0x0], $0xffff  }
0x30c: {  	s29 =	simm.s32 $0x28A5  }
0x30d: {  	v7 =	vld.idx.msk [tilespmem:v1+s2+$0x0], $0xffff;
	v1 =	vadd.s32 s29, v0  }
0x30e: {  	s30 =	simm.s32 $0x28A6;
	v10 =	vld [tilespmem:$0x1EED0]  }
0x30f: {  	v8 =	vadd.s32 s30, v0;
	v4 =	vld.idx.msk [tilespmem:v2+s2+$0x0], $0xffff  }
0x310: {  	v2 =	vld.idx.msk [tilespmem:v6+s2+$0x0], $0xffff  }
0x311: {  	s31 =	simm.s32 $0x28A7;
	v6 =	vld.idx.msk [tilespmem:v5+s9+$0x0], $0xffff  }
0x312: {  	v11 =	vadd.s32 s31, v0;
	v1 =	vld.idx.msk [tilespmem:v1+s2+$0x0], $0xffff  }
0x313: {  	s20 =	simm.s32 $0x28A8;
	v5 =	vld.idx.msk [tilespmem:v3+s9+$0x0], $0xffff  }
0x314: {  	v3 =	vld.idx.msk [tilespmem:v8+s2+$0x0], $0xffff;
	v8 =	vadd.s32 s20, v0  }
0x315: {  	s21 =	simm.s32 $0x28A9  }
0x316: {  	v9 =	vadd.s32 s21, v0;
	s19 =	simm.s32 $0x0;
	v7 =	vld.idx.msk [tilespmem:v7+s9+$0x0], $0xffff  }
.LBB2_28:
0x317: {  	s21 =	sadd.s32 $0x28AA, s19;
	v11 =	vld.idx.msk [tilespmem:v11+s2+$0x0], $0xffff;
	s20 =	smov.u32 s19  }
0x318: {  	s19 =	sadd.s32 $0xA, s19;
	v12 =	vadd.s32 s21, v0;
	v6 =	vadd.f32 v6, v10;
	v4 =	vld.idx.msk [tilespmem:v4+s9+$0x0], $0xffff  }
0x319: {  	s21 =	sadd.s32 $0x28AB, s20;
	p0 =	slt.u32 s19, $0x28;
	v8 =	vld.idx.msk [tilespmem:v8+s2+$0x0], $0xffff  }
0x31a: {  	v10 =	vadd.s32 s21, v0;
	v5 =	vadd.f32 v5, v6;
	v2 =	vld.idx.msk [tilespmem:v2+s9+$0x0], $0xffff  }
0x31b: {  	s21 =	sadd.s32 $0x28AC, s20;
	v6 =	vld.idx.msk [tilespmem:v9+s2+$0x0], $0xffff  }
0x31c: {  	v9 =	vadd.s32 s21, v0;
	v5 =	vadd.f32 v7, v5;
	v1 =	vld.idx.msk [tilespmem:v1+s9+$0x0], $0xffff  }
0x31d: {  	s21 =	sadd.s32 $0x28AD, s20;
	v7 =	vld.idx.msk [tilespmem:v12+s2+$0x0], $0xffff  }
0x31e: {  	v12 =	vadd.s32 s21, v0;
	v4 =	vadd.f32 v4, v5;
	v3 =	vld.idx.msk [tilespmem:v3+s9+$0x0], $0xffff  }
0x31f: {  	s21 =	sadd.s32 $0x28AE, s20;
	v5 =	vld.idx.msk [tilespmem:v10+s2+$0x0], $0xffff  }
0x320: {  	v10 =	vadd.s32 s21, v0;
	v2 =	vadd.f32 v2, v4;
	v13 =	vld.idx.msk [tilespmem:v11+s9+$0x0], $0xffff  }
0x321: {  	s21 =	sadd.s32 $0x28AF, s20;
	v9 =	vld.idx.msk [tilespmem:v9+s2+$0x0], $0xffff  }
0x322: {  	v14 =	vadd.s32 s21, v0;
	v1 =	vadd.f32 v1, v2;
	v15 =	vld.idx.msk [tilespmem:v8+s9+$0x0], $0xffff  }
0x323: {  	s21 =	sadd.s32 $0x28B0, s20;
	v4 =	vld.idx.msk [tilespmem:v12+s2+$0x0], $0xffff  }
0x324: {  	v12 =	vadd.s32 s21, v0;
	v1 =	vadd.f32 v3, v1;
	v16 =	vld.idx.msk [tilespmem:v6+s9+$0x0], $0xffff  }
0x325: {  	s21 =	sadd.s32 $0x28B1, s20;
	v2 =	vld.idx.msk [tilespmem:v10+s2+$0x0], $0xffff  }
.Ltmp13:
0x326: {  	v11 =	vadd.s32 s21, v0;
	v6 =	vld.idx.msk [tilespmem:v7+s9+$0x0], $0xffff;
	v3 =	vadd.f32 v13, v1;
	(pc) =	sbr.rel @p0 .LBB2_28-.Ltmp13, $4  }
0x327: {  	s21 =	sadd.s32 $0x28B2, s20;
	v1 =	vld.idx.msk [tilespmem:v14+s2+$0x0], $0xffff  }
0x328: {  	v8 =	vadd.s32 s21, v0;
	v5 =	vld.idx.msk [tilespmem:v5+s9+$0x0], $0xffff;
	v10 =	vadd.f32 v15, v3  }
0x329: {  	s20 =	sadd.s32 $0x28B3, s20;
	v3 =	vld.idx.msk [tilespmem:v12+s2+$0x0], $0xffff  }
0x32a: {  	v7 =	vld.idx.msk [tilespmem:v9+s9+$0x0], $0xffff;
	v9 =	vadd.s32 s20, v0;
	v10 =	vadd.f32 v16, v10  }
0x32b: {  	_ =	sdelay $0x3  }
0x32c: {  	v11 =	vld.idx.msk [tilespmem:v11+s2+$0x0], $0xffff;
	v6 =	vadd.f32 v6, v10  }
0x32d: {  	v4 =	vld.idx.msk [tilespmem:v4+s9+$0x0], $0xffff  }
0x32e: {  	v8 =	vld.idx.msk [tilespmem:v8+s2+$0x0], $0xffff;
	v5 =	vadd.f32 v5, v6  }
0x32f: {  	v2 =	vld.idx.msk [tilespmem:v2+s9+$0x0], $0xffff  }
0x330: {  	v1 =	vld.idx.msk [tilespmem:v1+s9+$0x0], $0xffff;
	v5 =	vadd.f32 v7, v5  }
0x331: {  	v6 =	vld.idx.msk [tilespmem:v9+s2+$0x0], $0xffff  }
0x332: {  	v4 =	vadd.f32 v4, v5  }
0x333: {  	v3 =	vld.idx.msk [tilespmem:v3+s9+$0x0], $0xffff  }
0x334: {  	v2 =	vadd.f32 v2, v4  }
0x335: {  	v4 =	vld.idx.msk [tilespmem:v11+s9+$0x0], $0xffff  }
0x336: {  	v1 =	vadd.f32 v1, v2  }
0x337: {  	v2 =	vld.idx.msk [tilespmem:v8+s9+$0x0], $0xffff  }
0x338: {  	v1 =	vadd.f32 v3, v1  }
0x339: {  	v3 =	vld.idx.msk [tilespmem:v6+s9+$0x0], $0xffff  }
0x33a: {  	v1 =	vadd.f32 v4, v1  }
0x33b: {  	s19 =	simm.s32 $0x2BC0  }
0x33c: {  	v1 =	vadd.f32 v2, v1;
	v2 =	vadd.s32 s19, v0  }
0x33d: {  	s24 =	simm.s32 $0x2BC1  }
0x33e: {  	v1 =	vadd.f32 v3, v1;
	v3 =	vadd.s32 s24, v0  }
0x33f: {  	s25 =	simm.s32 $0x2BC2  }
0x340: {  	[tilespmem:$0x1F0D0] =	vst v1;
	v1 =	vadd.s32 s25, v0  }
0x341: {  	s26 =	simm.s32 $0x2BC3;
	v5 =	vld.idx.msk [tilespmem:v2+s2+$0x0], $0xffff  }
0x342: {  	s28 =	simm.s32 $0x2BC4;
	v2 =	vadd.s32 s26, v0  }
0x343: {  	v6 =	vadd.s32 s28, v0;
	v3 =	vld.idx.msk [tilespmem:v3+s2+$0x0], $0xffff  }
0x344: {  	s29 =	simm.s32 $0x2BC5  }
0x345: {  	v7 =	vld.idx.msk [tilespmem:v1+s2+$0x0], $0xffff;
	v1 =	vadd.s32 s29, v0  }
0x346: {  	s30 =	simm.s32 $0x2BC6;
	v10 =	vld [tilespmem:$0x1EEE0]  }
0x347: {  	v8 =	vadd.s32 s30, v0;
	v4 =	vld.idx.msk [tilespmem:v2+s2+$0x0], $0xffff  }
0x348: {  	v2 =	vld.idx.msk [tilespmem:v6+s2+$0x0], $0xffff  }
0x349: {  	s31 =	simm.s32 $0x2BC7;
	v6 =	vld.idx.msk [tilespmem:v5+s9+$0x0], $0xffff  }
0x34a: {  	v11 =	vadd.s32 s31, v0;
	v1 =	vld.idx.msk [tilespmem:v1+s2+$0x0], $0xffff  }
0x34b: {  	s20 =	simm.s32 $0x2BC8;
	v5 =	vld.idx.msk [tilespmem:v3+s9+$0x0], $0xffff  }
0x34c: {  	v3 =	vld.idx.msk [tilespmem:v8+s2+$0x0], $0xffff;
	v8 =	vadd.s32 s20, v0  }
0x34d: {  	s21 =	simm.s32 $0x2BC9  }
0x34e: {  	v9 =	vadd.s32 s21, v0;
	s19 =	simm.s32 $0x0;
	v7 =	vld.idx.msk [tilespmem:v7+s9+$0x0], $0xffff  }
.LBB2_30:
0x34f: {  	s21 =	sadd.s32 $0x2BCA, s19;
	v11 =	vld.idx.msk [tilespmem:v11+s2+$0x0], $0xffff;
	s20 =	smov.u32 s19  }
0x350: {  	s19 =	sadd.s32 $0xA, s19;
	v12 =	vadd.s32 s21, v0;
	v6 =	vadd.f32 v6, v10;
	v4 =	vld.idx.msk [tilespmem:v4+s9+$0x0], $0xffff  }
0x351: {  	s21 =	sadd.s32 $0x2BCB, s20;
	p0 =	slt.u32 s19, $0x28;
	v8 =	vld.idx.msk [tilespmem:v8+s2+$0x0], $0xffff  }
0x352: {  	v10 =	vadd.s32 s21, v0;
	v5 =	vadd.f32 v5, v6;
	v2 =	vld.idx.msk [tilespmem:v2+s9+$0x0], $0xffff  }
0x353: {  	s21 =	sadd.s32 $0x2BCC, s20;
	v6 =	vld.idx.msk [tilespmem:v9+s2+$0x0], $0xffff  }
0x354: {  	v9 =	vadd.s32 s21, v0;
	v5 =	vadd.f32 v7, v5;
	v1 =	vld.idx.msk [tilespmem:v1+s9+$0x0], $0xffff  }
0x355: {  	s21 =	sadd.s32 $0x2BCD, s20;
	v7 =	vld.idx.msk [tilespmem:v12+s2+$0x0], $0xffff  }
0x356: {  	v12 =	vadd.s32 s21, v0;
	v4 =	vadd.f32 v4, v5;
	v3 =	vld.idx.msk [tilespmem:v3+s9+$0x0], $0xffff  }
0x357: {  	s21 =	sadd.s32 $0x2BCE, s20;
	v5 =	vld.idx.msk [tilespmem:v10+s2+$0x0], $0xffff  }
0x358: {  	v10 =	vadd.s32 s21, v0;
	v2 =	vadd.f32 v2, v4;
	v13 =	vld.idx.msk [tilespmem:v11+s9+$0x0], $0xffff  }
0x359: {  	s21 =	sadd.s32 $0x2BCF, s20;
	v9 =	vld.idx.msk [tilespmem:v9+s2+$0x0], $0xffff  }
0x35a: {  	v14 =	vadd.s32 s21, v0;
	v1 =	vadd.f32 v1, v2;
	v15 =	vld.idx.msk [tilespmem:v8+s9+$0x0], $0xffff  }
0x35b: {  	s21 =	sadd.s32 $0x2BD0, s20;
	v4 =	vld.idx.msk [tilespmem:v12+s2+$0x0], $0xffff  }
0x35c: {  	v12 =	vadd.s32 s21, v0;
	v1 =	vadd.f32 v3, v1;
	v16 =	vld.idx.msk [tilespmem:v6+s9+$0x0], $0xffff  }
0x35d: {  	s21 =	sadd.s32 $0x2BD1, s20;
	v2 =	vld.idx.msk [tilespmem:v10+s2+$0x0], $0xffff  }
.Ltmp14:
0x35e: {  	v11 =	vadd.s32 s21, v0;
	v6 =	vld.idx.msk [tilespmem:v7+s9+$0x0], $0xffff;
	v3 =	vadd.f32 v13, v1;
	(pc) =	sbr.rel @p0 .LBB2_30-.Ltmp14, $4  }
0x35f: {  	s21 =	sadd.s32 $0x2BD2, s20;
	v1 =	vld.idx.msk [tilespmem:v14+s2+$0x0], $0xffff  }
0x360: {  	v8 =	vadd.s32 s21, v0;
	v5 =	vld.idx.msk [tilespmem:v5+s9+$0x0], $0xffff;
	v10 =	vadd.f32 v15, v3  }
0x361: {  	s20 =	sadd.s32 $0x2BD3, s20;
	v3 =	vld.idx.msk [tilespmem:v12+s2+$0x0], $0xffff  }
0x362: {  	v7 =	vld.idx.msk [tilespmem:v9+s9+$0x0], $0xffff;
	v9 =	vadd.s32 s20, v0;
	v10 =	vadd.f32 v16, v10  }
0x363: {  	_ =	sdelay $0x3  }
0x364: {  	v11 =	vld.idx.msk [tilespmem:v11+s2+$0x0], $0xffff;
	v6 =	vadd.f32 v6, v10  }
0x365: {  	v4 =	vld.idx.msk [tilespmem:v4+s9+$0x0], $0xffff  }
0x366: {  	v8 =	vld.idx.msk [tilespmem:v8+s2+$0x0], $0xffff;
	v5 =	vadd.f32 v5, v6  }
0x367: {  	v2 =	vld.idx.msk [tilespmem:v2+s9+$0x0], $0xffff  }
0x368: {  	v1 =	vld.idx.msk [tilespmem:v1+s9+$0x0], $0xffff;
	v5 =	vadd.f32 v7, v5  }
0x369: {  	v6 =	vld.idx.msk [tilespmem:v9+s2+$0x0], $0xffff  }
0x36a: {  	v4 =	vadd.f32 v4, v5  }
0x36b: {  	v3 =	vld.idx.msk [tilespmem:v3+s9+$0x0], $0xffff  }
0x36c: {  	v2 =	vadd.f32 v2, v4  }
0x36d: {  	v4 =	vld.idx.msk [tilespmem:v11+s9+$0x0], $0xffff  }
0x36e: {  	v1 =	vadd.f32 v1, v2  }
0x36f: {  	v2 =	vld.idx.msk [tilespmem:v8+s9+$0x0], $0xffff  }
0x370: {  	v1 =	vadd.f32 v3, v1  }
0x371: {  	v3 =	vld.idx.msk [tilespmem:v6+s9+$0x0], $0xffff  }
0x372: {  	v1 =	vadd.f32 v4, v1  }
0x373: {  	s19 =	simm.s32 $0x2EE0  }
0x374: {  	v1 =	vadd.f32 v2, v1;
	v2 =	vadd.s32 s19, v0  }
0x375: {  	s24 =	simm.s32 $0x2EE1  }
0x376: {  	v1 =	vadd.f32 v3, v1;
	v3 =	vadd.s32 s24, v0  }
0x377: {  	s25 =	simm.s32 $0x2EE2  }
0x378: {  	[tilespmem:$0x1F0E0] =	vst v1;
	v1 =	vadd.s32 s25, v0  }
0x379: {  	s26 =	simm.s32 $0x2EE3;
	v5 =	vld.idx.msk [tilespmem:v2+s2+$0x0], $0xffff  }
0x37a: {  	s28 =	simm.s32 $0x2EE4;
	v2 =	vadd.s32 s26, v0  }
0x37b: {  	v6 =	vadd.s32 s28, v0;
	v3 =	vld.idx.msk [tilespmem:v3+s2+$0x0], $0xffff  }
0x37c: {  	s29 =	simm.s32 $0x2EE5  }
0x37d: {  	v7 =	vld.idx.msk [tilespmem:v1+s2+$0x0], $0xffff;
	v1 =	vadd.s32 s29, v0  }
0x37e: {  	s30 =	simm.s32 $0x2EE6;
	v10 =	vld [tilespmem:$0x1EEF0]  }
0x37f: {  	v8 =	vadd.s32 s30, v0;
	v4 =	vld.idx.msk [tilespmem:v2+s2+$0x0], $0xffff  }
0x380: {  	v2 =	vld.idx.msk [tilespmem:v6+s2+$0x0], $0xffff  }
0x381: {  	s31 =	simm.s32 $0x2EE7;
	v6 =	vld.idx.msk [tilespmem:v5+s9+$0x0], $0xffff  }
0x382: {  	v11 =	vadd.s32 s31, v0;
	v1 =	vld.idx.msk [tilespmem:v1+s2+$0x0], $0xffff  }
0x383: {  	s20 =	simm.s32 $0x2EE8;
	v5 =	vld.idx.msk [tilespmem:v3+s9+$0x0], $0xffff  }
0x384: {  	v3 =	vld.idx.msk [tilespmem:v8+s2+$0x0], $0xffff;
	v8 =	vadd.s32 s20, v0  }
0x385: {  	s21 =	simm.s32 $0x2EE9  }
0x386: {  	v9 =	vadd.s32 s21, v0;
	s19 =	simm.s32 $0x0;
	v7 =	vld.idx.msk [tilespmem:v7+s9+$0x0], $0xffff  }
.LBB2_32:
0x387: {  	s21 =	sadd.s32 $0x2EEA, s19;
	v11 =	vld.idx.msk [tilespmem:v11+s2+$0x0], $0xffff;
	s20 =	smov.u32 s19  }
0x388: {  	s19 =	sadd.s32 $0xA, s19;
	v12 =	vadd.s32 s21, v0;
	v6 =	vadd.f32 v6, v10;
	v4 =	vld.idx.msk [tilespmem:v4+s9+$0x0], $0xffff  }
0x389: {  	s21 =	sadd.s32 $0x2EEB, s20;
	p0 =	slt.u32 s19, $0x28;
	v8 =	vld.idx.msk [tilespmem:v8+s2+$0x0], $0xffff  }
0x38a: {  	v10 =	vadd.s32 s21, v0;
	v5 =	vadd.f32 v5, v6;
	v2 =	vld.idx.msk [tilespmem:v2+s9+$0x0], $0xffff  }
0x38b: {  	s21 =	sadd.s32 $0x2EEC, s20;
	v6 =	vld.idx.msk [tilespmem:v9+s2+$0x0], $0xffff  }
0x38c: {  	v9 =	vadd.s32 s21, v0;
	v5 =	vadd.f32 v7, v5;
	v1 =	vld.idx.msk [tilespmem:v1+s9+$0x0], $0xffff  }
0x38d: {  	s21 =	sadd.s32 $0x2EED, s20;
	v7 =	vld.idx.msk [tilespmem:v12+s2+$0x0], $0xffff  }
0x38e: {  	v12 =	vadd.s32 s21, v0;
	v4 =	vadd.f32 v4, v5;
	v3 =	vld.idx.msk [tilespmem:v3+s9+$0x0], $0xffff  }
0x38f: {  	s21 =	sadd.s32 $0x2EEE, s20;
	v5 =	vld.idx.msk [tilespmem:v10+s2+$0x0], $0xffff  }
0x390: {  	v10 =	vadd.s32 s21, v0;
	v2 =	vadd.f32 v2, v4;
	v13 =	vld.idx.msk [tilespmem:v11+s9+$0x0], $0xffff  }
0x391: {  	s21 =	sadd.s32 $0x2EEF, s20;
	v9 =	vld.idx.msk [tilespmem:v9+s2+$0x0], $0xffff  }
0x392: {  	v14 =	vadd.s32 s21, v0;
	v1 =	vadd.f32 v1, v2;
	v15 =	vld.idx.msk [tilespmem:v8+s9+$0x0], $0xffff  }
0x393: {  	s21 =	sadd.s32 $0x2EF0, s20;
	v4 =	vld.idx.msk [tilespmem:v12+s2+$0x0], $0xffff  }
0x394: {  	v12 =	vadd.s32 s21, v0;
	v1 =	vadd.f32 v3, v1;
	v16 =	vld.idx.msk [tilespmem:v6+s9+$0x0], $0xffff  }
0x395: {  	s21 =	sadd.s32 $0x2EF1, s20;
	v2 =	vld.idx.msk [tilespmem:v10+s2+$0x0], $0xffff  }
.Ltmp15:
0x396: {  	v11 =	vadd.s32 s21, v0;
	v6 =	vld.idx.msk [tilespmem:v7+s9+$0x0], $0xffff;
	v3 =	vadd.f32 v13, v1;
	(pc) =	sbr.rel @p0 .LBB2_32-.Ltmp15, $4  }
0x397: {  	s21 =	sadd.s32 $0x2EF2, s20;
	v1 =	vld.idx.msk [tilespmem:v14+s2+$0x0], $0xffff  }
0x398: {  	v8 =	vadd.s32 s21, v0;
	v5 =	vld.idx.msk [tilespmem:v5+s9+$0x0], $0xffff;
	v10 =	vadd.f32 v15, v3  }
0x399: {  	s20 =	sadd.s32 $0x2EF3, s20;
	v3 =	vld.idx.msk [tilespmem:v12+s2+$0x0], $0xffff  }
0x39a: {  	v7 =	vld.idx.msk [tilespmem:v9+s9+$0x0], $0xffff;
	v9 =	vadd.s32 s20, v0;
	v10 =	vadd.f32 v16, v10  }
0x39b: {  	_ =	sdelay $0x3  }
0x39c: {  	v11 =	vld.idx.msk [tilespmem:v11+s2+$0x0], $0xffff;
	v6 =	vadd.f32 v6, v10  }
0x39d: {  	v4 =	vld.idx.msk [tilespmem:v4+s9+$0x0], $0xffff  }
0x39e: {  	v8 =	vld.idx.msk [tilespmem:v8+s2+$0x0], $0xffff;
	v5 =	vadd.f32 v5, v6  }
0x39f: {  	v2 =	vld.idx.msk [tilespmem:v2+s9+$0x0], $0xffff  }
0x3a0: {  	v1 =	vld.idx.msk [tilespmem:v1+s9+$0x0], $0xffff;
	v5 =	vadd.f32 v7, v5  }
0x3a1: {  	v6 =	vld.idx.msk [tilespmem:v9+s2+$0x0], $0xffff  }
0x3a2: {  	v4 =	vadd.f32 v4, v5  }
0x3a3: {  	v3 =	vld.idx.msk [tilespmem:v3+s9+$0x0], $0xffff  }
0x3a4: {  	v2 =	vadd.f32 v2, v4  }
0x3a5: {  	v4 =	vld.idx.msk [tilespmem:v11+s9+$0x0], $0xffff  }
0x3a6: {  	v1 =	vadd.f32 v1, v2  }
0x3a7: {  	v2 =	vld.idx.msk [tilespmem:v8+s9+$0x0], $0xffff  }
0x3a8: {  	v1 =	vadd.f32 v3, v1  }
0x3a9: {  	v3 =	vld.idx.msk [tilespmem:v6+s9+$0x0], $0xffff  }
0x3aa: {  	v1 =	vadd.f32 v4, v1  }
0x3ab: {  	s19 =	simm.s32 $0x3200  }
0x3ac: {  	v1 =	vadd.f32 v2, v1;
	v2 =	vadd.s32 s19, v0  }
0x3ad: {  	s24 =	simm.s32 $0x3201  }
0x3ae: {  	v1 =	vadd.f32 v3, v1;
	v3 =	vadd.s32 s24, v0  }
0x3af: {  	s25 =	simm.s32 $0x3202  }
0x3b0: {  	[tilespmem:$0x1F0F0] =	vst v1;
	v1 =	vadd.s32 s25, v0  }
0x3b1: {  	s26 =	simm.s32 $0x3203;
	v5 =	vld.idx.msk [tilespmem:v2+s2+$0x0], $0xffff  }
0x3b2: {  	s28 =	simm.s32 $0x3204;
	v2 =	vadd.s32 s26, v0  }
0x3b3: {  	v6 =	vadd.s32 s28, v0;
	v3 =	vld.idx.msk [tilespmem:v3+s2+$0x0], $0xffff  }
0x3b4: {  	s29 =	simm.s32 $0x3205  }
0x3b5: {  	v7 =	vld.idx.msk [tilespmem:v1+s2+$0x0], $0xffff;
	v1 =	vadd.s32 s29, v0  }
0x3b6: {  	s30 =	simm.s32 $0x3206;
	v10 =	vld [tilespmem:$0x1EF00]  }
0x3b7: {  	v8 =	vadd.s32 s30, v0;
	v4 =	vld.idx.msk [tilespmem:v2+s2+$0x0], $0xffff  }
0x3b8: {  	v2 =	vld.idx.msk [tilespmem:v6+s2+$0x0], $0xffff  }
0x3b9: {  	s31 =	simm.s32 $0x3207;
	v6 =	vld.idx.msk [tilespmem:v5+s9+$0x0], $0xffff  }
0x3ba: {  	v11 =	vadd.s32 s31, v0;
	v1 =	vld.idx.msk [tilespmem:v1+s2+$0x0], $0xffff  }
0x3bb: {  	s20 =	simm.s32 $0x3208;
	v5 =	vld.idx.msk [tilespmem:v3+s9+$0x0], $0xffff  }
0x3bc: {  	v3 =	vld.idx.msk [tilespmem:v8+s2+$0x0], $0xffff;
	v8 =	vadd.s32 s20, v0  }
0x3bd: {  	s21 =	simm.s32 $0x3209  }
0x3be: {  	v9 =	vadd.s32 s21, v0;
	s19 =	simm.s32 $0x0;
	v7 =	vld.idx.msk [tilespmem:v7+s9+$0x0], $0xffff  }
.LBB2_34:
0x3bf: {  	s21 =	sadd.s32 $0x320A, s19;
	v11 =	vld.idx.msk [tilespmem:v11+s2+$0x0], $0xffff;
	s20 =	smov.u32 s19  }
0x3c0: {  	s19 =	sadd.s32 $0xA, s19;
	v12 =	vadd.s32 s21, v0;
	v6 =	vadd.f32 v6, v10;
	v4 =	vld.idx.msk [tilespmem:v4+s9+$0x0], $0xffff  }
0x3c1: {  	s21 =	sadd.s32 $0x320B, s20;
	p0 =	slt.u32 s19, $0x28;
	v8 =	vld.idx.msk [tilespmem:v8+s2+$0x0], $0xffff  }
0x3c2: {  	v10 =	vadd.s32 s21, v0;
	v5 =	vadd.f32 v5, v6;
	v2 =	vld.idx.msk [tilespmem:v2+s9+$0x0], $0xffff  }
0x3c3: {  	s21 =	sadd.s32 $0x320C, s20;
	v6 =	vld.idx.msk [tilespmem:v9+s2+$0x0], $0xffff  }
0x3c4: {  	v9 =	vadd.s32 s21, v0;
	v5 =	vadd.f32 v7, v5;
	v1 =	vld.idx.msk [tilespmem:v1+s9+$0x0], $0xffff  }
0x3c5: {  	s21 =	sadd.s32 $0x320D, s20;
	v7 =	vld.idx.msk [tilespmem:v12+s2+$0x0], $0xffff  }
0x3c6: {  	v12 =	vadd.s32 s21, v0;
	v4 =	vadd.f32 v4, v5;
	v3 =	vld.idx.msk [tilespmem:v3+s9+$0x0], $0xffff  }
0x3c7: {  	s21 =	sadd.s32 $0x320E, s20;
	v5 =	vld.idx.msk [tilespmem:v10+s2+$0x0], $0xffff  }
0x3c8: {  	v10 =	vadd.s32 s21, v0;
	v2 =	vadd.f32 v2, v4;
	v13 =	vld.idx.msk [tilespmem:v11+s9+$0x0], $0xffff  }
0x3c9: {  	s21 =	sadd.s32 $0x320F, s20;
	v9 =	vld.idx.msk [tilespmem:v9+s2+$0x0], $0xffff  }
0x3ca: {  	v14 =	vadd.s32 s21, v0;
	v1 =	vadd.f32 v1, v2;
	v15 =	vld.idx.msk [tilespmem:v8+s9+$0x0], $0xffff  }
0x3cb: {  	s21 =	sadd.s32 $0x3210, s20;
	v4 =	vld.idx.msk [tilespmem:v12+s2+$0x0], $0xffff  }
0x3cc: {  	v12 =	vadd.s32 s21, v0;
	v1 =	vadd.f32 v3, v1;
	v16 =	vld.idx.msk [tilespmem:v6+s9+$0x0], $0xffff  }
0x3cd: {  	s21 =	sadd.s32 $0x3211, s20;
	v2 =	vld.idx.msk [tilespmem:v10+s2+$0x0], $0xffff  }
.Ltmp16:
0x3ce: {  	v11 =	vadd.s32 s21, v0;
	v6 =	vld.idx.msk [tilespmem:v7+s9+$0x0], $0xffff;
	v3 =	vadd.f32 v13, v1;
	(pc) =	sbr.rel @p0 .LBB2_34-.Ltmp16, $4  }
0x3cf: {  	s21 =	sadd.s32 $0x3212, s20;
	v1 =	vld.idx.msk [tilespmem:v14+s2+$0x0], $0xffff  }
0x3d0: {  	v8 =	vadd.s32 s21, v0;
	v5 =	vld.idx.msk [tilespmem:v5+s9+$0x0], $0xffff;
	v10 =	vadd.f32 v15, v3  }
0x3d1: {  	s20 =	sadd.s32 $0x3213, s20;
	v3 =	vld.idx.msk [tilespmem:v12+s2+$0x0], $0xffff  }
0x3d2: {  	v7 =	vld.idx.msk [tilespmem:v9+s9+$0x0], $0xffff;
	v9 =	vadd.s32 s20, v0;
	v10 =	vadd.f32 v16, v10  }
0x3d3: {  	_ =	sdelay $0x3  }
0x3d4: {  	v11 =	vld.idx.msk [tilespmem:v11+s2+$0x0], $0xffff;
	v6 =	vadd.f32 v6, v10  }
0x3d5: {  	v4 =	vld.idx.msk [tilespmem:v4+s9+$0x0], $0xffff  }
0x3d6: {  	v8 =	vld.idx.msk [tilespmem:v8+s2+$0x0], $0xffff;
	v5 =	vadd.f32 v5, v6  }
0x3d7: {  	v2 =	vld.idx.msk [tilespmem:v2+s9+$0x0], $0xffff  }
0x3d8: {  	v1 =	vld.idx.msk [tilespmem:v1+s9+$0x0], $0xffff;
	v5 =	vadd.f32 v7, v5  }
0x3d9: {  	v6 =	vld.idx.msk [tilespmem:v9+s2+$0x0], $0xffff  }
0x3da: {  	v4 =	vadd.f32 v4, v5  }
0x3db: {  	v3 =	vld.idx.msk [tilespmem:v3+s9+$0x0], $0xffff  }
0x3dc: {  	v2 =	vadd.f32 v2, v4  }
0x3dd: {  	v4 =	vld.idx.msk [tilespmem:v11+s9+$0x0], $0xffff  }
0x3de: {  	v1 =	vadd.f32 v1, v2  }
0x3df: {  	v2 =	vld.idx.msk [tilespmem:v8+s9+$0x0], $0xffff  }
0x3e0: {  	v1 =	vadd.f32 v3, v1  }
0x3e1: {  	v3 =	vld.idx.msk [tilespmem:v6+s9+$0x0], $0xffff  }
0x3e2: {  	v1 =	vadd.f32 v4, v1  }
0x3e3: {  	s19 =	simm.s32 $0x3520  }
0x3e4: {  	v1 =	vadd.f32 v2, v1;
	v2 =	vadd.s32 s19, v0  }
0x3e5: {  	s24 =	simm.s32 $0x3521  }
0x3e6: {  	v1 =	vadd.f32 v3, v1;
	v3 =	vadd.s32 s24, v0  }
0x3e7: {  	s25 =	simm.s32 $0x3522  }
0x3e8: {  	[tilespmem:$0x1F100] =	vst v1;
	v1 =	vadd.s32 s25, v0  }
0x3e9: {  	s26 =	simm.s32 $0x3523;
	v5 =	vld.idx.msk [tilespmem:v2+s2+$0x0], $0xffff  }
0x3ea: {  	s28 =	simm.s32 $0x3524;
	v2 =	vadd.s32 s26, v0  }
0x3eb: {  	v6 =	vadd.s32 s28, v0;
	v3 =	vld.idx.msk [tilespmem:v3+s2+$0x0], $0xffff  }
0x3ec: {  	s29 =	simm.s32 $0x3525  }
0x3ed: {  	v7 =	vld.idx.msk [tilespmem:v1+s2+$0x0], $0xffff;
	v1 =	vadd.s32 s29, v0  }
0x3ee: {  	s30 =	simm.s32 $0x3526;
	v10 =	vld [tilespmem:$0x1EF10]  }
0x3ef: {  	v8 =	vadd.s32 s30, v0;
	v4 =	vld.idx.msk [tilespmem:v2+s2+$0x0], $0xffff  }
0x3f0: {  	v2 =	vld.idx.msk [tilespmem:v6+s2+$0x0], $0xffff  }
0x3f1: {  	s31 =	simm.s32 $0x3527;
	v6 =	vld.idx.msk [tilespmem:v5+s9+$0x0], $0xffff  }
0x3f2: {  	v11 =	vadd.s32 s31, v0;
	v1 =	vld.idx.msk [tilespmem:v1+s2+$0x0], $0xffff  }
0x3f3: {  	s20 =	simm.s32 $0x3528;
	v5 =	vld.idx.msk [tilespmem:v3+s9+$0x0], $0xffff  }
0x3f4: {  	v3 =	vld.idx.msk [tilespmem:v8+s2+$0x0], $0xffff;
	v8 =	vadd.s32 s20, v0  }
0x3f5: {  	s21 =	simm.s32 $0x3529  }
0x3f6: {  	v9 =	vadd.s32 s21, v0;
	s19 =	simm.s32 $0x0;
	v7 =	vld.idx.msk [tilespmem:v7+s9+$0x0], $0xffff  }
.LBB2_36:
0x3f7: {  	s21 =	sadd.s32 $0x352A, s19;
	v11 =	vld.idx.msk [tilespmem:v11+s2+$0x0], $0xffff;
	s20 =	smov.u32 s19  }
0x3f8: {  	s19 =	sadd.s32 $0xA, s19;
	v12 =	vadd.s32 s21, v0;
	v6 =	vadd.f32 v6, v10;
	v4 =	vld.idx.msk [tilespmem:v4+s9+$0x0], $0xffff  }
0x3f9: {  	s21 =	sadd.s32 $0x352B, s20;
	p0 =	slt.u32 s19, $0x28;
	v8 =	vld.idx.msk [tilespmem:v8+s2+$0x0], $0xffff  }
0x3fa: {  	v10 =	vadd.s32 s21, v0;
	v5 =	vadd.f32 v5, v6;
	v2 =	vld.idx.msk [tilespmem:v2+s9+$0x0], $0xffff  }
0x3fb: {  	s21 =	sadd.s32 $0x352C, s20;
	v6 =	vld.idx.msk [tilespmem:v9+s2+$0x0], $0xffff  }
0x3fc: {  	v9 =	vadd.s32 s21, v0;
	v5 =	vadd.f32 v7, v5;
	v1 =	vld.idx.msk [tilespmem:v1+s9+$0x0], $0xffff  }
0x3fd: {  	s21 =	sadd.s32 $0x352D, s20;
	v7 =	vld.idx.msk [tilespmem:v12+s2+$0x0], $0xffff  }
0x3fe: {  	v12 =	vadd.s32 s21, v0;
	v4 =	vadd.f32 v4, v5;
	v3 =	vld.idx.msk [tilespmem:v3+s9+$0x0], $0xffff  }
0x3ff: {  	s21 =	sadd.s32 $0x352E, s20;
	v5 =	vld.idx.msk [tilespmem:v10+s2+$0x0], $0xffff  }
0x400: {  	v10 =	vadd.s32 s21, v0;
	v2 =	vadd.f32 v2, v4;
	v13 =	vld.idx.msk [tilespmem:v11+s9+$0x0], $0xffff  }
0x401: {  	s21 =	sadd.s32 $0x352F, s20;
	v9 =	vld.idx.msk [tilespmem:v9+s2+$0x0], $0xffff  }
0x402: {  	v14 =	vadd.s32 s21, v0;
	v1 =	vadd.f32 v1, v2;
	v15 =	vld.idx.msk [tilespmem:v8+s9+$0x0], $0xffff  }
0x403: {  	s21 =	sadd.s32 $0x3530, s20;
	v4 =	vld.idx.msk [tilespmem:v12+s2+$0x0], $0xffff  }
0x404: {  	v12 =	vadd.s32 s21, v0;
	v1 =	vadd.f32 v3, v1;
	v16 =	vld.idx.msk [tilespmem:v6+s9+$0x0], $0xffff  }
0x405: {  	s21 =	sadd.s32 $0x3531, s20;
	v2 =	vld.idx.msk [tilespmem:v10+s2+$0x0], $0xffff  }
.Ltmp17:
0x406: {  	v11 =	vadd.s32 s21, v0;
	v6 =	vld.idx.msk [tilespmem:v7+s9+$0x0], $0xffff;
	v3 =	vadd.f32 v13, v1;
	(pc) =	sbr.rel @p0 .LBB2_36-.Ltmp17, $4  }
0x407: {  	s21 =	sadd.s32 $0x3532, s20;
	v1 =	vld.idx.msk [tilespmem:v14+s2+$0x0], $0xffff  }
0x408: {  	v8 =	vadd.s32 s21, v0;
	v5 =	vld.idx.msk [tilespmem:v5+s9+$0x0], $0xffff;
	v10 =	vadd.f32 v15, v3  }
0x409: {  	s20 =	sadd.s32 $0x3533, s20;
	v3 =	vld.idx.msk [tilespmem:v12+s2+$0x0], $0xffff  }
0x40a: {  	v7 =	vld.idx.msk [tilespmem:v9+s9+$0x0], $0xffff;
	v9 =	vadd.s32 s20, v0;
	v10 =	vadd.f32 v16, v10  }
0x40b: {  	_ =	sdelay $0x3  }
0x40c: {  	v11 =	vld.idx.msk [tilespmem:v11+s2+$0x0], $0xffff;
	v6 =	vadd.f32 v6, v10  }
0x40d: {  	v4 =	vld.idx.msk [tilespmem:v4+s9+$0x0], $0xffff  }
0x40e: {  	v8 =	vld.idx.msk [tilespmem:v8+s2+$0x0], $0xffff;
	v5 =	vadd.f32 v5, v6  }
0x40f: {  	v2 =	vld.idx.msk [tilespmem:v2+s9+$0x0], $0xffff  }
0x410: {  	v1 =	vld.idx.msk [tilespmem:v1+s9+$0x0], $0xffff;
	v5 =	vadd.f32 v7, v5  }
0x411: {  	v6 =	vld.idx.msk [tilespmem:v9+s2+$0x0], $0xffff  }
0x412: {  	v4 =	vadd.f32 v4, v5  }
0x413: {  	v3 =	vld.idx.msk [tilespmem:v3+s9+$0x0], $0xffff  }
0x414: {  	v2 =	vadd.f32 v2, v4  }
0x415: {  	v4 =	vld.idx.msk [tilespmem:v11+s9+$0x0], $0xffff  }
0x416: {  	v1 =	vadd.f32 v1, v2  }
0x417: {  	v2 =	vld.idx.msk [tilespmem:v8+s9+$0x0], $0xffff  }
0x418: {  	v1 =	vadd.f32 v3, v1  }
0x419: {  	v3 =	vld.idx.msk [tilespmem:v6+s9+$0x0], $0xffff  }
0x41a: {  	v1 =	vadd.f32 v4, v1  }
0x41b: {  	s19 =	simm.s32 $0x3840  }
0x41c: {  	v1 =	vadd.f32 v2, v1;
	v2 =	vadd.s32 s19, v0  }
0x41d: {  	s24 =	simm.s32 $0x3841  }
0x41e: {  	v1 =	vadd.f32 v3, v1;
	v3 =	vadd.s32 s24, v0  }
0x41f: {  	s25 =	simm.s32 $0x3842  }
0x420: {  	[tilespmem:$0x1F110] =	vst v1;
	v1 =	vadd.s32 s25, v0  }
0x421: {  	s26 =	simm.s32 $0x3843;
	v5 =	vld.idx.msk [tilespmem:v2+s2+$0x0], $0xffff  }
0x422: {  	s28 =	simm.s32 $0x3844;
	v2 =	vadd.s32 s26, v0  }
0x423: {  	v6 =	vadd.s32 s28, v0;
	v3 =	vld.idx.msk [tilespmem:v3+s2+$0x0], $0xffff  }
0x424: {  	s29 =	simm.s32 $0x3845  }
0x425: {  	v7 =	vld.idx.msk [tilespmem:v1+s2+$0x0], $0xffff;
	v1 =	vadd.s32 s29, v0  }
0x426: {  	s30 =	simm.s32 $0x3846;
	v10 =	vld [tilespmem:$0x1EF20]  }
0x427: {  	v8 =	vadd.s32 s30, v0;
	v4 =	vld.idx.msk [tilespmem:v2+s2+$0x0], $0xffff  }
0x428: {  	v2 =	vld.idx.msk [tilespmem:v6+s2+$0x0], $0xffff  }
0x429: {  	s31 =	simm.s32 $0x3847;
	v6 =	vld.idx.msk [tilespmem:v5+s9+$0x0], $0xffff  }
0x42a: {  	v11 =	vadd.s32 s31, v0;
	v1 =	vld.idx.msk [tilespmem:v1+s2+$0x0], $0xffff  }
0x42b: {  	s20 =	simm.s32 $0x3848;
	v5 =	vld.idx.msk [tilespmem:v3+s9+$0x0], $0xffff  }
0x42c: {  	v3 =	vld.idx.msk [tilespmem:v8+s2+$0x0], $0xffff;
	v8 =	vadd.s32 s20, v0  }
0x42d: {  	s21 =	simm.s32 $0x3849  }
0x42e: {  	v9 =	vadd.s32 s21, v0;
	s19 =	simm.s32 $0x0;
	v7 =	vld.idx.msk [tilespmem:v7+s9+$0x0], $0xffff  }
.LBB2_38:
0x42f: {  	s21 =	sadd.s32 $0x384A, s19;
	v11 =	vld.idx.msk [tilespmem:v11+s2+$0x0], $0xffff;
	s20 =	smov.u32 s19  }
0x430: {  	s19 =	sadd.s32 $0xA, s19;
	v12 =	vadd.s32 s21, v0;
	v6 =	vadd.f32 v6, v10;
	v4 =	vld.idx.msk [tilespmem:v4+s9+$0x0], $0xffff  }
0x431: {  	s21 =	sadd.s32 $0x384B, s20;
	p0 =	slt.u32 s19, $0x28;
	v8 =	vld.idx.msk [tilespmem:v8+s2+$0x0], $0xffff  }
0x432: {  	v10 =	vadd.s32 s21, v0;
	v5 =	vadd.f32 v5, v6;
	v2 =	vld.idx.msk [tilespmem:v2+s9+$0x0], $0xffff  }
0x433: {  	s21 =	sadd.s32 $0x384C, s20;
	v6 =	vld.idx.msk [tilespmem:v9+s2+$0x0], $0xffff  }
0x434: {  	v9 =	vadd.s32 s21, v0;
	v5 =	vadd.f32 v7, v5;
	v1 =	vld.idx.msk [tilespmem:v1+s9+$0x0], $0xffff  }
0x435: {  	s21 =	sadd.s32 $0x384D, s20;
	v7 =	vld.idx.msk [tilespmem:v12+s2+$0x0], $0xffff  }
0x436: {  	v12 =	vadd.s32 s21, v0;
	v4 =	vadd.f32 v4, v5;
	v3 =	vld.idx.msk [tilespmem:v3+s9+$0x0], $0xffff  }
0x437: {  	s21 =	sadd.s32 $0x384E, s20;
	v5 =	vld.idx.msk [tilespmem:v10+s2+$0x0], $0xffff  }
0x438: {  	v10 =	vadd.s32 s21, v0;
	v2 =	vadd.f32 v2, v4;
	v13 =	vld.idx.msk [tilespmem:v11+s9+$0x0], $0xffff  }
0x439: {  	s21 =	sadd.s32 $0x384F, s20;
	v9 =	vld.idx.msk [tilespmem:v9+s2+$0x0], $0xffff  }
0x43a: {  	v14 =	vadd.s32 s21, v0;
	v1 =	vadd.f32 v1, v2;
	v15 =	vld.idx.msk [tilespmem:v8+s9+$0x0], $0xffff  }
0x43b: {  	s21 =	sadd.s32 $0x3850, s20;
	v4 =	vld.idx.msk [tilespmem:v12+s2+$0x0], $0xffff  }
0x43c: {  	v12 =	vadd.s32 s21, v0;
	v1 =	vadd.f32 v3, v1;
	v16 =	vld.idx.msk [tilespmem:v6+s9+$0x0], $0xffff  }
0x43d: {  	s21 =	sadd.s32 $0x3851, s20;
	v2 =	vld.idx.msk [tilespmem:v10+s2+$0x0], $0xffff  }
.Ltmp18:
0x43e: {  	v11 =	vadd.s32 s21, v0;
	v6 =	vld.idx.msk [tilespmem:v7+s9+$0x0], $0xffff;
	v3 =	vadd.f32 v13, v1;
	(pc) =	sbr.rel @p0 .LBB2_38-.Ltmp18, $4  }
0x43f: {  	s21 =	sadd.s32 $0x3852, s20;
	v1 =	vld.idx.msk [tilespmem:v14+s2+$0x0], $0xffff  }
0x440: {  	v8 =	vadd.s32 s21, v0;
	v5 =	vld.idx.msk [tilespmem:v5+s9+$0x0], $0xffff;
	v10 =	vadd.f32 v15, v3  }
0x441: {  	s20 =	sadd.s32 $0x3853, s20;
	v3 =	vld.idx.msk [tilespmem:v12+s2+$0x0], $0xffff  }
0x442: {  	v7 =	vld.idx.msk [tilespmem:v9+s9+$0x0], $0xffff;
	v9 =	vadd.s32 s20, v0;
	v10 =	vadd.f32 v16, v10  }
0x443: {  	_ =	sdelay $0x3  }
0x444: {  	v11 =	vld.idx.msk [tilespmem:v11+s2+$0x0], $0xffff;
	v6 =	vadd.f32 v6, v10  }
0x445: {  	v4 =	vld.idx.msk [tilespmem:v4+s9+$0x0], $0xffff  }
0x446: {  	v8 =	vld.idx.msk [tilespmem:v8+s2+$0x0], $0xffff;
	v5 =	vadd.f32 v5, v6  }
0x447: {  	v2 =	vld.idx.msk [tilespmem:v2+s9+$0x0], $0xffff  }
0x448: {  	v1 =	vld.idx.msk [tilespmem:v1+s9+$0x0], $0xffff;
	v5 =	vadd.f32 v7, v5  }
0x449: {  	v6 =	vld.idx.msk [tilespmem:v9+s2+$0x0], $0xffff  }
0x44a: {  	v4 =	vadd.f32 v4, v5  }
0x44b: {  	v3 =	vld.idx.msk [tilespmem:v3+s9+$0x0], $0xffff  }
0x44c: {  	v2 =	vadd.f32 v2, v4  }
0x44d: {  	v4 =	vld.idx.msk [tilespmem:v11+s9+$0x0], $0xffff  }
0x44e: {  	v1 =	vadd.f32 v1, v2  }
0x44f: {  	v2 =	vld.idx.msk [tilespmem:v8+s9+$0x0], $0xffff  }
0x450: {  	v1 =	vadd.f32 v3, v1  }
0x451: {  	v3 =	vld.idx.msk [tilespmem:v6+s9+$0x0], $0xffff  }
0x452: {  	v1 =	vadd.f32 v4, v1  }
0x453: {  	s19 =	simm.s32 $0x3B60  }
0x454: {  	v1 =	vadd.f32 v2, v1;
	v2 =	vadd.s32 s19, v0  }
0x455: {  	s24 =	simm.s32 $0x3B61  }
0x456: {  	v1 =	vadd.f32 v3, v1;
	v3 =	vadd.s32 s24, v0  }
0x457: {  	s25 =	simm.s32 $0x3B62  }
0x458: {  	[tilespmem:$0x1F120] =	vst v1;
	v1 =	vadd.s32 s25, v0  }
0x459: {  	s26 =	simm.s32 $0x3B63;
	v5 =	vld.idx.msk [tilespmem:v2+s2+$0x0], $0xffff  }
0x45a: {  	s28 =	simm.s32 $0x3B64;
	v2 =	vadd.s32 s26, v0  }
0x45b: {  	v6 =	vadd.s32 s28, v0;
	v3 =	vld.idx.msk [tilespmem:v3+s2+$0x0], $0xffff  }
0x45c: {  	s29 =	simm.s32 $0x3B65  }
0x45d: {  	v7 =	vld.idx.msk [tilespmem:v1+s2+$0x0], $0xffff;
	v1 =	vadd.s32 s29, v0  }
0x45e: {  	s30 =	simm.s32 $0x3B66;
	v10 =	vld [tilespmem:$0x1EF30]  }
0x45f: {  	v8 =	vadd.s32 s30, v0;
	v4 =	vld.idx.msk [tilespmem:v2+s2+$0x0], $0xffff  }
0x460: {  	v2 =	vld.idx.msk [tilespmem:v6+s2+$0x0], $0xffff  }
0x461: {  	s31 =	simm.s32 $0x3B67;
	v6 =	vld.idx.msk [tilespmem:v5+s9+$0x0], $0xffff  }
0x462: {  	v11 =	vadd.s32 s31, v0;
	v1 =	vld.idx.msk [tilespmem:v1+s2+$0x0], $0xffff  }
0x463: {  	s20 =	simm.s32 $0x3B68;
	v5 =	vld.idx.msk [tilespmem:v3+s9+$0x0], $0xffff  }
0x464: {  	v3 =	vld.idx.msk [tilespmem:v8+s2+$0x0], $0xffff;
	v8 =	vadd.s32 s20, v0  }
0x465: {  	s21 =	simm.s32 $0x3B69  }
0x466: {  	v9 =	vadd.s32 s21, v0;
	s19 =	simm.s32 $0x0;
	v7 =	vld.idx.msk [tilespmem:v7+s9+$0x0], $0xffff  }
.LBB2_40:
0x467: {  	s21 =	sadd.s32 $0x3B6A, s19;
	v11 =	vld.idx.msk [tilespmem:v11+s2+$0x0], $0xffff;
	s20 =	smov.u32 s19  }
0x468: {  	s19 =	sadd.s32 $0xA, s19;
	v12 =	vadd.s32 s21, v0;
	v6 =	vadd.f32 v6, v10;
	v4 =	vld.idx.msk [tilespmem:v4+s9+$0x0], $0xffff  }
0x469: {  	s21 =	sadd.s32 $0x3B6B, s20;
	p0 =	slt.u32 s19, $0x28;
	v8 =	vld.idx.msk [tilespmem:v8+s2+$0x0], $0xffff  }
0x46a: {  	v10 =	vadd.s32 s21, v0;
	v5 =	vadd.f32 v5, v6;
	v2 =	vld.idx.msk [tilespmem:v2+s9+$0x0], $0xffff  }
0x46b: {  	s21 =	sadd.s32 $0x3B6C, s20;
	v6 =	vld.idx.msk [tilespmem:v9+s2+$0x0], $0xffff  }
0x46c: {  	v9 =	vadd.s32 s21, v0;
	v5 =	vadd.f32 v7, v5;
	v1 =	vld.idx.msk [tilespmem:v1+s9+$0x0], $0xffff  }
0x46d: {  	s21 =	sadd.s32 $0x3B6D, s20;
	v7 =	vld.idx.msk [tilespmem:v12+s2+$0x0], $0xffff  }
0x46e: {  	v12 =	vadd.s32 s21, v0;
	v4 =	vadd.f32 v4, v5;
	v3 =	vld.idx.msk [tilespmem:v3+s9+$0x0], $0xffff  }
0x46f: {  	s21 =	sadd.s32 $0x3B6E, s20;
	v5 =	vld.idx.msk [tilespmem:v10+s2+$0x0], $0xffff  }
0x470: {  	v10 =	vadd.s32 s21, v0;
	v2 =	vadd.f32 v2, v4;
	v13 =	vld.idx.msk [tilespmem:v11+s9+$0x0], $0xffff  }
0x471: {  	s21 =	sadd.s32 $0x3B6F, s20;
	v9 =	vld.idx.msk [tilespmem:v9+s2+$0x0], $0xffff  }
0x472: {  	v14 =	vadd.s32 s21, v0;
	v1 =	vadd.f32 v1, v2;
	v15 =	vld.idx.msk [tilespmem:v8+s9+$0x0], $0xffff  }
0x473: {  	s21 =	sadd.s32 $0x3B70, s20;
	v4 =	vld.idx.msk [tilespmem:v12+s2+$0x0], $0xffff  }
0x474: {  	v12 =	vadd.s32 s21, v0;
	v1 =	vadd.f32 v3, v1;
	v16 =	vld.idx.msk [tilespmem:v6+s9+$0x0], $0xffff  }
0x475: {  	s21 =	sadd.s32 $0x3B71, s20;
	v2 =	vld.idx.msk [tilespmem:v10+s2+$0x0], $0xffff  }
.Ltmp19:
0x476: {  	v11 =	vadd.s32 s21, v0;
	v6 =	vld.idx.msk [tilespmem:v7+s9+$0x0], $0xffff;
	v3 =	vadd.f32 v13, v1;
	(pc) =	sbr.rel @p0 .LBB2_40-.Ltmp19, $4  }
0x477: {  	s21 =	sadd.s32 $0x3B72, s20;
	v1 =	vld.idx.msk [tilespmem:v14+s2+$0x0], $0xffff  }
0x478: {  	v8 =	vadd.s32 s21, v0;
	v5 =	vld.idx.msk [tilespmem:v5+s9+$0x0], $0xffff;
	v10 =	vadd.f32 v15, v3  }
0x479: {  	s20 =	sadd.s32 $0x3B73, s20;
	v3 =	vld.idx.msk [tilespmem:v12+s2+$0x0], $0xffff  }
0x47a: {  	v7 =	vld.idx.msk [tilespmem:v9+s9+$0x0], $0xffff;
	v9 =	vadd.s32 s20, v0;
	v10 =	vadd.f32 v16, v10  }
0x47b: {  	_ =	sdelay $0x3  }
0x47c: {  	v11 =	vld.idx.msk [tilespmem:v11+s2+$0x0], $0xffff;
	v6 =	vadd.f32 v6, v10  }
0x47d: {  	v4 =	vld.idx.msk [tilespmem:v4+s9+$0x0], $0xffff  }
0x47e: {  	v8 =	vld.idx.msk [tilespmem:v8+s2+$0x0], $0xffff;
	v5 =	vadd.f32 v5, v6  }
0x47f: {  	v2 =	vld.idx.msk [tilespmem:v2+s9+$0x0], $0xffff  }
0x480: {  	v1 =	vld.idx.msk [tilespmem:v1+s9+$0x0], $0xffff;
	v5 =	vadd.f32 v7, v5  }
0x481: {  	v6 =	vld.idx.msk [tilespmem:v9+s2+$0x0], $0xffff  }
0x482: {  	v4 =	vadd.f32 v4, v5  }
0x483: {  	v3 =	vld.idx.msk [tilespmem:v3+s9+$0x0], $0xffff  }
0x484: {  	v2 =	vadd.f32 v2, v4  }
0x485: {  	v4 =	vld.idx.msk [tilespmem:v11+s9+$0x0], $0xffff  }
0x486: {  	v1 =	vadd.f32 v1, v2  }
0x487: {  	v2 =	vld.idx.msk [tilespmem:v8+s9+$0x0], $0xffff  }
0x488: {  	v1 =	vadd.f32 v3, v1  }
0x489: {  	v3 =	vld.idx.msk [tilespmem:v6+s9+$0x0], $0xffff  }
0x48a: {  	v1 =	vadd.f32 v4, v1  }
0x48b: {  	s19 =	simm.s32 $0x3E80  }
0x48c: {  	v1 =	vadd.f32 v2, v1;
	v2 =	vadd.s32 s19, v0  }
0x48d: {  	s24 =	simm.s32 $0x3E81  }
0x48e: {  	v1 =	vadd.f32 v3, v1;
	v3 =	vadd.s32 s24, v0  }
0x48f: {  	s25 =	simm.s32 $0x3E82  }
0x490: {  	[tilespmem:$0x1F130] =	vst v1;
	v1 =	vadd.s32 s25, v0  }
0x491: {  	s26 =	simm.s32 $0x3E83;
	v5 =	vld.idx.msk [tilespmem:v2+s2+$0x0], $0xffff  }
0x492: {  	s28 =	simm.s32 $0x3E84;
	v2 =	vadd.s32 s26, v0  }
0x493: {  	v6 =	vadd.s32 s28, v0;
	v3 =	vld.idx.msk [tilespmem:v3+s2+$0x0], $0xffff  }
0x494: {  	s29 =	simm.s32 $0x3E85  }
0x495: {  	v7 =	vld.idx.msk [tilespmem:v1+s2+$0x0], $0xffff;
	v1 =	vadd.s32 s29, v0  }
0x496: {  	s30 =	simm.s32 $0x3E86;
	v10 =	vld [tilespmem:$0x1EF40]  }
0x497: {  	v8 =	vadd.s32 s30, v0;
	v4 =	vld.idx.msk [tilespmem:v2+s2+$0x0], $0xffff  }
0x498: {  	v2 =	vld.idx.msk [tilespmem:v6+s2+$0x0], $0xffff  }
0x499: {  	s31 =	simm.s32 $0x3E87;
	v6 =	vld.idx.msk [tilespmem:v5+s9+$0x0], $0xffff  }
0x49a: {  	v11 =	vadd.s32 s31, v0;
	v1 =	vld.idx.msk [tilespmem:v1+s2+$0x0], $0xffff  }
0x49b: {  	s20 =	simm.s32 $0x3E88;
	v5 =	vld.idx.msk [tilespmem:v3+s9+$0x0], $0xffff  }
0x49c: {  	v3 =	vld.idx.msk [tilespmem:v8+s2+$0x0], $0xffff;
	v8 =	vadd.s32 s20, v0  }
0x49d: {  	s21 =	simm.s32 $0x3E89  }
0x49e: {  	v9 =	vadd.s32 s21, v0;
	s19 =	simm.s32 $0x0;
	v7 =	vld.idx.msk [tilespmem:v7+s9+$0x0], $0xffff  }
.LBB2_42:
0x49f: {  	s21 =	sadd.s32 $0x3E8A, s19;
	v11 =	vld.idx.msk [tilespmem:v11+s2+$0x0], $0xffff;
	s20 =	smov.u32 s19  }
0x4a0: {  	s19 =	sadd.s32 $0xA, s19;
	v12 =	vadd.s32 s21, v0;
	v6 =	vadd.f32 v6, v10;
	v4 =	vld.idx.msk [tilespmem:v4+s9+$0x0], $0xffff  }
0x4a1: {  	s21 =	sadd.s32 $0x3E8B, s20;
	p0 =	slt.u32 s19, $0x28;
	v8 =	vld.idx.msk [tilespmem:v8+s2+$0x0], $0xffff  }
0x4a2: {  	v10 =	vadd.s32 s21, v0;
	v5 =	vadd.f32 v5, v6;
	v2 =	vld.idx.msk [tilespmem:v2+s9+$0x0], $0xffff  }
0x4a3: {  	s21 =	sadd.s32 $0x3E8C, s20;
	v6 =	vld.idx.msk [tilespmem:v9+s2+$0x0], $0xffff  }
0x4a4: {  	v9 =	vadd.s32 s21, v0;
	v5 =	vadd.f32 v7, v5;
	v1 =	vld.idx.msk [tilespmem:v1+s9+$0x0], $0xffff  }
0x4a5: {  	s21 =	sadd.s32 $0x3E8D, s20;
	v7 =	vld.idx.msk [tilespmem:v12+s2+$0x0], $0xffff  }
0x4a6: {  	v12 =	vadd.s32 s21, v0;
	v4 =	vadd.f32 v4, v5;
	v3 =	vld.idx.msk [tilespmem:v3+s9+$0x0], $0xffff  }
0x4a7: {  	s21 =	sadd.s32 $0x3E8E, s20;
	v5 =	vld.idx.msk [tilespmem:v10+s2+$0x0], $0xffff  }
0x4a8: {  	v10 =	vadd.s32 s21, v0;
	v2 =	vadd.f32 v2, v4;
	v13 =	vld.idx.msk [tilespmem:v11+s9+$0x0], $0xffff  }
0x4a9: {  	s21 =	sadd.s32 $0x3E8F, s20;
	v9 =	vld.idx.msk [tilespmem:v9+s2+$0x0], $0xffff  }
0x4aa: {  	v14 =	vadd.s32 s21, v0;
	v1 =	vadd.f32 v1, v2;
	v15 =	vld.idx.msk [tilespmem:v8+s9+$0x0], $0xffff  }
0x4ab: {  	s21 =	sadd.s32 $0x3E90, s20;
	v4 =	vld.idx.msk [tilespmem:v12+s2+$0x0], $0xffff  }
0x4ac: {  	v12 =	vadd.s32 s21, v0;
	v1 =	vadd.f32 v3, v1;
	v16 =	vld.idx.msk [tilespmem:v6+s9+$0x0], $0xffff  }
0x4ad: {  	s21 =	sadd.s32 $0x3E91, s20;
	v2 =	vld.idx.msk [tilespmem:v10+s2+$0x0], $0xffff  }
.Ltmp20:
0x4ae: {  	v11 =	vadd.s32 s21, v0;
	v6 =	vld.idx.msk [tilespmem:v7+s9+$0x0], $0xffff;
	v3 =	vadd.f32 v13, v1;
	(pc) =	sbr.rel @p0 .LBB2_42-.Ltmp20, $4  }
0x4af: {  	s21 =	sadd.s32 $0x3E92, s20;
	v1 =	vld.idx.msk [tilespmem:v14+s2+$0x0], $0xffff  }
0x4b0: {  	v8 =	vadd.s32 s21, v0;
	v5 =	vld.idx.msk [tilespmem:v5+s9+$0x0], $0xffff;
	v10 =	vadd.f32 v15, v3  }
0x4b1: {  	s20 =	sadd.s32 $0x3E93, s20;
	v3 =	vld.idx.msk [tilespmem:v12+s2+$0x0], $0xffff  }
0x4b2: {  	v7 =	vld.idx.msk [tilespmem:v9+s9+$0x0], $0xffff;
	v9 =	vadd.s32 s20, v0;
	v10 =	vadd.f32 v16, v10  }
0x4b3: {  	_ =	sdelay $0x3  }
0x4b4: {  	v11 =	vld.idx.msk [tilespmem:v11+s2+$0x0], $0xffff;
	v6 =	vadd.f32 v6, v10  }
0x4b5: {  	v4 =	vld.idx.msk [tilespmem:v4+s9+$0x0], $0xffff  }
0x4b6: {  	v8 =	vld.idx.msk [tilespmem:v8+s2+$0x0], $0xffff;
	v5 =	vadd.f32 v5, v6  }
0x4b7: {  	v2 =	vld.idx.msk [tilespmem:v2+s9+$0x0], $0xffff  }
0x4b8: {  	v1 =	vld.idx.msk [tilespmem:v1+s9+$0x0], $0xffff;
	v5 =	vadd.f32 v7, v5  }
0x4b9: {  	v6 =	vld.idx.msk [tilespmem:v9+s2+$0x0], $0xffff  }
0x4ba: {  	v4 =	vadd.f32 v4, v5  }
0x4bb: {  	v3 =	vld.idx.msk [tilespmem:v3+s9+$0x0], $0xffff  }
0x4bc: {  	v2 =	vadd.f32 v2, v4  }
0x4bd: {  	v4 =	vld.idx.msk [tilespmem:v11+s9+$0x0], $0xffff  }
0x4be: {  	v1 =	vadd.f32 v1, v2  }
0x4bf: {  	v2 =	vld.idx.msk [tilespmem:v8+s9+$0x0], $0xffff  }
0x4c0: {  	v1 =	vadd.f32 v3, v1  }
0x4c1: {  	v3 =	vld.idx.msk [tilespmem:v6+s9+$0x0], $0xffff  }
0x4c2: {  	v1 =	vadd.f32 v4, v1  }
0x4c3: {  	s19 =	simm.s32 $0x41A0  }
0x4c4: {  	v1 =	vadd.f32 v2, v1;
	v2 =	vadd.s32 s19, v0  }
0x4c5: {  	s24 =	simm.s32 $0x41A1  }
0x4c6: {  	v1 =	vadd.f32 v3, v1;
	v3 =	vadd.s32 s24, v0  }
0x4c7: {  	s25 =	simm.s32 $0x41A2  }
0x4c8: {  	[tilespmem:$0x1F140] =	vst v1;
	v1 =	vadd.s32 s25, v0  }
0x4c9: {  	s26 =	simm.s32 $0x41A3;
	v5 =	vld.idx.msk [tilespmem:v2+s2+$0x0], $0xffff  }
0x4ca: {  	s28 =	simm.s32 $0x41A4;
	v2 =	vadd.s32 s26, v0  }
0x4cb: {  	v6 =	vadd.s32 s28, v0;
	v3 =	vld.idx.msk [tilespmem:v3+s2+$0x0], $0xffff  }
0x4cc: {  	s29 =	simm.s32 $0x41A5  }
0x4cd: {  	v7 =	vld.idx.msk [tilespmem:v1+s2+$0x0], $0xffff;
	v1 =	vadd.s32 s29, v0  }
0x4ce: {  	s30 =	simm.s32 $0x41A6;
	v10 =	vld [tilespmem:$0x1EF50]  }
0x4cf: {  	v8 =	vadd.s32 s30, v0;
	v4 =	vld.idx.msk [tilespmem:v2+s2+$0x0], $0xffff  }
0x4d0: {  	v2 =	vld.idx.msk [tilespmem:v6+s2+$0x0], $0xffff  }
0x4d1: {  	s31 =	simm.s32 $0x41A7;
	v6 =	vld.idx.msk [tilespmem:v5+s9+$0x0], $0xffff  }
0x4d2: {  	v11 =	vadd.s32 s31, v0;
	v1 =	vld.idx.msk [tilespmem:v1+s2+$0x0], $0xffff  }
0x4d3: {  	s20 =	simm.s32 $0x41A8;
	v5 =	vld.idx.msk [tilespmem:v3+s9+$0x0], $0xffff  }
0x4d4: {  	v3 =	vld.idx.msk [tilespmem:v8+s2+$0x0], $0xffff;
	v8 =	vadd.s32 s20, v0  }
0x4d5: {  	s21 =	simm.s32 $0x41A9  }
0x4d6: {  	v9 =	vadd.s32 s21, v0;
	s19 =	simm.s32 $0x0;
	v7 =	vld.idx.msk [tilespmem:v7+s9+$0x0], $0xffff  }
.LBB2_44:
0x4d7: {  	s21 =	sadd.s32 $0x41AA, s19;
	v11 =	vld.idx.msk [tilespmem:v11+s2+$0x0], $0xffff;
	s20 =	smov.u32 s19  }
0x4d8: {  	s19 =	sadd.s32 $0xA, s19;
	v12 =	vadd.s32 s21, v0;
	v6 =	vadd.f32 v6, v10;
	v4 =	vld.idx.msk [tilespmem:v4+s9+$0x0], $0xffff  }
0x4d9: {  	s21 =	sadd.s32 $0x41AB, s20;
	p0 =	slt.u32 s19, $0x28;
	v8 =	vld.idx.msk [tilespmem:v8+s2+$0x0], $0xffff  }
0x4da: {  	v10 =	vadd.s32 s21, v0;
	v5 =	vadd.f32 v5, v6;
	v2 =	vld.idx.msk [tilespmem:v2+s9+$0x0], $0xffff  }
0x4db: {  	s21 =	sadd.s32 $0x41AC, s20;
	v6 =	vld.idx.msk [tilespmem:v9+s2+$0x0], $0xffff  }
0x4dc: {  	v9 =	vadd.s32 s21, v0;
	v5 =	vadd.f32 v7, v5;
	v1 =	vld.idx.msk [tilespmem:v1+s9+$0x0], $0xffff  }
0x4dd: {  	s21 =	sadd.s32 $0x41AD, s20;
	v7 =	vld.idx.msk [tilespmem:v12+s2+$0x0], $0xffff  }
0x4de: {  	v12 =	vadd.s32 s21, v0;
	v4 =	vadd.f32 v4, v5;
	v3 =	vld.idx.msk [tilespmem:v3+s9+$0x0], $0xffff  }
0x4df: {  	s21 =	sadd.s32 $0x41AE, s20;
	v5 =	vld.idx.msk [tilespmem:v10+s2+$0x0], $0xffff  }
0x4e0: {  	v10 =	vadd.s32 s21, v0;
	v2 =	vadd.f32 v2, v4;
	v13 =	vld.idx.msk [tilespmem:v11+s9+$0x0], $0xffff  }
0x4e1: {  	s21 =	sadd.s32 $0x41AF, s20;
	v9 =	vld.idx.msk [tilespmem:v9+s2+$0x0], $0xffff  }
0x4e2: {  	v14 =	vadd.s32 s21, v0;
	v1 =	vadd.f32 v1, v2;
	v15 =	vld.idx.msk [tilespmem:v8+s9+$0x0], $0xffff  }
0x4e3: {  	s21 =	sadd.s32 $0x41B0, s20;
	v4 =	vld.idx.msk [tilespmem:v12+s2+$0x0], $0xffff  }
0x4e4: {  	v12 =	vadd.s32 s21, v0;
	v1 =	vadd.f32 v3, v1;
	v16 =	vld.idx.msk [tilespmem:v6+s9+$0x0], $0xffff  }
0x4e5: {  	s21 =	sadd.s32 $0x41B1, s20;
	v2 =	vld.idx.msk [tilespmem:v10+s2+$0x0], $0xffff  }
.Ltmp21:
0x4e6: {  	v11 =	vadd.s32 s21, v0;
	v6 =	vld.idx.msk [tilespmem:v7+s9+$0x0], $0xffff;
	v3 =	vadd.f32 v13, v1;
	(pc) =	sbr.rel @p0 .LBB2_44-.Ltmp21, $4  }
0x4e7: {  	s21 =	sadd.s32 $0x41B2, s20;
	v1 =	vld.idx.msk [tilespmem:v14+s2+$0x0], $0xffff  }
0x4e8: {  	v8 =	vadd.s32 s21, v0;
	v5 =	vld.idx.msk [tilespmem:v5+s9+$0x0], $0xffff;
	v10 =	vadd.f32 v15, v3  }
0x4e9: {  	s20 =	sadd.s32 $0x41B3, s20;
	v3 =	vld.idx.msk [tilespmem:v12+s2+$0x0], $0xffff  }
0x4ea: {  	v7 =	vld.idx.msk [tilespmem:v9+s9+$0x0], $0xffff;
	v9 =	vadd.s32 s20, v0;
	v10 =	vadd.f32 v16, v10  }
0x4eb: {  	_ =	sdelay $0x3  }
0x4ec: {  	v11 =	vld.idx.msk [tilespmem:v11+s2+$0x0], $0xffff;
	v6 =	vadd.f32 v6, v10  }
0x4ed: {  	v4 =	vld.idx.msk [tilespmem:v4+s9+$0x0], $0xffff  }
0x4ee: {  	v8 =	vld.idx.msk [tilespmem:v8+s2+$0x0], $0xffff;
	v5 =	vadd.f32 v5, v6  }
0x4ef: {  	v2 =	vld.idx.msk [tilespmem:v2+s9+$0x0], $0xffff  }
0x4f0: {  	v1 =	vld.idx.msk [tilespmem:v1+s9+$0x0], $0xffff;
	v5 =	vadd.f32 v7, v5  }
0x4f1: {  	v6 =	vld.idx.msk [tilespmem:v9+s2+$0x0], $0xffff  }
0x4f2: {  	v4 =	vadd.f32 v4, v5  }
0x4f3: {  	v3 =	vld.idx.msk [tilespmem:v3+s9+$0x0], $0xffff  }
0x4f4: {  	v2 =	vadd.f32 v2, v4  }
0x4f5: {  	v4 =	vld.idx.msk [tilespmem:v11+s9+$0x0], $0xffff  }
0x4f6: {  	v1 =	vadd.f32 v1, v2  }
0x4f7: {  	v2 =	vld.idx.msk [tilespmem:v8+s9+$0x0], $0xffff  }
0x4f8: {  	v1 =	vadd.f32 v3, v1  }
0x4f9: {  	v3 =	vld.idx.msk [tilespmem:v6+s9+$0x0], $0xffff  }
0x4fa: {  	v1 =	vadd.f32 v4, v1  }
0x4fb: {  	s19 =	simm.s32 $0x44C0  }
0x4fc: {  	v1 =	vadd.f32 v2, v1;
	v2 =	vadd.s32 s19, v0  }
0x4fd: {  	s24 =	simm.s32 $0x44C1  }
0x4fe: {  	v1 =	vadd.f32 v3, v1;
	v3 =	vadd.s32 s24, v0  }
0x4ff: {  	s25 =	simm.s32 $0x44C2  }
0x500: {  	[tilespmem:$0x1F150] =	vst v1;
	v1 =	vadd.s32 s25, v0  }
0x501: {  	s26 =	simm.s32 $0x44C3;
	v5 =	vld.idx.msk [tilespmem:v2+s2+$0x0], $0xffff  }
0x502: {  	s28 =	simm.s32 $0x44C4;
	v2 =	vadd.s32 s26, v0  }
0x503: {  	v6 =	vadd.s32 s28, v0;
	v3 =	vld.idx.msk [tilespmem:v3+s2+$0x0], $0xffff  }
0x504: {  	s29 =	simm.s32 $0x44C5  }
0x505: {  	v7 =	vld.idx.msk [tilespmem:v1+s2+$0x0], $0xffff;
	v1 =	vadd.s32 s29, v0  }
0x506: {  	s30 =	simm.s32 $0x44C6;
	v10 =	vld [tilespmem:$0x1EF60]  }
0x507: {  	v8 =	vadd.s32 s30, v0;
	v4 =	vld.idx.msk [tilespmem:v2+s2+$0x0], $0xffff  }
0x508: {  	v2 =	vld.idx.msk [tilespmem:v6+s2+$0x0], $0xffff  }
0x509: {  	s31 =	simm.s32 $0x44C7;
	v6 =	vld.idx.msk [tilespmem:v5+s9+$0x0], $0xffff  }
0x50a: {  	v11 =	vadd.s32 s31, v0;
	v1 =	vld.idx.msk [tilespmem:v1+s2+$0x0], $0xffff  }
0x50b: {  	s20 =	simm.s32 $0x44C8;
	v5 =	vld.idx.msk [tilespmem:v3+s9+$0x0], $0xffff  }
0x50c: {  	v3 =	vld.idx.msk [tilespmem:v8+s2+$0x0], $0xffff;
	v8 =	vadd.s32 s20, v0  }
0x50d: {  	s21 =	simm.s32 $0x44C9  }
0x50e: {  	v9 =	vadd.s32 s21, v0;
	s19 =	simm.s32 $0x0;
	v7 =	vld.idx.msk [tilespmem:v7+s9+$0x0], $0xffff  }
.LBB2_46:
0x50f: {  	s21 =	sadd.s32 $0x44CA, s19;
	v11 =	vld.idx.msk [tilespmem:v11+s2+$0x0], $0xffff;
	s20 =	smov.u32 s19  }
0x510: {  	s19 =	sadd.s32 $0xA, s19;
	v12 =	vadd.s32 s21, v0;
	v6 =	vadd.f32 v6, v10;
	v4 =	vld.idx.msk [tilespmem:v4+s9+$0x0], $0xffff  }
0x511: {  	s21 =	sadd.s32 $0x44CB, s20;
	p0 =	slt.u32 s19, $0x28;
	v8 =	vld.idx.msk [tilespmem:v8+s2+$0x0], $0xffff  }
0x512: {  	v10 =	vadd.s32 s21, v0;
	v5 =	vadd.f32 v5, v6;
	v2 =	vld.idx.msk [tilespmem:v2+s9+$0x0], $0xffff  }
0x513: {  	s21 =	sadd.s32 $0x44CC, s20;
	v6 =	vld.idx.msk [tilespmem:v9+s2+$0x0], $0xffff  }
0x514: {  	v9 =	vadd.s32 s21, v0;
	v5 =	vadd.f32 v7, v5;
	v1 =	vld.idx.msk [tilespmem:v1+s9+$0x0], $0xffff  }
0x515: {  	s21 =	sadd.s32 $0x44CD, s20;
	v7 =	vld.idx.msk [tilespmem:v12+s2+$0x0], $0xffff  }
0x516: {  	v12 =	vadd.s32 s21, v0;
	v4 =	vadd.f32 v4, v5;
	v3 =	vld.idx.msk [tilespmem:v3+s9+$0x0], $0xffff  }
0x517: {  	s21 =	sadd.s32 $0x44CE, s20;
	v5 =	vld.idx.msk [tilespmem:v10+s2+$0x0], $0xffff  }
0x518: {  	v10 =	vadd.s32 s21, v0;
	v2 =	vadd.f32 v2, v4;
	v13 =	vld.idx.msk [tilespmem:v11+s9+$0x0], $0xffff  }
0x519: {  	s21 =	sadd.s32 $0x44CF, s20;
	v9 =	vld.idx.msk [tilespmem:v9+s2+$0x0], $0xffff  }
0x51a: {  	v14 =	vadd.s32 s21, v0;
	v1 =	vadd.f32 v1, v2;
	v15 =	vld.idx.msk [tilespmem:v8+s9+$0x0], $0xffff  }
0x51b: {  	s21 =	sadd.s32 $0x44D0, s20;
	v4 =	vld.idx.msk [tilespmem:v12+s2+$0x0], $0xffff  }
0x51c: {  	v12 =	vadd.s32 s21, v0;
	v1 =	vadd.f32 v3, v1;
	v16 =	vld.idx.msk [tilespmem:v6+s9+$0x0], $0xffff  }
0x51d: {  	s21 =	sadd.s32 $0x44D1, s20;
	v2 =	vld.idx.msk [tilespmem:v10+s2+$0x0], $0xffff  }
.Ltmp22:
0x51e: {  	v11 =	vadd.s32 s21, v0;
	v6 =	vld.idx.msk [tilespmem:v7+s9+$0x0], $0xffff;
	v3 =	vadd.f32 v13, v1;
	(pc) =	sbr.rel @p0 .LBB2_46-.Ltmp22, $4  }
0x51f: {  	s21 =	sadd.s32 $0x44D2, s20;
	v1 =	vld.idx.msk [tilespmem:v14+s2+$0x0], $0xffff  }
0x520: {  	v8 =	vadd.s32 s21, v0;
	v5 =	vld.idx.msk [tilespmem:v5+s9+$0x0], $0xffff;
	v10 =	vadd.f32 v15, v3  }
0x521: {  	s20 =	sadd.s32 $0x44D3, s20;
	v3 =	vld.idx.msk [tilespmem:v12+s2+$0x0], $0xffff  }
0x522: {  	v7 =	vld.idx.msk [tilespmem:v9+s9+$0x0], $0xffff;
	v9 =	vadd.s32 s20, v0;
	v10 =	vadd.f32 v16, v10  }
0x523: {  	_ =	sdelay $0x3  }
0x524: {  	v11 =	vld.idx.msk [tilespmem:v11+s2+$0x0], $0xffff;
	v6 =	vadd.f32 v6, v10  }
0x525: {  	v4 =	vld.idx.msk [tilespmem:v4+s9+$0x0], $0xffff  }
0x526: {  	v8 =	vld.idx.msk [tilespmem:v8+s2+$0x0], $0xffff;
	v5 =	vadd.f32 v5, v6  }
0x527: {  	v2 =	vld.idx.msk [tilespmem:v2+s9+$0x0], $0xffff  }
0x528: {  	v1 =	vld.idx.msk [tilespmem:v1+s9+$0x0], $0xffff;
	v5 =	vadd.f32 v7, v5  }
0x529: {  	v6 =	vld.idx.msk [tilespmem:v9+s2+$0x0], $0xffff  }
0x52a: {  	v4 =	vadd.f32 v4, v5  }
0x52b: {  	v3 =	vld.idx.msk [tilespmem:v3+s9+$0x0], $0xffff  }
0x52c: {  	v2 =	vadd.f32 v2, v4  }
0x52d: {  	v4 =	vld.idx.msk [tilespmem:v11+s9+$0x0], $0xffff  }
0x52e: {  	v1 =	vadd.f32 v1, v2  }
0x52f: {  	v2 =	vld.idx.msk [tilespmem:v8+s9+$0x0], $0xffff  }
0x530: {  	v1 =	vadd.f32 v3, v1  }
0x531: {  	v3 =	vld.idx.msk [tilespmem:v6+s9+$0x0], $0xffff  }
0x532: {  	v1 =	vadd.f32 v4, v1  }
0x533: {  	s19 =	simm.s32 $0x47E0  }
0x534: {  	v1 =	vadd.f32 v2, v1;
	v2 =	vadd.s32 s19, v0  }
0x535: {  	s24 =	simm.s32 $0x47E1  }
0x536: {  	v1 =	vadd.f32 v3, v1;
	v3 =	vadd.s32 s24, v0  }
0x537: {  	s25 =	simm.s32 $0x47E2  }
0x538: {  	[tilespmem:$0x1F160] =	vst v1;
	v1 =	vadd.s32 s25, v0  }
0x539: {  	s26 =	simm.s32 $0x47E3;
	v5 =	vld.idx.msk [tilespmem:v2+s2+$0x0], $0xffff  }
0x53a: {  	s28 =	simm.s32 $0x47E4;
	v2 =	vadd.s32 s26, v0  }
0x53b: {  	v6 =	vadd.s32 s28, v0;
	v3 =	vld.idx.msk [tilespmem:v3+s2+$0x0], $0xffff  }
0x53c: {  	s29 =	simm.s32 $0x47E5  }
0x53d: {  	v7 =	vld.idx.msk [tilespmem:v1+s2+$0x0], $0xffff;
	v1 =	vadd.s32 s29, v0  }
0x53e: {  	s30 =	simm.s32 $0x47E6;
	v10 =	vld [tilespmem:$0x1EF70]  }
0x53f: {  	v8 =	vadd.s32 s30, v0;
	v4 =	vld.idx.msk [tilespmem:v2+s2+$0x0], $0xffff  }
0x540: {  	v2 =	vld.idx.msk [tilespmem:v6+s2+$0x0], $0xffff  }
0x541: {  	s31 =	simm.s32 $0x47E7;
	v6 =	vld.idx.msk [tilespmem:v5+s9+$0x0], $0xffff  }
0x542: {  	v11 =	vadd.s32 s31, v0;
	v1 =	vld.idx.msk [tilespmem:v1+s2+$0x0], $0xffff  }
0x543: {  	s20 =	simm.s32 $0x47E8;
	v5 =	vld.idx.msk [tilespmem:v3+s9+$0x0], $0xffff  }
0x544: {  	v3 =	vld.idx.msk [tilespmem:v8+s2+$0x0], $0xffff;
	v8 =	vadd.s32 s20, v0  }
0x545: {  	s21 =	simm.s32 $0x47E9  }
0x546: {  	v9 =	vadd.s32 s21, v0;
	s19 =	simm.s32 $0x0;
	v7 =	vld.idx.msk [tilespmem:v7+s9+$0x0], $0xffff  }
.LBB2_48:
0x547: {  	s21 =	sadd.s32 $0x47EA, s19;
	v11 =	vld.idx.msk [tilespmem:v11+s2+$0x0], $0xffff;
	s20 =	smov.u32 s19  }
0x548: {  	s19 =	sadd.s32 $0xA, s19;
	v12 =	vadd.s32 s21, v0;
	v6 =	vadd.f32 v6, v10;
	v4 =	vld.idx.msk [tilespmem:v4+s9+$0x0], $0xffff  }
0x549: {  	s21 =	sadd.s32 $0x47EB, s20;
	p0 =	slt.u32 s19, $0x28;
	v8 =	vld.idx.msk [tilespmem:v8+s2+$0x0], $0xffff  }
0x54a: {  	v10 =	vadd.s32 s21, v0;
	v5 =	vadd.f32 v5, v6;
	v2 =	vld.idx.msk [tilespmem:v2+s9+$0x0], $0xffff  }
0x54b: {  	s21 =	sadd.s32 $0x47EC, s20;
	v6 =	vld.idx.msk [tilespmem:v9+s2+$0x0], $0xffff  }
0x54c: {  	v9 =	vadd.s32 s21, v0;
	v5 =	vadd.f32 v7, v5;
	v1 =	vld.idx.msk [tilespmem:v1+s9+$0x0], $0xffff  }
0x54d: {  	s21 =	sadd.s32 $0x47ED, s20;
	v7 =	vld.idx.msk [tilespmem:v12+s2+$0x0], $0xffff  }
0x54e: {  	v12 =	vadd.s32 s21, v0;
	v4 =	vadd.f32 v4, v5;
	v3 =	vld.idx.msk [tilespmem:v3+s9+$0x0], $0xffff  }
0x54f: {  	s21 =	sadd.s32 $0x47EE, s20;
	v5 =	vld.idx.msk [tilespmem:v10+s2+$0x0], $0xffff  }
0x550: {  	v10 =	vadd.s32 s21, v0;
	v2 =	vadd.f32 v2, v4;
	v13 =	vld.idx.msk [tilespmem:v11+s9+$0x0], $0xffff  }
0x551: {  	s21 =	sadd.s32 $0x47EF, s20;
	v9 =	vld.idx.msk [tilespmem:v9+s2+$0x0], $0xffff  }
0x552: {  	v14 =	vadd.s32 s21, v0;
	v1 =	vadd.f32 v1, v2;
	v15 =	vld.idx.msk [tilespmem:v8+s9+$0x0], $0xffff  }
0x553: {  	s21 =	sadd.s32 $0x47F0, s20;
	v4 =	vld.idx.msk [tilespmem:v12+s2+$0x0], $0xffff  }
0x554: {  	v12 =	vadd.s32 s21, v0;
	v1 =	vadd.f32 v3, v1;
	v16 =	vld.idx.msk [tilespmem:v6+s9+$0x0], $0xffff  }
0x555: {  	s21 =	sadd.s32 $0x47F1, s20;
	v2 =	vld.idx.msk [tilespmem:v10+s2+$0x0], $0xffff  }
.Ltmp23:
0x556: {  	v11 =	vadd.s32 s21, v0;
	v6 =	vld.idx.msk [tilespmem:v7+s9+$0x0], $0xffff;
	v3 =	vadd.f32 v13, v1;
	(pc) =	sbr.rel @p0 .LBB2_48-.Ltmp23, $4  }
0x557: {  	s21 =	sadd.s32 $0x47F2, s20;
	v1 =	vld.idx.msk [tilespmem:v14+s2+$0x0], $0xffff  }
0x558: {  	v8 =	vadd.s32 s21, v0;
	v5 =	vld.idx.msk [tilespmem:v5+s9+$0x0], $0xffff;
	v10 =	vadd.f32 v15, v3  }
0x559: {  	s20 =	sadd.s32 $0x47F3, s20;
	v3 =	vld.idx.msk [tilespmem:v12+s2+$0x0], $0xffff  }
0x55a: {  	v7 =	vld.idx.msk [tilespmem:v9+s9+$0x0], $0xffff;
	v9 =	vadd.s32 s20, v0;
	v10 =	vadd.f32 v16, v10  }
0x55b: {  	_ =	sdelay $0x3  }
0x55c: {  	v11 =	vld.idx.msk [tilespmem:v11+s2+$0x0], $0xffff;
	v6 =	vadd.f32 v6, v10  }
0x55d: {  	v4 =	vld.idx.msk [tilespmem:v4+s9+$0x0], $0xffff  }
0x55e: {  	v8 =	vld.idx.msk [tilespmem:v8+s2+$0x0], $0xffff;
	v5 =	vadd.f32 v5, v6  }
0x55f: {  	v2 =	vld.idx.msk [tilespmem:v2+s9+$0x0], $0xffff  }
0x560: {  	v1 =	vld.idx.msk [tilespmem:v1+s9+$0x0], $0xffff;
	v5 =	vadd.f32 v7, v5  }
0x561: {  	v6 =	vld.idx.msk [tilespmem:v9+s2+$0x0], $0xffff  }
0x562: {  	v4 =	vadd.f32 v4, v5  }
0x563: {  	v3 =	vld.idx.msk [tilespmem:v3+s9+$0x0], $0xffff  }
0x564: {  	v2 =	vadd.f32 v2, v4  }
0x565: {  	v4 =	vld.idx.msk [tilespmem:v11+s9+$0x0], $0xffff  }
0x566: {  	v1 =	vadd.f32 v1, v2  }
0x567: {  	v2 =	vld.idx.msk [tilespmem:v8+s9+$0x0], $0xffff  }
0x568: {  	v1 =	vadd.f32 v3, v1  }
0x569: {  	v3 =	vld.idx.msk [tilespmem:v6+s9+$0x0], $0xffff  }
0x56a: {  	v1 =	vadd.f32 v4, v1  }
0x56b: {  	s19 =	simm.s32 $0x4B00  }
0x56c: {  	v1 =	vadd.f32 v2, v1;
	v2 =	vadd.s32 s19, v0  }
0x56d: {  	s24 =	simm.s32 $0x4B01  }
0x56e: {  	v1 =	vadd.f32 v3, v1;
	v3 =	vadd.s32 s24, v0  }
0x56f: {  	s25 =	simm.s32 $0x4B02  }
0x570: {  	[tilespmem:$0x1F170] =	vst v1;
	v1 =	vadd.s32 s25, v0  }
0x571: {  	s26 =	simm.s32 $0x4B03;
	v5 =	vld.idx.msk [tilespmem:v2+s2+$0x0], $0xffff  }
0x572: {  	s28 =	simm.s32 $0x4B04;
	v2 =	vadd.s32 s26, v0  }
0x573: {  	v6 =	vadd.s32 s28, v0;
	v3 =	vld.idx.msk [tilespmem:v3+s2+$0x0], $0xffff  }
0x574: {  	s29 =	simm.s32 $0x4B05  }
0x575: {  	v7 =	vld.idx.msk [tilespmem:v1+s2+$0x0], $0xffff;
	v1 =	vadd.s32 s29, v0  }
0x576: {  	s30 =	simm.s32 $0x4B06;
	v10 =	vld [tilespmem:$0x1EF80]  }
0x577: {  	v8 =	vadd.s32 s30, v0;
	v4 =	vld.idx.msk [tilespmem:v2+s2+$0x0], $0xffff  }
0x578: {  	v2 =	vld.idx.msk [tilespmem:v6+s2+$0x0], $0xffff  }
0x579: {  	s31 =	simm.s32 $0x4B07;
	v6 =	vld.idx.msk [tilespmem:v5+s9+$0x0], $0xffff  }
0x57a: {  	v11 =	vadd.s32 s31, v0;
	v1 =	vld.idx.msk [tilespmem:v1+s2+$0x0], $0xffff  }
0x57b: {  	s20 =	simm.s32 $0x4B08;
	v5 =	vld.idx.msk [tilespmem:v3+s9+$0x0], $0xffff  }
0x57c: {  	v3 =	vld.idx.msk [tilespmem:v8+s2+$0x0], $0xffff;
	v8 =	vadd.s32 s20, v0  }
0x57d: {  	s21 =	simm.s32 $0x4B09  }
0x57e: {  	v9 =	vadd.s32 s21, v0;
	s19 =	simm.s32 $0x0;
	v7 =	vld.idx.msk [tilespmem:v7+s9+$0x0], $0xffff  }
.LBB2_50:
0x57f: {  	s21 =	sadd.s32 $0x4B0A, s19;
	v11 =	vld.idx.msk [tilespmem:v11+s2+$0x0], $0xffff;
	s20 =	smov.u32 s19  }
0x580: {  	s19 =	sadd.s32 $0xA, s19;
	v12 =	vadd.s32 s21, v0;
	v6 =	vadd.f32 v6, v10;
	v4 =	vld.idx.msk [tilespmem:v4+s9+$0x0], $0xffff  }
0x581: {  	s21 =	sadd.s32 $0x4B0B, s20;
	p0 =	slt.u32 s19, $0x28;
	v8 =	vld.idx.msk [tilespmem:v8+s2+$0x0], $0xffff  }
0x582: {  	v10 =	vadd.s32 s21, v0;
	v5 =	vadd.f32 v5, v6;
	v2 =	vld.idx.msk [tilespmem:v2+s9+$0x0], $0xffff  }
0x583: {  	s21 =	sadd.s32 $0x4B0C, s20;
	v6 =	vld.idx.msk [tilespmem:v9+s2+$0x0], $0xffff  }
0x584: {  	v9 =	vadd.s32 s21, v0;
	v5 =	vadd.f32 v7, v5;
	v1 =	vld.idx.msk [tilespmem:v1+s9+$0x0], $0xffff  }
0x585: {  	s21 =	sadd.s32 $0x4B0D, s20;
	v7 =	vld.idx.msk [tilespmem:v12+s2+$0x0], $0xffff  }
0x586: {  	v12 =	vadd.s32 s21, v0;
	v4 =	vadd.f32 v4, v5;
	v3 =	vld.idx.msk [tilespmem:v3+s9+$0x0], $0xffff  }
0x587: {  	s21 =	sadd.s32 $0x4B0E, s20;
	v5 =	vld.idx.msk [tilespmem:v10+s2+$0x0], $0xffff  }
0x588: {  	v10 =	vadd.s32 s21, v0;
	v2 =	vadd.f32 v2, v4;
	v13 =	vld.idx.msk [tilespmem:v11+s9+$0x0], $0xffff  }
0x589: {  	s21 =	sadd.s32 $0x4B0F, s20;
	v9 =	vld.idx.msk [tilespmem:v9+s2+$0x0], $0xffff  }
0x58a: {  	v14 =	vadd.s32 s21, v0;
	v1 =	vadd.f32 v1, v2;
	v15 =	vld.idx.msk [tilespmem:v8+s9+$0x0], $0xffff  }
0x58b: {  	s21 =	sadd.s32 $0x4B10, s20;
	v4 =	vld.idx.msk [tilespmem:v12+s2+$0x0], $0xffff  }
0x58c: {  	v12 =	vadd.s32 s21, v0;
	v1 =	vadd.f32 v3, v1;
	v16 =	vld.idx.msk [tilespmem:v6+s9+$0x0], $0xffff  }
0x58d: {  	s21 =	sadd.s32 $0x4B11, s20;
	v2 =	vld.idx.msk [tilespmem:v10+s2+$0x0], $0xffff  }
.Ltmp24:
0x58e: {  	v11 =	vadd.s32 s21, v0;
	v6 =	vld.idx.msk [tilespmem:v7+s9+$0x0], $0xffff;
	v3 =	vadd.f32 v13, v1;
	(pc) =	sbr.rel @p0 .LBB2_50-.Ltmp24, $4  }
0x58f: {  	s21 =	sadd.s32 $0x4B12, s20;
	v1 =	vld.idx.msk [tilespmem:v14+s2+$0x0], $0xffff  }
0x590: {  	v8 =	vadd.s32 s21, v0;
	v5 =	vld.idx.msk [tilespmem:v5+s9+$0x0], $0xffff;
	v10 =	vadd.f32 v15, v3  }
0x591: {  	s20 =	sadd.s32 $0x4B13, s20;
	v3 =	vld.idx.msk [tilespmem:v12+s2+$0x0], $0xffff  }
0x592: {  	v7 =	vld.idx.msk [tilespmem:v9+s9+$0x0], $0xffff;
	v9 =	vadd.s32 s20, v0;
	v10 =	vadd.f32 v16, v10  }
0x593: {  	_ =	sdelay $0x3  }
0x594: {  	v11 =	vld.idx.msk [tilespmem:v11+s2+$0x0], $0xffff;
	v6 =	vadd.f32 v6, v10  }
0x595: {  	v4 =	vld.idx.msk [tilespmem:v4+s9+$0x0], $0xffff  }
0x596: {  	v8 =	vld.idx.msk [tilespmem:v8+s2+$0x0], $0xffff;
	v5 =	vadd.f32 v5, v6  }
0x597: {  	v2 =	vld.idx.msk [tilespmem:v2+s9+$0x0], $0xffff  }
0x598: {  	v1 =	vld.idx.msk [tilespmem:v1+s9+$0x0], $0xffff;
	v5 =	vadd.f32 v7, v5  }
0x599: {  	v6 =	vld.idx.msk [tilespmem:v9+s2+$0x0], $0xffff  }
0x59a: {  	v4 =	vadd.f32 v4, v5  }
0x59b: {  	v3 =	vld.idx.msk [tilespmem:v3+s9+$0x0], $0xffff  }
0x59c: {  	v2 =	vadd.f32 v2, v4  }
0x59d: {  	v4 =	vld.idx.msk [tilespmem:v11+s9+$0x0], $0xffff  }
0x59e: {  	v1 =	vadd.f32 v1, v2  }
0x59f: {  	v2 =	vld.idx.msk [tilespmem:v8+s9+$0x0], $0xffff  }
0x5a0: {  	v1 =	vadd.f32 v3, v1  }
0x5a1: {  	v3 =	vld.idx.msk [tilespmem:v6+s9+$0x0], $0xffff  }
0x5a2: {  	v1 =	vadd.f32 v4, v1  }
0x5a3: {  	s19 =	simm.s32 $0x4E20  }
0x5a4: {  	v1 =	vadd.f32 v2, v1;
	v2 =	vadd.s32 s19, v0  }
0x5a5: {  	s24 =	simm.s32 $0x4E21  }
0x5a6: {  	v1 =	vadd.f32 v3, v1;
	v3 =	vadd.s32 s24, v0  }
0x5a7: {  	s25 =	simm.s32 $0x4E22  }
0x5a8: {  	[tilespmem:$0x1F180] =	vst v1;
	v1 =	vadd.s32 s25, v0  }
0x5a9: {  	s26 =	simm.s32 $0x4E23;
	v5 =	vld.idx.msk [tilespmem:v2+s2+$0x0], $0xffff  }
0x5aa: {  	s28 =	simm.s32 $0x4E24;
	v2 =	vadd.s32 s26, v0  }
0x5ab: {  	v6 =	vadd.s32 s28, v0;
	v3 =	vld.idx.msk [tilespmem:v3+s2+$0x0], $0xffff  }
0x5ac: {  	s29 =	simm.s32 $0x4E25  }
0x5ad: {  	v7 =	vld.idx.msk [tilespmem:v1+s2+$0x0], $0xffff;
	v1 =	vadd.s32 s29, v0  }
0x5ae: {  	s30 =	simm.s32 $0x4E26;
	v10 =	vld [tilespmem:$0x1EF90]  }
0x5af: {  	v8 =	vadd.s32 s30, v0;
	v4 =	vld.idx.msk [tilespmem:v2+s2+$0x0], $0xffff  }
0x5b0: {  	v2 =	vld.idx.msk [tilespmem:v6+s2+$0x0], $0xffff  }
0x5b1: {  	s31 =	simm.s32 $0x4E27;
	v6 =	vld.idx.msk [tilespmem:v5+s9+$0x0], $0xffff  }
0x5b2: {  	v11 =	vadd.s32 s31, v0;
	v1 =	vld.idx.msk [tilespmem:v1+s2+$0x0], $0xffff  }
0x5b3: {  	s20 =	simm.s32 $0x4E28;
	v5 =	vld.idx.msk [tilespmem:v3+s9+$0x0], $0xffff  }
0x5b4: {  	v3 =	vld.idx.msk [tilespmem:v8+s2+$0x0], $0xffff;
	v8 =	vadd.s32 s20, v0  }
0x5b5: {  	s21 =	simm.s32 $0x4E29  }
0x5b6: {  	v9 =	vadd.s32 s21, v0;
	s19 =	simm.s32 $0x0;
	v7 =	vld.idx.msk [tilespmem:v7+s9+$0x0], $0xffff  }
.LBB2_52:
0x5b7: {  	s21 =	sadd.s32 $0x4E2A, s19;
	v11 =	vld.idx.msk [tilespmem:v11+s2+$0x0], $0xffff;
	s20 =	smov.u32 s19  }
0x5b8: {  	s19 =	sadd.s32 $0xA, s19;
	v12 =	vadd.s32 s21, v0;
	v6 =	vadd.f32 v6, v10;
	v4 =	vld.idx.msk [tilespmem:v4+s9+$0x0], $0xffff  }
0x5b9: {  	s21 =	sadd.s32 $0x4E2B, s20;
	p0 =	slt.u32 s19, $0x28;
	v8 =	vld.idx.msk [tilespmem:v8+s2+$0x0], $0xffff  }
0x5ba: {  	v10 =	vadd.s32 s21, v0;
	v5 =	vadd.f32 v5, v6;
	v2 =	vld.idx.msk [tilespmem:v2+s9+$0x0], $0xffff  }
0x5bb: {  	s21 =	sadd.s32 $0x4E2C, s20;
	v6 =	vld.idx.msk [tilespmem:v9+s2+$0x0], $0xffff  }
0x5bc: {  	v9 =	vadd.s32 s21, v0;
	v5 =	vadd.f32 v7, v5;
	v1 =	vld.idx.msk [tilespmem:v1+s9+$0x0], $0xffff  }
0x5bd: {  	s21 =	sadd.s32 $0x4E2D, s20;
	v7 =	vld.idx.msk [tilespmem:v12+s2+$0x0], $0xffff  }
0x5be: {  	v12 =	vadd.s32 s21, v0;
	v4 =	vadd.f32 v4, v5;
	v3 =	vld.idx.msk [tilespmem:v3+s9+$0x0], $0xffff  }
0x5bf: {  	s21 =	sadd.s32 $0x4E2E, s20;
	v5 =	vld.idx.msk [tilespmem:v10+s2+$0x0], $0xffff  }
0x5c0: {  	v10 =	vadd.s32 s21, v0;
	v2 =	vadd.f32 v2, v4;
	v13 =	vld.idx.msk [tilespmem:v11+s9+$0x0], $0xffff  }
0x5c1: {  	s21 =	sadd.s32 $0x4E2F, s20;
	v9 =	vld.idx.msk [tilespmem:v9+s2+$0x0], $0xffff  }
0x5c2: {  	v14 =	vadd.s32 s21, v0;
	v1 =	vadd.f32 v1, v2;
	v15 =	vld.idx.msk [tilespmem:v8+s9+$0x0], $0xffff  }
0x5c3: {  	s21 =	sadd.s32 $0x4E30, s20;
	v4 =	vld.idx.msk [tilespmem:v12+s2+$0x0], $0xffff  }
0x5c4: {  	v12 =	vadd.s32 s21, v0;
	v1 =	vadd.f32 v3, v1;
	v16 =	vld.idx.msk [tilespmem:v6+s9+$0x0], $0xffff  }
0x5c5: {  	s21 =	sadd.s32 $0x4E31, s20;
	v2 =	vld.idx.msk [tilespmem:v10+s2+$0x0], $0xffff  }
.Ltmp25:
0x5c6: {  	v11 =	vadd.s32 s21, v0;
	v6 =	vld.idx.msk [tilespmem:v7+s9+$0x0], $0xffff;
	v3 =	vadd.f32 v13, v1;
	(pc) =	sbr.rel @p0 .LBB2_52-.Ltmp25, $4  }
0x5c7: {  	s21 =	sadd.s32 $0x4E32, s20;
	v1 =	vld.idx.msk [tilespmem:v14+s2+$0x0], $0xffff  }
0x5c8: {  	v8 =	vadd.s32 s21, v0;
	v5 =	vld.idx.msk [tilespmem:v5+s9+$0x0], $0xffff;
	v10 =	vadd.f32 v15, v3  }
0x5c9: {  	s20 =	sadd.s32 $0x4E33, s20;
	v3 =	vld.idx.msk [tilespmem:v12+s2+$0x0], $0xffff  }
0x5ca: {  	v7 =	vld.idx.msk [tilespmem:v9+s9+$0x0], $0xffff;
	v9 =	vadd.s32 s20, v0;
	v10 =	vadd.f32 v16, v10  }
0x5cb: {  	_ =	sdelay $0x3  }
0x5cc: {  	v11 =	vld.idx.msk [tilespmem:v11+s2+$0x0], $0xffff;
	v6 =	vadd.f32 v6, v10  }
0x5cd: {  	v4 =	vld.idx.msk [tilespmem:v4+s9+$0x0], $0xffff  }
0x5ce: {  	v8 =	vld.idx.msk [tilespmem:v8+s2+$0x0], $0xffff;
	v5 =	vadd.f32 v5, v6  }
0x5cf: {  	v2 =	vld.idx.msk [tilespmem:v2+s9+$0x0], $0xffff  }
0x5d0: {  	v1 =	vld.idx.msk [tilespmem:v1+s9+$0x0], $0xffff;
	v5 =	vadd.f32 v7, v5  }
0x5d1: {  	v6 =	vld.idx.msk [tilespmem:v9+s2+$0x0], $0xffff  }
0x5d2: {  	v4 =	vadd.f32 v4, v5  }
0x5d3: {  	v3 =	vld.idx.msk [tilespmem:v3+s9+$0x0], $0xffff  }
0x5d4: {  	v2 =	vadd.f32 v2, v4  }
0x5d5: {  	v4 =	vld.idx.msk [tilespmem:v11+s9+$0x0], $0xffff  }
0x5d6: {  	v1 =	vadd.f32 v1, v2  }
0x5d7: {  	v2 =	vld.idx.msk [tilespmem:v8+s9+$0x0], $0xffff  }
0x5d8: {  	v1 =	vadd.f32 v3, v1  }
0x5d9: {  	v3 =	vld.idx.msk [tilespmem:v6+s9+$0x0], $0xffff  }
0x5da: {  	v1 =	vadd.f32 v4, v1  }
0x5db: {  	s19 =	simm.s32 $0x5140  }
0x5dc: {  	v1 =	vadd.f32 v2, v1;
	v2 =	vadd.s32 s19, v0  }
0x5dd: {  	s24 =	simm.s32 $0x5141  }
0x5de: {  	v1 =	vadd.f32 v3, v1;
	v3 =	vadd.s32 s24, v0  }
0x5df: {  	s25 =	simm.s32 $0x5142  }
0x5e0: {  	[tilespmem:$0x1F190] =	vst v1;
	v1 =	vadd.s32 s25, v0  }
0x5e1: {  	s26 =	simm.s32 $0x5143;
	v5 =	vld.idx.msk [tilespmem:v2+s2+$0x0], $0xffff  }
0x5e2: {  	s28 =	simm.s32 $0x5144;
	v2 =	vadd.s32 s26, v0  }
0x5e3: {  	v6 =	vadd.s32 s28, v0;
	v3 =	vld.idx.msk [tilespmem:v3+s2+$0x0], $0xffff  }
0x5e4: {  	s29 =	simm.s32 $0x5145  }
0x5e5: {  	v7 =	vld.idx.msk [tilespmem:v1+s2+$0x0], $0xffff;
	v1 =	vadd.s32 s29, v0  }
0x5e6: {  	s30 =	simm.s32 $0x5146;
	v10 =	vld [tilespmem:$0x1EFA0]  }
0x5e7: {  	v8 =	vadd.s32 s30, v0;
	v4 =	vld.idx.msk [tilespmem:v2+s2+$0x0], $0xffff  }
0x5e8: {  	v2 =	vld.idx.msk [tilespmem:v6+s2+$0x0], $0xffff  }
0x5e9: {  	s31 =	simm.s32 $0x5147;
	v6 =	vld.idx.msk [tilespmem:v5+s9+$0x0], $0xffff  }
0x5ea: {  	v11 =	vadd.s32 s31, v0;
	v1 =	vld.idx.msk [tilespmem:v1+s2+$0x0], $0xffff  }
0x5eb: {  	s20 =	simm.s32 $0x5148;
	v5 =	vld.idx.msk [tilespmem:v3+s9+$0x0], $0xffff  }
0x5ec: {  	v3 =	vld.idx.msk [tilespmem:v8+s2+$0x0], $0xffff;
	v8 =	vadd.s32 s20, v0  }
0x5ed: {  	s21 =	simm.s32 $0x5149  }
0x5ee: {  	v9 =	vadd.s32 s21, v0;
	s19 =	simm.s32 $0x0;
	v7 =	vld.idx.msk [tilespmem:v7+s9+$0x0], $0xffff  }
.LBB2_54:
0x5ef: {  	s21 =	sadd.s32 $0x514A, s19;
	v11 =	vld.idx.msk [tilespmem:v11+s2+$0x0], $0xffff;
	s20 =	smov.u32 s19  }
0x5f0: {  	s19 =	sadd.s32 $0xA, s19;
	v12 =	vadd.s32 s21, v0;
	v6 =	vadd.f32 v6, v10;
	v4 =	vld.idx.msk [tilespmem:v4+s9+$0x0], $0xffff  }
0x5f1: {  	s21 =	sadd.s32 $0x514B, s20;
	p0 =	slt.u32 s19, $0x28;
	v8 =	vld.idx.msk [tilespmem:v8+s2+$0x0], $0xffff  }
0x5f2: {  	v10 =	vadd.s32 s21, v0;
	v5 =	vadd.f32 v5, v6;
	v2 =	vld.idx.msk [tilespmem:v2+s9+$0x0], $0xffff  }
0x5f3: {  	s21 =	sadd.s32 $0x514C, s20;
	v6 =	vld.idx.msk [tilespmem:v9+s2+$0x0], $0xffff  }
0x5f4: {  	v9 =	vadd.s32 s21, v0;
	v5 =	vadd.f32 v7, v5;
	v1 =	vld.idx.msk [tilespmem:v1+s9+$0x0], $0xffff  }
0x5f5: {  	s21 =	sadd.s32 $0x514D, s20;
	v7 =	vld.idx.msk [tilespmem:v12+s2+$0x0], $0xffff  }
0x5f6: {  	v12 =	vadd.s32 s21, v0;
	v4 =	vadd.f32 v4, v5;
	v3 =	vld.idx.msk [tilespmem:v3+s9+$0x0], $0xffff  }
0x5f7: {  	s21 =	sadd.s32 $0x514E, s20;
	v5 =	vld.idx.msk [tilespmem:v10+s2+$0x0], $0xffff  }
0x5f8: {  	v10 =	vadd.s32 s21, v0;
	v2 =	vadd.f32 v2, v4;
	v13 =	vld.idx.msk [tilespmem:v11+s9+$0x0], $0xffff  }
0x5f9: {  	s21 =	sadd.s32 $0x514F, s20;
	v9 =	vld.idx.msk [tilespmem:v9+s2+$0x0], $0xffff  }
0x5fa: {  	v14 =	vadd.s32 s21, v0;
	v1 =	vadd.f32 v1, v2;
	v15 =	vld.idx.msk [tilespmem:v8+s9+$0x0], $0xffff  }
0x5fb: {  	s21 =	sadd.s32 $0x5150, s20;
	v4 =	vld.idx.msk [tilespmem:v12+s2+$0x0], $0xffff  }
0x5fc: {  	v12 =	vadd.s32 s21, v0;
	v1 =	vadd.f32 v3, v1;
	v16 =	vld.idx.msk [tilespmem:v6+s9+$0x0], $0xffff  }
0x5fd: {  	s21 =	sadd.s32 $0x5151, s20;
	v2 =	vld.idx.msk [tilespmem:v10+s2+$0x0], $0xffff  }
.Ltmp26:
0x5fe: {  	v11 =	vadd.s32 s21, v0;
	v6 =	vld.idx.msk [tilespmem:v7+s9+$0x0], $0xffff;
	v3 =	vadd.f32 v13, v1;
	(pc) =	sbr.rel @p0 .LBB2_54-.Ltmp26, $4  }
0x5ff: {  	s21 =	sadd.s32 $0x5152, s20;
	v1 =	vld.idx.msk [tilespmem:v14+s2+$0x0], $0xffff  }
0x600: {  	v8 =	vadd.s32 s21, v0;
	v5 =	vld.idx.msk [tilespmem:v5+s9+$0x0], $0xffff;
	v10 =	vadd.f32 v15, v3  }
0x601: {  	s20 =	sadd.s32 $0x5153, s20;
	v3 =	vld.idx.msk [tilespmem:v12+s2+$0x0], $0xffff  }
0x602: {  	v7 =	vld.idx.msk [tilespmem:v9+s9+$0x0], $0xffff;
	v9 =	vadd.s32 s20, v0;
	v10 =	vadd.f32 v16, v10  }
0x603: {  	_ =	sdelay $0x3  }
0x604: {  	v11 =	vld.idx.msk [tilespmem:v11+s2+$0x0], $0xffff;
	v6 =	vadd.f32 v6, v10  }
0x605: {  	v4 =	vld.idx.msk [tilespmem:v4+s9+$0x0], $0xffff  }
0x606: {  	v8 =	vld.idx.msk [tilespmem:v8+s2+$0x0], $0xffff;
	v5 =	vadd.f32 v5, v6  }
0x607: {  	v2 =	vld.idx.msk [tilespmem:v2+s9+$0x0], $0xffff  }
0x608: {  	v1 =	vld.idx.msk [tilespmem:v1+s9+$0x0], $0xffff;
	v5 =	vadd.f32 v7, v5  }
0x609: {  	v6 =	vld.idx.msk [tilespmem:v9+s2+$0x0], $0xffff  }
0x60a: {  	v4 =	vadd.f32 v4, v5  }
0x60b: {  	v3 =	vld.idx.msk [tilespmem:v3+s9+$0x0], $0xffff  }
0x60c: {  	v2 =	vadd.f32 v2, v4  }
0x60d: {  	v4 =	vld.idx.msk [tilespmem:v11+s9+$0x0], $0xffff  }
0x60e: {  	v1 =	vadd.f32 v1, v2  }
0x60f: {  	v2 =	vld.idx.msk [tilespmem:v8+s9+$0x0], $0xffff  }
0x610: {  	v1 =	vadd.f32 v3, v1  }
0x611: {  	v3 =	vld.idx.msk [tilespmem:v6+s9+$0x0], $0xffff  }
0x612: {  	v1 =	vadd.f32 v4, v1  }
0x613: {  	s19 =	simm.s32 $0x5460  }
0x614: {  	v1 =	vadd.f32 v2, v1;
	v2 =	vadd.s32 s19, v0  }
0x615: {  	s24 =	simm.s32 $0x5461  }
0x616: {  	v1 =	vadd.f32 v3, v1;
	v3 =	vadd.s32 s24, v0  }
0x617: {  	s25 =	simm.s32 $0x5462  }
0x618: {  	[tilespmem:$0x1F1A0] =	vst v1;
	v1 =	vadd.s32 s25, v0  }
0x619: {  	s26 =	simm.s32 $0x5463;
	v5 =	vld.idx.msk [tilespmem:v2+s2+$0x0], $0xffff  }
0x61a: {  	s28 =	simm.s32 $0x5464;
	v2 =	vadd.s32 s26, v0  }
0x61b: {  	v6 =	vadd.s32 s28, v0;
	v3 =	vld.idx.msk [tilespmem:v3+s2+$0x0], $0xffff  }
0x61c: {  	s29 =	simm.s32 $0x5465  }
0x61d: {  	v7 =	vld.idx.msk [tilespmem:v1+s2+$0x0], $0xffff;
	v1 =	vadd.s32 s29, v0  }
0x61e: {  	s30 =	simm.s32 $0x5466;
	v10 =	vld [tilespmem:$0x1EFB0]  }
0x61f: {  	v8 =	vadd.s32 s30, v0;
	v4 =	vld.idx.msk [tilespmem:v2+s2+$0x0], $0xffff  }
0x620: {  	v2 =	vld.idx.msk [tilespmem:v6+s2+$0x0], $0xffff  }
0x621: {  	s31 =	simm.s32 $0x5467;
	v6 =	vld.idx.msk [tilespmem:v5+s9+$0x0], $0xffff  }
0x622: {  	v11 =	vadd.s32 s31, v0;
	v1 =	vld.idx.msk [tilespmem:v1+s2+$0x0], $0xffff  }
0x623: {  	s20 =	simm.s32 $0x5468;
	v5 =	vld.idx.msk [tilespmem:v3+s9+$0x0], $0xffff  }
0x624: {  	v3 =	vld.idx.msk [tilespmem:v8+s2+$0x0], $0xffff;
	v8 =	vadd.s32 s20, v0  }
0x625: {  	s21 =	simm.s32 $0x5469  }
0x626: {  	v9 =	vadd.s32 s21, v0;
	s19 =	simm.s32 $0x0;
	v7 =	vld.idx.msk [tilespmem:v7+s9+$0x0], $0xffff  }
.LBB2_56:
0x627: {  	s21 =	sadd.s32 $0x546A, s19;
	v11 =	vld.idx.msk [tilespmem:v11+s2+$0x0], $0xffff;
	s20 =	smov.u32 s19  }
0x628: {  	s19 =	sadd.s32 $0xA, s19;
	v12 =	vadd.s32 s21, v0;
	v6 =	vadd.f32 v6, v10;
	v4 =	vld.idx.msk [tilespmem:v4+s9+$0x0], $0xffff  }
0x629: {  	s21 =	sadd.s32 $0x546B, s20;
	p0 =	slt.u32 s19, $0x28;
	v8 =	vld.idx.msk [tilespmem:v8+s2+$0x0], $0xffff  }
0x62a: {  	v10 =	vadd.s32 s21, v0;
	v5 =	vadd.f32 v5, v6;
	v2 =	vld.idx.msk [tilespmem:v2+s9+$0x0], $0xffff  }
0x62b: {  	s21 =	sadd.s32 $0x546C, s20;
	v6 =	vld.idx.msk [tilespmem:v9+s2+$0x0], $0xffff  }
0x62c: {  	v9 =	vadd.s32 s21, v0;
	v5 =	vadd.f32 v7, v5;
	v1 =	vld.idx.msk [tilespmem:v1+s9+$0x0], $0xffff  }
0x62d: {  	s21 =	sadd.s32 $0x546D, s20;
	v7 =	vld.idx.msk [tilespmem:v12+s2+$0x0], $0xffff  }
0x62e: {  	v12 =	vadd.s32 s21, v0;
	v4 =	vadd.f32 v4, v5;
	v3 =	vld.idx.msk [tilespmem:v3+s9+$0x0], $0xffff  }
0x62f: {  	s21 =	sadd.s32 $0x546E, s20;
	v5 =	vld.idx.msk [tilespmem:v10+s2+$0x0], $0xffff  }
0x630: {  	v10 =	vadd.s32 s21, v0;
	v2 =	vadd.f32 v2, v4;
	v13 =	vld.idx.msk [tilespmem:v11+s9+$0x0], $0xffff  }
0x631: {  	s21 =	sadd.s32 $0x546F, s20;
	v9 =	vld.idx.msk [tilespmem:v9+s2+$0x0], $0xffff  }
0x632: {  	v14 =	vadd.s32 s21, v0;
	v1 =	vadd.f32 v1, v2;
	v15 =	vld.idx.msk [tilespmem:v8+s9+$0x0], $0xffff  }
0x633: {  	s21 =	sadd.s32 $0x5470, s20;
	v4 =	vld.idx.msk [tilespmem:v12+s2+$0x0], $0xffff  }
0x634: {  	v12 =	vadd.s32 s21, v0;
	v1 =	vadd.f32 v3, v1;
	v16 =	vld.idx.msk [tilespmem:v6+s9+$0x0], $0xffff  }
0x635: {  	s21 =	sadd.s32 $0x5471, s20;
	v2 =	vld.idx.msk [tilespmem:v10+s2+$0x0], $0xffff  }
.Ltmp27:
0x636: {  	v11 =	vadd.s32 s21, v0;
	v6 =	vld.idx.msk [tilespmem:v7+s9+$0x0], $0xffff;
	v3 =	vadd.f32 v13, v1;
	(pc) =	sbr.rel @p0 .LBB2_56-.Ltmp27, $4  }
0x637: {  	s21 =	sadd.s32 $0x5472, s20;
	v1 =	vld.idx.msk [tilespmem:v14+s2+$0x0], $0xffff  }
0x638: {  	v8 =	vadd.s32 s21, v0;
	v5 =	vld.idx.msk [tilespmem:v5+s9+$0x0], $0xffff;
	v10 =	vadd.f32 v15, v3  }
0x639: {  	s20 =	sadd.s32 $0x5473, s20;
	v3 =	vld.idx.msk [tilespmem:v12+s2+$0x0], $0xffff  }
0x63a: {  	v7 =	vld.idx.msk [tilespmem:v9+s9+$0x0], $0xffff;
	v9 =	vadd.s32 s20, v0;
	v10 =	vadd.f32 v16, v10  }
0x63b: {  	_ =	sdelay $0x3  }
0x63c: {  	v11 =	vld.idx.msk [tilespmem:v11+s2+$0x0], $0xffff;
	v6 =	vadd.f32 v6, v10  }
0x63d: {  	v4 =	vld.idx.msk [tilespmem:v4+s9+$0x0], $0xffff  }
0x63e: {  	v8 =	vld.idx.msk [tilespmem:v8+s2+$0x0], $0xffff;
	v5 =	vadd.f32 v5, v6  }
0x63f: {  	v2 =	vld.idx.msk [tilespmem:v2+s9+$0x0], $0xffff  }
0x640: {  	v1 =	vld.idx.msk [tilespmem:v1+s9+$0x0], $0xffff;
	v5 =	vadd.f32 v7, v5  }
0x641: {  	v6 =	vld.idx.msk [tilespmem:v9+s2+$0x0], $0xffff  }
0x642: {  	v4 =	vadd.f32 v4, v5  }
0x643: {  	v3 =	vld.idx.msk [tilespmem:v3+s9+$0x0], $0xffff  }
0x644: {  	v2 =	vadd.f32 v2, v4  }
0x645: {  	v4 =	vld.idx.msk [tilespmem:v11+s9+$0x0], $0xffff  }
0x646: {  	v1 =	vadd.f32 v1, v2  }
0x647: {  	v2 =	vld.idx.msk [tilespmem:v8+s9+$0x0], $0xffff  }
0x648: {  	v1 =	vadd.f32 v3, v1  }
0x649: {  	v3 =	vld.idx.msk [tilespmem:v6+s9+$0x0], $0xffff  }
0x64a: {  	v1 =	vadd.f32 v4, v1  }
0x64b: {  	s19 =	simm.s32 $0x5780  }
0x64c: {  	v1 =	vadd.f32 v2, v1;
	v2 =	vadd.s32 s19, v0  }
0x64d: {  	s24 =	simm.s32 $0x5781  }
0x64e: {  	v1 =	vadd.f32 v3, v1;
	v3 =	vadd.s32 s24, v0  }
0x64f: {  	s25 =	simm.s32 $0x5782  }
0x650: {  	[tilespmem:$0x1F1B0] =	vst v1;
	v1 =	vadd.s32 s25, v0  }
0x651: {  	s26 =	simm.s32 $0x5783;
	v5 =	vld.idx.msk [tilespmem:v2+s2+$0x0], $0xffff  }
0x652: {  	s28 =	simm.s32 $0x5784;
	v2 =	vadd.s32 s26, v0  }
0x653: {  	v6 =	vadd.s32 s28, v0;
	v3 =	vld.idx.msk [tilespmem:v3+s2+$0x0], $0xffff  }
0x654: {  	s29 =	simm.s32 $0x5785  }
0x655: {  	v7 =	vld.idx.msk [tilespmem:v1+s2+$0x0], $0xffff;
	v1 =	vadd.s32 s29, v0  }
0x656: {  	s30 =	simm.s32 $0x5786;
	v10 =	vld [tilespmem:$0x1EFC0]  }
0x657: {  	v8 =	vadd.s32 s30, v0;
	v4 =	vld.idx.msk [tilespmem:v2+s2+$0x0], $0xffff  }
0x658: {  	v2 =	vld.idx.msk [tilespmem:v6+s2+$0x0], $0xffff  }
0x659: {  	s31 =	simm.s32 $0x5787;
	v6 =	vld.idx.msk [tilespmem:v5+s9+$0x0], $0xffff  }
0x65a: {  	v11 =	vadd.s32 s31, v0;
	v1 =	vld.idx.msk [tilespmem:v1+s2+$0x0], $0xffff  }
0x65b: {  	s20 =	simm.s32 $0x5788;
	v5 =	vld.idx.msk [tilespmem:v3+s9+$0x0], $0xffff  }
0x65c: {  	v3 =	vld.idx.msk [tilespmem:v8+s2+$0x0], $0xffff;
	v8 =	vadd.s32 s20, v0  }
0x65d: {  	s21 =	simm.s32 $0x5789  }
0x65e: {  	v9 =	vadd.s32 s21, v0;
	s19 =	simm.s32 $0x0;
	v7 =	vld.idx.msk [tilespmem:v7+s9+$0x0], $0xffff  }
.LBB2_58:
0x65f: {  	s21 =	sadd.s32 $0x578A, s19;
	v11 =	vld.idx.msk [tilespmem:v11+s2+$0x0], $0xffff;
	s20 =	smov.u32 s19  }
0x660: {  	s19 =	sadd.s32 $0xA, s19;
	v12 =	vadd.s32 s21, v0;
	v6 =	vadd.f32 v6, v10;
	v4 =	vld.idx.msk [tilespmem:v4+s9+$0x0], $0xffff  }
0x661: {  	s21 =	sadd.s32 $0x578B, s20;
	p0 =	slt.u32 s19, $0x28;
	v8 =	vld.idx.msk [tilespmem:v8+s2+$0x0], $0xffff  }
0x662: {  	v10 =	vadd.s32 s21, v0;
	v5 =	vadd.f32 v5, v6;
	v2 =	vld.idx.msk [tilespmem:v2+s9+$0x0], $0xffff  }
0x663: {  	s21 =	sadd.s32 $0x578C, s20;
	v6 =	vld.idx.msk [tilespmem:v9+s2+$0x0], $0xffff  }
0x664: {  	v9 =	vadd.s32 s21, v0;
	v5 =	vadd.f32 v7, v5;
	v1 =	vld.idx.msk [tilespmem:v1+s9+$0x0], $0xffff  }
0x665: {  	s21 =	sadd.s32 $0x578D, s20;
	v7 =	vld.idx.msk [tilespmem:v12+s2+$0x0], $0xffff  }
0x666: {  	v12 =	vadd.s32 s21, v0;
	v4 =	vadd.f32 v4, v5;
	v3 =	vld.idx.msk [tilespmem:v3+s9+$0x0], $0xffff  }
0x667: {  	s21 =	sadd.s32 $0x578E, s20;
	v5 =	vld.idx.msk [tilespmem:v10+s2+$0x0], $0xffff  }
0x668: {  	v10 =	vadd.s32 s21, v0;
	v2 =	vadd.f32 v2, v4;
	v13 =	vld.idx.msk [tilespmem:v11+s9+$0x0], $0xffff  }
0x669: {  	s21 =	sadd.s32 $0x578F, s20;
	v9 =	vld.idx.msk [tilespmem:v9+s2+$0x0], $0xffff  }
0x66a: {  	v14 =	vadd.s32 s21, v0;
	v1 =	vadd.f32 v1, v2;
	v15 =	vld.idx.msk [tilespmem:v8+s9+$0x0], $0xffff  }
0x66b: {  	s21 =	sadd.s32 $0x5790, s20;
	v4 =	vld.idx.msk [tilespmem:v12+s2+$0x0], $0xffff  }
0x66c: {  	v12 =	vadd.s32 s21, v0;
	v1 =	vadd.f32 v3, v1;
	v16 =	vld.idx.msk [tilespmem:v6+s9+$0x0], $0xffff  }
0x66d: {  	s21 =	sadd.s32 $0x5791, s20;
	v2 =	vld.idx.msk [tilespmem:v10+s2+$0x0], $0xffff  }
.Ltmp28:
0x66e: {  	v11 =	vadd.s32 s21, v0;
	v6 =	vld.idx.msk [tilespmem:v7+s9+$0x0], $0xffff;
	v3 =	vadd.f32 v13, v1;
	(pc) =	sbr.rel @p0 .LBB2_58-.Ltmp28, $4  }
0x66f: {  	s21 =	sadd.s32 $0x5792, s20;
	v1 =	vld.idx.msk [tilespmem:v14+s2+$0x0], $0xffff  }
0x670: {  	v8 =	vadd.s32 s21, v0;
	v5 =	vld.idx.msk [tilespmem:v5+s9+$0x0], $0xffff;
	v10 =	vadd.f32 v15, v3  }
0x671: {  	s20 =	sadd.s32 $0x5793, s20;
	v3 =	vld.idx.msk [tilespmem:v12+s2+$0x0], $0xffff  }
0x672: {  	v7 =	vld.idx.msk [tilespmem:v9+s9+$0x0], $0xffff;
	v9 =	vadd.s32 s20, v0;
	v10 =	vadd.f32 v16, v10  }
0x673: {  	_ =	sdelay $0x3  }
0x674: {  	v11 =	vld.idx.msk [tilespmem:v11+s2+$0x0], $0xffff;
	v6 =	vadd.f32 v6, v10  }
0x675: {  	v4 =	vld.idx.msk [tilespmem:v4+s9+$0x0], $0xffff  }
0x676: {  	v8 =	vld.idx.msk [tilespmem:v8+s2+$0x0], $0xffff;
	v5 =	vadd.f32 v5, v6  }
0x677: {  	v2 =	vld.idx.msk [tilespmem:v2+s9+$0x0], $0xffff  }
0x678: {  	v1 =	vld.idx.msk [tilespmem:v1+s9+$0x0], $0xffff;
	v5 =	vadd.f32 v7, v5  }
0x679: {  	v6 =	vld.idx.msk [tilespmem:v9+s2+$0x0], $0xffff  }
0x67a: {  	v4 =	vadd.f32 v4, v5  }
0x67b: {  	v3 =	vld.idx.msk [tilespmem:v3+s9+$0x0], $0xffff  }
0x67c: {  	v2 =	vadd.f32 v2, v4  }
0x67d: {  	v4 =	vld.idx.msk [tilespmem:v11+s9+$0x0], $0xffff  }
0x67e: {  	v1 =	vadd.f32 v1, v2  }
0x67f: {  	v2 =	vld.idx.msk [tilespmem:v8+s9+$0x0], $0xffff  }
0x680: {  	v1 =	vadd.f32 v3, v1  }
0x681: {  	v3 =	vld.idx.msk [tilespmem:v6+s9+$0x0], $0xffff  }
0x682: {  	v1 =	vadd.f32 v4, v1  }
0x683: {  	s19 =	simm.s32 $0x5AA0  }
0x684: {  	v1 =	vadd.f32 v2, v1;
	v2 =	vadd.s32 s19, v0  }
0x685: {  	s24 =	simm.s32 $0x5AA1  }
0x686: {  	v1 =	vadd.f32 v3, v1;
	v3 =	vadd.s32 s24, v0  }
0x687: {  	s25 =	simm.s32 $0x5AA2  }
0x688: {  	[tilespmem:$0x1F1C0] =	vst v1;
	v1 =	vadd.s32 s25, v0  }
0x689: {  	s26 =	simm.s32 $0x5AA3;
	v5 =	vld.idx.msk [tilespmem:v2+s2+$0x0], $0xffff  }
0x68a: {  	s28 =	simm.s32 $0x5AA4;
	v2 =	vadd.s32 s26, v0  }
0x68b: {  	v6 =	vadd.s32 s28, v0;
	v3 =	vld.idx.msk [tilespmem:v3+s2+$0x0], $0xffff  }
0x68c: {  	s29 =	simm.s32 $0x5AA5  }
0x68d: {  	v7 =	vld.idx.msk [tilespmem:v1+s2+$0x0], $0xffff;
	v1 =	vadd.s32 s29, v0  }
0x68e: {  	s30 =	simm.s32 $0x5AA6;
	v10 =	vld [tilespmem:$0x1EFD0]  }
0x68f: {  	v8 =	vadd.s32 s30, v0;
	v4 =	vld.idx.msk [tilespmem:v2+s2+$0x0], $0xffff  }
0x690: {  	v2 =	vld.idx.msk [tilespmem:v6+s2+$0x0], $0xffff  }
0x691: {  	s31 =	simm.s32 $0x5AA7;
	v6 =	vld.idx.msk [tilespmem:v5+s9+$0x0], $0xffff  }
0x692: {  	v11 =	vadd.s32 s31, v0;
	v1 =	vld.idx.msk [tilespmem:v1+s2+$0x0], $0xffff  }
0x693: {  	s20 =	simm.s32 $0x5AA8;
	v5 =	vld.idx.msk [tilespmem:v3+s9+$0x0], $0xffff  }
0x694: {  	v3 =	vld.idx.msk [tilespmem:v8+s2+$0x0], $0xffff;
	v8 =	vadd.s32 s20, v0  }
0x695: {  	s21 =	simm.s32 $0x5AA9  }
0x696: {  	v9 =	vadd.s32 s21, v0;
	s19 =	simm.s32 $0x0;
	v7 =	vld.idx.msk [tilespmem:v7+s9+$0x0], $0xffff  }
.LBB2_60:
0x697: {  	s21 =	sadd.s32 $0x5AAA, s19;
	v11 =	vld.idx.msk [tilespmem:v11+s2+$0x0], $0xffff;
	s20 =	smov.u32 s19  }
0x698: {  	s19 =	sadd.s32 $0xA, s19;
	v12 =	vadd.s32 s21, v0;
	v6 =	vadd.f32 v6, v10;
	v4 =	vld.idx.msk [tilespmem:v4+s9+$0x0], $0xffff  }
0x699: {  	s21 =	sadd.s32 $0x5AAB, s20;
	p0 =	slt.u32 s19, $0x28;
	v8 =	vld.idx.msk [tilespmem:v8+s2+$0x0], $0xffff  }
0x69a: {  	v10 =	vadd.s32 s21, v0;
	v5 =	vadd.f32 v5, v6;
	v2 =	vld.idx.msk [tilespmem:v2+s9+$0x0], $0xffff  }
0x69b: {  	s21 =	sadd.s32 $0x5AAC, s20;
	v6 =	vld.idx.msk [tilespmem:v9+s2+$0x0], $0xffff  }
0x69c: {  	v9 =	vadd.s32 s21, v0;
	v5 =	vadd.f32 v7, v5;
	v1 =	vld.idx.msk [tilespmem:v1+s9+$0x0], $0xffff  }
0x69d: {  	s21 =	sadd.s32 $0x5AAD, s20;
	v7 =	vld.idx.msk [tilespmem:v12+s2+$0x0], $0xffff  }
0x69e: {  	v12 =	vadd.s32 s21, v0;
	v4 =	vadd.f32 v4, v5;
	v3 =	vld.idx.msk [tilespmem:v3+s9+$0x0], $0xffff  }
0x69f: {  	s21 =	sadd.s32 $0x5AAE, s20;
	v5 =	vld.idx.msk [tilespmem:v10+s2+$0x0], $0xffff  }
0x6a0: {  	v10 =	vadd.s32 s21, v0;
	v2 =	vadd.f32 v2, v4;
	v13 =	vld.idx.msk [tilespmem:v11+s9+$0x0], $0xffff  }
0x6a1: {  	s21 =	sadd.s32 $0x5AAF, s20;
	v9 =	vld.idx.msk [tilespmem:v9+s2+$0x0], $0xffff  }
0x6a2: {  	v14 =	vadd.s32 s21, v0;
	v1 =	vadd.f32 v1, v2;
	v15 =	vld.idx.msk [tilespmem:v8+s9+$0x0], $0xffff  }
0x6a3: {  	s21 =	sadd.s32 $0x5AB0, s20;
	v4 =	vld.idx.msk [tilespmem:v12+s2+$0x0], $0xffff  }
0x6a4: {  	v12 =	vadd.s32 s21, v0;
	v1 =	vadd.f32 v3, v1;
	v16 =	vld.idx.msk [tilespmem:v6+s9+$0x0], $0xffff  }
0x6a5: {  	s21 =	sadd.s32 $0x5AB1, s20;
	v2 =	vld.idx.msk [tilespmem:v10+s2+$0x0], $0xffff  }
.Ltmp29:
0x6a6: {  	v11 =	vadd.s32 s21, v0;
	v6 =	vld.idx.msk [tilespmem:v7+s9+$0x0], $0xffff;
	v3 =	vadd.f32 v13, v1;
	(pc) =	sbr.rel @p0 .LBB2_60-.Ltmp29, $4  }
0x6a7: {  	s21 =	sadd.s32 $0x5AB2, s20;
	v1 =	vld.idx.msk [tilespmem:v14+s2+$0x0], $0xffff  }
0x6a8: {  	v8 =	vadd.s32 s21, v0;
	v5 =	vld.idx.msk [tilespmem:v5+s9+$0x0], $0xffff;
	v10 =	vadd.f32 v15, v3  }
0x6a9: {  	s20 =	sadd.s32 $0x5AB3, s20;
	v3 =	vld.idx.msk [tilespmem:v12+s2+$0x0], $0xffff  }
0x6aa: {  	v7 =	vld.idx.msk [tilespmem:v9+s9+$0x0], $0xffff;
	v9 =	vadd.s32 s20, v0;
	v10 =	vadd.f32 v16, v10  }
0x6ab: {  	_ =	sdelay $0x3  }
0x6ac: {  	v11 =	vld.idx.msk [tilespmem:v11+s2+$0x0], $0xffff;
	v6 =	vadd.f32 v6, v10  }
0x6ad: {  	v4 =	vld.idx.msk [tilespmem:v4+s9+$0x0], $0xffff  }
0x6ae: {  	v8 =	vld.idx.msk [tilespmem:v8+s2+$0x0], $0xffff;
	v5 =	vadd.f32 v5, v6  }
0x6af: {  	v2 =	vld.idx.msk [tilespmem:v2+s9+$0x0], $0xffff  }
0x6b0: {  	v1 =	vld.idx.msk [tilespmem:v1+s9+$0x0], $0xffff;
	v5 =	vadd.f32 v7, v5  }
0x6b1: {  	v6 =	vld.idx.msk [tilespmem:v9+s2+$0x0], $0xffff  }
0x6b2: {  	v4 =	vadd.f32 v4, v5  }
0x6b3: {  	v3 =	vld.idx.msk [tilespmem:v3+s9+$0x0], $0xffff  }
0x6b4: {  	v2 =	vadd.f32 v2, v4  }
0x6b5: {  	v4 =	vld.idx.msk [tilespmem:v11+s9+$0x0], $0xffff  }
0x6b6: {  	v1 =	vadd.f32 v1, v2  }
0x6b7: {  	v2 =	vld.idx.msk [tilespmem:v8+s9+$0x0], $0xffff  }
0x6b8: {  	v1 =	vadd.f32 v3, v1  }
0x6b9: {  	v3 =	vld.idx.msk [tilespmem:v6+s9+$0x0], $0xffff  }
0x6ba: {  	v1 =	vadd.f32 v4, v1  }
0x6bb: {  	s19 =	simm.s32 $0x5DC0  }
0x6bc: {  	v1 =	vadd.f32 v2, v1;
	v2 =	vadd.s32 s19, v0  }
0x6bd: {  	s24 =	simm.s32 $0x5DC1  }
0x6be: {  	v1 =	vadd.f32 v3, v1;
	v3 =	vadd.s32 s24, v0  }
0x6bf: {  	s25 =	simm.s32 $0x5DC2  }
0x6c0: {  	[tilespmem:$0x1F1D0] =	vst v1;
	v1 =	vadd.s32 s25, v0  }
0x6c1: {  	s26 =	simm.s32 $0x5DC3;
	v5 =	vld.idx.msk [tilespmem:v2+s2+$0x0], $0xffff  }
0x6c2: {  	s28 =	simm.s32 $0x5DC4;
	v2 =	vadd.s32 s26, v0  }
0x6c3: {  	v6 =	vadd.s32 s28, v0;
	v3 =	vld.idx.msk [tilespmem:v3+s2+$0x0], $0xffff  }
0x6c4: {  	s29 =	simm.s32 $0x5DC5  }
0x6c5: {  	v7 =	vld.idx.msk [tilespmem:v1+s2+$0x0], $0xffff;
	v1 =	vadd.s32 s29, v0  }
0x6c6: {  	s30 =	simm.s32 $0x5DC6;
	v10 =	vld [tilespmem:$0x1EFE0]  }
0x6c7: {  	v8 =	vadd.s32 s30, v0;
	v4 =	vld.idx.msk [tilespmem:v2+s2+$0x0], $0xffff  }
0x6c8: {  	v2 =	vld.idx.msk [tilespmem:v6+s2+$0x0], $0xffff  }
0x6c9: {  	s31 =	simm.s32 $0x5DC7;
	v6 =	vld.idx.msk [tilespmem:v5+s9+$0x0], $0xffff  }
0x6ca: {  	v11 =	vadd.s32 s31, v0;
	v1 =	vld.idx.msk [tilespmem:v1+s2+$0x0], $0xffff  }
0x6cb: {  	s20 =	simm.s32 $0x5DC8;
	v5 =	vld.idx.msk [tilespmem:v3+s9+$0x0], $0xffff  }
0x6cc: {  	v3 =	vld.idx.msk [tilespmem:v8+s2+$0x0], $0xffff;
	v8 =	vadd.s32 s20, v0  }
0x6cd: {  	s21 =	simm.s32 $0x5DC9  }
0x6ce: {  	v9 =	vadd.s32 s21, v0;
	s19 =	simm.s32 $0x0;
	v7 =	vld.idx.msk [tilespmem:v7+s9+$0x0], $0xffff  }
.LBB2_62:
0x6cf: {  	s21 =	sadd.s32 $0x5DCA, s19;
	v11 =	vld.idx.msk [tilespmem:v11+s2+$0x0], $0xffff;
	s20 =	smov.u32 s19  }
0x6d0: {  	s19 =	sadd.s32 $0xA, s19;
	v12 =	vadd.s32 s21, v0;
	v6 =	vadd.f32 v6, v10;
	v4 =	vld.idx.msk [tilespmem:v4+s9+$0x0], $0xffff  }
0x6d1: {  	s21 =	sadd.s32 $0x5DCB, s20;
	p0 =	slt.u32 s19, $0x28;
	v8 =	vld.idx.msk [tilespmem:v8+s2+$0x0], $0xffff  }
0x6d2: {  	v10 =	vadd.s32 s21, v0;
	v5 =	vadd.f32 v5, v6;
	v2 =	vld.idx.msk [tilespmem:v2+s9+$0x0], $0xffff  }
0x6d3: {  	s21 =	sadd.s32 $0x5DCC, s20;
	v6 =	vld.idx.msk [tilespmem:v9+s2+$0x0], $0xffff  }
0x6d4: {  	v9 =	vadd.s32 s21, v0;
	v5 =	vadd.f32 v7, v5;
	v1 =	vld.idx.msk [tilespmem:v1+s9+$0x0], $0xffff  }
0x6d5: {  	s21 =	sadd.s32 $0x5DCD, s20;
	v7 =	vld.idx.msk [tilespmem:v12+s2+$0x0], $0xffff  }
0x6d6: {  	v12 =	vadd.s32 s21, v0;
	v4 =	vadd.f32 v4, v5;
	v3 =	vld.idx.msk [tilespmem:v3+s9+$0x0], $0xffff  }
0x6d7: {  	s21 =	sadd.s32 $0x5DCE, s20;
	v5 =	vld.idx.msk [tilespmem:v10+s2+$0x0], $0xffff  }
0x6d8: {  	v10 =	vadd.s32 s21, v0;
	v2 =	vadd.f32 v2, v4;
	v13 =	vld.idx.msk [tilespmem:v11+s9+$0x0], $0xffff  }
0x6d9: {  	s21 =	sadd.s32 $0x5DCF, s20;
	v9 =	vld.idx.msk [tilespmem:v9+s2+$0x0], $0xffff  }
0x6da: {  	v14 =	vadd.s32 s21, v0;
	v1 =	vadd.f32 v1, v2;
	v15 =	vld.idx.msk [tilespmem:v8+s9+$0x0], $0xffff  }
0x6db: {  	s21 =	sadd.s32 $0x5DD0, s20;
	v4 =	vld.idx.msk [tilespmem:v12+s2+$0x0], $0xffff  }
0x6dc: {  	v12 =	vadd.s32 s21, v0;
	v1 =	vadd.f32 v3, v1;
	v16 =	vld.idx.msk [tilespmem:v6+s9+$0x0], $0xffff  }
0x6dd: {  	s21 =	sadd.s32 $0x5DD1, s20;
	v2 =	vld.idx.msk [tilespmem:v10+s2+$0x0], $0xffff  }
.Ltmp30:
0x6de: {  	v11 =	vadd.s32 s21, v0;
	v6 =	vld.idx.msk [tilespmem:v7+s9+$0x0], $0xffff;
	v3 =	vadd.f32 v13, v1;
	(pc) =	sbr.rel @p0 .LBB2_62-.Ltmp30, $4  }
0x6df: {  	s21 =	sadd.s32 $0x5DD2, s20;
	v1 =	vld.idx.msk [tilespmem:v14+s2+$0x0], $0xffff  }
0x6e0: {  	v8 =	vadd.s32 s21, v0;
	v5 =	vld.idx.msk [tilespmem:v5+s9+$0x0], $0xffff;
	v10 =	vadd.f32 v15, v3  }
0x6e1: {  	s20 =	sadd.s32 $0x5DD3, s20;
	v3 =	vld.idx.msk [tilespmem:v12+s2+$0x0], $0xffff  }
0x6e2: {  	v7 =	vld.idx.msk [tilespmem:v9+s9+$0x0], $0xffff;
	v9 =	vadd.s32 s20, v0;
	v10 =	vadd.f32 v16, v10  }
0x6e3: {  	_ =	sdelay $0x3  }
0x6e4: {  	v11 =	vld.idx.msk [tilespmem:v11+s2+$0x0], $0xffff;
	v6 =	vadd.f32 v6, v10  }
0x6e5: {  	v4 =	vld.idx.msk [tilespmem:v4+s9+$0x0], $0xffff  }
0x6e6: {  	v8 =	vld.idx.msk [tilespmem:v8+s2+$0x0], $0xffff;
	v5 =	vadd.f32 v5, v6  }
0x6e7: {  	v2 =	vld.idx.msk [tilespmem:v2+s9+$0x0], $0xffff  }
0x6e8: {  	v1 =	vld.idx.msk [tilespmem:v1+s9+$0x0], $0xffff;
	v5 =	vadd.f32 v7, v5  }
0x6e9: {  	v6 =	vld.idx.msk [tilespmem:v9+s2+$0x0], $0xffff  }
0x6ea: {  	v4 =	vadd.f32 v4, v5  }
0x6eb: {  	v3 =	vld.idx.msk [tilespmem:v3+s9+$0x0], $0xffff  }
0x6ec: {  	v2 =	vadd.f32 v2, v4  }
0x6ed: {  	v4 =	vld.idx.msk [tilespmem:v11+s9+$0x0], $0xffff  }
0x6ee: {  	v1 =	vadd.f32 v1, v2  }
0x6ef: {  	v2 =	vld.idx.msk [tilespmem:v8+s9+$0x0], $0xffff  }
0x6f0: {  	v1 =	vadd.f32 v3, v1  }
0x6f1: {  	v3 =	vld.idx.msk [tilespmem:v6+s9+$0x0], $0xffff  }
0x6f2: {  	v1 =	vadd.f32 v4, v1  }
0x6f3: {  	s19 =	simm.s32 $0x60E0  }
0x6f4: {  	v1 =	vadd.f32 v2, v1;
	v2 =	vadd.s32 s19, v0  }
0x6f5: {  	s24 =	simm.s32 $0x60E1  }
0x6f6: {  	v1 =	vadd.f32 v3, v1;
	v3 =	vadd.s32 s24, v0  }
0x6f7: {  	s25 =	simm.s32 $0x60E2  }
0x6f8: {  	[tilespmem:$0x1F1E0] =	vst v1;
	v1 =	vadd.s32 s25, v0  }
0x6f9: {  	s26 =	simm.s32 $0x60E3;
	v5 =	vld.idx.msk [tilespmem:v2+s2+$0x0], $0xffff  }
0x6fa: {  	s28 =	simm.s32 $0x60E4;
	v2 =	vadd.s32 s26, v0  }
0x6fb: {  	v6 =	vadd.s32 s28, v0;
	v3 =	vld.idx.msk [tilespmem:v3+s2+$0x0], $0xffff  }
0x6fc: {  	s29 =	simm.s32 $0x60E5  }
0x6fd: {  	v7 =	vld.idx.msk [tilespmem:v1+s2+$0x0], $0xffff;
	v1 =	vadd.s32 s29, v0  }
0x6fe: {  	s30 =	simm.s32 $0x60E6;
	v10 =	vld [tilespmem:$0x1EFF0]  }
0x6ff: {  	v8 =	vadd.s32 s30, v0;
	v4 =	vld.idx.msk [tilespmem:v2+s2+$0x0], $0xffff  }
0x700: {  	v2 =	vld.idx.msk [tilespmem:v6+s2+$0x0], $0xffff  }
0x701: {  	s31 =	simm.s32 $0x60E7;
	v6 =	vld.idx.msk [tilespmem:v5+s9+$0x0], $0xffff  }
0x702: {  	v11 =	vadd.s32 s31, v0;
	v1 =	vld.idx.msk [tilespmem:v1+s2+$0x0], $0xffff  }
0x703: {  	s20 =	simm.s32 $0x60E8;
	v5 =	vld.idx.msk [tilespmem:v3+s9+$0x0], $0xffff  }
0x704: {  	v3 =	vld.idx.msk [tilespmem:v8+s2+$0x0], $0xffff;
	v8 =	vadd.s32 s20, v0  }
0x705: {  	s21 =	simm.s32 $0x60E9  }
0x706: {  	v9 =	vadd.s32 s21, v0;
	s19 =	simm.s32 $0x0;
	v7 =	vld.idx.msk [tilespmem:v7+s9+$0x0], $0xffff  }
.LBB2_64:
0x707: {  	s21 =	sadd.s32 $0x60EA, s19;
	v11 =	vld.idx.msk [tilespmem:v11+s2+$0x0], $0xffff;
	s20 =	smov.u32 s19  }
0x708: {  	s19 =	sadd.s32 $0xA, s19;
	v12 =	vadd.s32 s21, v0;
	v6 =	vadd.f32 v6, v10;
	v4 =	vld.idx.msk [tilespmem:v4+s9+$0x0], $0xffff  }
0x709: {  	s21 =	sadd.s32 $0x60EB, s20;
	p0 =	slt.u32 s19, $0x28;
	v8 =	vld.idx.msk [tilespmem:v8+s2+$0x0], $0xffff  }
0x70a: {  	v10 =	vadd.s32 s21, v0;
	v5 =	vadd.f32 v5, v6;
	v2 =	vld.idx.msk [tilespmem:v2+s9+$0x0], $0xffff  }
0x70b: {  	s21 =	sadd.s32 $0x60EC, s20;
	v6 =	vld.idx.msk [tilespmem:v9+s2+$0x0], $0xffff  }
0x70c: {  	v9 =	vadd.s32 s21, v0;
	v5 =	vadd.f32 v7, v5;
	v1 =	vld.idx.msk [tilespmem:v1+s9+$0x0], $0xffff  }
0x70d: {  	s21 =	sadd.s32 $0x60ED, s20;
	v7 =	vld.idx.msk [tilespmem:v12+s2+$0x0], $0xffff  }
0x70e: {  	v12 =	vadd.s32 s21, v0;
	v4 =	vadd.f32 v4, v5;
	v3 =	vld.idx.msk [tilespmem:v3+s9+$0x0], $0xffff  }
0x70f: {  	s21 =	sadd.s32 $0x60EE, s20;
	v5 =	vld.idx.msk [tilespmem:v10+s2+$0x0], $0xffff  }
0x710: {  	v10 =	vadd.s32 s21, v0;
	v2 =	vadd.f32 v2, v4;
	v13 =	vld.idx.msk [tilespmem:v11+s9+$0x0], $0xffff  }
0x711: {  	s21 =	sadd.s32 $0x60EF, s20;
	v9 =	vld.idx.msk [tilespmem:v9+s2+$0x0], $0xffff  }
0x712: {  	v14 =	vadd.s32 s21, v0;
	v1 =	vadd.f32 v1, v2;
	v15 =	vld.idx.msk [tilespmem:v8+s9+$0x0], $0xffff  }
0x713: {  	s21 =	sadd.s32 $0x60F0, s20;
	v4 =	vld.idx.msk [tilespmem:v12+s2+$0x0], $0xffff  }
0x714: {  	v12 =	vadd.s32 s21, v0;
	v1 =	vadd.f32 v3, v1;
	v16 =	vld.idx.msk [tilespmem:v6+s9+$0x0], $0xffff  }
0x715: {  	s21 =	sadd.s32 $0x60F1, s20;
	v2 =	vld.idx.msk [tilespmem:v10+s2+$0x0], $0xffff  }
.Ltmp31:
0x716: {  	v11 =	vadd.s32 s21, v0;
	v6 =	vld.idx.msk [tilespmem:v7+s9+$0x0], $0xffff;
	v3 =	vadd.f32 v13, v1;
	(pc) =	sbr.rel @p0 .LBB2_64-.Ltmp31, $4  }
0x717: {  	s21 =	sadd.s32 $0x60F2, s20;
	v1 =	vld.idx.msk [tilespmem:v14+s2+$0x0], $0xffff  }
0x718: {  	v8 =	vadd.s32 s21, v0;
	v5 =	vld.idx.msk [tilespmem:v5+s9+$0x0], $0xffff;
	v10 =	vadd.f32 v15, v3  }
0x719: {  	s20 =	sadd.s32 $0x60F3, s20;
	v3 =	vld.idx.msk [tilespmem:v12+s2+$0x0], $0xffff  }
0x71a: {  	v7 =	vld.idx.msk [tilespmem:v9+s9+$0x0], $0xffff;
	v9 =	vadd.s32 s20, v0;
	v10 =	vadd.f32 v16, v10  }
0x71b: {  	_ =	sdelay $0x3  }
0x71c: {  	v11 =	vld.idx.msk [tilespmem:v11+s2+$0x0], $0xffff;
	v6 =	vadd.f32 v6, v10  }
0x71d: {  	v4 =	vld.idx.msk [tilespmem:v4+s9+$0x0], $0xffff  }
0x71e: {  	v8 =	vld.idx.msk [tilespmem:v8+s2+$0x0], $0xffff;
	v5 =	vadd.f32 v5, v6  }
0x71f: {  	v2 =	vld.idx.msk [tilespmem:v2+s9+$0x0], $0xffff  }
0x720: {  	v62 =	vld.idx.msk [tilespmem:v9+s2+$0x0], $0xffff;
	v5 =	vadd.f32 v7, v5  }
0x721: {  	v1 =	vld.idx.msk [tilespmem:v1+s9+$0x0], $0xffff  }
0x722: {  	v4 =	vadd.f32 v4, v5  }
0x723: {  	v3 =	vld.idx.msk [tilespmem:v3+s9+$0x0], $0xffff  }
0x724: {  	v2 =	vadd.f32 v2, v4  }
0x725: {  	v63 =	vld.idx.msk [tilespmem:v11+s9+$0x0], $0xffff  }
0x726: {  	v1 =	vadd.f32 v1, v2  }
0x727: {  	v2 =	vld.idx.msk [tilespmem:v8+s9+$0x0], $0xffff  }
0x728: {  	v1 =	vadd.f32 v3, v1  }
0x729: {  	v3 =	vld.idx.msk [tilespmem:v62+s9+$0x0], $0xffff  }
0x72a: {  	v1 =	vadd.f32 v63, v1;
	_ =	sdelay $0x1  }
0x72b: {  	v1 =	vadd.f32 v2, v1;
	_ =	sdelay $0x1  }
0x72c: {  	s18 =	sadd.s32 $0x1, s18;
	v1 =	vadd.f32 v3, v1  }
0x72d: {  	p0 =	sne.s32 s18, s8  }
.Ltmp32:
0x72e: {  	[tilespmem:$0x1F1F0] =	vst v1;
	(pc) =	sbr.rel @p0 .LBB2_1-.Ltmp32, $4  }
0x72f: {  	[hbm4b:s7+s2] =	stream.linear.scatter [tilespmem:s17], [sflag:$0x4], $0x200, $0x38;
	[tilespmem:$0x1F200] =	vst v63  }
0x730: {  	_ =	swait.ge [sflag:s11], $0x200  }
0x731: {  	[sflag:s11] =	ssyncset.done $0x0  }
0x732: {  	[sflag:s11] =	ssyncadd.s32 $0xFFFFFE00  }
0x733: {  	_ =	sfence.sel $0x180000  }
0x734: {  	[bflag:$0x0] =	sbarrier.arrive $0xFFFF  }
0x735: {  	p0 =	sne.s32 s0, $0x0;
	_ =	strace $0x90000047  }
0x736: {  	s0 =	sadd.s32 @!p0 $0x100000, s1;
	[bflag:$0x2] =	sbarrier.arrive $0xFFFF  }
0x737: {  	[sflag:s0] =	ssyncadd.tile.s32 @!p0 $0x1;
	_ =	shalt  }
.Lfunc_end2:
_tile_overlayer_lowered:
.L_overlay_start_2:
0x738: {  	(tag) =	ssettag $0x2  }
0x739: {  	s0 =	rddreg [dreg:$0x0];
	s2 =	stileid.u32  }
0x73a: {  	s1 =	rddreg [dreg:$0x1];
	p0 =	sne.s32 s2, $0x0  }
0x73b: {  	s3 =	rddreg [dreg:$0x2];
	[bflag:$0x3] =	sbarrier.arrive $0xFFFF;
	s2 =	simm.s32 @!p0 $0x1C04  }
0x73c: {  	[timem:s3], [sflag:s2] =	dma.local @!p0 [hbm:s0], s1  }
0x73d: {  	s0 =	simm.s32 @!p0 $0x4  }
0x73e: {  	_ =	swait.ge @!p0 [sflag:s0], s1  }
0x73f: {  	s1 =	ssub.s32 @!p0 $0x0, s1;
	[sflag:s0] =	ssyncset.done @!p0 $0x0  }
0x740: {  	[sflag:s0] =	ssyncadd.s32 @!p0 s1  }
0x741: {  	[bflag:$0x3] =	sbarrier.arrive $0xFFFF  }
0x742: {  	_ =	shalt  }

</sc_bundles>
